<compile_context>
chip_gen: v7x
topology: tpu7x:2x2x1
jax: 0.10.2.dev20260603
libtpu: 0.0.44.dev20260713+nightly
codegen_flags: <defaults>
</compile_context>

<pallas_src>
import functools

import jax
import jax.numpy as jnp
from jax import lax
from jax.experimental import pallas as pl
from jax.experimental.pallas import tpu as pltpu
from jax.experimental.pallas import tpu_sc as plsc

ROWS = 64
COLS = 32768
K = 8
NUM_CORES = 2
NUM_SUBCORES = 16
LANES = 16
NUM_WORKERS = NUM_CORES * NUM_SUBCORES
ROWS_PER_WORKER = ROWS // NUM_WORKERS
VREGS_PER_ROW = COLS // LANES
CHUNK = 32
NCHUNKS = VREGS_PER_ROW // CHUNK
NQ = 4
QCOLS = COLS // NQ
QCHUNKS = NCHUNKS // NQ


def _insert(tops, v):
    out = []
    for t in tops:
        hi = jnp.maximum(t, v)
        v = jnp.minimum(t, v)
        out.append(hi)
    return out


def _merge_lists(a, b):
    return [jnp.maximum(a[i], b[K - 1 - i]) for i in range(K)]


def _sort_tree_desc(vs):
    s = [jnp.sort(t) for t in vs]
    while len(s) > 1:
        s = [jnp.sort(jnp.maximum(s[i], lax.rev(s[i + 1], (0,))))
             for i in range(0, len(s), 2)]
    return lax.rev(s[0], (0,))


def _row_topk(buf, cms, tlist, qwaits):
    neg = jnp.full((LANES,), -jnp.inf, jnp.float32)

    def astep(i, carry):
        base = i * CHUNK * LANES
        acc = [neg, neg, neg, neg]
        for u in range(CHUNK):
            v = buf[0, pl.ds(base + u * LANES, LANES)]
            acc[u % 4] = jnp.maximum(acc[u % 4], v)
        cm = jnp.maximum(jnp.maximum(acc[0], acc[1]),
                         jnp.maximum(acc[2], acc[3]))
        cms[pl.ds(i * LANES, LANES)] = cm
        return carry

    if qwaits is None:
        lax.fori_loop(0, NCHUNKS, astep, 0)
    else:
        qwaits[0].wait()
        lax.fori_loop(0, NCHUNKS // 2, astep, 0)
        qwaits[1].wait()
        lax.fori_loop(NCHUNKS // 2, NCHUNKS, astep, 0)

    def bstep(i, bc):
        l0, l1 = list(bc[:K]), list(bc[K:])
        for u in range(4):
            v = cms[pl.ds((i * 4 + u) * LANES, LANES)]
            if u % 2 == 0:
                l0 = _insert(l0, v)
            else:
                l1 = _insert(l1, v)
        return tuple(l0) + tuple(l1)

    bc = lax.fori_loop(0, NCHUNKS // 4, bstep, (neg,) * (2 * K))
    sd = _sort_tree_desc(_merge_lists(list(bc[:K]), list(bc[K:])))
    t_vec = jnp.broadcast_to(sd[7], (LANES,))

    lane0 = lax.iota(jnp.int32, LANES) == 0

    def cstep(i, toff):
        cm = cms[pl.ds(i * LANES, LANES)]
        cnt = plsc.all_reduce_population_count(cm >= t_vec)
        hit = cnt > 0
        plsc.store_compressed(tlist.at[pl.ds(toff, LANES)],
                              jnp.broadcast_to(i, (LANES,)),
                              mask=hit & lane0)
        return toff + jnp.where(cnt[0] > 0, 1, 0).astype(jnp.int32)

    nt = lax.fori_loop(0, NCHUNKS, cstep, jnp.int32(0))

    def dstep(j, carry):
        cidx = tlist[pl.ds(j, LANES)][0]
        l0, l1 = list(carry[:K]), list(carry[K:])
        base = cidx * (CHUNK * LANES)
        for u in range(CHUNK):
            v = buf[0, pl.ds(base + u * LANES, LANES)]
            if u % 2 == 0:
                l0 = _insert(l0, v)
            else:
                l1 = _insert(l1, v)
        return tuple(l0) + tuple(l1)

    carry = lax.fori_loop(0, nt, dstep, (neg,) * (2 * K))
    return _sort_tree_desc(_merge_lists(list(carry[:K]), list(carry[K:])))


def _sc_topk(x):
    mesh = plsc.VectorSubcoreMesh(core_axis_name="c", subcore_axis_name="s")

    @functools.partial(
        pl.kernel,
        mesh=mesh,
        out_type=jax.ShapeDtypeStruct((ROWS * K,), jnp.float32),
        scratch_types=[
            pltpu.VMEM((1, COLS), jnp.float32),
            pltpu.VMEM((1, COLS), jnp.float32),
            pltpu.VMEM((NCHUNKS * LANES,), jnp.float32),
            pltpu.VMEM((NCHUNKS + LANES,), jnp.int32),
            pltpu.VMEM((LANES + K,), jnp.float32),
            pltpu.SemaphoreType.DMA,
            pltpu.SemaphoreType.DMA,
            pltpu.SemaphoreType.DMA,
            pltpu.SemaphoreType.DMA,
            pltpu.SemaphoreType.DMA,
        ],
        compiler_params=pltpu.CompilerParams(needs_layout_passes=False,
                                             use_tc_tiling_on_sc=True),
    )
    def k(x_hbm, out_hbm, buf0, buf1, cms, tlist, outv, s0, s1, s2,
          s3, s4):
        wid = lax.axis_index("s") * NUM_CORES + lax.axis_index("c")
        row0 = wid * ROWS_PER_WORKER
        half = COLS // 2
        cpa = pltpu.async_copy(x_hbm.at[pl.ds(row0, 1), pl.ds(0, half)],
                               buf0.at[pl.ds(0, 1), pl.ds(0, half)], s0)
        cpb = pltpu.async_copy(x_hbm.at[pl.ds(row0, 1), pl.ds(half, half)],
                               buf0.at[pl.ds(0, 1), pl.ds(half, half)], s1)
        cp1 = pltpu.async_copy(x_hbm.at[pl.ds(row0 + 1, 1)], buf1, s4)
        outv[pl.ds(0, LANES)] = _row_topk(buf0, cms, tlist, (cpa, cpb))
        cp1.wait()
        outv[pl.ds(K, LANES)] = _row_topk(buf1, cms, tlist, None)
        pltpu.sync_copy(outv.at[pl.ds(0, 2 * K)],
                        out_hbm.at[pl.ds(row0 * K, 2 * K)])

    return k(x)


def kernel(x):
    out = _sc_topk(x)
    return out.reshape(ROWS, K)

# --- scband reference (transcript-rebuilt; emitter-appended) ---
"""Pipeline reference for scband-nmax-42597485641920 (READ-ONLY COPY).

The authoritative reference and input builder live on the scoring server;
editing this copy changes nothing except your own understanding.
"""

import jax, jax.numpy as jnp
import numpy as np

TOP_K = 8

def setup_inputs(seed: int = 0) -> dict:
    key = jax.random.key(seed)
    x = jax.random.normal(key, (64, 32768), dtype=jnp.float32)
    return {"x": x}

def reference(x):
    # torch.topk(x, k, dim=1)[0] on a 2D tensor == top_k along last axis
    vals, _ = jax.lax.top_k(x, TOP_K)
    # flatten(start_dim=1) is a no-op for 2D output but kept for fidelity
    return vals.reshape(vals.shape[0], -1)

if __name__ == "__main__":
    import jax
    _d = setup_inputs()
    print(jax.jit(kernel)(*tuple(_d.values())))

</pallas_src>

<mosaic_0001>
#map = affine_map<(d0, d1) -> (0, 0)>
#map1 = affine_map<(d0, d1) -> (0)>
module attributes {stable_mosaic.version = 14 : i64} {
  func.func @k(%arg0: i32, %arg1: i32, %arg2: memref<64x32768xf32, #tpu.memory_space<hbm>>, %arg3: memref<512xf32, #tpu.memory_space<hbm>>, %arg4: memref<1x32768xf32, #tpu.memory_space<vmem>>, %arg5: memref<1x32768xf32, #tpu.memory_space<vmem>>, %arg6: memref<1024xf32, #tpu.memory_space<vmem>>, %arg7: memref<80xi32, #tpu.memory_space<vmem>>, %arg8: memref<24xf32, #tpu.memory_space<vmem>>, %arg9: memref<!tpu.dma_semaphore, #tpu.memory_space<semaphore_mem>>, %arg10: memref<!tpu.dma_semaphore, #tpu.memory_space<semaphore_mem>>, %arg11: memref<!tpu.dma_semaphore, #tpu.memory_space<semaphore_mem>>, %arg12: memref<!tpu.dma_semaphore, #tpu.memory_space<semaphore_mem>>, %arg13: memref<!tpu.dma_semaphore, #tpu.memory_space<semaphore_mem>>) attributes {dimension_semantics = [#tpu.dimension_semantics<core_parallel>, #tpu.dimension_semantics<subcore_parallel>], iteration_bounds = array<i64: 2, 16>, scalar_prefetch = 0 : i64, scratch_operands = 10 : i64, tpu.core_type = #tpu.core_type<sc_vector_subcore>, window_params = [{transform_indices = #map}, {transform_indices = #map1}]} {
    %mul3A = arith.constant 2 : i32
    %mul3A_0 = arith.muli %arg1, %mul3A : i32
    %add3A = arith.addi %mul3A_0, %arg0 : i32
    %mul3A_1 = arith.constant 2 : i32
    %mul3A_2 = arith.muli %add3A, %mul3A_1 : i32
    %dma_start3A = arith.constant 0 : i32
    %dma_start3A_3 = arith.constant 0 : i32
    %dma_start3A_4 = tpu.memref_slice %arg4[%dma_start3A, %dma_start3A_3] : memref<1x32768xf32, #tpu.memory_space<vmem>> -> memref<1x16384xf32, #tpu.memory_space<vmem>>
    %dma_start3A_5 = arith.constant 0 : i32
    %dma_start3A_6 = tpu.memref_slice %arg2[%mul3A_2, %dma_start3A_5] : memref<64x32768xf32, #tpu.memory_space<hbm>> -> memref<1x16384xf32, #tpu.memory_space<hbm>>
    %dma_start3A_7 = arith.constant 0 : i32
    %dma_start3A_8 = arith.constant 0 : i32
    %dma_start3A_9 = tpu.memref_slice %arg4[%dma_start3A_7, %dma_start3A_8] : memref<1x32768xf32, #tpu.memory_space<vmem>> -> memref<1x16384xf32, #tpu.memory_space<vmem>>
    %dma_start3A_10 = arith.constant 0 : i32
    %dma_start3A_11 = tpu.memref_slice %arg2[%mul3A_2, %dma_start3A_10] : memref<64x32768xf32, #tpu.memory_space<hbm>> -> memref<1x16384xf32, #tpu.memory_space<hbm>>
    tpu.enqueue_dma source(%dma_start3A_11 : memref<1x16384xf32, #tpu.memory_space<hbm>>) target(%dma_start3A_9 : memref<1x16384xf32, #tpu.memory_space<vmem>>) target_semaphore(%arg9 : memref<!tpu.dma_semaphore, #tpu.memory_space<semaphore_mem>>)
    %dma_start3A_12 = arith.constant 0 : i32
    %dma_start3A_13 = arith.constant 16384 : i32
    %dma_start3A_14 = tpu.memref_slice %arg4[%dma_start3A_12, %dma_start3A_13] : memref<1x32768xf32, #tpu.memory_space<vmem>> -> memref<1x16384xf32, #tpu.memory_space<vmem>>
    %dma_start3A_15 = arith.constant 16384 : i32
    %dma_start3A_16 = tpu.memref_slice %arg2[%mul3A_2, %dma_start3A_15] : memref<64x32768xf32, #tpu.memory_space<hbm>> -> memref<1x16384xf32, #tpu.memory_space<hbm>>
    %dma_start3A_17 = arith.constant 0 : i32
    %dma_start3A_18 = arith.constant 16384 : i32
    %dma_start3A_19 = tpu.memref_slice %arg4[%dma_start3A_17, %dma_start3A_18] : memref<1x32768xf32, #tpu.memory_space<vmem>> -> memref<1x16384xf32, #tpu.memory_space<vmem>>
    %dma_start3A_20 = arith.constant 16384 : i32
    %dma_start3A_21 = tpu.memref_slice %arg2[%mul3A_2, %dma_start3A_20] : memref<64x32768xf32, #tpu.memory_space<hbm>> -> memref<1x16384xf32, #tpu.memory_space<hbm>>
    tpu.enqueue_dma source(%dma_start3A_21 : memref<1x16384xf32, #tpu.memory_space<hbm>>) target(%dma_start3A_19 : memref<1x16384xf32, #tpu.memory_space<vmem>>) target_semaphore(%arg10 : memref<!tpu.dma_semaphore, #tpu.memory_space<semaphore_mem>>)
    %add3A_22 = arith.constant 1 : i32
    %add3A_23 = arith.addi %mul3A_2, %add3A_22 : i32
    %dma_start3A_24 = arith.constant 0 : i32
    %dma_start3A_25 = tpu.memref_slice %arg2[%add3A_23, %dma_start3A_24] : memref<64x32768xf32, #tpu.memory_space<hbm>> -> memref<1x32768xf32, #tpu.memory_space<hbm>>
    %dma_start3A_26 = arith.constant 0 : i32
    %dma_start3A_27 = tpu.memref_slice %arg2[%add3A_23, %dma_start3A_26] : memref<64x32768xf32, #tpu.memory_space<hbm>> -> memref<1x32768xf32, #tpu.memory_space<hbm>>
    tpu.enqueue_dma source(%dma_start3A_27 : memref<1x32768xf32, #tpu.memory_space<hbm>>) target(%arg5 : memref<1x32768xf32, #tpu.memory_space<vmem>>) target_semaphore(%arg13 : memref<!tpu.dma_semaphore, #tpu.memory_space<semaphore_mem>>)
    %broadcast_in_dim3A = arith.constant 0xFF800000 : f32
    %broadcast_in_dim3A_28 = vector.broadcast %broadcast_in_dim3A : f32 to vector<16xf32>
    %dma_wait3A = arith.constant 0 : i32
    %dma_wait3A_29 = arith.constant 0 : i32
    %dma_wait3A_30 = tpu.memref_slice %arg4[%dma_wait3A, %dma_wait3A_29] : memref<1x32768xf32, #tpu.memory_space<vmem>> -> memref<1x16384xf32, #tpu.memory_space<vmem>>
    %dma_wait3A_31 = arith.constant 0 : i32
    %dma_wait3A_32 = tpu.memref_slice %arg2[%mul3A_2, %dma_wait3A_31] : memref<64x32768xf32, #tpu.memory_space<hbm>> -> memref<1x16384xf32, #tpu.memory_space<hbm>>
    %dma_wait3A_33 = arith.constant 0 : i32
    %dma_wait3A_34 = arith.constant 0 : i32
    %dma_wait3A_35 = tpu.memref_slice %arg4[%dma_wait3A_33, %dma_wait3A_34] : memref<1x32768xf32, #tpu.memory_space<vmem>> -> memref<1x16384xf32, #tpu.memory_space<vmem>>
    %dma_wait3A_36 = arith.constant 0 : i32
    %dma_wait3A_37 = tpu.memref_slice %arg2[%mul3A_2, %dma_wait3A_36] : memref<64x32768xf32, #tpu.memory_space<hbm>> -> memref<1x16384xf32, #tpu.memory_space<hbm>>
    tpu.wait_dma2 semaphore(%arg9 : memref<!tpu.dma_semaphore, #tpu.memory_space<semaphore_mem>>) src(%dma_wait3A_37 : memref<1x16384xf32, #tpu.memory_space<hbm>>) dst(%dma_wait3A_35 : memref<1x16384xf32, #tpu.memory_space<vmem>>)
    %scan3A = arith.constant 0 : i32
    %scan3A_38 = arith.constant 0 : i32
    %scan3A_39 = arith.constant 32 : i32
    %scan3A_40 = arith.addi %scan3A_38, %scan3A_39 : i32
    %scan3A_41 = arith.constant 1 : i32
    scf.for %scan3A_590 = %scan3A_38 to %scan3A_40 step %scan3A_41  : i32 {
      %mul3A_591 = arith.constant 32 : i32
      %mul3A_592 = arith.muli %scan3A_590, %mul3A_591 : i32
      %mul3A_593 = arith.constant 16 : i32
      %mul3A_594 = arith.muli %mul3A_592, %mul3A_593 : i32
      %add3A_595 = arith.constant 0 : i32
      %add3A_596 = arith.addi %mul3A_594, %add3A_595 : i32
      %get3A = arith.constant 0 : i32
      %get3A_597 = arith.index_cast %get3A : i32 to index
      %get3A_598 = arith.index_cast %add3A_596 : i32 to index
      %get3A_599 = tpu.vector_load %arg4[%get3A_597, %get3A_598] {strides = array<i32>} : memref<1x32768xf32, #tpu.memory_space<vmem>>, vector<16xf32>,
      %max3A_600 = arith.maximumf %broadcast_in_dim3A_28, %get3A_599 : vector<16xf32>
      %add3A_601 = arith.constant 16 : i32
      %add3A_602 = arith.addi %mul3A_594, %add3A_601 : i32
      %get3A_603 = arith.constant 0 : i32
      %get3A_604 = arith.index_cast %get3A_603 : i32 to index
      %get3A_605 = arith.index_cast %add3A_602 : i32 to index
      %get3A_606 = tpu.vector_load %arg4[%get3A_604, %get3A_605] {strides = array<i32>} : memref<1x32768xf32, #tpu.memory_space<vmem>>, vector<16xf32>,
      %max3A_607 = arith.maximumf %broadcast_in_dim3A_28, %get3A_606 : vector<16xf32>
      %add3A_608 = arith.constant 32 : i32
      %add3A_609 = arith.addi %mul3A_594, %add3A_608 : i32
      %get3A_610 = arith.constant 0 : i32
      %get3A_611 = arith.index_cast %get3A_610 : i32 to index
      %get3A_612 = arith.index_cast %add3A_609 : i32 to index
      %get3A_613 = tpu.vector_load %arg4[%get3A_611, %get3A_612] {strides = array<i32>} : memref<1x32768xf32, #tpu.memory_space<vmem>>, vector<16xf32>,
      %max3A_614 = arith.maximumf %broadcast_in_dim3A_28, %get3A_613 : vector<16xf32>
      %add3A_615 = arith.constant 48 : i32
      %add3A_616 = arith.addi %mul3A_594, %add3A_615 : i32
      %get3A_617 = arith.constant 0 : i32
      %get3A_618 = arith.index_cast %get3A_617 : i32 to index
      %get3A_619 = arith.index_cast %add3A_616 : i32 to index
      %get3A_620 = tpu.vector_load %arg4[%get3A_618, %get3A_619] {strides = array<i32>} : memref<1x32768xf32, #tpu.memory_space<vmem>>, vector<16xf32>,
      %max3A_621 = arith.maximumf %broadcast_in_dim3A_28, %get3A_620 : vector<16xf32>
      %add3A_622 = arith.constant 64 : i32
      %add3A_623 = arith.addi %mul3A_594, %add3A_622 : i32
      %get3A_624 = arith.constant 0 : i32
      %get3A_625 = arith.index_cast %get3A_624 : i32 to index
      %get3A_626 = arith.index_cast %add3A_623 : i32 to index
      %get3A_627 = tpu.vector_load %arg4[%get3A_625, %get3A_626] {strides = array<i32>} : memref<1x32768xf32, #tpu.memory_space<vmem>>, vector<16xf32>,
      %max3A_628 = arith.maximumf %max3A_600, %get3A_627 : vector<16xf32>
      %add3A_629 = arith.constant 80 : i32
      %add3A_630 = arith.addi %mul3A_594, %add3A_629 : i32
      %get3A_631 = arith.constant 0 : i32
      %get3A_632 = arith.index_cast %get3A_631 : i32 to index
      %get3A_633 = arith.index_cast %add3A_630 : i32 to index
      %get3A_634 = tpu.vector_load %arg4[%get3A_632, %get3A_633] {strides = array<i32>} : memref<1x32768xf32, #tpu.memory_space<vmem>>, vector<16xf32>,
      %max3A_635 = arith.maximumf %max3A_607, %get3A_634 : vector<16xf32>
      %add3A_636 = arith.constant 96 : i32
      %add3A_637 = arith.addi %mul3A_594, %add3A_636 : i32
      %get3A_638 = arith.constant 0 : i32
      %get3A_639 = arith.index_cast %get3A_638 : i32 to index
      %get3A_640 = arith.index_cast %add3A_637 : i32 to index
      %get3A_641 = tpu.vector_load %arg4[%get3A_639, %get3A_640] {strides = array<i32>} : memref<1x32768xf32, #tpu.memory_space<vmem>>, vector<16xf32>,
      %max3A_642 = arith.maximumf %max3A_614, %get3A_641 : vector<16xf32>
      %add3A_643 = arith.constant 112 : i32
      %add3A_644 = arith.addi %mul3A_594, %add3A_643 : i32
      %get3A_645 = arith.constant 0 : i32
      %get3A_646 = arith.index_cast %get3A_645 : i32 to index
      %get3A_647 = arith.index_cast %add3A_644 : i32 to index
      %get3A_648 = tpu.vector_load %arg4[%get3A_646, %get3A_647] {strides = array<i32>} : memref<1x32768xf32, #tpu.memory_space<vmem>>, vector<16xf32>,
      %max3A_649 = arith.maximumf %max3A_621, %get3A_648 : vector<16xf32>
      %add3A_650 = arith.constant 128 : i32
      %add3A_651 = arith.addi %mul3A_594, %add3A_650 : i32
      %get3A_652 = arith.constant 0 : i32
      %get3A_653 = arith.index_cast %get3A_652 : i32 to index
      %get3A_654 = arith.index_cast %add3A_651 : i32 to index
      %get3A_655 = tpu.vector_load %arg4[%get3A_653, %get3A_654] {strides = array<i32>} : memref<1x32768xf32, #tpu.memory_space<vmem>>, vector<16xf32>,
      %max3A_656 = arith.maximumf %max3A_628, %get3A_655 : vector<16xf32>
      %add3A_657 = arith.constant 144 : i32
      %add3A_658 = arith.addi %mul3A_594, %add3A_657 : i32
      %get3A_659 = arith.constant 0 : i32
      %get3A_660 = arith.index_cast %get3A_659 : i32 to index
      %get3A_661 = arith.index_cast %add3A_658 : i32 to index
      %get3A_662 = tpu.vector_load %arg4[%get3A_660, %get3A_661] {strides = array<i32>} : memref<1x32768xf32, #tpu.memory_space<vmem>>, vector<16xf32>,
      %max3A_663 = arith.maximumf %max3A_635, %get3A_662 : vector<16xf32>
      %add3A_664 = arith.constant 160 : i32
      %add3A_665 = arith.addi %mul3A_594, %add3A_664 : i32
      %get3A_666 = arith.constant 0 : i32
      %get3A_667 = arith.index_cast %get3A_666 : i32 to index
      %get3A_668 = arith.index_cast %add3A_665 : i32 to index
      %get3A_669 = tpu.vector_load %arg4[%get3A_667, %get3A_668] {strides = array<i32>} : memref<1x32768xf32, #tpu.memory_space<vmem>>, vector<16xf32>,
      %max3A_670 = arith.maximumf %max3A_642, %get3A_669 : vector<16xf32>
      %add3A_671 = arith.constant 176 : i32
      %add3A_672 = arith.addi %mul3A_594, %add3A_671 : i32
      %get3A_673 = arith.constant 0 : i32
      %get3A_674 = arith.index_cast %get3A_673 : i32 to index
      %get3A_675 = arith.index_cast %add3A_672 : i32 to index
      %get3A_676 = tpu.vector_load %arg4[%get3A_674, %get3A_675] {strides = array<i32>} : memref<1x32768xf32, #tpu.memory_space<vmem>>, vector<16xf32>,
      %max3A_677 = arith.maximumf %max3A_649, %get3A_676 : vector<16xf32>
      %add3A_678 = arith.constant 192 : i32
      %add3A_679 = arith.addi %mul3A_594, %add3A_678 : i32
      %get3A_680 = arith.constant 0 : i32
      %get3A_681 = arith.index_cast %get3A_680 : i32 to index
      %get3A_682 = arith.index_cast %add3A_679 : i32 to index
      %get3A_683 = tpu.vector_load %arg4[%get3A_681, %get3A_682] {strides = array<i32>} : memref<1x32768xf32, #tpu.memory_space<vmem>>, vector<16xf32>,
      %max3A_684 = arith.maximumf %max3A_656, %get3A_683 : vector<16xf32>
      %add3A_685 = arith.constant 208 : i32
      %add3A_686 = arith.addi %mul3A_594, %add3A_685 : i32
      %get3A_687 = arith.constant 0 : i32
      %get3A_688 = arith.index_cast %get3A_687 : i32 to index
      %get3A_689 = arith.index_cast %add3A_686 : i32 to index
      %get3A_690 = tpu.vector_load %arg4[%get3A_688, %get3A_689] {strides = array<i32>} : memref<1x32768xf32, #tpu.memory_space<vmem>>, vector<16xf32>,
      %max3A_691 = arith.maximumf %max3A_663, %get3A_690 : vector<16xf32>
      %add3A_692 = arith.constant 224 : i32
      %add3A_693 = arith.addi %mul3A_594, %add3A_692 : i32
      %get3A_694 = arith.constant 0 : i32
      %get3A_695 = arith.index_cast %get3A_694 : i32 to index
      %get3A_696 = arith.index_cast %add3A_693 : i32 to index
      %get3A_697 = tpu.vector_load %arg4[%get3A_695, %get3A_696] {strides = array<i32>} : memref<1x32768xf32, #tpu.memory_space<vmem>>, vector<16xf32>,
      %max3A_698 = arith.maximumf %max3A_670, %get3A_697 : vector<16xf32>
      %add3A_699 = arith.constant 240 : i32
      %add3A_700 = arith.addi %mul3A_594, %add3A_699 : i32
      %get3A_701 = arith.constant 0 : i32
      %get3A_702 = arith.index_cast %get3A_701 : i32 to index
      %get3A_703 = arith.index_cast %add3A_700 : i32 to index
      %get3A_704 = tpu.vector_load %arg4[%get3A_702, %get3A_703] {strides = array<i32>} : memref<1x32768xf32, #tpu.memory_space<vmem>>, vector<16xf32>,
      %max3A_705 = arith.maximumf %max3A_677, %get3A_704 : vector<16xf32>
      %add3A_706 = arith.constant 256 : i32
      %add3A_707 = arith.addi %mul3A_594, %add3A_706 : i32
      %get3A_708 = arith.constant 0 : i32
      %get3A_709 = arith.index_cast %get3A_708 : i32 to index
      %get3A_710 = arith.index_cast %add3A_707 : i32 to index
      %get3A_711 = tpu.vector_load %arg4[%get3A_709, %get3A_710] {strides = array<i32>} : memref<1x32768xf32, #tpu.memory_space<vmem>>, vector<16xf32>,
      %max3A_712 = arith.maximumf %max3A_684, %get3A_711 : vector<16xf32>
      %add3A_713 = arith.constant 272 : i32
      %add3A_714 = arith.addi %mul3A_594, %add3A_713 : i32
      %get3A_715 = arith.constant 0 : i32
      %get3A_716 = arith.index_cast %get3A_715 : i32 to index
      %get3A_717 = arith.index_cast %add3A_714 : i32 to index
      %get3A_718 = tpu.vector_load %arg4[%get3A_716, %get3A_717] {strides = array<i32>} : memref<1x32768xf32, #tpu.memory_space<vmem>>, vector<16xf32>,
      %max3A_719 = arith.maximumf %max3A_691, %get3A_718 : vector<16xf32>
      %add3A_720 = arith.constant 288 : i32
      %add3A_721 = arith.addi %mul3A_594, %add3A_720 : i32
      %get3A_722 = arith.constant 0 : i32
      %get3A_723 = arith.index_cast %get3A_722 : i32 to index
      %get3A_724 = arith.index_cast %add3A_721 : i32 to index
      %get3A_725 = tpu.vector_load %arg4[%get3A_723, %get3A_724] {strides = array<i32>} : memref<1x32768xf32, #tpu.memory_space<vmem>>, vector<16xf32>,
      %max3A_726 = arith.maximumf %max3A_698, %get3A_725 : vector<16xf32>
      %add3A_727 = arith.constant 304 : i32
      %add3A_728 = arith.addi %mul3A_594, %add3A_727 : i32
      %get3A_729 = arith.constant 0 : i32
      %get3A_730 = arith.index_cast %get3A_729 : i32 to index
      %get3A_731 = arith.index_cast %add3A_728 : i32 to index
      %get3A_732 = tpu.vector_load %arg4[%get3A_730, %get3A_731] {strides = array<i32>} : memref<1x32768xf32, #tpu.memory_space<vmem>>, vector<16xf32>,
      %max3A_733 = arith.maximumf %max3A_705, %get3A_732 : vector<16xf32>
      %add3A_734 = arith.constant 320 : i32
      %add3A_735 = arith.addi %mul3A_594, %add3A_734 : i32
      %get3A_736 = arith.constant 0 : i32
      %get3A_737 = arith.index_cast %get3A_736 : i32 to index
      %get3A_738 = arith.index_cast %add3A_735 : i32 to index
      %get3A_739 = tpu.vector_load %arg4[%get3A_737, %get3A_738] {strides = array<i32>} : memref<1x32768xf32, #tpu.memory_space<vmem>>, vector<16xf32>,
      %max3A_740 = arith.maximumf %max3A_712, %get3A_739 : vector<16xf32>
      %add3A_741 = arith.constant 336 : i32
      %add3A_742 = arith.addi %mul3A_594, %add3A_741 : i32
      %get3A_743 = arith.constant 0 : i32
      %get3A_744 = arith.index_cast %get3A_743 : i32 to index
      %get3A_745 = arith.index_cast %add3A_742 : i32 to index
      %get3A_746 = tpu.vector_load %arg4[%get3A_744, %get3A_745] {strides = array<i32>} : memref<1x32768xf32, #tpu.memory_space<vmem>>, vector<16xf32>,
      %max3A_747 = arith.maximumf %max3A_719, %get3A_746 : vector<16xf32>
      %add3A_748 = arith.constant 352 : i32
      %add3A_749 = arith.addi %mul3A_594, %add3A_748 : i32
      %get3A_750 = arith.constant 0 : i32
      %get3A_751 = arith.index_cast %get3A_750 : i32 to index
      %get3A_752 = arith.index_cast %add3A_749 : i32 to index
      %get3A_753 = tpu.vector_load %arg4[%get3A_751, %get3A_752] {strides = array<i32>} : memref<1x32768xf32, #tpu.memory_space<vmem>>, vector<16xf32>,
      %max3A_754 = arith.maximumf %max3A_726, %get3A_753 : vector<16xf32>
      %add3A_755 = arith.constant 368 : i32
      %add3A_756 = arith.addi %mul3A_594, %add3A_755 : i32
      %get3A_757 = arith.constant 0 : i32
      %get3A_758 = arith.index_cast %get3A_757 : i32 to index
      %get3A_759 = arith.index_cast %add3A_756 : i32 to index
      %get3A_760 = tpu.vector_load %arg4[%get3A_758, %get3A_759] {strides = array<i32>} : memref<1x32768xf32, #tpu.memory_space<vmem>>, vector<16xf32>,
      %max3A_761 = arith.maximumf %max3A_733, %get3A_760 : vector<16xf32>
      %add3A_762 = arith.constant 384 : i32
      %add3A_763 = arith.addi %mul3A_594, %add3A_762 : i32
      %get3A_764 = arith.constant 0 : i32
      %get3A_765 = arith.index_cast %get3A_764 : i32 to index
      %get3A_766 = arith.index_cast %add3A_763 : i32 to index
      %get3A_767 = tpu.vector_load %arg4[%get3A_765, %get3A_766] {strides = array<i32>} : memref<1x32768xf32, #tpu.memory_space<vmem>>, vector<16xf32>,
      %max3A_768 = arith.maximumf %max3A_740, %get3A_767 : vector<16xf32>
      %add3A_769 = arith.constant 400 : i32
      %add3A_770 = arith.addi %mul3A_594, %add3A_769 : i32
      %get3A_771 = arith.constant 0 : i32
      %get3A_772 = arith.index_cast %get3A_771 : i32 to index
      %get3A_773 = arith.index_cast %add3A_770 : i32 to index
      %get3A_774 = tpu.vector_load %arg4[%get3A_772, %get3A_773] {strides = array<i32>} : memref<1x32768xf32, #tpu.memory_space<vmem>>, vector<16xf32>,
      %max3A_775 = arith.maximumf %max3A_747, %get3A_774 : vector<16xf32>
      %add3A_776 = arith.constant 416 : i32
      %add3A_777 = arith.addi %mul3A_594, %add3A_776 : i32
      %get3A_778 = arith.constant 0 : i32
      %get3A_779 = arith.index_cast %get3A_778 : i32 to index
      %get3A_780 = arith.index_cast %add3A_777 : i32 to index
      %get3A_781 = tpu.vector_load %arg4[%get3A_779, %get3A_780] {strides = array<i32>} : memref<1x32768xf32, #tpu.memory_space<vmem>>, vector<16xf32>,
      %max3A_782 = arith.maximumf %max3A_754, %get3A_781 : vector<16xf32>
      %add3A_783 = arith.constant 432 : i32
      %add3A_784 = arith.addi %mul3A_594, %add3A_783 : i32
      %get3A_785 = arith.constant 0 : i32
      %get3A_786 = arith.index_cast %get3A_785 : i32 to index
      %get3A_787 = arith.index_cast %add3A_784 : i32 to index
      %get3A_788 = tpu.vector_load %arg4[%get3A_786, %get3A_787] {strides = array<i32>} : memref<1x32768xf32, #tpu.memory_space<vmem>>, vector<16xf32>,
      %max3A_789 = arith.maximumf %max3A_761, %get3A_788 : vector<16xf32>
      %add3A_790 = arith.constant 448 : i32
      %add3A_791 = arith.addi %mul3A_594, %add3A_790 : i32
      %get3A_792 = arith.constant 0 : i32
      %get3A_793 = arith.index_cast %get3A_792 : i32 to index
      %get3A_794 = arith.index_cast %add3A_791 : i32 to index
      %get3A_795 = tpu.vector_load %arg4[%get3A_793, %get3A_794] {strides = array<i32>} : memref<1x32768xf32, #tpu.memory_space<vmem>>, vector<16xf32>,
      %max3A_796 = arith.maximumf %max3A_768, %get3A_795 : vector<16xf32>
      %add3A_797 = arith.constant 464 : i32
      %add3A_798 = arith.addi %mul3A_594, %add3A_797 : i32
      %get3A_799 = arith.constant 0 : i32
      %get3A_800 = arith.index_cast %get3A_799 : i32 to index
      %get3A_801 = arith.index_cast %add3A_798 : i32 to index
      %get3A_802 = tpu.vector_load %arg4[%get3A_800, %get3A_801] {strides = array<i32>} : memref<1x32768xf32, #tpu.memory_space<vmem>>, vector<16xf32>,
      %max3A_803 = arith.maximumf %max3A_775, %get3A_802 : vector<16xf32>
      %add3A_804 = arith.constant 480 : i32
      %add3A_805 = arith.addi %mul3A_594, %add3A_804 : i32
      %get3A_806 = arith.constant 0 : i32
      %get3A_807 = arith.index_cast %get3A_806 : i32 to index
      %get3A_808 = arith.index_cast %add3A_805 : i32 to index
      %get3A_809 = tpu.vector_load %arg4[%get3A_807, %get3A_808] {strides = array<i32>} : memref<1x32768xf32, #tpu.memory_space<vmem>>, vector<16xf32>,
      %max3A_810 = arith.maximumf %max3A_782, %get3A_809 : vector<16xf32>
      %add3A_811 = arith.constant 496 : i32
      %add3A_812 = arith.addi %mul3A_594, %add3A_811 : i32
      %get3A_813 = arith.constant 0 : i32
      %get3A_814 = arith.index_cast %get3A_813 : i32 to index
      %get3A_815 = arith.index_cast %add3A_812 : i32 to index
      %get3A_816 = tpu.vector_load %arg4[%get3A_814, %get3A_815] {strides = array<i32>} : memref<1x32768xf32, #tpu.memory_space<vmem>>, vector<16xf32>,
      %max3A_817 = arith.maximumf %max3A_789, %get3A_816 : vector<16xf32>
      %max3A_818 = arith.maximumf %max3A_796, %max3A_803 : vector<16xf32>
      %max3A_819 = arith.maximumf %max3A_810, %max3A_817 : vector<16xf32>
      %max3A_820 = arith.maximumf %max3A_818, %max3A_819 : vector<16xf32>
      %mul3A_821 = arith.constant 16 : i32
      %mul3A_822 = arith.muli %scan3A_590, %mul3A_821 : i32
      %swap3A_823 = arith.index_cast %mul3A_822 : i32 to index
      %swap3A_824 = tpu.vector_load %arg6[%swap3A_823] {strides = array<i32>} : memref<1024xf32, #tpu.memory_space<vmem>>, vector<16xf32>,
      tpu.vector_store %arg6[%swap3A_823], %max3A_820 {strides = array<i32>} : memref<1024xf32, #tpu.memory_space<vmem>>, vector<16xf32>,
    }
    %scan3A_42 = arith.constant 32 : i32
    %dma_wait3A_43 = arith.constant 0 : i32
    %dma_wait3A_44 = arith.constant 16384 : i32
    %dma_wait3A_45 = tpu.memref_slice %arg4[%dma_wait3A_43, %dma_wait3A_44] : memref<1x32768xf32, #tpu.memory_space<vmem>> -> memref<1x16384xf32, #tpu.memory_space<vmem>>
    %dma_wait3A_46 = arith.constant 16384 : i32
    %dma_wait3A_47 = tpu.memref_slice %arg2[%mul3A_2, %dma_wait3A_46] : memref<64x32768xf32, #tpu.memory_space<hbm>> -> memref<1x16384xf32, #tpu.memory_space<hbm>>
    %dma_wait3A_48 = arith.constant 0 : i32
    %dma_wait3A_49 = arith.constant 16384 : i32
    %dma_wait3A_50 = tpu.memref_slice %arg4[%dma_wait3A_48, %dma_wait3A_49] : memref<1x32768xf32, #tpu.memory_space<vmem>> -> memref<1x16384xf32, #tpu.memory_space<vmem>>
    %dma_wait3A_51 = arith.constant 16384 : i32
    %dma_wait3A_52 = tpu.memref_slice %arg2[%mul3A_2, %dma_wait3A_51] : memref<64x32768xf32, #tpu.memory_space<hbm>> -> memref<1x16384xf32, #tpu.memory_space<hbm>>
    tpu.wait_dma2 semaphore(%arg10 : memref<!tpu.dma_semaphore, #tpu.memory_space<semaphore_mem>>) src(%dma_wait3A_52 : memref<1x16384xf32, #tpu.memory_space<hbm>>) dst(%dma_wait3A_50 : memref<1x16384xf32, #tpu.memory_space<vmem>>)
    %scan3A_53 = arith.constant 0 : i32
    %scan3A_54 = arith.constant 32 : i32
    %scan3A_55 = arith.constant 32 : i32
    %scan3A_56 = arith.addi %scan3A_54, %scan3A_55 : i32
    %scan3A_57 = arith.constant 1 : i32
    scf.for %scan3A_590 = %scan3A_54 to %scan3A_56 step %scan3A_57  : i32 {
      %mul3A_591 = arith.constant 32 : i32
      %mul3A_592 = arith.muli %scan3A_590, %mul3A_591 : i32
      %mul3A_593 = arith.constant 16 : i32
      %mul3A_594 = arith.muli %mul3A_592, %mul3A_593 : i32
      %add3A_595 = arith.constant 0 : i32
      %add3A_596 = arith.addi %mul3A_594, %add3A_595 : i32
      %get3A = arith.constant 0 : i32
      %get3A_597 = arith.index_cast %get3A : i32 to index
      %get3A_598 = arith.index_cast %add3A_596 : i32 to index
      %get3A_599 = tpu.vector_load %arg4[%get3A_597, %get3A_598] {strides = array<i32>} : memref<1x32768xf32, #tpu.memory_space<vmem>>, vector<16xf32>,
      %max3A_600 = arith.maximumf %broadcast_in_dim3A_28, %get3A_599 : vector<16xf32>
      %add3A_601 = arith.constant 16 : i32
      %add3A_602 = arith.addi %mul3A_594, %add3A_601 : i32
      %get3A_603 = arith.constant 0 : i32
      %get3A_604 = arith.index_cast %get3A_603 : i32 to index
      %get3A_605 = arith.index_cast %add3A_602 : i32 to index
      %get3A_606 = tpu.vector_load %arg4[%get3A_604, %get3A_605] {strides = array<i32>} : memref<1x32768xf32, #tpu.memory_space<vmem>>, vector<16xf32>,
      %max3A_607 = arith.maximumf %broadcast_in_dim3A_28, %get3A_606 : vector<16xf32>
      %add3A_608 = arith.constant 32 : i32
      %add3A_609 = arith.addi %mul3A_594, %add3A_608 : i32
      %get3A_610 = arith.constant 0 : i32
      %get3A_611 = arith.index_cast %get3A_610 : i32 to index
      %get3A_612 = arith.index_cast %add3A_609 : i32 to index
      %get3A_613 = tpu.vector_load %arg4[%get3A_611, %get3A_612] {strides = array<i32>} : memref<1x32768xf32, #tpu.memory_space<vmem>>, vector<16xf32>,
      %max3A_614 = arith.maximumf %broadcast_in_dim3A_28, %get3A_613 : vector<16xf32>
      %add3A_615 = arith.constant 48 : i32
      %add3A_616 = arith.addi %mul3A_594, %add3A_615 : i32
      %get3A_617 = arith.constant 0 : i32
      %get3A_618 = arith.index_cast %get3A_617 : i32 to index
      %get3A_619 = arith.index_cast %add3A_616 : i32 to index
      %get3A_620 = tpu.vector_load %arg4[%get3A_618, %get3A_619] {strides = array<i32>} : memref<1x32768xf32, #tpu.memory_space<vmem>>, vector<16xf32>,
      %max3A_621 = arith.maximumf %broadcast_in_dim3A_28, %get3A_620 : vector<16xf32>
      %add3A_622 = arith.constant 64 : i32
      %add3A_623 = arith.addi %mul3A_594, %add3A_622 : i32
      %get3A_624 = arith.constant 0 : i32
      %get3A_625 = arith.index_cast %get3A_624 : i32 to index
      %get3A_626 = arith.index_cast %add3A_623 : i32 to index
      %get3A_627 = tpu.vector_load %arg4[%get3A_625, %get3A_626] {strides = array<i32>} : memref<1x32768xf32, #tpu.memory_space<vmem>>, vector<16xf32>,
      %max3A_628 = arith.maximumf %max3A_600, %get3A_627 : vector<16xf32>
      %add3A_629 = arith.constant 80 : i32
      %add3A_630 = arith.addi %mul3A_594, %add3A_629 : i32
      %get3A_631 = arith.constant 0 : i32
      %get3A_632 = arith.index_cast %get3A_631 : i32 to index
      %get3A_633 = arith.index_cast %add3A_630 : i32 to index
      %get3A_634 = tpu.vector_load %arg4[%get3A_632, %get3A_633] {strides = array<i32>} : memref<1x32768xf32, #tpu.memory_space<vmem>>, vector<16xf32>,
      %max3A_635 = arith.maximumf %max3A_607, %get3A_634 : vector<16xf32>
      %add3A_636 = arith.constant 96 : i32
      %add3A_637 = arith.addi %mul3A_594, %add3A_636 : i32
      %get3A_638 = arith.constant 0 : i32
      %get3A_639 = arith.index_cast %get3A_638 : i32 to index
      %get3A_640 = arith.index_cast %add3A_637 : i32 to index
      %get3A_641 = tpu.vector_load %arg4[%get3A_639, %get3A_640] {strides = array<i32>} : memref<1x32768xf32, #tpu.memory_space<vmem>>, vector<16xf32>,
      %max3A_642 = arith.maximumf %max3A_614, %get3A_641 : vector<16xf32>
      %add3A_643 = arith.constant 112 : i32
      %add3A_644 = arith.addi %mul3A_594, %add3A_643 : i32
      %get3A_645 = arith.constant 0 : i32
      %get3A_646 = arith.index_cast %get3A_645 : i32 to index
      %get3A_647 = arith.index_cast %add3A_644 : i32 to index
      %get3A_648 = tpu.vector_load %arg4[%get3A_646, %get3A_647] {strides = array<i32>} : memref<1x32768xf32, #tpu.memory_space<vmem>>, vector<16xf32>,
      %max3A_649 = arith.maximumf %max3A_621, %get3A_648 : vector<16xf32>
      %add3A_650 = arith.constant 128 : i32
      %add3A_651 = arith.addi %mul3A_594, %add3A_650 : i32
      %get3A_652 = arith.constant 0 : i32
      %get3A_653 = arith.index_cast %get3A_652 : i32 to index
      %get3A_654 = arith.index_cast %add3A_651 : i32 to index
      %get3A_655 = tpu.vector_load %arg4[%get3A_653, %get3A_654] {strides = array<i32>} : memref<1x32768xf32, #tpu.memory_space<vmem>>, vector<16xf32>,
      %max3A_656 = arith.maximumf %max3A_628, %get3A_655 : vector<16xf32>
      %add3A_657 = arith.constant 144 : i32
      %add3A_658 = arith.addi %mul3A_594, %add3A_657 : i32
      %get3A_659 = arith.constant 0 : i32
      %get3A_660 = arith.index_cast %get3A_659 : i32 to index
      %get3A_661 = arith.index_cast %add3A_658 : i32 to index
      %get3A_662 = tpu.vector_load %arg4[%get3A_660, %get3A_661] {strides = array<i32>} : memref<1x32768xf32, #tpu.memory_space<vmem>>, vector<16xf32>,
      %max3A_663 = arith.maximumf %max3A_635, %get3A_662 : vector<16xf32>
      %add3A_664 = arith.constant 160 : i32
      %add3A_665 = arith.addi %mul3A_594, %add3A_664 : i32
      %get3A_666 = arith.constant 0 : i32
      %get3A_667 = arith.index_cast %get3A_666 : i32 to index
      %get3A_668 = arith.index_cast %add3A_665 : i32 to index
      %get3A_669 = tpu.vector_load %arg4[%get3A_667, %get3A_668] {strides = array<i32>} : memref<1x32768xf32, #tpu.memory_space<vmem>>, vector<16xf32>,
      %max3A_670 = arith.maximumf %max3A_642, %get3A_669 : vector<16xf32>
      %add3A_671 = arith.constant 176 : i32
      %add3A_672 = arith.addi %mul3A_594, %add3A_671 : i32
      %get3A_673 = arith.constant 0 : i32
      %get3A_674 = arith.index_cast %get3A_673 : i32 to index
      %get3A_675 = arith.index_cast %add3A_672 : i32 to index
      %get3A_676 = tpu.vector_load %arg4[%get3A_674, %get3A_675] {strides = array<i32>} : memref<1x32768xf32, #tpu.memory_space<vmem>>, vector<16xf32>,
      %max3A_677 = arith.maximumf %max3A_649, %get3A_676 : vector<16xf32>
      %add3A_678 = arith.constant 192 : i32
      %add3A_679 = arith.addi %mul3A_594, %add3A_678 : i32
      %get3A_680 = arith.constant 0 : i32
      %get3A_681 = arith.index_cast %get3A_680 : i32 to index
      %get3A_682 = arith.index_cast %add3A_679 : i32 to index
      %get3A_683 = tpu.vector_load %arg4[%get3A_681, %get3A_682] {strides = array<i32>} : memref<1x32768xf32, #tpu.memory_space<vmem>>, vector<16xf32>,
      %max3A_684 = arith.maximumf %max3A_656, %get3A_683 : vector<16xf32>
      %add3A_685 = arith.constant 208 : i32
      %add3A_686 = arith.addi %mul3A_594, %add3A_685 : i32
      %get3A_687 = arith.constant 0 : i32
      %get3A_688 = arith.index_cast %get3A_687 : i32 to index
      %get3A_689 = arith.index_cast %add3A_686 : i32 to index
      %get3A_690 = tpu.vector_load %arg4[%get3A_688, %get3A_689] {strides = array<i32>} : memref<1x32768xf32, #tpu.memory_space<vmem>>, vector<16xf32>,
      %max3A_691 = arith.maximumf %max3A_663, %get3A_690 : vector<16xf32>
      %add3A_692 = arith.constant 224 : i32
      %add3A_693 = arith.addi %mul3A_594, %add3A_692 : i32
      %get3A_694 = arith.constant 0 : i32
      %get3A_695 = arith.index_cast %get3A_694 : i32 to index
      %get3A_696 = arith.index_cast %add3A_693 : i32 to index
      %get3A_697 = tpu.vector_load %arg4[%get3A_695, %get3A_696] {strides = array<i32>} : memref<1x32768xf32, #tpu.memory_space<vmem>>, vector<16xf32>,
      %max3A_698 = arith.maximumf %max3A_670, %get3A_697 : vector<16xf32>
      %add3A_699 = arith.constant 240 : i32
      %add3A_700 = arith.addi %mul3A_594, %add3A_699 : i32
      %get3A_701 = arith.constant 0 : i32
      %get3A_702 = arith.index_cast %get3A_701 : i32 to index
      %get3A_703 = arith.index_cast %add3A_700 : i32 to index
      %get3A_704 = tpu.vector_load %arg4[%get3A_702, %get3A_703] {strides = array<i32>} : memref<1x32768xf32, #tpu.memory_space<vmem>>, vector<16xf32>,
      %max3A_705 = arith.maximumf %max3A_677, %get3A_704 : vector<16xf32>
      %add3A_706 = arith.constant 256 : i32
      %add3A_707 = arith.addi %mul3A_594, %add3A_706 : i32
      %get3A_708 = arith.constant 0 : i32
      %get3A_709 = arith.index_cast %get3A_708 : i32 to index
      %get3A_710 = arith.index_cast %add3A_707 : i32 to index
      %get3A_711 = tpu.vector_load %arg4[%get3A_709, %get3A_710] {strides = array<i32>} : memref<1x32768xf32, #tpu.memory_space<vmem>>, vector<16xf32>,
      %max3A_712 = arith.maximumf %max3A_684, %get3A_711 : vector<16xf32>
      %add3A_713 = arith.constant 272 : i32
      %add3A_714 = arith.addi %mul3A_594, %add3A_713 : i32
      %get3A_715 = arith.constant 0 : i32
      %get3A_716 = arith.index_cast %get3A_715 : i32 to index
      %get3A_717 = arith.index_cast %add3A_714 : i32 to index
      %get3A_718 = tpu.vector_load %arg4[%get3A_716, %get3A_717] {strides = array<i32>} : memref<1x32768xf32, #tpu.memory_space<vmem>>, vector<16xf32>,
      %max3A_719 = arith.maximumf %max3A_691, %get3A_718 : vector<16xf32>
      %add3A_720 = arith.constant 288 : i32
      %add3A_721 = arith.addi %mul3A_594, %add3A_720 : i32
      %get3A_722 = arith.constant 0 : i32
      %get3A_723 = arith.index_cast %get3A_722 : i32 to index
      %get3A_724 = arith.index_cast %add3A_721 : i32 to index
      %get3A_725 = tpu.vector_load %arg4[%get3A_723, %get3A_724] {strides = array<i32>} : memref<1x32768xf32, #tpu.memory_space<vmem>>, vector<16xf32>,
      %max3A_726 = arith.maximumf %max3A_698, %get3A_725 : vector<16xf32>
      %add3A_727 = arith.constant 304 : i32
      %add3A_728 = arith.addi %mul3A_594, %add3A_727 : i32
      %get3A_729 = arith.constant 0 : i32
      %get3A_730 = arith.index_cast %get3A_729 : i32 to index
      %get3A_731 = arith.index_cast %add3A_728 : i32 to index
      %get3A_732 = tpu.vector_load %arg4[%get3A_730, %get3A_731] {strides = array<i32>} : memref<1x32768xf32, #tpu.memory_space<vmem>>, vector<16xf32>,
      %max3A_733 = arith.maximumf %max3A_705, %get3A_732 : vector<16xf32>
      %add3A_734 = arith.constant 320 : i32
      %add3A_735 = arith.addi %mul3A_594, %add3A_734 : i32
      %get3A_736 = arith.constant 0 : i32
      %get3A_737 = arith.index_cast %get3A_736 : i32 to index
      %get3A_738 = arith.index_cast %add3A_735 : i32 to index
      %get3A_739 = tpu.vector_load %arg4[%get3A_737, %get3A_738] {strides = array<i32>} : memref<1x32768xf32, #tpu.memory_space<vmem>>, vector<16xf32>,
      %max3A_740 = arith.maximumf %max3A_712, %get3A_739 : vector<16xf32>
      %add3A_741 = arith.constant 336 : i32
      %add3A_742 = arith.addi %mul3A_594, %add3A_741 : i32
      %get3A_743 = arith.constant 0 : i32
      %get3A_744 = arith.index_cast %get3A_743 : i32 to index
      %get3A_745 = arith.index_cast %add3A_742 : i32 to index
      %get3A_746 = tpu.vector_load %arg4[%get3A_744, %get3A_745] {strides = array<i32>} : memref<1x32768xf32, #tpu.memory_space<vmem>>, vector<16xf32>,
      %max3A_747 = arith.maximumf %max3A_719, %get3A_746 : vector<16xf32>
      %add3A_748 = arith.constant 352 : i32
      %add3A_749 = arith.addi %mul3A_594, %add3A_748 : i32
      %get3A_750 = arith.constant 0 : i32
      %get3A_751 = arith.index_cast %get3A_750 : i32 to index
      %get3A_752 = arith.index_cast %add3A_749 : i32 to index
      %get3A_753 = tpu.vector_load %arg4[%get3A_751, %get3A_752] {strides = array<i32>} : memref<1x32768xf32, #tpu.memory_space<vmem>>, vector<16xf32>,
      %max3A_754 = arith.maximumf %max3A_726, %get3A_753 : vector<16xf32>
      %add3A_755 = arith.constant 368 : i32
      %add3A_756 = arith.addi %mul3A_594, %add3A_755 : i32
      %get3A_757 = arith.constant 0 : i32
      %get3A_758 = arith.index_cast %get3A_757 : i32 to index
      %get3A_759 = arith.index_cast %add3A_756 : i32 to index
      %get3A_760 = tpu.vector_load %arg4[%get3A_758, %get3A_759] {strides = array<i32>} : memref<1x32768xf32, #tpu.memory_space<vmem>>, vector<16xf32>,
      %max3A_761 = arith.maximumf %max3A_733, %get3A_760 : vector<16xf32>
      %add3A_762 = arith.constant 384 : i32
      %add3A_763 = arith.addi %mul3A_594, %add3A_762 : i32
      %get3A_764 = arith.constant 0 : i32
      %get3A_765 = arith.index_cast %get3A_764 : i32 to index
      %get3A_766 = arith.index_cast %add3A_763 : i32 to index
      %get3A_767 = tpu.vector_load %arg4[%get3A_765, %get3A_766] {strides = array<i32>} : memref<1x32768xf32, #tpu.memory_space<vmem>>, vector<16xf32>,
      %max3A_768 = arith.maximumf %max3A_740, %get3A_767 : vector<16xf32>
      %add3A_769 = arith.constant 400 : i32
      %add3A_770 = arith.addi %mul3A_594, %add3A_769 : i32
      %get3A_771 = arith.constant 0 : i32
      %get3A_772 = arith.index_cast %get3A_771 : i32 to index
      %get3A_773 = arith.index_cast %add3A_770 : i32 to index
      %get3A_774 = tpu.vector_load %arg4[%get3A_772, %get3A_773] {strides = array<i32>} : memref<1x32768xf32, #tpu.memory_space<vmem>>, vector<16xf32>,
      %max3A_775 = arith.maximumf %max3A_747, %get3A_774 : vector<16xf32>
      %add3A_776 = arith.constant 416 : i32
      %add3A_777 = arith.addi %mul3A_594, %add3A_776 : i32
      %get3A_778 = arith.constant 0 : i32
      %get3A_779 = arith.index_cast %get3A_778 : i32 to index
      %get3A_780 = arith.index_cast %add3A_777 : i32 to index
      %get3A_781 = tpu.vector_load %arg4[%get3A_779, %get3A_780] {strides = array<i32>} : memref<1x32768xf32, #tpu.memory_space<vmem>>, vector<16xf32>,
      %max3A_782 = arith.maximumf %max3A_754, %get3A_781 : vector<16xf32>
      %add3A_783 = arith.constant 432 : i32
      %add3A_784 = arith.addi %mul3A_594, %add3A_783 : i32
      %get3A_785 = arith.constant 0 : i32
      %get3A_786 = arith.index_cast %get3A_785 : i32 to index
      %get3A_787 = arith.index_cast %add3A_784 : i32 to index
      %get3A_788 = tpu.vector_load %arg4[%get3A_786, %get3A_787] {strides = array<i32>} : memref<1x32768xf32, #tpu.memory_space<vmem>>, vector<16xf32>,
      %max3A_789 = arith.maximumf %max3A_761, %get3A_788 : vector<16xf32>
      %add3A_790 = arith.constant 448 : i32
      %add3A_791 = arith.addi %mul3A_594, %add3A_790 : i32
      %get3A_792 = arith.constant 0 : i32
      %get3A_793 = arith.index_cast %get3A_792 : i32 to index
      %get3A_794 = arith.index_cast %add3A_791 : i32 to index
      %get3A_795 = tpu.vector_load %arg4[%get3A_793, %get3A_794] {strides = array<i32>} : memref<1x32768xf32, #tpu.memory_space<vmem>>, vector<16xf32>,
      %max3A_796 = arith.maximumf %max3A_768, %get3A_795 : vector<16xf32>
      %add3A_797 = arith.constant 464 : i32
      %add3A_798 = arith.addi %mul3A_594, %add3A_797 : i32
      %get3A_799 = arith.constant 0 : i32
      %get3A_800 = arith.index_cast %get3A_799 : i32 to index
      %get3A_801 = arith.index_cast %add3A_798 : i32 to index
      %get3A_802 = tpu.vector_load %arg4[%get3A_800, %get3A_801] {strides = array<i32>} : memref<1x32768xf32, #tpu.memory_space<vmem>>, vector<16xf32>,
      %max3A_803 = arith.maximumf %max3A_775, %get3A_802 : vector<16xf32>
      %add3A_804 = arith.constant 480 : i32
      %add3A_805 = arith.addi %mul3A_594, %add3A_804 : i32
      %get3A_806 = arith.constant 0 : i32
      %get3A_807 = arith.index_cast %get3A_806 : i32 to index
      %get3A_808 = arith.index_cast %add3A_805 : i32 to index
      %get3A_809 = tpu.vector_load %arg4[%get3A_807, %get3A_808] {strides = array<i32>} : memref<1x32768xf32, #tpu.memory_space<vmem>>, vector<16xf32>,
      %max3A_810 = arith.maximumf %max3A_782, %get3A_809 : vector<16xf32>
      %add3A_811 = arith.constant 496 : i32
      %add3A_812 = arith.addi %mul3A_594, %add3A_811 : i32
      %get3A_813 = arith.constant 0 : i32
      %get3A_814 = arith.index_cast %get3A_813 : i32 to index
      %get3A_815 = arith.index_cast %add3A_812 : i32 to index
      %get3A_816 = tpu.vector_load %arg4[%get3A_814, %get3A_815] {strides = array<i32>} : memref<1x32768xf32, #tpu.memory_space<vmem>>, vector<16xf32>,
      %max3A_817 = arith.maximumf %max3A_789, %get3A_816 : vector<16xf32>
      %max3A_818 = arith.maximumf %max3A_796, %max3A_803 : vector<16xf32>
      %max3A_819 = arith.maximumf %max3A_810, %max3A_817 : vector<16xf32>
      %max3A_820 = arith.maximumf %max3A_818, %max3A_819 : vector<16xf32>
      %mul3A_821 = arith.constant 16 : i32
      %mul3A_822 = arith.muli %scan3A_590, %mul3A_821 : i32
      %swap3A_823 = arith.index_cast %mul3A_822 : i32 to index
      %swap3A_824 = tpu.vector_load %arg6[%swap3A_823] {strides = array<i32>} : memref<1024xf32, #tpu.memory_space<vmem>>, vector<16xf32>,
      tpu.vector_store %arg6[%swap3A_823], %max3A_820 {strides = array<i32>} : memref<1024xf32, #tpu.memory_space<vmem>>, vector<16xf32>,
    }
    %scan3A_58 = arith.constant 32 : i32
    %scan3A_59 = arith.constant 0 : i32
    %scan3A_60 = arith.constant 16 : i32
    %scan3A_61 = arith.addi %scan3A_59, %scan3A_60 : i32
    %scan3A_62 = arith.constant 1 : i32
    %scan3A_63:16 = scf.for %scan3A_590 = %scan3A_59 to %scan3A_61 step %scan3A_62 iter_args(%scan3A_591 = %broadcast_in_dim3A_28, %scan3A_592 = %broadcast_in_dim3A_28, %scan3A_593 = %broadcast_in_dim3A_28, %scan3A_594 = %broadcast_in_dim3A_28, %scan3A_595 = %broadcast_in_dim3A_28, %scan3A_596 = %broadcast_in_dim3A_28, %scan3A_597 = %broadcast_in_dim3A_28, %scan3A_598 = %broadcast_in_dim3A_28, %scan3A_599 = %broadcast_in_dim3A_28, %scan3A_600 = %broadcast_in_dim3A_28, %scan3A_601 = %broadcast_in_dim3A_28, %scan3A_602 = %broadcast_in_dim3A_28, %scan3A_603 = %broadcast_in_dim3A_28, %scan3A_604 = %broadcast_in_dim3A_28, %scan3A_605 = %broadcast_in_dim3A_28, %scan3A_606 = %broadcast_in_dim3A_28) -> (vector<16xf32>, vector<16xf32>, vector<16xf32>, vector<16xf32>, vector<16xf32>, vector<16xf32>, vector<16xf32>, vector<16xf32>, vector<16xf32>, vector<16xf32>, vector<16xf32>, vector<16xf32>, vector<16xf32>, vector<16xf32>, vector<16xf32>, vector<16xf32>)  : i32 {
      %mul3A_607 = arith.constant 4 : i32
      %mul3A_608 = arith.muli %scan3A_590, %mul3A_607 : i32
      %add3A_609 = arith.constant 0 : i32
      %add3A_610 = arith.addi %mul3A_608, %add3A_609 : i32
      %mul3A_611 = arith.constant 16 : i32
      %mul3A_612 = arith.muli %add3A_610, %mul3A_611 : i32
      %get3A = arith.index_cast %mul3A_612 : i32 to index
      %get3A_613 = tpu.vector_load %arg6[%get3A] {strides = array<i32>} : memref<1024xf32, #tpu.memory_space<vmem>>, vector<16xf32>,
      %max3A_614 = arith.maximumf %scan3A_591, %get3A_613 : vector<16xf32>
      %min3A = arith.minimumf %scan3A_591, %get3A_613 : vector<16xf32>
      %max3A_615 = arith.maximumf %scan3A_592, %min3A : vector<16xf32>
      %min3A_616 = arith.minimumf %scan3A_592, %min3A : vector<16xf32>
      %max3A_617 = arith.maximumf %scan3A_593, %min3A_616 : vector<16xf32>
      %min3A_618 = arith.minimumf %scan3A_593, %min3A_616 : vector<16xf32>
      %max3A_619 = arith.maximumf %scan3A_594, %min3A_618 : vector<16xf32>
      %min3A_620 = arith.minimumf %scan3A_594, %min3A_618 : vector<16xf32>
      %max3A_621 = arith.maximumf %scan3A_595, %min3A_620 : vector<16xf32>
      %min3A_622 = arith.minimumf %scan3A_595, %min3A_620 : vector<16xf32>
      %max3A_623 = arith.maximumf %scan3A_596, %min3A_622 : vector<16xf32>
      %min3A_624 = arith.minimumf %scan3A_596, %min3A_622 : vector<16xf32>
      %max3A_625 = arith.maximumf %scan3A_597, %min3A_624 : vector<16xf32>
      %min3A_626 = arith.minimumf %scan3A_597, %min3A_624 : vector<16xf32>
      %max3A_627 = arith.maximumf %scan3A_598, %min3A_626 : vector<16xf32>
      %min3A_628 = arith.minimumf %scan3A_598, %min3A_626 : vector<16xf32>
      %mul3A_629 = arith.constant 4 : i32
      %mul3A_630 = arith.muli %scan3A_590, %mul3A_629 : i32
      %add3A_631 = arith.constant 1 : i32
      %add3A_632 = arith.addi %mul3A_630, %add3A_631 : i32
      %mul3A_633 = arith.constant 16 : i32
      %mul3A_634 = arith.muli %add3A_632, %mul3A_633 : i32
      %get3A_635 = arith.index_cast %mul3A_634 : i32 to index
      %get3A_636 = tpu.vector_load %arg6[%get3A_635] {strides = array<i32>} : memref<1024xf32, #tpu.memory_space<vmem>>, vector<16xf32>,
      %max3A_637 = arith.maximumf %scan3A_599, %get3A_636 : vector<16xf32>
      %min3A_638 = arith.minimumf %scan3A_599, %get3A_636 : vector<16xf32>
      %max3A_639 = arith.maximumf %scan3A_600, %min3A_638 : vector<16xf32>
      %min3A_640 = arith.minimumf %scan3A_600, %min3A_638 : vector<16xf32>
      %max3A_641 = arith.maximumf %scan3A_601, %min3A_640 : vector<16xf32>
      %min3A_642 = arith.minimumf %scan3A_601, %min3A_640 : vector<16xf32>
      %max3A_643 = arith.maximumf %scan3A_602, %min3A_642 : vector<16xf32>
      %min3A_644 = arith.minimumf %scan3A_602, %min3A_642 : vector<16xf32>
      %max3A_645 = arith.maximumf %scan3A_603, %min3A_644 : vector<16xf32>
      %min3A_646 = arith.minimumf %scan3A_603, %min3A_644 : vector<16xf32>
      %max3A_647 = arith.maximumf %scan3A_604, %min3A_646 : vector<16xf32>
      %min3A_648 = arith.minimumf %scan3A_604, %min3A_646 : vector<16xf32>
      %max3A_649 = arith.maximumf %scan3A_605, %min3A_648 : vector<16xf32>
      %min3A_650 = arith.minimumf %scan3A_605, %min3A_648 : vector<16xf32>
      %max3A_651 = arith.maximumf %scan3A_606, %min3A_650 : vector<16xf32>
      %min3A_652 = arith.minimumf %scan3A_606, %min3A_650 : vector<16xf32>
      %mul3A_653 = arith.constant 4 : i32
      %mul3A_654 = arith.muli %scan3A_590, %mul3A_653 : i32
      %add3A_655 = arith.constant 2 : i32
      %add3A_656 = arith.addi %mul3A_654, %add3A_655 : i32
      %mul3A_657 = arith.constant 16 : i32
      %mul3A_658 = arith.muli %add3A_656, %mul3A_657 : i32
      %get3A_659 = arith.index_cast %mul3A_658 : i32 to index
      %get3A_660 = tpu.vector_load %arg6[%get3A_659] {strides = array<i32>} : memref<1024xf32, #tpu.memory_space<vmem>>, vector<16xf32>,
      %max3A_661 = arith.maximumf %max3A_614, %get3A_660 : vector<16xf32>
      %min3A_662 = arith.minimumf %max3A_614, %get3A_660 : vector<16xf32>
      %max3A_663 = arith.maximumf %max3A_615, %min3A_662 : vector<16xf32>
      %min3A_664 = arith.minimumf %max3A_615, %min3A_662 : vector<16xf32>
      %max3A_665 = arith.maximumf %max3A_617, %min3A_664 : vector<16xf32>
      %min3A_666 = arith.minimumf %max3A_617, %min3A_664 : vector<16xf32>
      %max3A_667 = arith.maximumf %max3A_619, %min3A_666 : vector<16xf32>
      %min3A_668 = arith.minimumf %max3A_619, %min3A_666 : vector<16xf32>
      %max3A_669 = arith.maximumf %max3A_621, %min3A_668 : vector<16xf32>
      %min3A_670 = arith.minimumf %max3A_621, %min3A_668 : vector<16xf32>
      %max3A_671 = arith.maximumf %max3A_623, %min3A_670 : vector<16xf32>
      %min3A_672 = arith.minimumf %max3A_623, %min3A_670 : vector<16xf32>
      %max3A_673 = arith.maximumf %max3A_625, %min3A_672 : vector<16xf32>
      %min3A_674 = arith.minimumf %max3A_625, %min3A_672 : vector<16xf32>
      %max3A_675 = arith.maximumf %max3A_627, %min3A_674 : vector<16xf32>
      %min3A_676 = arith.minimumf %max3A_627, %min3A_674 : vector<16xf32>
      %mul3A_677 = arith.constant 4 : i32
      %mul3A_678 = arith.muli %scan3A_590, %mul3A_677 : i32
      %add3A_679 = arith.constant 3 : i32
      %add3A_680 = arith.addi %mul3A_678, %add3A_679 : i32
      %mul3A_681 = arith.constant 16 : i32
      %mul3A_682 = arith.muli %add3A_680, %mul3A_681 : i32
      %get3A_683 = arith.index_cast %mul3A_682 : i32 to index
      %get3A_684 = tpu.vector_load %arg6[%get3A_683] {strides = array<i32>} : memref<1024xf32, #tpu.memory_space<vmem>>, vector<16xf32>,
      %max3A_685 = arith.maximumf %max3A_637, %get3A_684 : vector<16xf32>
      %min3A_686 = arith.minimumf %max3A_637, %get3A_684 : vector<16xf32>
      %max3A_687 = arith.maximumf %max3A_639, %min3A_686 : vector<16xf32>
      %min3A_688 = arith.minimumf %max3A_639, %min3A_686 : vector<16xf32>
      %max3A_689 = arith.maximumf %max3A_641, %min3A_688 : vector<16xf32>
      %min3A_690 = arith.minimumf %max3A_641, %min3A_688 : vector<16xf32>
      %max3A_691 = arith.maximumf %max3A_643, %min3A_690 : vector<16xf32>
      %min3A_692 = arith.minimumf %max3A_643, %min3A_690 : vector<16xf32>
      %max3A_693 = arith.maximumf %max3A_645, %min3A_692 : vector<16xf32>
      %min3A_694 = arith.minimumf %max3A_645, %min3A_692 : vector<16xf32>
      %max3A_695 = arith.maximumf %max3A_647, %min3A_694 : vector<16xf32>
      %min3A_696 = arith.minimumf %max3A_647, %min3A_694 : vector<16xf32>
      %max3A_697 = arith.maximumf %max3A_649, %min3A_696 : vector<16xf32>
      %min3A_698 = arith.minimumf %max3A_649, %min3A_696 : vector<16xf32>
      %max3A_699 = arith.maximumf %max3A_651, %min3A_698 : vector<16xf32>
      %min3A_700 = arith.minimumf %max3A_651, %min3A_698 : vector<16xf32>
      scf.yield %max3A_661, %max3A_663, %max3A_665, %max3A_667, %max3A_669, %max3A_671, %max3A_673, %max3A_675, %max3A_685, %max3A_687, %max3A_689, %max3A_691, %max3A_693, %max3A_695, %max3A_697, %max3A_699 : vector<16xf32>, vector<16xf32>, vector<16xf32>, vector<16xf32>, vector<16xf32>, vector<16xf32>, vector<16xf32>, vector<16xf32>, vector<16xf32>, vector<16xf32>, vector<16xf32>, vector<16xf32>, vector<16xf32>, vector<16xf32>, vector<16xf32>, vector<16xf32>
    }
    %scan3A_64 = arith.constant 16 : i32
    %max3A = arith.maximumf %scan3A_63#0, %scan3A_63#15 : vector<16xf32>
    %max3A_65 = arith.maximumf %scan3A_63#1, %scan3A_63#14 : vector<16xf32>
    %max3A_66 = arith.maximumf %scan3A_63#2, %scan3A_63#13 : vector<16xf32>
    %max3A_67 = arith.maximumf %scan3A_63#3, %scan3A_63#12 : vector<16xf32>
    %max3A_68 = arith.maximumf %scan3A_63#4, %scan3A_63#11 : vector<16xf32>
    %max3A_69 = arith.maximumf %scan3A_63#5, %scan3A_63#10 : vector<16xf32>
    %max3A_70 = arith.maximumf %scan3A_63#6, %scan3A_63#9 : vector<16xf32>
    %max3A_71 = arith.maximumf %scan3A_63#7, %scan3A_63#8 : vector<16xf32>
    %sort3A = arith.constant dense<true> : vector<16xi1>
    %sort3A_72, %sort3A_73, %sort3A_74 = tpu.sort %max3A, %max3A masked %sort3A : (vector<16xf32>, vector<16xf32>, vector<16xi1>) -> (vector<16xi1>, vector<16xf32>, vector<16xf32>)
    %sort3A_75 = arith.constant dense<true> : vector<16xi1>
    %sort3A_76, %sort3A_77, %sort3A_78 = tpu.sort %max3A_65, %max3A_65 masked %sort3A_75 : (vector<16xf32>, vector<16xf32>, vector<16xi1>) -> (vector<16xi1>, vector<16xf32>, vector<16xf32>)
    %sort3A_79 = arith.constant dense<true> : vector<16xi1>
    %sort3A_80, %sort3A_81, %sort3A_82 = tpu.sort %max3A_66, %max3A_66 masked %sort3A_79 : (vector<16xf32>, vector<16xf32>, vector<16xi1>) -> (vector<16xi1>, vector<16xf32>, vector<16xf32>)
    %sort3A_83 = arith.constant dense<true> : vector<16xi1>
    %sort3A_84, %sort3A_85, %sort3A_86 = tpu.sort %max3A_67, %max3A_67 masked %sort3A_83 : (vector<16xf32>, vector<16xf32>, vector<16xi1>) -> (vector<16xi1>, vector<16xf32>, vector<16xf32>)
    %sort3A_87 = arith.constant dense<true> : vector<16xi1>
    %sort3A_88, %sort3A_89, %sort3A_90 = tpu.sort %max3A_68, %max3A_68 masked %sort3A_87 : (vector<16xf32>, vector<16xf32>, vector<16xi1>) -> (vector<16xi1>, vector<16xf32>, vector<16xf32>)
    %sort3A_91 = arith.constant dense<true> : vector<16xi1>
    %sort3A_92, %sort3A_93, %sort3A_94 = tpu.sort %max3A_69, %max3A_69 masked %sort3A_91 : (vector<16xf32>, vector<16xf32>, vector<16xi1>) -> (vector<16xi1>, vector<16xf32>, vector<16xf32>)
    %sort3A_95 = arith.constant dense<true> : vector<16xi1>
    %sort3A_96, %sort3A_97, %sort3A_98 = tpu.sort %max3A_70, %max3A_70 masked %sort3A_95 : (vector<16xf32>, vector<16xf32>, vector<16xi1>) -> (vector<16xi1>, vector<16xf32>, vector<16xf32>)
    %sort3A_99 = arith.constant dense<true> : vector<16xi1>
    %sort3A_100, %sort3A_101, %sort3A_102 = tpu.sort %max3A_71, %max3A_71 masked %sort3A_99 : (vector<16xf32>, vector<16xf32>, vector<16xi1>) -> (vector<16xi1>, vector<16xf32>, vector<16xf32>)
    %rev3A = arith.constant 15 : i32
    %rev3A_103 = vector.broadcast %rev3A : i32 to vector<16xi32>
    %rev3A_104 = tpu.iota {dimensions = array<i32: 0>} : vector<16xi32>
    %rev3A_105 = arith.subi %rev3A_103, %rev3A_104 : vector<16xi32>
    %rev3A_106 = tpu.dynamic_gather %sort3A_77[%rev3A_105] in [0] : vector<16xf32>, vector<16xi32> -> vector<16xf32>
    %max3A_107 = arith.maximumf %sort3A_73, %rev3A_106 : vector<16xf32>
    %sort3A_108 = arith.constant dense<true> : vector<16xi1>
    %sort3A_109, %sort3A_110, %sort3A_111 = tpu.sort %max3A_107, %max3A_107 masked %sort3A_108 : (vector<16xf32>, vector<16xf32>, vector<16xi1>) -> (vector<16xi1>, vector<16xf32>, vector<16xf32>)
    %rev3A_112 = arith.constant 15 : i32
    %rev3A_113 = vector.broadcast %rev3A_112 : i32 to vector<16xi32>
    %rev3A_114 = tpu.iota {dimensions = array<i32: 0>} : vector<16xi32>
    %rev3A_115 = arith.subi %rev3A_113, %rev3A_114 : vector<16xi32>
    %rev3A_116 = tpu.dynamic_gather %sort3A_85[%rev3A_115] in [0] : vector<16xf32>, vector<16xi32> -> vector<16xf32>
    %max3A_117 = arith.maximumf %sort3A_81, %rev3A_116 : vector<16xf32>
    %sort3A_118 = arith.constant dense<true> : vector<16xi1>
    %sort3A_119, %sort3A_120, %sort3A_121 = tpu.sort %max3A_117, %max3A_117 masked %sort3A_118 : (vector<16xf32>, vector<16xf32>, vector<16xi1>) -> (vector<16xi1>, vector<16xf32>, vector<16xf32>)
    %rev3A_122 = arith.constant 15 : i32
    %rev3A_123 = vector.broadcast %rev3A_122 : i32 to vector<16xi32>
    %rev3A_124 = tpu.iota {dimensions = array<i32: 0>} : vector<16xi32>
    %rev3A_125 = arith.subi %rev3A_123, %rev3A_124 : vector<16xi32>
    %rev3A_126 = tpu.dynamic_gather %sort3A_93[%rev3A_125] in [0] : vector<16xf32>, vector<16xi32> -> vector<16xf32>
    %max3A_127 = arith.maximumf %sort3A_89, %rev3A_126 : vector<16xf32>
    %sort3A_128 = arith.constant dense<true> : vector<16xi1>
    %sort3A_129, %sort3A_130, %sort3A_131 = tpu.sort %max3A_127, %max3A_127 masked %sort3A_128 : (vector<16xf32>, vector<16xf32>, vector<16xi1>) -> (vector<16xi1>, vector<16xf32>, vector<16xf32>)
    %rev3A_132 = arith.constant 15 : i32
    %rev3A_133 = vector.broadcast %rev3A_132 : i32 to vector<16xi32>
    %rev3A_134 = tpu.iota {dimensions = array<i32: 0>} : vector<16xi32>
    %rev3A_135 = arith.subi %rev3A_133, %rev3A_134 : vector<16xi32>
    %rev3A_136 = tpu.dynamic_gather %sort3A_101[%rev3A_135] in [0] : vector<16xf32>, vector<16xi32> -> vector<16xf32>
    %max3A_137 = arith.maximumf %sort3A_97, %rev3A_136 : vector<16xf32>
    %sort3A_138 = arith.constant dense<true> : vector<16xi1>
    %sort3A_139, %sort3A_140, %sort3A_141 = tpu.sort %max3A_137, %max3A_137 masked %sort3A_138 : (vector<16xf32>, vector<16xf32>, vector<16xi1>) -> (vector<16xi1>, vector<16xf32>, vector<16xf32>)
    %rev3A_142 = arith.constant 15 : i32
    %rev3A_143 = vector.broadcast %rev3A_142 : i32 to vector<16xi32>
    %rev3A_144 = tpu.iota {dimensions = array<i32: 0>} : vector<16xi32>
    %rev3A_145 = arith.subi %rev3A_143, %rev3A_144 : vector<16xi32>
    %rev3A_146 = tpu.dynamic_gather %sort3A_120[%rev3A_145] in [0] : vector<16xf32>, vector<16xi32> -> vector<16xf32>
    %max3A_147 = arith.maximumf %sort3A_110, %rev3A_146 : vector<16xf32>
    %sort3A_148 = arith.constant dense<true> : vector<16xi1>
    %sort3A_149, %sort3A_150, %sort3A_151 = tpu.sort %max3A_147, %max3A_147 masked %sort3A_148 : (vector<16xf32>, vector<16xf32>, vector<16xi1>) -> (vector<16xi1>, vector<16xf32>, vector<16xf32>)
    %rev3A_152 = arith.constant 15 : i32
    %rev3A_153 = vector.broadcast %rev3A_152 : i32 to vector<16xi32>
    %rev3A_154 = tpu.iota {dimensions = array<i32: 0>} : vector<16xi32>
    %rev3A_155 = arith.subi %rev3A_153, %rev3A_154 : vector<16xi32>
    %rev3A_156 = tpu.dynamic_gather %sort3A_140[%rev3A_155] in [0] : vector<16xf32>, vector<16xi32> -> vector<16xf32>
    %max3A_157 = arith.maximumf %sort3A_130, %rev3A_156 : vector<16xf32>
    %sort3A_158 = arith.constant dense<true> : vector<16xi1>
    %sort3A_159, %sort3A_160, %sort3A_161 = tpu.sort %max3A_157, %max3A_157 masked %sort3A_158 : (vector<16xf32>, vector<16xf32>, vector<16xi1>) -> (vector<16xi1>, vector<16xf32>, vector<16xf32>)
    %rev3A_162 = arith.constant 15 : i32
    %rev3A_163 = vector.broadcast %rev3A_162 : i32 to vector<16xi32>
    %rev3A_164 = tpu.iota {dimensions = array<i32: 0>} : vector<16xi32>
    %rev3A_165 = arith.subi %rev3A_163, %rev3A_164 : vector<16xi32>
    %rev3A_166 = tpu.dynamic_gather %sort3A_160[%rev3A_165] in [0] : vector<16xf32>, vector<16xi32> -> vector<16xf32>
    %max3A_167 = arith.maximumf %sort3A_150, %rev3A_166 : vector<16xf32>
    %sort3A_168 = arith.constant dense<true> : vector<16xi1>
    %sort3A_169, %sort3A_170, %sort3A_171 = tpu.sort %max3A_167, %max3A_167 masked %sort3A_168 : (vector<16xf32>, vector<16xf32>, vector<16xi1>) -> (vector<16xi1>, vector<16xf32>, vector<16xf32>)
    %rev3A_172 = arith.constant 15 : i32
    %rev3A_173 = vector.broadcast %rev3A_172 : i32 to vector<16xi32>
    %rev3A_174 = tpu.iota {dimensions = array<i32: 0>} : vector<16xi32>
    %rev3A_175 = arith.subi %rev3A_173, %rev3A_174 : vector<16xi32>
    %rev3A_176 = tpu.dynamic_gather %sort3A_170[%rev3A_175] in [0] : vector<16xf32>, vector<16xi32> -> vector<16xf32>
    %slice3A = vector.extract_strided_slice %rev3A_176 {offsets = [7], sizes = [1], strides = [1]} : vector<16xf32> to vector<1xf32>
    %squeeze3A = vector.extract %slice3A[0] : f32 from vector<1xf32>
    %broadcast_in_dim3A_177 = vector.broadcast %squeeze3A : f32 to vector<16xf32>
    %iota3A = tpu.iota {dimensions = array<i32: 0>} : vector<16xi32>
    %eq3A = arith.constant 0 : i32
    %eq3A_178 = vector.broadcast %eq3A : i32 to vector<16xi32>
    %eq3A_179 = arith.cmpi eq, %iota3A, %eq3A_178 : vector<16xi32>
    %scan3A_180 = arith.constant 0 : i32
    %scan3A_181 = arith.constant 0 : i32
    %scan3A_182 = arith.constant 64 : i32
    %scan3A_183 = arith.addi %scan3A_181, %scan3A_182 : i32
    %scan3A_184 = arith.constant 1 : i32
    %scan3A_185 = scf.for %scan3A_590 = %scan3A_181 to %scan3A_183 step %scan3A_184 iter_args(%scan3A_591 = %scan3A_180) -> (i32)  : i32 {
      %mul3A_592 = arith.constant 16 : i32
      %mul3A_593 = arith.muli %scan3A_590, %mul3A_592 : i32
      %get3A = arith.index_cast %mul3A_593 : i32 to index
      %get3A_594 = tpu.vector_load %arg6[%get3A] {strides = array<i32>} : memref<1024xf32, #tpu.memory_space<vmem>>, vector<16xf32>,
      %ge3A = arith.cmpf oge, %get3A_594, %broadcast_in_dim3A_177 : vector<16xf32>
      %all_reduce_population_count3A = tpu.all_reduce %ge3A {dim = 0 : i64, kind = #tpu.reduction_kind<sum>} : vector<16xi1> -> vector<16xi32>
      %gt3A = arith.constant 0 : i32
      %gt3A_595 = vector.broadcast %gt3A : i32 to vector<16xi32>
      %gt3A_596 = arith.cmpi sgt, %all_reduce_population_count3A, %gt3A_595 : vector<16xi32>
      %broadcast_in_dim3A_597 = vector.broadcast %scan3A_590 : i32 to vector<16xi32>
      %and3A = arith.andi %gt3A_596, %eq3A_179 : vector<16xi1>
      %swap3A_598 = arith.index_cast %scan3A_591 : i32 to index
      %swap3A_599 = tpu.vector_load %arg7[%swap3A_598] masked %and3A {strides = array<i32>} : memref<80xi32, #tpu.memory_space<vmem>>, vector<16xi32>, vector<16xi1>
      tpu.vector_store %arg7[%swap3A_598], %broadcast_in_dim3A_597 masked %and3A {strides = array<i32>} : memref<80xi32, #tpu.memory_space<vmem>>, vector<16xi32>, vector<16xi1>
      %slice3A_600 = vector.extract_strided_slice %all_reduce_population_count3A {offsets = [0], sizes = [1], strides = [1]} : vector<16xi32> to vector<1xi32>
      %squeeze3A_601 = vector.extract %slice3A_600[0] : i32 from vector<1xi32>
      %gt3A_602 = arith.constant 0 : i32
      %gt3A_603 = arith.cmpi sgt, %squeeze3A_601, %gt3A_602 : i32
      %jit3A = arith.constant 1 : i32
      %jit3A_604 = arith.constant 0 : i32
      %select_n3A = arith.select %gt3A_603, %jit3A, %jit3A_604 : i32
      %add3A_605 = arith.addi %scan3A_591, %select_n3A : i32
      scf.yield %add3A_605 : i32
    }
    %scan3A_186 = arith.constant 64 : i32
    %while3A = arith.constant 0 : i32
    %while3A_187 = arith.subi %scan3A_185, %while3A : i32
    %while3A_188 = arith.addi %while3A, %while3A_187 : i32
    %while3A_189 = arith.constant 1 : i32
    %while3A_190 = arith.divsi %while3A_187, %while3A_189 : i32
    %while3A_191 = arith.muli %while3A_190, %while3A_189 : i32
    %while3A_192 = arith.addi %while3A, %while3A_191 : i32
    %while3A_193 = arith.constant 1 : i32
    %while3A_194:16 = scf.for %while3A_590 = %while3A to %while3A_192 step %while3A_193 iter_args(%while3A_591 = %broadcast_in_dim3A_28, %while3A_592 = %broadcast_in_dim3A_28, %while3A_593 = %broadcast_in_dim3A_28, %while3A_594 = %broadcast_in_dim3A_28, %while3A_595 = %broadcast_in_dim3A_28, %while3A_596 = %broadcast_in_dim3A_28, %while3A_597 = %broadcast_in_dim3A_28, %while3A_598 = %broadcast_in_dim3A_28, %while3A_599 = %broadcast_in_dim3A_28, %while3A_600 = %broadcast_in_dim3A_28, %while3A_601 = %broadcast_in_dim3A_28, %while3A_602 = %broadcast_in_dim3A_28, %while3A_603 = %broadcast_in_dim3A_28, %while3A_604 = %broadcast_in_dim3A_28, %while3A_605 = %broadcast_in_dim3A_28, %while3A_606 = %broadcast_in_dim3A_28) -> (vector<16xf32>, vector<16xf32>, vector<16xf32>, vector<16xf32>, vector<16xf32>, vector<16xf32>, vector<16xf32>, vector<16xf32>, vector<16xf32>, vector<16xf32>, vector<16xf32>, vector<16xf32>, vector<16xf32>, vector<16xf32>, vector<16xf32>, vector<16xf32>)  : i32 {
      %get3A = arith.index_cast %while3A_590 : i32 to index
      %get3A_607 = tpu.vector_load %arg7[%get3A] {strides = array<i32>} : memref<80xi32, #tpu.memory_space<vmem>>, vector<16xi32>,
      %slice3A_608 = vector.extract_strided_slice %get3A_607 {offsets = [0], sizes = [1], strides = [1]} : vector<16xi32> to vector<1xi32>
      %squeeze3A_609 = vector.extract %slice3A_608[0] : i32 from vector<1xi32>
      %mul3A_610 = arith.constant 512 : i32
      %mul3A_611 = arith.muli %squeeze3A_609, %mul3A_610 : i32
      %add3A_612 = arith.constant 0 : i32
      %add3A_613 = arith.addi %mul3A_611, %add3A_612 : i32
      %get3A_614 = arith.constant 0 : i32
      %get3A_615 = arith.index_cast %get3A_614 : i32 to index
      %get3A_616 = arith.index_cast %add3A_613 : i32 to index
      %get3A_617 = tpu.vector_load %arg4[%get3A_615, %get3A_616] {strides = array<i32>} : memref<1x32768xf32, #tpu.memory_space<vmem>>, vector<16xf32>,
      %max3A_618 = arith.maximumf %while3A_591, %get3A_617 : vector<16xf32>
      %min3A = arith.minimumf %while3A_591, %get3A_617 : vector<16xf32>
      %max3A_619 = arith.maximumf %while3A_592, %min3A : vector<16xf32>
      %min3A_620 = arith.minimumf %while3A_592, %min3A : vector<16xf32>
      %max3A_621 = arith.maximumf %while3A_593, %min3A_620 : vector<16xf32>
      %min3A_622 = arith.minimumf %while3A_593, %min3A_620 : vector<16xf32>
      %max3A_623 = arith.maximumf %while3A_594, %min3A_622 : vector<16xf32>
      %min3A_624 = arith.minimumf %while3A_594, %min3A_622 : vector<16xf32>
      %max3A_625 = arith.maximumf %while3A_595, %min3A_624 : vector<16xf32>
      %min3A_626 = arith.minimumf %while3A_595, %min3A_624 : vector<16xf32>
      %max3A_627 = arith.maximumf %while3A_596, %min3A_626 : vector<16xf32>
      %min3A_628 = arith.minimumf %while3A_596, %min3A_626 : vector<16xf32>
      %max3A_629 = arith.maximumf %while3A_597, %min3A_628 : vector<16xf32>
      %min3A_630 = arith.minimumf %while3A_597, %min3A_628 : vector<16xf32>
      %max3A_631 = arith.maximumf %while3A_598, %min3A_630 : vector<16xf32>
      %min3A_632 = arith.minimumf %while3A_598, %min3A_630 : vector<16xf32>
      %add3A_633 = arith.constant 16 : i32
      %add3A_634 = arith.addi %mul3A_611, %add3A_633 : i32
      %get3A_635 = arith.constant 0 : i32
      %get3A_636 = arith.index_cast %get3A_635 : i32 to index
      %get3A_637 = arith.index_cast %add3A_634 : i32 to index
      %get3A_638 = tpu.vector_load %arg4[%get3A_636, %get3A_637] {strides = array<i32>} : memref<1x32768xf32, #tpu.memory_space<vmem>>, vector<16xf32>,
      %max3A_639 = arith.maximumf %while3A_599, %get3A_638 : vector<16xf32>
      %min3A_640 = arith.minimumf %while3A_599, %get3A_638 : vector<16xf32>
      %max3A_641 = arith.maximumf %while3A_600, %min3A_640 : vector<16xf32>
      %min3A_642 = arith.minimumf %while3A_600, %min3A_640 : vector<16xf32>
      %max3A_643 = arith.maximumf %while3A_601, %min3A_642 : vector<16xf32>
      %min3A_644 = arith.minimumf %while3A_601, %min3A_642 : vector<16xf32>
      %max3A_645 = arith.maximumf %while3A_602, %min3A_644 : vector<16xf32>
      %min3A_646 = arith.minimumf %while3A_602, %min3A_644 : vector<16xf32>
      %max3A_647 = arith.maximumf %while3A_603, %min3A_646 : vector<16xf32>
      %min3A_648 = arith.minimumf %while3A_603, %min3A_646 : vector<16xf32>
      %max3A_649 = arith.maximumf %while3A_604, %min3A_648 : vector<16xf32>
      %min3A_650 = arith.minimumf %while3A_604, %min3A_648 : vector<16xf32>
      %max3A_651 = arith.maximumf %while3A_605, %min3A_650 : vector<16xf32>
      %min3A_652 = arith.minimumf %while3A_605, %min3A_650 : vector<16xf32>
      %max3A_653 = arith.maximumf %while3A_606, %min3A_652 : vector<16xf32>
      %min3A_654 = arith.minimumf %while3A_606, %min3A_652 : vector<16xf32>
      %add3A_655 = arith.constant 32 : i32
      %add3A_656 = arith.addi %mul3A_611, %add3A_655 : i32
      %get3A_657 = arith.constant 0 : i32
      %get3A_658 = arith.index_cast %get3A_657 : i32 to index
      %get3A_659 = arith.index_cast %add3A_656 : i32 to index
      %get3A_660 = tpu.vector_load %arg4[%get3A_658, %get3A_659] {strides = array<i32>} : memref<1x32768xf32, #tpu.memory_space<vmem>>, vector<16xf32>,
      %max3A_661 = arith.maximumf %max3A_618, %get3A_660 : vector<16xf32>
      %min3A_662 = arith.minimumf %max3A_618, %get3A_660 : vector<16xf32>
      %max3A_663 = arith.maximumf %max3A_619, %min3A_662 : vector<16xf32>
      %min3A_664 = arith.minimumf %max3A_619, %min3A_662 : vector<16xf32>
      %max3A_665 = arith.maximumf %max3A_621, %min3A_664 : vector<16xf32>
      %min3A_666 = arith.minimumf %max3A_621, %min3A_664 : vector<16xf32>
      %max3A_667 = arith.maximumf %max3A_623, %min3A_666 : vector<16xf32>
      %min3A_668 = arith.minimumf %max3A_623, %min3A_666 : vector<16xf32>
      %max3A_669 = arith.maximumf %max3A_625, %min3A_668 : vector<16xf32>
      %min3A_670 = arith.minimumf %max3A_625, %min3A_668 : vector<16xf32>
      %max3A_671 = arith.maximumf %max3A_627, %min3A_670 : vector<16xf32>
      %min3A_672 = arith.minimumf %max3A_627, %min3A_670 : vector<16xf32>
      %max3A_673 = arith.maximumf %max3A_629, %min3A_672 : vector<16xf32>
      %min3A_674 = arith.minimumf %max3A_629, %min3A_672 : vector<16xf32>
      %max3A_675 = arith.maximumf %max3A_631, %min3A_674 : vector<16xf32>
      %min3A_676 = arith.minimumf %max3A_631, %min3A_674 : vector<16xf32>
      %add3A_677 = arith.constant 48 : i32
      %add3A_678 = arith.addi %mul3A_611, %add3A_677 : i32
      %get3A_679 = arith.constant 0 : i32
      %get3A_680 = arith.index_cast %get3A_679 : i32 to index
      %get3A_681 = arith.index_cast %add3A_678 : i32 to index
      %get3A_682 = tpu.vector_load %arg4[%get3A_680, %get3A_681] {strides = array<i32>} : memref<1x32768xf32, #tpu.memory_space<vmem>>, vector<16xf32>,
      %max3A_683 = arith.maximumf %max3A_639, %get3A_682 : vector<16xf32>
      %min3A_684 = arith.minimumf %max3A_639, %get3A_682 : vector<16xf32>
      %max3A_685 = arith.maximumf %max3A_641, %min3A_684 : vector<16xf32>
      %min3A_686 = arith.minimumf %max3A_641, %min3A_684 : vector<16xf32>
      %max3A_687 = arith.maximumf %max3A_643, %min3A_686 : vector<16xf32>
      %min3A_688 = arith.minimumf %max3A_643, %min3A_686 : vector<16xf32>
      %max3A_689 = arith.maximumf %max3A_645, %min3A_688 : vector<16xf32>
      %min3A_690 = arith.minimumf %max3A_645, %min3A_688 : vector<16xf32>
      %max3A_691 = arith.maximumf %max3A_647, %min3A_690 : vector<16xf32>
      %min3A_692 = arith.minimumf %max3A_647, %min3A_690 : vector<16xf32>
      %max3A_693 = arith.maximumf %max3A_649, %min3A_692 : vector<16xf32>
      %min3A_694 = arith.minimumf %max3A_649, %min3A_692 : vector<16xf32>
      %max3A_695 = arith.maximumf %max3A_651, %min3A_694 : vector<16xf32>
      %min3A_696 = arith.minimumf %max3A_651, %min3A_694 : vector<16xf32>
      %max3A_697 = arith.maximumf %max3A_653, %min3A_696 : vector<16xf32>
      %min3A_698 = arith.minimumf %max3A_653, %min3A_696 : vector<16xf32>
      %add3A_699 = arith.constant 64 : i32
      %add3A_700 = arith.addi %mul3A_611, %add3A_699 : i32
      %get3A_701 = arith.constant 0 : i32
      %get3A_702 = arith.index_cast %get3A_701 : i32 to index
      %get3A_703 = arith.index_cast %add3A_700 : i32 to index
      %get3A_704 = tpu.vector_load %arg4[%get3A_702, %get3A_703] {strides = array<i32>} : memref<1x32768xf32, #tpu.memory_space<vmem>>, vector<16xf32>,
      %max3A_705 = arith.maximumf %max3A_661, %get3A_704 : vector<16xf32>
      %min3A_706 = arith.minimumf %max3A_661, %get3A_704 : vector<16xf32>
      %max3A_707 = arith.maximumf %max3A_663, %min3A_706 : vector<16xf32>
      %min3A_708 = arith.minimumf %max3A_663, %min3A_706 : vector<16xf32>
      %max3A_709 = arith.maximumf %max3A_665, %min3A_708 : vector<16xf32>
      %min3A_710 = arith.minimumf %max3A_665, %min3A_708 : vector<16xf32>
      %max3A_711 = arith.maximumf %max3A_667, %min3A_710 : vector<16xf32>
      %min3A_712 = arith.minimumf %max3A_667, %min3A_710 : vector<16xf32>
      %max3A_713 = arith.maximumf %max3A_669, %min3A_712 : vector<16xf32>
      %min3A_714 = arith.minimumf %max3A_669, %min3A_712 : vector<16xf32>
      %max3A_715 = arith.maximumf %max3A_671, %min3A_714 : vector<16xf32>
      %min3A_716 = arith.minimumf %max3A_671, %min3A_714 : vector<16xf32>
      %max3A_717 = arith.maximumf %max3A_673, %min3A_716 : vector<16xf32>
      %min3A_718 = arith.minimumf %max3A_673, %min3A_716 : vector<16xf32>
      %max3A_719 = arith.maximumf %max3A_675, %min3A_718 : vector<16xf32>
      %min3A_720 = arith.minimumf %max3A_675, %min3A_718 : vector<16xf32>
      %add3A_721 = arith.constant 80 : i32
      %add3A_722 = arith.addi %mul3A_611, %add3A_721 : i32
      %get3A_723 = arith.constant 0 : i32
      %get3A_724 = arith.index_cast %get3A_723 : i32 to index
      %get3A_725 = arith.index_cast %add3A_722 : i32 to index
      %get3A_726 = tpu.vector_load %arg4[%get3A_724, %get3A_725] {strides = array<i32>} : memref<1x32768xf32, #tpu.memory_space<vmem>>, vector<16xf32>,
      %max3A_727 = arith.maximumf %max3A_683, %get3A_726 : vector<16xf32>
      %min3A_728 = arith.minimumf %max3A_683, %get3A_726 : vector<16xf32>
      %max3A_729 = arith.maximumf %max3A_685, %min3A_728 : vector<16xf32>
      %min3A_730 = arith.minimumf %max3A_685, %min3A_728 : vector<16xf32>
      %max3A_731 = arith.maximumf %max3A_687, %min3A_730 : vector<16xf32>
      %min3A_732 = arith.minimumf %max3A_687, %min3A_730 : vector<16xf32>
      %max3A_733 = arith.maximumf %max3A_689, %min3A_732 : vector<16xf32>
      %min3A_734 = arith.minimumf %max3A_689, %min3A_732 : vector<16xf32>
      %max3A_735 = arith.maximumf %max3A_691, %min3A_734 : vector<16xf32>
      %min3A_736 = arith.minimumf %max3A_691, %min3A_734 : vector<16xf32>
      %max3A_737 = arith.maximumf %max3A_693, %min3A_736 : vector<16xf32>
      %min3A_738 = arith.minimumf %max3A_693, %min3A_736 : vector<16xf32>
      %max3A_739 = arith.maximumf %max3A_695, %min3A_738 : vector<16xf32>
      %min3A_740 = arith.minimumf %max3A_695, %min3A_738 : vector<16xf32>
      %max3A_741 = arith.maximumf %max3A_697, %min3A_740 : vector<16xf32>
      %min3A_742 = arith.minimumf %max3A_697, %min3A_740 : vector<16xf32>
      %add3A_743 = arith.constant 96 : i32
      %add3A_744 = arith.addi %mul3A_611, %add3A_743 : i32
      %get3A_745 = arith.constant 0 : i32
      %get3A_746 = arith.index_cast %get3A_745 : i32 to index
      %get3A_747 = arith.index_cast %add3A_744 : i32 to index
      %get3A_748 = tpu.vector_load %arg4[%get3A_746, %get3A_747] {strides = array<i32>} : memref<1x32768xf32, #tpu.memory_space<vmem>>, vector<16xf32>,
      %max3A_749 = arith.maximumf %max3A_705, %get3A_748 : vector<16xf32>
      %min3A_750 = arith.minimumf %max3A_705, %get3A_748 : vector<16xf32>
      %max3A_751 = arith.maximumf %max3A_707, %min3A_750 : vector<16xf32>
      %min3A_752 = arith.minimumf %max3A_707, %min3A_750 : vector<16xf32>
      %max3A_753 = arith.maximumf %max3A_709, %min3A_752 : vector<16xf32>
      %min3A_754 = arith.minimumf %max3A_709, %min3A_752 : vector<16xf32>
      %max3A_755 = arith.maximumf %max3A_711, %min3A_754 : vector<16xf32>
      %min3A_756 = arith.minimumf %max3A_711, %min3A_754 : vector<16xf32>
      %max3A_757 = arith.maximumf %max3A_713, %min3A_756 : vector<16xf32>
      %min3A_758 = arith.minimumf %max3A_713, %min3A_756 : vector<16xf32>
      %max3A_759 = arith.maximumf %max3A_715, %min3A_758 : vector<16xf32>
      %min3A_760 = arith.minimumf %max3A_715, %min3A_758 : vector<16xf32>
      %max3A_761 = arith.maximumf %max3A_717, %min3A_760 : vector<16xf32>
      %min3A_762 = arith.minimumf %max3A_717, %min3A_760 : vector<16xf32>
      %max3A_763 = arith.maximumf %max3A_719, %min3A_762 : vector<16xf32>
      %min3A_764 = arith.minimumf %max3A_719, %min3A_762 : vector<16xf32>
      %add3A_765 = arith.constant 112 : i32
      %add3A_766 = arith.addi %mul3A_611, %add3A_765 : i32
      %get3A_767 = arith.constant 0 : i32
      %get3A_768 = arith.index_cast %get3A_767 : i32 to index
      %get3A_769 = arith.index_cast %add3A_766 : i32 to index
      %get3A_770 = tpu.vector_load %arg4[%get3A_768, %get3A_769] {strides = array<i32>} : memref<1x32768xf32, #tpu.memory_space<vmem>>, vector<16xf32>,
      %max3A_771 = arith.maximumf %max3A_727, %get3A_770 : vector<16xf32>
      %min3A_772 = arith.minimumf %max3A_727, %get3A_770 : vector<16xf32>
      %max3A_773 = arith.maximumf %max3A_729, %min3A_772 : vector<16xf32>
      %min3A_774 = arith.minimumf %max3A_729, %min3A_772 : vector<16xf32>
      %max3A_775 = arith.maximumf %max3A_731, %min3A_774 : vector<16xf32>
      %min3A_776 = arith.minimumf %max3A_731, %min3A_774 : vector<16xf32>
      %max3A_777 = arith.maximumf %max3A_733, %min3A_776 : vector<16xf32>
      %min3A_778 = arith.minimumf %max3A_733, %min3A_776 : vector<16xf32>
      %max3A_779 = arith.maximumf %max3A_735, %min3A_778 : vector<16xf32>
      %min3A_780 = arith.minimumf %max3A_735, %min3A_778 : vector<16xf32>
      %max3A_781 = arith.maximumf %max3A_737, %min3A_780 : vector<16xf32>
      %min3A_782 = arith.minimumf %max3A_737, %min3A_780 : vector<16xf32>
      %max3A_783 = arith.maximumf %max3A_739, %min3A_782 : vector<16xf32>
      %min3A_784 = arith.minimumf %max3A_739, %min3A_782 : vector<16xf32>
      %max3A_785 = arith.maximumf %max3A_741, %min3A_784 : vector<16xf32>
      %min3A_786 = arith.minimumf %max3A_741, %min3A_784 : vector<16xf32>
      %add3A_787 = arith.constant 128 : i32
      %add3A_788 = arith.addi %mul3A_611, %add3A_787 : i32
      %get3A_789 = arith.constant 0 : i32
      %get3A_790 = arith.index_cast %get3A_789 : i32 to index
      %get3A_791 = arith.index_cast %add3A_788 : i32 to index
      %get3A_792 = tpu.vector_load %arg4[%get3A_790, %get3A_791] {strides = array<i32>} : memref<1x32768xf32, #tpu.memory_space<vmem>>, vector<16xf32>,
      %max3A_793 = arith.maximumf %max3A_749, %get3A_792 : vector<16xf32>
      %min3A_794 = arith.minimumf %max3A_749, %get3A_792 : vector<16xf32>
      %max3A_795 = arith.maximumf %max3A_751, %min3A_794 : vector<16xf32>
      %min3A_796 = arith.minimumf %max3A_751, %min3A_794 : vector<16xf32>
      %max3A_797 = arith.maximumf %max3A_753, %min3A_796 : vector<16xf32>
      %min3A_798 = arith.minimumf %max3A_753, %min3A_796 : vector<16xf32>
      %max3A_799 = arith.maximumf %max3A_755, %min3A_798 : vector<16xf32>
      %min3A_800 = arith.minimumf %max3A_755, %min3A_798 : vector<16xf32>
      %max3A_801 = arith.maximumf %max3A_757, %min3A_800 : vector<16xf32>
      %min3A_802 = arith.minimumf %max3A_757, %min3A_800 : vector<16xf32>
      %max3A_803 = arith.maximumf %max3A_759, %min3A_802 : vector<16xf32>
      %min3A_804 = arith.minimumf %max3A_759, %min3A_802 : vector<16xf32>
      %max3A_805 = arith.maximumf %max3A_761, %min3A_804 : vector<16xf32>
      %min3A_806 = arith.minimumf %max3A_761, %min3A_804 : vector<16xf32>
      %max3A_807 = arith.maximumf %max3A_763, %min3A_806 : vector<16xf32>
      %min3A_808 = arith.minimumf %max3A_763, %min3A_806 : vector<16xf32>
      %add3A_809 = arith.constant 144 : i32
      %add3A_810 = arith.addi %mul3A_611, %add3A_809 : i32
      %get3A_811 = arith.constant 0 : i32
      %get3A_812 = arith.index_cast %get3A_811 : i32 to index
      %get3A_813 = arith.index_cast %add3A_810 : i32 to index
      %get3A_814 = tpu.vector_load %arg4[%get3A_812, %get3A_813] {strides = array<i32>} : memref<1x32768xf32, #tpu.memory_space<vmem>>, vector<16xf32>,
      %max3A_815 = arith.maximumf %max3A_771, %get3A_814 : vector<16xf32>
      %min3A_816 = arith.minimumf %max3A_771, %get3A_814 : vector<16xf32>
      %max3A_817 = arith.maximumf %max3A_773, %min3A_816 : vector<16xf32>
      %min3A_818 = arith.minimumf %max3A_773, %min3A_816 : vector<16xf32>
      %max3A_819 = arith.maximumf %max3A_775, %min3A_818 : vector<16xf32>
      %min3A_820 = arith.minimumf %max3A_775, %min3A_818 : vector<16xf32>
      %max3A_821 = arith.maximumf %max3A_777, %min3A_820 : vector<16xf32>
      %min3A_822 = arith.minimumf %max3A_777, %min3A_820 : vector<16xf32>
      %max3A_823 = arith.maximumf %max3A_779, %min3A_822 : vector<16xf32>
      %min3A_824 = arith.minimumf %max3A_779, %min3A_822 : vector<16xf32>
      %max3A_825 = arith.maximumf %max3A_781, %min3A_824 : vector<16xf32>
      %min3A_826 = arith.minimumf %max3A_781, %min3A_824 : vector<16xf32>
      %max3A_827 = arith.maximumf %max3A_783, %min3A_826 : vector<16xf32>
      %min3A_828 = arith.minimumf %max3A_783, %min3A_826 : vector<16xf32>
      %max3A_829 = arith.maximumf %max3A_785, %min3A_828 : vector<16xf32>
      %min3A_830 = arith.minimumf %max3A_785, %min3A_828 : vector<16xf32>
      %add3A_831 = arith.constant 160 : i32
      %add3A_832 = arith.addi %mul3A_611, %add3A_831 : i32
      %get3A_833 = arith.constant 0 : i32
      %get3A_834 = arith.index_cast %get3A_833 : i32 to index
      %get3A_835 = arith.index_cast %add3A_832 : i32 to index
      %get3A_836 = tpu.vector_load %arg4[%get3A_834, %get3A_835] {strides = array<i32>} : memref<1x32768xf32, #tpu.memory_space<vmem>>, vector<16xf32>,
      %max3A_837 = arith.maximumf %max3A_793, %get3A_836 : vector<16xf32>
      %min3A_838 = arith.minimumf %max3A_793, %get3A_836 : vector<16xf32>
      %max3A_839 = arith.maximumf %max3A_795, %min3A_838 : vector<16xf32>
      %min3A_840 = arith.minimumf %max3A_795, %min3A_838 : vector<16xf32>
      %max3A_841 = arith.maximumf %max3A_797, %min3A_840 : vector<16xf32>
      %min3A_842 = arith.minimumf %max3A_797, %min3A_840 : vector<16xf32>
      %max3A_843 = arith.maximumf %max3A_799, %min3A_842 : vector<16xf32>
      %min3A_844 = arith.minimumf %max3A_799, %min3A_842 : vector<16xf32>
      %max3A_845 = arith.maximumf %max3A_801, %min3A_844 : vector<16xf32>
      %min3A_846 = arith.minimumf %max3A_801, %min3A_844 : vector<16xf32>
      %max3A_847 = arith.maximumf %max3A_803, %min3A_846 : vector<16xf32>
      %min3A_848 = arith.minimumf %max3A_803, %min3A_846 : vector<16xf32>
      %max3A_849 = arith.maximumf %max3A_805, %min3A_848 : vector<16xf32>
      %min3A_850 = arith.minimumf %max3A_805, %min3A_848 : vector<16xf32>
      %max3A_851 = arith.maximumf %max3A_807, %min3A_850 : vector<16xf32>
      %min3A_852 = arith.minimumf %max3A_807, %min3A_850 : vector<16xf32>
      %add3A_853 = arith.constant 176 : i32
      %add3A_854 = arith.addi %mul3A_611, %add3A_853 : i32
      %get3A_855 = arith.constant 0 : i32
      %get3A_856 = arith.index_cast %get3A_855 : i32 to index
      %get3A_857 = arith.index_cast %add3A_854 : i32 to index
      %get3A_858 = tpu.vector_load %arg4[%get3A_856, %get3A_857] {strides = array<i32>} : memref<1x32768xf32, #tpu.memory_space<vmem>>, vector<16xf32>,
      %max3A_859 = arith.maximumf %max3A_815, %get3A_858 : vector<16xf32>
      %min3A_860 = arith.minimumf %max3A_815, %get3A_858 : vector<16xf32>
      %max3A_861 = arith.maximumf %max3A_817, %min3A_860 : vector<16xf32>
      %min3A_862 = arith.minimumf %max3A_817, %min3A_860 : vector<16xf32>
      %max3A_863 = arith.maximumf %max3A_819, %min3A_862 : vector<16xf32>
      %min3A_864 = arith.minimumf %max3A_819, %min3A_862 : vector<16xf32>
      %max3A_865 = arith.maximumf %max3A_821, %min3A_864 : vector<16xf32>
      %min3A_866 = arith.minimumf %max3A_821, %min3A_864 : vector<16xf32>
      %max3A_867 = arith.maximumf %max3A_823, %min3A_866 : vector<16xf32>
      %min3A_868 = arith.minimumf %max3A_823, %min3A_866 : vector<16xf32>
      %max3A_869 = arith.maximumf %max3A_825, %min3A_868 : vector<16xf32>
      %min3A_870 = arith.minimumf %max3A_825, %min3A_868 : vector<16xf32>
      %max3A_871 = arith.maximumf %max3A_827, %min3A_870 : vector<16xf32>
      %min3A_872 = arith.minimumf %max3A_827, %min3A_870 : vector<16xf32>
      %max3A_873 = arith.maximumf %max3A_829, %min3A_872 : vector<16xf32>
      %min3A_874 = arith.minimumf %max3A_829, %min3A_872 : vector<16xf32>
      %add3A_875 = arith.constant 192 : i32
      %add3A_876 = arith.addi %mul3A_611, %add3A_875 : i32
      %get3A_877 = arith.constant 0 : i32
      %get3A_878 = arith.index_cast %get3A_877 : i32 to index
      %get3A_879 = arith.index_cast %add3A_876 : i32 to index
      %get3A_880 = tpu.vector_load %arg4[%get3A_878, %get3A_879] {strides = array<i32>} : memref<1x32768xf32, #tpu.memory_space<vmem>>, vector<16xf32>,
      %max3A_881 = arith.maximumf %max3A_837, %get3A_880 : vector<16xf32>
      %min3A_882 = arith.minimumf %max3A_837, %get3A_880 : vector<16xf32>
      %max3A_883 = arith.maximumf %max3A_839, %min3A_882 : vector<16xf32>
      %min3A_884 = arith.minimumf %max3A_839, %min3A_882 : vector<16xf32>
      %max3A_885 = arith.maximumf %max3A_841, %min3A_884 : vector<16xf32>
      %min3A_886 = arith.minimumf %max3A_841, %min3A_884 : vector<16xf32>
      %max3A_887 = arith.maximumf %max3A_843, %min3A_886 : vector<16xf32>
      %min3A_888 = arith.minimumf %max3A_843, %min3A_886 : vector<16xf32>
      %max3A_889 = arith.maximumf %max3A_845, %min3A_888 : vector<16xf32>
      %min3A_890 = arith.minimumf %max3A_845, %min3A_888 : vector<16xf32>
      %max3A_891 = arith.maximumf %max3A_847, %min3A_890 : vector<16xf32>
      %min3A_892 = arith.minimumf %max3A_847, %min3A_890 : vector<16xf32>
      %max3A_893 = arith.maximumf %max3A_849, %min3A_892 : vector<16xf32>
      %min3A_894 = arith.minimumf %max3A_849, %min3A_892 : vector<16xf32>
      %max3A_895 = arith.maximumf %max3A_851, %min3A_894 : vector<16xf32>
      %min3A_896 = arith.minimumf %max3A_851, %min3A_894 : vector<16xf32>
      %add3A_897 = arith.constant 208 : i32
      %add3A_898 = arith.addi %mul3A_611, %add3A_897 : i32
      %get3A_899 = arith.constant 0 : i32
      %get3A_900 = arith.index_cast %get3A_899 : i32 to index
      %get3A_901 = arith.index_cast %add3A_898 : i32 to index
      %get3A_902 = tpu.vector_load %arg4[%get3A_900, %get3A_901] {strides = array<i32>} : memref<1x32768xf32, #tpu.memory_space<vmem>>, vector<16xf32>,
      %max3A_903 = arith.maximumf %max3A_859, %get3A_902 : vector<16xf32>
      %min3A_904 = arith.minimumf %max3A_859, %get3A_902 : vector<16xf32>
      %max3A_905 = arith.maximumf %max3A_861, %min3A_904 : vector<16xf32>
      %min3A_906 = arith.minimumf %max3A_861, %min3A_904 : vector<16xf32>
      %max3A_907 = arith.maximumf %max3A_863, %min3A_906 : vector<16xf32>
      %min3A_908 = arith.minimumf %max3A_863, %min3A_906 : vector<16xf32>
      %max3A_909 = arith.maximumf %max3A_865, %min3A_908 : vector<16xf32>
      %min3A_910 = arith.minimumf %max3A_865, %min3A_908 : vector<16xf32>
      %max3A_911 = arith.maximumf %max3A_867, %min3A_910 : vector<16xf32>
      %min3A_912 = arith.minimumf %max3A_867, %min3A_910 : vector<16xf32>
      %max3A_913 = arith.maximumf %max3A_869, %min3A_912 : vector<16xf32>
      %min3A_914 = arith.minimumf %max3A_869, %min3A_912 : vector<16xf32>
      %max3A_915 = arith.maximumf %max3A_871, %min3A_914 : vector<16xf32>
      %min3A_916 = arith.minimumf %max3A_871, %min3A_914 : vector<16xf32>
      %max3A_917 = arith.maximumf %max3A_873, %min3A_916 : vector<16xf32>
      %min3A_918 = arith.minimumf %max3A_873, %min3A_916 : vector<16xf32>
      %add3A_919 = arith.constant 224 : i32
      %add3A_920 = arith.addi %mul3A_611, %add3A_919 : i32
      %get3A_921 = arith.constant 0 : i32
      %get3A_922 = arith.index_cast %get3A_921 : i32 to index
      %get3A_923 = arith.index_cast %add3A_920 : i32 to index
      %get3A_924 = tpu.vector_load %arg4[%get3A_922, %get3A_923] {strides = array<i32>} : memref<1x32768xf32, #tpu.memory_space<vmem>>, vector<16xf32>,
      %max3A_925 = arith.maximumf %max3A_881, %get3A_924 : vector<16xf32>
      %min3A_926 = arith.minimumf %max3A_881, %get3A_924 : vector<16xf32>
      %max3A_927 = arith.maximumf %max3A_883, %min3A_926 : vector<16xf32>
      %min3A_928 = arith.minimumf %max3A_883, %min3A_926 : vector<16xf32>
      %max3A_929 = arith.maximumf %max3A_885, %min3A_928 : vector<16xf32>
      %min3A_930 = arith.minimumf %max3A_885, %min3A_928 : vector<16xf32>
      %max3A_931 = arith.maximumf %max3A_887, %min3A_930 : vector<16xf32>
      %min3A_932 = arith.minimumf %max3A_887, %min3A_930 : vector<16xf32>
      %max3A_933 = arith.maximumf %max3A_889, %min3A_932 : vector<16xf32>
      %min3A_934 = arith.minimumf %max3A_889, %min3A_932 : vector<16xf32>
      %max3A_935 = arith.maximumf %max3A_891, %min3A_934 : vector<16xf32>
      %min3A_936 = arith.minimumf %max3A_891, %min3A_934 : vector<16xf32>
      %max3A_937 = arith.maximumf %max3A_893, %min3A_936 : vector<16xf32>
      %min3A_938 = arith.minimumf %max3A_893, %min3A_936 : vector<16xf32>
      %max3A_939 = arith.maximumf %max3A_895, %min3A_938 : vector<16xf32>
      %min3A_940 = arith.minimumf %max3A_895, %min3A_938 : vector<16xf32>
      %add3A_941 = arith.constant 240 : i32
      %add3A_942 = arith.addi %mul3A_611, %add3A_941 : i32
      %get3A_943 = arith.constant 0 : i32
      %get3A_944 = arith.index_cast %get3A_943 : i32 to index
      %get3A_945 = arith.index_cast %add3A_942 : i32 to index
      %get3A_946 = tpu.vector_load %arg4[%get3A_944, %get3A_945] {strides = array<i32>} : memref<1x32768xf32, #tpu.memory_space<vmem>>, vector<16xf32>,
      %max3A_947 = arith.maximumf %max3A_903, %get3A_946 : vector<16xf32>
      %min3A_948 = arith.minimumf %max3A_903, %get3A_946 : vector<16xf32>
      %max3A_949 = arith.maximumf %max3A_905, %min3A_948 : vector<16xf32>
      %min3A_950 = arith.minimumf %max3A_905, %min3A_948 : vector<16xf32>
      %max3A_951 = arith.maximumf %max3A_907, %min3A_950 : vector<16xf32>
      %min3A_952 = arith.minimumf %max3A_907, %min3A_950 : vector<16xf32>
      %max3A_953 = arith.maximumf %max3A_909, %min3A_952 : vector<16xf32>
      %min3A_954 = arith.minimumf %max3A_909, %min3A_952 : vector<16xf32>
      %max3A_955 = arith.maximumf %max3A_911, %min3A_954 : vector<16xf32>
      %min3A_956 = arith.minimumf %max3A_911, %min3A_954 : vector<16xf32>
      %max3A_957 = arith.maximumf %max3A_913, %min3A_956 : vector<16xf32>
      %min3A_958 = arith.minimumf %max3A_913, %min3A_956 : vector<16xf32>
      %max3A_959 = arith.maximumf %max3A_915, %min3A_958 : vector<16xf32>
      %min3A_960 = arith.minimumf %max3A_915, %min3A_958 : vector<16xf32>
      %max3A_961 = arith.maximumf %max3A_917, %min3A_960 : vector<16xf32>
      %min3A_962 = arith.minimumf %max3A_917, %min3A_960 : vector<16xf32>
      %add3A_963 = arith.constant 256 : i32
      %add3A_964 = arith.addi %mul3A_611, %add3A_963 : i32
      %get3A_965 = arith.constant 0 : i32
      %get3A_966 = arith.index_cast %get3A_965 : i32 to index
      %get3A_967 = arith.index_cast %add3A_964 : i32 to index
      %get3A_968 = tpu.vector_load %arg4[%get3A_966, %get3A_967] {strides = array<i32>} : memref<1x32768xf32, #tpu.memory_space<vmem>>, vector<16xf32>,
      %max3A_969 = arith.maximumf %max3A_925, %get3A_968 : vector<16xf32>
      %min3A_970 = arith.minimumf %max3A_925, %get3A_968 : vector<16xf32>
      %max3A_971 = arith.maximumf %max3A_927, %min3A_970 : vector<16xf32>
      %min3A_972 = arith.minimumf %max3A_927, %min3A_970 : vector<16xf32>
      %max3A_973 = arith.maximumf %max3A_929, %min3A_972 : vector<16xf32>
      %min3A_974 = arith.minimumf %max3A_929, %min3A_972 : vector<16xf32>
      %max3A_975 = arith.maximumf %max3A_931, %min3A_974 : vector<16xf32>
      %min3A_976 = arith.minimumf %max3A_931, %min3A_974 : vector<16xf32>
      %max3A_977 = arith.maximumf %max3A_933, %min3A_976 : vector<16xf32>
      %min3A_978 = arith.minimumf %max3A_933, %min3A_976 : vector<16xf32>
      %max3A_979 = arith.maximumf %max3A_935, %min3A_978 : vector<16xf32>
      %min3A_980 = arith.minimumf %max3A_935, %min3A_978 : vector<16xf32>
      %max3A_981 = arith.maximumf %max3A_937, %min3A_980 : vector<16xf32>
      %min3A_982 = arith.minimumf %max3A_937, %min3A_980 : vector<16xf32>
      %max3A_983 = arith.maximumf %max3A_939, %min3A_982 : vector<16xf32>
      %min3A_984 = arith.minimumf %max3A_939, %min3A_982 : vector<16xf32>
      %add3A_985 = arith.constant 272 : i32
      %add3A_986 = arith.addi %mul3A_611, %add3A_985 : i32
      %get3A_987 = arith.constant 0 : i32
      %get3A_988 = arith.index_cast %get3A_987 : i32 to index
      %get3A_989 = arith.index_cast %add3A_986 : i32 to index
      %get3A_990 = tpu.vector_load %arg4[%get3A_988, %get3A_989] {strides = array<i32>} : memref<1x32768xf32, #tpu.memory_space<vmem>>, vector<16xf32>,
      %max3A_991 = arith.maximumf %max3A_947, %get3A_990 : vector<16xf32>
      %min3A_992 = arith.minimumf %max3A_947, %get3A_990 : vector<16xf32>
      %max3A_993 = arith.maximumf %max3A_949, %min3A_992 : vector<16xf32>
      %min3A_994 = arith.minimumf %max3A_949, %min3A_992 : vector<16xf32>
      %max3A_995 = arith.maximumf %max3A_951, %min3A_994 : vector<16xf32>
      %min3A_996 = arith.minimumf %max3A_951, %min3A_994 : vector<16xf32>
      %max3A_997 = arith.maximumf %max3A_953, %min3A_996 : vector<16xf32>
      %min3A_998 = arith.minimumf %max3A_953, %min3A_996 : vector<16xf32>
      %max3A_999 = arith.maximumf %max3A_955, %min3A_998 : vector<16xf32>
      %min3A_1000 = arith.minimumf %max3A_955, %min3A_998 : vector<16xf32>
      %max3A_1001 = arith.maximumf %max3A_957, %min3A_1000 : vector<16xf32>
      %min3A_1002 = arith.minimumf %max3A_957, %min3A_1000 : vector<16xf32>
      %max3A_1003 = arith.maximumf %max3A_959, %min3A_1002 : vector<16xf32>
      %min3A_1004 = arith.minimumf %max3A_959, %min3A_1002 : vector<16xf32>
      %max3A_1005 = arith.maximumf %max3A_961, %min3A_1004 : vector<16xf32>
      %min3A_1006 = arith.minimumf %max3A_961, %min3A_1004 : vector<16xf32>
      %add3A_1007 = arith.constant 288 : i32
      %add3A_1008 = arith.addi %mul3A_611, %add3A_1007 : i32
      %get3A_1009 = arith.constant 0 : i32
      %get3A_1010 = arith.index_cast %get3A_1009 : i32 to index
      %get3A_1011 = arith.index_cast %add3A_1008 : i32 to index
      %get3A_1012 = tpu.vector_load %arg4[%get3A_1010, %get3A_1011] {strides = array<i32>} : memref<1x32768xf32, #tpu.memory_space<vmem>>, vector<16xf32>,
      %max3A_1013 = arith.maximumf %max3A_969, %get3A_1012 : vector<16xf32>
      %min3A_1014 = arith.minimumf %max3A_969, %get3A_1012 : vector<16xf32>
      %max3A_1015 = arith.maximumf %max3A_971, %min3A_1014 : vector<16xf32>
      %min3A_1016 = arith.minimumf %max3A_971, %min3A_1014 : vector<16xf32>
      %max3A_1017 = arith.maximumf %max3A_973, %min3A_1016 : vector<16xf32>
      %min3A_1018 = arith.minimumf %max3A_973, %min3A_1016 : vector<16xf32>
      %max3A_1019 = arith.maximumf %max3A_975, %min3A_1018 : vector<16xf32>
      %min3A_1020 = arith.minimumf %max3A_975, %min3A_1018 : vector<16xf32>
      %max3A_1021 = arith.maximumf %max3A_977, %min3A_1020 : vector<16xf32>
      %min3A_1022 = arith.minimumf %max3A_977, %min3A_1020 : vector<16xf32>
      %max3A_1023 = arith.maximumf %max3A_979, %min3A_1022 : vector<16xf32>
      %min3A_1024 = arith.minimumf %max3A_979, %min3A_1022 : vector<16xf32>
      %max3A_1025 = arith.maximumf %max3A_981, %min3A_1024 : vector<16xf32>
      %min3A_1026 = arith.minimumf %max3A_981, %min3A_1024 : vector<16xf32>
      %max3A_1027 = arith.maximumf %max3A_983, %min3A_1026 : vector<16xf32>
      %min3A_1028 = arith.minimumf %max3A_983, %min3A_1026 : vector<16xf32>
      %add3A_1029 = arith.constant 304 : i32
      %add3A_1030 = arith.addi %mul3A_611, %add3A_1029 : i32
      %get3A_1031 = arith.constant 0 : i32
      %get3A_1032 = arith.index_cast %get3A_1031 : i32 to index
      %get3A_1033 = arith.index_cast %add3A_1030 : i32 to index
      %get3A_1034 = tpu.vector_load %arg4[%get3A_1032, %get3A_1033] {strides = array<i32>} : memref<1x32768xf32, #tpu.memory_space<vmem>>, vector<16xf32>,
      %max3A_1035 = arith.maximumf %max3A_991, %get3A_1034 : vector<16xf32>
      %min3A_1036 = arith.minimumf %max3A_991, %get3A_1034 : vector<16xf32>
      %max3A_1037 = arith.maximumf %max3A_993, %min3A_1036 : vector<16xf32>
      %min3A_1038 = arith.minimumf %max3A_993, %min3A_1036 : vector<16xf32>
      %max3A_1039 = arith.maximumf %max3A_995, %min3A_1038 : vector<16xf32>
      %min3A_1040 = arith.minimumf %max3A_995, %min3A_1038 : vector<16xf32>
      %max3A_1041 = arith.maximumf %max3A_997, %min3A_1040 : vector<16xf32>
      %min3A_1042 = arith.minimumf %max3A_997, %min3A_1040 : vector<16xf32>
      %max3A_1043 = arith.maximumf %max3A_999, %min3A_1042 : vector<16xf32>
      %min3A_1044 = arith.minimumf %max3A_999, %min3A_1042 : vector<16xf32>
      %max3A_1045 = arith.maximumf %max3A_1001, %min3A_1044 : vector<16xf32>
      %min3A_1046 = arith.minimumf %max3A_1001, %min3A_1044 : vector<16xf32>
      %max3A_1047 = arith.maximumf %max3A_1003, %min3A_1046 : vector<16xf32>
      %min3A_1048 = arith.minimumf %max3A_1003, %min3A_1046 : vector<16xf32>
      %max3A_1049 = arith.maximumf %max3A_1005, %min3A_1048 : vector<16xf32>
      %min3A_1050 = arith.minimumf %max3A_1005, %min3A_1048 : vector<16xf32>
      %add3A_1051 = arith.constant 320 : i32
      %add3A_1052 = arith.addi %mul3A_611, %add3A_1051 : i32
      %get3A_1053 = arith.constant 0 : i32
      %get3A_1054 = arith.index_cast %get3A_1053 : i32 to index
      %get3A_1055 = arith.index_cast %add3A_1052 : i32 to index
      %get3A_1056 = tpu.vector_load %arg4[%get3A_1054, %get3A_1055] {strides = array<i32>} : memref<1x32768xf32, #tpu.memory_space<vmem>>, vector<16xf32>,
      %max3A_1057 = arith.maximumf %max3A_1013, %get3A_1056 : vector<16xf32>
      %min3A_1058 = arith.minimumf %max3A_1013, %get3A_1056 : vector<16xf32>
      %max3A_1059 = arith.maximumf %max3A_1015, %min3A_1058 : vector<16xf32>
      %min3A_1060 = arith.minimumf %max3A_1015, %min3A_1058 : vector<16xf32>
      %max3A_1061 = arith.maximumf %max3A_1017, %min3A_1060 : vector<16xf32>
      %min3A_1062 = arith.minimumf %max3A_1017, %min3A_1060 : vector<16xf32>
      %max3A_1063 = arith.maximumf %max3A_1019, %min3A_1062 : vector<16xf32>
      %min3A_1064 = arith.minimumf %max3A_1019, %min3A_1062 : vector<16xf32>
      %max3A_1065 = arith.maximumf %max3A_1021, %min3A_1064 : vector<16xf32>
      %min3A_1066 = arith.minimumf %max3A_1021, %min3A_1064 : vector<16xf32>
      %max3A_1067 = arith.maximumf %max3A_1023, %min3A_1066 : vector<16xf32>
      %min3A_1068 = arith.minimumf %max3A_1023, %min3A_1066 : vector<16xf32>
      %max3A_1069 = arith.maximumf %max3A_1025, %min3A_1068 : vector<16xf32>
      %min3A_1070 = arith.minimumf %max3A_1025, %min3A_1068 : vector<16xf32>
      %max3A_1071 = arith.maximumf %max3A_1027, %min3A_1070 : vector<16xf32>
      %min3A_1072 = arith.minimumf %max3A_1027, %min3A_1070 : vector<16xf32>
      %add3A_1073 = arith.constant 336 : i32
      %add3A_1074 = arith.addi %mul3A_611, %add3A_1073 : i32
      %get3A_1075 = arith.constant 0 : i32
      %get3A_1076 = arith.index_cast %get3A_1075 : i32 to index
      %get3A_1077 = arith.index_cast %add3A_1074 : i32 to index
      %get3A_1078 = tpu.vector_load %arg4[%get3A_1076, %get3A_1077] {strides = array<i32>} : memref<1x32768xf32, #tpu.memory_space<vmem>>, vector<16xf32>,
      %max3A_1079 = arith.maximumf %max3A_1035, %get3A_1078 : vector<16xf32>
      %min3A_1080 = arith.minimumf %max3A_1035, %get3A_1078 : vector<16xf32>
      %max3A_1081 = arith.maximumf %max3A_1037, %min3A_1080 : vector<16xf32>
      %min3A_1082 = arith.minimumf %max3A_1037, %min3A_1080 : vector<16xf32>
      %max3A_1083 = arith.maximumf %max3A_1039, %min3A_1082 : vector<16xf32>
      %min3A_1084 = arith.minimumf %max3A_1039, %min3A_1082 : vector<16xf32>
      %max3A_1085 = arith.maximumf %max3A_1041, %min3A_1084 : vector<16xf32>
      %min3A_1086 = arith.minimumf %max3A_1041, %min3A_1084 : vector<16xf32>
      %max3A_1087 = arith.maximumf %max3A_1043, %min3A_1086 : vector<16xf32>
      %min3A_1088 = arith.minimumf %max3A_1043, %min3A_1086 : vector<16xf32>
      %max3A_1089 = arith.maximumf %max3A_1045, %min3A_1088 : vector<16xf32>
      %min3A_1090 = arith.minimumf %max3A_1045, %min3A_1088 : vector<16xf32>
      %max3A_1091 = arith.maximumf %max3A_1047, %min3A_1090 : vector<16xf32>
      %min3A_1092 = arith.minimumf %max3A_1047, %min3A_1090 : vector<16xf32>
      %max3A_1093 = arith.maximumf %max3A_1049, %min3A_1092 : vector<16xf32>
      %min3A_1094 = arith.minimumf %max3A_1049, %min3A_1092 : vector<16xf32>
      %add3A_1095 = arith.constant 352 : i32
      %add3A_1096 = arith.addi %mul3A_611, %add3A_1095 : i32
      %get3A_1097 = arith.constant 0 : i32
      %get3A_1098 = arith.index_cast %get3A_1097 : i32 to index
      %get3A_1099 = arith.index_cast %add3A_1096 : i32 to index
      %get3A_1100 = tpu.vector_load %arg4[%get3A_1098, %get3A_1099] {strides = array<i32>} : memref<1x32768xf32, #tpu.memory_space<vmem>>, vector<16xf32>,
      %max3A_1101 = arith.maximumf %max3A_1057, %get3A_1100 : vector<16xf32>
      %min3A_1102 = arith.minimumf %max3A_1057, %get3A_1100 : vector<16xf32>
      %max3A_1103 = arith.maximumf %max3A_1059, %min3A_1102 : vector<16xf32>
      %min3A_1104 = arith.minimumf %max3A_1059, %min3A_1102 : vector<16xf32>
      %max3A_1105 = arith.maximumf %max3A_1061, %min3A_1104 : vector<16xf32>
      %min3A_1106 = arith.minimumf %max3A_1061, %min3A_1104 : vector<16xf32>
      %max3A_1107 = arith.maximumf %max3A_1063, %min3A_1106 : vector<16xf32>
      %min3A_1108 = arith.minimumf %max3A_1063, %min3A_1106 : vector<16xf32>
      %max3A_1109 = arith.maximumf %max3A_1065, %min3A_1108 : vector<16xf32>
      %min3A_1110 = arith.minimumf %max3A_1065, %min3A_1108 : vector<16xf32>
      %max3A_1111 = arith.maximumf %max3A_1067, %min3A_1110 : vector<16xf32>
      %min3A_1112 = arith.minimumf %max3A_1067, %min3A_1110 : vector<16xf32>
      %max3A_1113 = arith.maximumf %max3A_1069, %min3A_1112 : vector<16xf32>
      %min3A_1114 = arith.minimumf %max3A_1069, %min3A_1112 : vector<16xf32>
      %max3A_1115 = arith.maximumf %max3A_1071, %min3A_1114 : vector<16xf32>
      %min3A_1116 = arith.minimumf %max3A_1071, %min3A_1114 : vector<16xf32>
      %add3A_1117 = arith.constant 368 : i32
      %add3A_1118 = arith.addi %mul3A_611, %add3A_1117 : i32
      %get3A_1119 = arith.constant 0 : i32
      %get3A_1120 = arith.index_cast %get3A_1119 : i32 to index
      %get3A_1121 = arith.index_cast %add3A_1118 : i32 to index
      %get3A_1122 = tpu.vector_load %arg4[%get3A_1120, %get3A_1121] {strides = array<i32>} : memref<1x32768xf32, #tpu.memory_space<vmem>>, vector<16xf32>,
      %max3A_1123 = arith.maximumf %max3A_1079, %get3A_1122 : vector<16xf32>
      %min3A_1124 = arith.minimumf %max3A_1079, %get3A_1122 : vector<16xf32>
      %max3A_1125 = arith.maximumf %max3A_1081, %min3A_1124 : vector<16xf32>
      %min3A_1126 = arith.minimumf %max3A_1081, %min3A_1124 : vector<16xf32>
      %max3A_1127 = arith.maximumf %max3A_1083, %min3A_1126 : vector<16xf32>
      %min3A_1128 = arith.minimumf %max3A_1083, %min3A_1126 : vector<16xf32>
      %max3A_1129 = arith.maximumf %max3A_1085, %min3A_1128 : vector<16xf32>
      %min3A_1130 = arith.minimumf %max3A_1085, %min3A_1128 : vector<16xf32>
      %max3A_1131 = arith.maximumf %max3A_1087, %min3A_1130 : vector<16xf32>
      %min3A_1132 = arith.minimumf %max3A_1087, %min3A_1130 : vector<16xf32>
      %max3A_1133 = arith.maximumf %max3A_1089, %min3A_1132 : vector<16xf32>
      %min3A_1134 = arith.minimumf %max3A_1089, %min3A_1132 : vector<16xf32>
      %max3A_1135 = arith.maximumf %max3A_1091, %min3A_1134 : vector<16xf32>
      %min3A_1136 = arith.minimumf %max3A_1091, %min3A_1134 : vector<16xf32>
      %max3A_1137 = arith.maximumf %max3A_1093, %min3A_1136 : vector<16xf32>
      %min3A_1138 = arith.minimumf %max3A_1093, %min3A_1136 : vector<16xf32>
      %add3A_1139 = arith.constant 384 : i32
      %add3A_1140 = arith.addi %mul3A_611, %add3A_1139 : i32
      %get3A_1141 = arith.constant 0 : i32
      %get3A_1142 = arith.index_cast %get3A_1141 : i32 to index
      %get3A_1143 = arith.index_cast %add3A_1140 : i32 to index
      %get3A_1144 = tpu.vector_load %arg4[%get3A_1142, %get3A_1143] {strides = array<i32>} : memref<1x32768xf32, #tpu.memory_space<vmem>>, vector<16xf32>,
      %max3A_1145 = arith.maximumf %max3A_1101, %get3A_1144 : vector<16xf32>
      %min3A_1146 = arith.minimumf %max3A_1101, %get3A_1144 : vector<16xf32>
      %max3A_1147 = arith.maximumf %max3A_1103, %min3A_1146 : vector<16xf32>
      %min3A_1148 = arith.minimumf %max3A_1103, %min3A_1146 : vector<16xf32>
      %max3A_1149 = arith.maximumf %max3A_1105, %min3A_1148 : vector<16xf32>
      %min3A_1150 = arith.minimumf %max3A_1105, %min3A_1148 : vector<16xf32>
      %max3A_1151 = arith.maximumf %max3A_1107, %min3A_1150 : vector<16xf32>
      %min3A_1152 = arith.minimumf %max3A_1107, %min3A_1150 : vector<16xf32>
      %max3A_1153 = arith.maximumf %max3A_1109, %min3A_1152 : vector<16xf32>
      %min3A_1154 = arith.minimumf %max3A_1109, %min3A_1152 : vector<16xf32>
      %max3A_1155 = arith.maximumf %max3A_1111, %min3A_1154 : vector<16xf32>
      %min3A_1156 = arith.minimumf %max3A_1111, %min3A_1154 : vector<16xf32>
      %max3A_1157 = arith.maximumf %max3A_1113, %min3A_1156 : vector<16xf32>
      %min3A_1158 = arith.minimumf %max3A_1113, %min3A_1156 : vector<16xf32>
      %max3A_1159 = arith.maximumf %max3A_1115, %min3A_1158 : vector<16xf32>
      %min3A_1160 = arith.minimumf %max3A_1115, %min3A_1158 : vector<16xf32>
      %add3A_1161 = arith.constant 400 : i32
      %add3A_1162 = arith.addi %mul3A_611, %add3A_1161 : i32
      %get3A_1163 = arith.constant 0 : i32
      %get3A_1164 = arith.index_cast %get3A_1163 : i32 to index
      %get3A_1165 = arith.index_cast %add3A_1162 : i32 to index
      %get3A_1166 = tpu.vector_load %arg4[%get3A_1164, %get3A_1165] {strides = array<i32>} : memref<1x32768xf32, #tpu.memory_space<vmem>>, vector<16xf32>,
      %max3A_1167 = arith.maximumf %max3A_1123, %get3A_1166 : vector<16xf32>
      %min3A_1168 = arith.minimumf %max3A_1123, %get3A_1166 : vector<16xf32>
      %max3A_1169 = arith.maximumf %max3A_1125, %min3A_1168 : vector<16xf32>
      %min3A_1170 = arith.minimumf %max3A_1125, %min3A_1168 : vector<16xf32>
      %max3A_1171 = arith.maximumf %max3A_1127, %min3A_1170 : vector<16xf32>
      %min3A_1172 = arith.minimumf %max3A_1127, %min3A_1170 : vector<16xf32>
      %max3A_1173 = arith.maximumf %max3A_1129, %min3A_1172 : vector<16xf32>
      %min3A_1174 = arith.minimumf %max3A_1129, %min3A_1172 : vector<16xf32>
      %max3A_1175 = arith.maximumf %max3A_1131, %min3A_1174 : vector<16xf32>
      %min3A_1176 = arith.minimumf %max3A_1131, %min3A_1174 : vector<16xf32>
      %max3A_1177 = arith.maximumf %max3A_1133, %min3A_1176 : vector<16xf32>
      %min3A_1178 = arith.minimumf %max3A_1133, %min3A_1176 : vector<16xf32>
      %max3A_1179 = arith.maximumf %max3A_1135, %min3A_1178 : vector<16xf32>
      %min3A_1180 = arith.minimumf %max3A_1135, %min3A_1178 : vector<16xf32>
      %max3A_1181 = arith.maximumf %max3A_1137, %min3A_1180 : vector<16xf32>
      %min3A_1182 = arith.minimumf %max3A_1137, %min3A_1180 : vector<16xf32>
      %add3A_1183 = arith.constant 416 : i32
      %add3A_1184 = arith.addi %mul3A_611, %add3A_1183 : i32
      %get3A_1185 = arith.constant 0 : i32
      %get3A_1186 = arith.index_cast %get3A_1185 : i32 to index
      %get3A_1187 = arith.index_cast %add3A_1184 : i32 to index
      %get3A_1188 = tpu.vector_load %arg4[%get3A_1186, %get3A_1187] {strides = array<i32>} : memref<1x32768xf32, #tpu.memory_space<vmem>>, vector<16xf32>,
      %max3A_1189 = arith.maximumf %max3A_1145, %get3A_1188 : vector<16xf32>
      %min3A_1190 = arith.minimumf %max3A_1145, %get3A_1188 : vector<16xf32>
      %max3A_1191 = arith.maximumf %max3A_1147, %min3A_1190 : vector<16xf32>
      %min3A_1192 = arith.minimumf %max3A_1147, %min3A_1190 : vector<16xf32>
      %max3A_1193 = arith.maximumf %max3A_1149, %min3A_1192 : vector<16xf32>
      %min3A_1194 = arith.minimumf %max3A_1149, %min3A_1192 : vector<16xf32>
      %max3A_1195 = arith.maximumf %max3A_1151, %min3A_1194 : vector<16xf32>
      %min3A_1196 = arith.minimumf %max3A_1151, %min3A_1194 : vector<16xf32>
      %max3A_1197 = arith.maximumf %max3A_1153, %min3A_1196 : vector<16xf32>
      %min3A_1198 = arith.minimumf %max3A_1153, %min3A_1196 : vector<16xf32>
      %max3A_1199 = arith.maximumf %max3A_1155, %min3A_1198 : vector<16xf32>
      %min3A_1200 = arith.minimumf %max3A_1155, %min3A_1198 : vector<16xf32>
      %max3A_1201 = arith.maximumf %max3A_1157, %min3A_1200 : vector<16xf32>
      %min3A_1202 = arith.minimumf %max3A_1157, %min3A_1200 : vector<16xf32>
      %max3A_1203 = arith.maximumf %max3A_1159, %min3A_1202 : vector<16xf32>
      %min3A_1204 = arith.minimumf %max3A_1159, %min3A_1202 : vector<16xf32>
      %add3A_1205 = arith.constant 432 : i32
      %add3A_1206 = arith.addi %mul3A_611, %add3A_1205 : i32
      %get3A_1207 = arith.constant 0 : i32
      %get3A_1208 = arith.index_cast %get3A_1207 : i32 to index
      %get3A_1209 = arith.index_cast %add3A_1206 : i32 to index
      %get3A_1210 = tpu.vector_load %arg4[%get3A_1208, %get3A_1209] {strides = array<i32>} : memref<1x32768xf32, #tpu.memory_space<vmem>>, vector<16xf32>,
      %max3A_1211 = arith.maximumf %max3A_1167, %get3A_1210 : vector<16xf32>
      %min3A_1212 = arith.minimumf %max3A_1167, %get3A_1210 : vector<16xf32>
      %max3A_1213 = arith.maximumf %max3A_1169, %min3A_1212 : vector<16xf32>
      %min3A_1214 = arith.minimumf %max3A_1169, %min3A_1212 : vector<16xf32>
      %max3A_1215 = arith.maximumf %max3A_1171, %min3A_1214 : vector<16xf32>
      %min3A_1216 = arith.minimumf %max3A_1171, %min3A_1214 : vector<16xf32>
      %max3A_1217 = arith.maximumf %max3A_1173, %min3A_1216 : vector<16xf32>
      %min3A_1218 = arith.minimumf %max3A_1173, %min3A_1216 : vector<16xf32>
      %max3A_1219 = arith.maximumf %max3A_1175, %min3A_1218 : vector<16xf32>
      %min3A_1220 = arith.minimumf %max3A_1175, %min3A_1218 : vector<16xf32>
      %max3A_1221 = arith.maximumf %max3A_1177, %min3A_1220 : vector<16xf32>
      %min3A_1222 = arith.minimumf %max3A_1177, %min3A_1220 : vector<16xf32>
      %max3A_1223 = arith.maximumf %max3A_1179, %min3A_1222 : vector<16xf32>
      %min3A_1224 = arith.minimumf %max3A_1179, %min3A_1222 : vector<16xf32>
      %max3A_1225 = arith.maximumf %max3A_1181, %min3A_1224 : vector<16xf32>
      %min3A_1226 = arith.minimumf %max3A_1181, %min3A_1224 : vector<16xf32>
      %add3A_1227 = arith.constant 448 : i32
      %add3A_1228 = arith.addi %mul3A_611, %add3A_1227 : i32
      %get3A_1229 = arith.constant 0 : i32
      %get3A_1230 = arith.index_cast %get3A_1229 : i32 to index
      %get3A_1231 = arith.index_cast %add3A_1228 : i32 to index
      %get3A_1232 = tpu.vector_load %arg4[%get3A_1230, %get3A_1231] {strides = array<i32>} : memref<1x32768xf32, #tpu.memory_space<vmem>>, vector<16xf32>,
      %max3A_1233 = arith.maximumf %max3A_1189, %get3A_1232 : vector<16xf32>
      %min3A_1234 = arith.minimumf %max3A_1189, %get3A_1232 : vector<16xf32>
      %max3A_1235 = arith.maximumf %max3A_1191, %min3A_1234 : vector<16xf32>
      %min3A_1236 = arith.minimumf %max3A_1191, %min3A_1234 : vector<16xf32>
      %max3A_1237 = arith.maximumf %max3A_1193, %min3A_1236 : vector<16xf32>
      %min3A_1238 = arith.minimumf %max3A_1193, %min3A_1236 : vector<16xf32>
      %max3A_1239 = arith.maximumf %max3A_1195, %min3A_1238 : vector<16xf32>
      %min3A_1240 = arith.minimumf %max3A_1195, %min3A_1238 : vector<16xf32>
      %max3A_1241 = arith.maximumf %max3A_1197, %min3A_1240 : vector<16xf32>
      %min3A_1242 = arith.minimumf %max3A_1197, %min3A_1240 : vector<16xf32>
      %max3A_1243 = arith.maximumf %max3A_1199, %min3A_1242 : vector<16xf32>
      %min3A_1244 = arith.minimumf %max3A_1199, %min3A_1242 : vector<16xf32>
      %max3A_1245 = arith.maximumf %max3A_1201, %min3A_1244 : vector<16xf32>
      %min3A_1246 = arith.minimumf %max3A_1201, %min3A_1244 : vector<16xf32>
      %max3A_1247 = arith.maximumf %max3A_1203, %min3A_1246 : vector<16xf32>
      %min3A_1248 = arith.minimumf %max3A_1203, %min3A_1246 : vector<16xf32>
      %add3A_1249 = arith.constant 464 : i32
      %add3A_1250 = arith.addi %mul3A_611, %add3A_1249 : i32
      %get3A_1251 = arith.constant 0 : i32
      %get3A_1252 = arith.index_cast %get3A_1251 : i32 to index
      %get3A_1253 = arith.index_cast %add3A_1250 : i32 to index
      %get3A_1254 = tpu.vector_load %arg4[%get3A_1252, %get3A_1253] {strides = array<i32>} : memref<1x32768xf32, #tpu.memory_space<vmem>>, vector<16xf32>,
      %max3A_1255 = arith.maximumf %max3A_1211, %get3A_1254 : vector<16xf32>
      %min3A_1256 = arith.minimumf %max3A_1211, %get3A_1254 : vector<16xf32>
      %max3A_1257 = arith.maximumf %max3A_1213, %min3A_1256 : vector<16xf32>
      %min3A_1258 = arith.minimumf %max3A_1213, %min3A_1256 : vector<16xf32>
      %max3A_1259 = arith.maximumf %max3A_1215, %min3A_1258 : vector<16xf32>
      %min3A_1260 = arith.minimumf %max3A_1215, %min3A_1258 : vector<16xf32>
      %max3A_1261 = arith.maximumf %max3A_1217, %min3A_1260 : vector<16xf32>
      %min3A_1262 = arith.minimumf %max3A_1217, %min3A_1260 : vector<16xf32>
      %max3A_1263 = arith.maximumf %max3A_1219, %min3A_1262 : vector<16xf32>
      %min3A_1264 = arith.minimumf %max3A_1219, %min3A_1262 : vector<16xf32>
      %max3A_1265 = arith.maximumf %max3A_1221, %min3A_1264 : vector<16xf32>
      %min3A_1266 = arith.minimumf %max3A_1221, %min3A_1264 : vector<16xf32>
      %max3A_1267 = arith.maximumf %max3A_1223, %min3A_1266 : vector<16xf32>
      %min3A_1268 = arith.minimumf %max3A_1223, %min3A_1266 : vector<16xf32>
      %max3A_1269 = arith.maximumf %max3A_1225, %min3A_1268 : vector<16xf32>
      %min3A_1270 = arith.minimumf %max3A_1225, %min3A_1268 : vector<16xf32>
      %add3A_1271 = arith.constant 480 : i32
      %add3A_1272 = arith.addi %mul3A_611, %add3A_1271 : i32
      %get3A_1273 = arith.constant 0 : i32
      %get3A_1274 = arith.index_cast %get3A_1273 : i32 to index
      %get3A_1275 = arith.index_cast %add3A_1272 : i32 to index
      %get3A_1276 = tpu.vector_load %arg4[%get3A_1274, %get3A_1275] {strides = array<i32>} : memref<1x32768xf32, #tpu.memory_space<vmem>>, vector<16xf32>,
      %max3A_1277 = arith.maximumf %max3A_1233, %get3A_1276 : vector<16xf32>
      %min3A_1278 = arith.minimumf %max3A_1233, %get3A_1276 : vector<16xf32>
      %max3A_1279 = arith.maximumf %max3A_1235, %min3A_1278 : vector<16xf32>
      %min3A_1280 = arith.minimumf %max3A_1235, %min3A_1278 : vector<16xf32>
      %max3A_1281 = arith.maximumf %max3A_1237, %min3A_1280 : vector<16xf32>
      %min3A_1282 = arith.minimumf %max3A_1237, %min3A_1280 : vector<16xf32>
      %max3A_1283 = arith.maximumf %max3A_1239, %min3A_1282 : vector<16xf32>
      %min3A_1284 = arith.minimumf %max3A_1239, %min3A_1282 : vector<16xf32>
      %max3A_1285 = arith.maximumf %max3A_1241, %min3A_1284 : vector<16xf32>
      %min3A_1286 = arith.minimumf %max3A_1241, %min3A_1284 : vector<16xf32>
      %max3A_1287 = arith.maximumf %max3A_1243, %min3A_1286 : vector<16xf32>
      %min3A_1288 = arith.minimumf %max3A_1243, %min3A_1286 : vector<16xf32>
      %max3A_1289 = arith.maximumf %max3A_1245, %min3A_1288 : vector<16xf32>
      %min3A_1290 = arith.minimumf %max3A_1245, %min3A_1288 : vector<16xf32>
      %max3A_1291 = arith.maximumf %max3A_1247, %min3A_1290 : vector<16xf32>
      %min3A_1292 = arith.minimumf %max3A_1247, %min3A_1290 : vector<16xf32>
      %add3A_1293 = arith.constant 496 : i32
      %add3A_1294 = arith.addi %mul3A_611, %add3A_1293 : i32
      %get3A_1295 = arith.constant 0 : i32
      %get3A_1296 = arith.index_cast %get3A_1295 : i32 to index
      %get3A_1297 = arith.index_cast %add3A_1294 : i32 to index
      %get3A_1298 = tpu.vector_load %arg4[%get3A_1296, %get3A_1297] {strides = array<i32>} : memref<1x32768xf32, #tpu.memory_space<vmem>>, vector<16xf32>,
      %max3A_1299 = arith.maximumf %max3A_1255, %get3A_1298 : vector<16xf32>
      %min3A_1300 = arith.minimumf %max3A_1255, %get3A_1298 : vector<16xf32>
      %max3A_1301 = arith.maximumf %max3A_1257, %min3A_1300 : vector<16xf32>
      %min3A_1302 = arith.minimumf %max3A_1257, %min3A_1300 : vector<16xf32>
      %max3A_1303 = arith.maximumf %max3A_1259, %min3A_1302 : vector<16xf32>
      %min3A_1304 = arith.minimumf %max3A_1259, %min3A_1302 : vector<16xf32>
      %max3A_1305 = arith.maximumf %max3A_1261, %min3A_1304 : vector<16xf32>
      %min3A_1306 = arith.minimumf %max3A_1261, %min3A_1304 : vector<16xf32>
      %max3A_1307 = arith.maximumf %max3A_1263, %min3A_1306 : vector<16xf32>
      %min3A_1308 = arith.minimumf %max3A_1263, %min3A_1306 : vector<16xf32>
      %max3A_1309 = arith.maximumf %max3A_1265, %min3A_1308 : vector<16xf32>
      %min3A_1310 = arith.minimumf %max3A_1265, %min3A_1308 : vector<16xf32>
      %max3A_1311 = arith.maximumf %max3A_1267, %min3A_1310 : vector<16xf32>
      %min3A_1312 = arith.minimumf %max3A_1267, %min3A_1310 : vector<16xf32>
      %max3A_1313 = arith.maximumf %max3A_1269, %min3A_1312 : vector<16xf32>
      %min3A_1314 = arith.minimumf %max3A_1269, %min3A_1312 : vector<16xf32>
      scf.yield %max3A_1277, %max3A_1279, %max3A_1281, %max3A_1283, %max3A_1285, %max3A_1287, %max3A_1289, %max3A_1291, %max3A_1299, %max3A_1301, %max3A_1303, %max3A_1305, %max3A_1307, %max3A_1309, %max3A_1311, %max3A_1313 : vector<16xf32>, vector<16xf32>, vector<16xf32>, vector<16xf32>, vector<16xf32>, vector<16xf32>, vector<16xf32>, vector<16xf32>, vector<16xf32>, vector<16xf32>, vector<16xf32>, vector<16xf32>, vector<16xf32>, vector<16xf32>, vector<16xf32>, vector<16xf32>
    }
    %while3A_195 = arith.constant 1 : i32
    %while3A_196:16 = scf.for %while3A_590 = %while3A_192 to %while3A_188 step %while3A_195 iter_args(%while3A_591 = %while3A_194#0, %while3A_592 = %while3A_194#1, %while3A_593 = %while3A_194#2, %while3A_594 = %while3A_194#3, %while3A_595 = %while3A_194#4, %while3A_596 = %while3A_194#5, %while3A_597 = %while3A_194#6, %while3A_598 = %while3A_194#7, %while3A_599 = %while3A_194#8, %while3A_600 = %while3A_194#9, %while3A_601 = %while3A_194#10, %while3A_602 = %while3A_194#11, %while3A_603 = %while3A_194#12, %while3A_604 = %while3A_194#13, %while3A_605 = %while3A_194#14, %while3A_606 = %while3A_194#15) -> (vector<16xf32>, vector<16xf32>, vector<16xf32>, vector<16xf32>, vector<16xf32>, vector<16xf32>, vector<16xf32>, vector<16xf32>, vector<16xf32>, vector<16xf32>, vector<16xf32>, vector<16xf32>, vector<16xf32>, vector<16xf32>, vector<16xf32>, vector<16xf32>)  : i32 {
      %get3A = arith.index_cast %while3A_590 : i32 to index
      %get3A_607 = tpu.vector_load %arg7[%get3A] {strides = array<i32>} : memref<80xi32, #tpu.memory_space<vmem>>, vector<16xi32>,
      %slice3A_608 = vector.extract_strided_slice %get3A_607 {offsets = [0], sizes = [1], strides = [1]} : vector<16xi32> to vector<1xi32>
      %squeeze3A_609 = vector.extract %slice3A_608[0] : i32 from vector<1xi32>
      %mul3A_610 = arith.constant 512 : i32
      %mul3A_611 = arith.muli %squeeze3A_609, %mul3A_610 : i32
      %add3A_612 = arith.constant 0 : i32
      %add3A_613 = arith.addi %mul3A_611, %add3A_612 : i32
      %get3A_614 = arith.constant 0 : i32
      %get3A_615 = arith.index_cast %get3A_614 : i32 to index
      %get3A_616 = arith.index_cast %add3A_613 : i32 to index
      %get3A_617 = tpu.vector_load %arg4[%get3A_615, %get3A_616] {strides = array<i32>} : memref<1x32768xf32, #tpu.memory_space<vmem>>, vector<16xf32>,
      %max3A_618 = arith.maximumf %while3A_591, %get3A_617 : vector<16xf32>
      %min3A = arith.minimumf %while3A_591, %get3A_617 : vector<16xf32>
      %max3A_619 = arith.maximumf %while3A_592, %min3A : vector<16xf32>
      %min3A_620 = arith.minimumf %while3A_592, %min3A : vector<16xf32>
      %max3A_621 = arith.maximumf %while3A_593, %min3A_620 : vector<16xf32>
      %min3A_622 = arith.minimumf %while3A_593, %min3A_620 : vector<16xf32>
      %max3A_623 = arith.maximumf %while3A_594, %min3A_622 : vector<16xf32>
      %min3A_624 = arith.minimumf %while3A_594, %min3A_622 : vector<16xf32>
      %max3A_625 = arith.maximumf %while3A_595, %min3A_624 : vector<16xf32>
      %min3A_626 = arith.minimumf %while3A_595, %min3A_624 : vector<16xf32>
      %max3A_627 = arith.maximumf %while3A_596, %min3A_626 : vector<16xf32>
      %min3A_628 = arith.minimumf %while3A_596, %min3A_626 : vector<16xf32>
      %max3A_629 = arith.maximumf %while3A_597, %min3A_628 : vector<16xf32>
      %min3A_630 = arith.minimumf %while3A_597, %min3A_628 : vector<16xf32>
      %max3A_631 = arith.maximumf %while3A_598, %min3A_630 : vector<16xf32>
      %min3A_632 = arith.minimumf %while3A_598, %min3A_630 : vector<16xf32>
      %add3A_633 = arith.constant 16 : i32
      %add3A_634 = arith.addi %mul3A_611, %add3A_633 : i32
      %get3A_635 = arith.constant 0 : i32
      %get3A_636 = arith.index_cast %get3A_635 : i32 to index
      %get3A_637 = arith.index_cast %add3A_634 : i32 to index
      %get3A_638 = tpu.vector_load %arg4[%get3A_636, %get3A_637] {strides = array<i32>} : memref<1x32768xf32, #tpu.memory_space<vmem>>, vector<16xf32>,
      %max3A_639 = arith.maximumf %while3A_599, %get3A_638 : vector<16xf32>
      %min3A_640 = arith.minimumf %while3A_599, %get3A_638 : vector<16xf32>
      %max3A_641 = arith.maximumf %while3A_600, %min3A_640 : vector<16xf32>
      %min3A_642 = arith.minimumf %while3A_600, %min3A_640 : vector<16xf32>
      %max3A_643 = arith.maximumf %while3A_601, %min3A_642 : vector<16xf32>
      %min3A_644 = arith.minimumf %while3A_601, %min3A_642 : vector<16xf32>
      %max3A_645 = arith.maximumf %while3A_602, %min3A_644 : vector<16xf32>
      %min3A_646 = arith.minimumf %while3A_602, %min3A_644 : vector<16xf32>
      %max3A_647 = arith.maximumf %while3A_603, %min3A_646 : vector<16xf32>
      %min3A_648 = arith.minimumf %while3A_603, %min3A_646 : vector<16xf32>
      %max3A_649 = arith.maximumf %while3A_604, %min3A_648 : vector<16xf32>
      %min3A_650 = arith.minimumf %while3A_604, %min3A_648 : vector<16xf32>
      %max3A_651 = arith.maximumf %while3A_605, %min3A_650 : vector<16xf32>
      %min3A_652 = arith.minimumf %while3A_605, %min3A_650 : vector<16xf32>
      %max3A_653 = arith.maximumf %while3A_606, %min3A_652 : vector<16xf32>
      %min3A_654 = arith.minimumf %while3A_606, %min3A_652 : vector<16xf32>
      %add3A_655 = arith.constant 32 : i32
      %add3A_656 = arith.addi %mul3A_611, %add3A_655 : i32
      %get3A_657 = arith.constant 0 : i32
      %get3A_658 = arith.index_cast %get3A_657 : i32 to index
      %get3A_659 = arith.index_cast %add3A_656 : i32 to index
      %get3A_660 = tpu.vector_load %arg4[%get3A_658, %get3A_659] {strides = array<i32>} : memref<1x32768xf32, #tpu.memory_space<vmem>>, vector<16xf32>,
      %max3A_661 = arith.maximumf %max3A_618, %get3A_660 : vector<16xf32>
      %min3A_662 = arith.minimumf %max3A_618, %get3A_660 : vector<16xf32>
      %max3A_663 = arith.maximumf %max3A_619, %min3A_662 : vector<16xf32>
      %min3A_664 = arith.minimumf %max3A_619, %min3A_662 : vector<16xf32>
      %max3A_665 = arith.maximumf %max3A_621, %min3A_664 : vector<16xf32>
      %min3A_666 = arith.minimumf %max3A_621, %min3A_664 : vector<16xf32>
      %max3A_667 = arith.maximumf %max3A_623, %min3A_666 : vector<16xf32>
      %min3A_668 = arith.minimumf %max3A_623, %min3A_666 : vector<16xf32>
      %max3A_669 = arith.maximumf %max3A_625, %min3A_668 : vector<16xf32>
      %min3A_670 = arith.minimumf %max3A_625, %min3A_668 : vector<16xf32>
      %max3A_671 = arith.maximumf %max3A_627, %min3A_670 : vector<16xf32>
      %min3A_672 = arith.minimumf %max3A_627, %min3A_670 : vector<16xf32>
      %max3A_673 = arith.maximumf %max3A_629, %min3A_672 : vector<16xf32>
      %min3A_674 = arith.minimumf %max3A_629, %min3A_672 : vector<16xf32>
      %max3A_675 = arith.maximumf %max3A_631, %min3A_674 : vector<16xf32>
      %min3A_676 = arith.minimumf %max3A_631, %min3A_674 : vector<16xf32>
      %add3A_677 = arith.constant 48 : i32
      %add3A_678 = arith.addi %mul3A_611, %add3A_677 : i32
      %get3A_679 = arith.constant 0 : i32
      %get3A_680 = arith.index_cast %get3A_679 : i32 to index
      %get3A_681 = arith.index_cast %add3A_678 : i32 to index
      %get3A_682 = tpu.vector_load %arg4[%get3A_680, %get3A_681] {strides = array<i32>} : memref<1x32768xf32, #tpu.memory_space<vmem>>, vector<16xf32>,
      %max3A_683 = arith.maximumf %max3A_639, %get3A_682 : vector<16xf32>
      %min3A_684 = arith.minimumf %max3A_639, %get3A_682 : vector<16xf32>
      %max3A_685 = arith.maximumf %max3A_641, %min3A_684 : vector<16xf32>
      %min3A_686 = arith.minimumf %max3A_641, %min3A_684 : vector<16xf32>
      %max3A_687 = arith.maximumf %max3A_643, %min3A_686 : vector<16xf32>
      %min3A_688 = arith.minimumf %max3A_643, %min3A_686 : vector<16xf32>
      %max3A_689 = arith.maximumf %max3A_645, %min3A_688 : vector<16xf32>
      %min3A_690 = arith.minimumf %max3A_645, %min3A_688 : vector<16xf32>
      %max3A_691 = arith.maximumf %max3A_647, %min3A_690 : vector<16xf32>
      %min3A_692 = arith.minimumf %max3A_647, %min3A_690 : vector<16xf32>
      %max3A_693 = arith.maximumf %max3A_649, %min3A_692 : vector<16xf32>
      %min3A_694 = arith.minimumf %max3A_649, %min3A_692 : vector<16xf32>
      %max3A_695 = arith.maximumf %max3A_651, %min3A_694 : vector<16xf32>
      %min3A_696 = arith.minimumf %max3A_651, %min3A_694 : vector<16xf32>
      %max3A_697 = arith.maximumf %max3A_653, %min3A_696 : vector<16xf32>
      %min3A_698 = arith.minimumf %max3A_653, %min3A_696 : vector<16xf32>
      %add3A_699 = arith.constant 64 : i32
      %add3A_700 = arith.addi %mul3A_611, %add3A_699 : i32
      %get3A_701 = arith.constant 0 : i32
      %get3A_702 = arith.index_cast %get3A_701 : i32 to index
      %get3A_703 = arith.index_cast %add3A_700 : i32 to index
      %get3A_704 = tpu.vector_load %arg4[%get3A_702, %get3A_703] {strides = array<i32>} : memref<1x32768xf32, #tpu.memory_space<vmem>>, vector<16xf32>,
      %max3A_705 = arith.maximumf %max3A_661, %get3A_704 : vector<16xf32>
      %min3A_706 = arith.minimumf %max3A_661, %get3A_704 : vector<16xf32>
      %max3A_707 = arith.maximumf %max3A_663, %min3A_706 : vector<16xf32>
      %min3A_708 = arith.minimumf %max3A_663, %min3A_706 : vector<16xf32>
      %max3A_709 = arith.maximumf %max3A_665, %min3A_708 : vector<16xf32>
      %min3A_710 = arith.minimumf %max3A_665, %min3A_708 : vector<16xf32>
      %max3A_711 = arith.maximumf %max3A_667, %min3A_710 : vector<16xf32>
      %min3A_712 = arith.minimumf %max3A_667, %min3A_710 : vector<16xf32>
      %max3A_713 = arith.maximumf %max3A_669, %min3A_712 : vector<16xf32>
      %min3A_714 = arith.minimumf %max3A_669, %min3A_712 : vector<16xf32>
      %max3A_715 = arith.maximumf %max3A_671, %min3A_714 : vector<16xf32>
      %min3A_716 = arith.minimumf %max3A_671, %min3A_714 : vector<16xf32>
      %max3A_717 = arith.maximumf %max3A_673, %min3A_716 : vector<16xf32>
      %min3A_718 = arith.minimumf %max3A_673, %min3A_716 : vector<16xf32>
      %max3A_719 = arith.maximumf %max3A_675, %min3A_718 : vector<16xf32>
      %min3A_720 = arith.minimumf %max3A_675, %min3A_718 : vector<16xf32>
      %add3A_721 = arith.constant 80 : i32
      %add3A_722 = arith.addi %mul3A_611, %add3A_721 : i32
      %get3A_723 = arith.constant 0 : i32
      %get3A_724 = arith.index_cast %get3A_723 : i32 to index
      %get3A_725 = arith.index_cast %add3A_722 : i32 to index
      %get3A_726 = tpu.vector_load %arg4[%get3A_724, %get3A_725] {strides = array<i32>} : memref<1x32768xf32, #tpu.memory_space<vmem>>, vector<16xf32>,
      %max3A_727 = arith.maximumf %max3A_683, %get3A_726 : vector<16xf32>
      %min3A_728 = arith.minimumf %max3A_683, %get3A_726 : vector<16xf32>
      %max3A_729 = arith.maximumf %max3A_685, %min3A_728 : vector<16xf32>
      %min3A_730 = arith.minimumf %max3A_685, %min3A_728 : vector<16xf32>
      %max3A_731 = arith.maximumf %max3A_687, %min3A_730 : vector<16xf32>
      %min3A_732 = arith.minimumf %max3A_687, %min3A_730 : vector<16xf32>
      %max3A_733 = arith.maximumf %max3A_689, %min3A_732 : vector<16xf32>
      %min3A_734 = arith.minimumf %max3A_689, %min3A_732 : vector<16xf32>
      %max3A_735 = arith.maximumf %max3A_691, %min3A_734 : vector<16xf32>
      %min3A_736 = arith.minimumf %max3A_691, %min3A_734 : vector<16xf32>
      %max3A_737 = arith.maximumf %max3A_693, %min3A_736 : vector<16xf32>
      %min3A_738 = arith.minimumf %max3A_693, %min3A_736 : vector<16xf32>
      %max3A_739 = arith.maximumf %max3A_695, %min3A_738 : vector<16xf32>
      %min3A_740 = arith.minimumf %max3A_695, %min3A_738 : vector<16xf32>
      %max3A_741 = arith.maximumf %max3A_697, %min3A_740 : vector<16xf32>
      %min3A_742 = arith.minimumf %max3A_697, %min3A_740 : vector<16xf32>
      %add3A_743 = arith.constant 96 : i32
      %add3A_744 = arith.addi %mul3A_611, %add3A_743 : i32
      %get3A_745 = arith.constant 0 : i32
      %get3A_746 = arith.index_cast %get3A_745 : i32 to index
      %get3A_747 = arith.index_cast %add3A_744 : i32 to index
      %get3A_748 = tpu.vector_load %arg4[%get3A_746, %get3A_747] {strides = array<i32>} : memref<1x32768xf32, #tpu.memory_space<vmem>>, vector<16xf32>,
      %max3A_749 = arith.maximumf %max3A_705, %get3A_748 : vector<16xf32>
      %min3A_750 = arith.minimumf %max3A_705, %get3A_748 : vector<16xf32>
      %max3A_751 = arith.maximumf %max3A_707, %min3A_750 : vector<16xf32>
      %min3A_752 = arith.minimumf %max3A_707, %min3A_750 : vector<16xf32>
      %max3A_753 = arith.maximumf %max3A_709, %min3A_752 : vector<16xf32>
      %min3A_754 = arith.minimumf %max3A_709, %min3A_752 : vector<16xf32>
      %max3A_755 = arith.maximumf %max3A_711, %min3A_754 : vector<16xf32>
      %min3A_756 = arith.minimumf %max3A_711, %min3A_754 : vector<16xf32>
      %max3A_757 = arith.maximumf %max3A_713, %min3A_756 : vector<16xf32>
      %min3A_758 = arith.minimumf %max3A_713, %min3A_756 : vector<16xf32>
      %max3A_759 = arith.maximumf %max3A_715, %min3A_758 : vector<16xf32>
      %min3A_760 = arith.minimumf %max3A_715, %min3A_758 : vector<16xf32>
      %max3A_761 = arith.maximumf %max3A_717, %min3A_760 : vector<16xf32>
      %min3A_762 = arith.minimumf %max3A_717, %min3A_760 : vector<16xf32>
      %max3A_763 = arith.maximumf %max3A_719, %min3A_762 : vector<16xf32>
      %min3A_764 = arith.minimumf %max3A_719, %min3A_762 : vector<16xf32>
      %add3A_765 = arith.constant 112 : i32
      %add3A_766 = arith.addi %mul3A_611, %add3A_765 : i32
      %get3A_767 = arith.constant 0 : i32
      %get3A_768 = arith.index_cast %get3A_767 : i32 to index
      %get3A_769 = arith.index_cast %add3A_766 : i32 to index
      %get3A_770 = tpu.vector_load %arg4[%get3A_768, %get3A_769] {strides = array<i32>} : memref<1x32768xf32, #tpu.memory_space<vmem>>, vector<16xf32>,
      %max3A_771 = arith.maximumf %max3A_727, %get3A_770 : vector<16xf32>
      %min3A_772 = arith.minimumf %max3A_727, %get3A_770 : vector<16xf32>
      %max3A_773 = arith.maximumf %max3A_729, %min3A_772 : vector<16xf32>
      %min3A_774 = arith.minimumf %max3A_729, %min3A_772 : vector<16xf32>
      %max3A_775 = arith.maximumf %max3A_731, %min3A_774 : vector<16xf32>
      %min3A_776 = arith.minimumf %max3A_731, %min3A_774 : vector<16xf32>
      %max3A_777 = arith.maximumf %max3A_733, %min3A_776 : vector<16xf32>
      %min3A_778 = arith.minimumf %max3A_733, %min3A_776 : vector<16xf32>
      %max3A_779 = arith.maximumf %max3A_735, %min3A_778 : vector<16xf32>
      %min3A_780 = arith.minimumf %max3A_735, %min3A_778 : vector<16xf32>
      %max3A_781 = arith.maximumf %max3A_737, %min3A_780 : vector<16xf32>
      %min3A_782 = arith.minimumf %max3A_737, %min3A_780 : vector<16xf32>
      %max3A_783 = arith.maximumf %max3A_739, %min3A_782 : vector<16xf32>
      %min3A_784 = arith.minimumf %max3A_739, %min3A_782 : vector<16xf32>
      %max3A_785 = arith.maximumf %max3A_741, %min3A_784 : vector<16xf32>
      %min3A_786 = arith.minimumf %max3A_741, %min3A_784 : vector<16xf32>
      %add3A_787 = arith.constant 128 : i32
      %add3A_788 = arith.addi %mul3A_611, %add3A_787 : i32
      %get3A_789 = arith.constant 0 : i32
      %get3A_790 = arith.index_cast %get3A_789 : i32 to index
      %get3A_791 = arith.index_cast %add3A_788 : i32 to index
      %get3A_792 = tpu.vector_load %arg4[%get3A_790, %get3A_791] {strides = array<i32>} : memref<1x32768xf32, #tpu.memory_space<vmem>>, vector<16xf32>,
      %max3A_793 = arith.maximumf %max3A_749, %get3A_792 : vector<16xf32>
      %min3A_794 = arith.minimumf %max3A_749, %get3A_792 : vector<16xf32>
      %max3A_795 = arith.maximumf %max3A_751, %min3A_794 : vector<16xf32>
      %min3A_796 = arith.minimumf %max3A_751, %min3A_794 : vector<16xf32>
      %max3A_797 = arith.maximumf %max3A_753, %min3A_796 : vector<16xf32>
      %min3A_798 = arith.minimumf %max3A_753, %min3A_796 : vector<16xf32>
      %max3A_799 = arith.maximumf %max3A_755, %min3A_798 : vector<16xf32>
      %min3A_800 = arith.minimumf %max3A_755, %min3A_798 : vector<16xf32>
      %max3A_801 = arith.maximumf %max3A_757, %min3A_800 : vector<16xf32>
      %min3A_802 = arith.minimumf %max3A_757, %min3A_800 : vector<16xf32>
      %max3A_803 = arith.maximumf %max3A_759, %min3A_802 : vector<16xf32>
      %min3A_804 = arith.minimumf %max3A_759, %min3A_802 : vector<16xf32>
      %max3A_805 = arith.maximumf %max3A_761, %min3A_804 : vector<16xf32>
      %min3A_806 = arith.minimumf %max3A_761, %min3A_804 : vector<16xf32>
      %max3A_807 = arith.maximumf %max3A_763, %min3A_806 : vector<16xf32>
      %min3A_808 = arith.minimumf %max3A_763, %min3A_806 : vector<16xf32>
      %add3A_809 = arith.constant 144 : i32
      %add3A_810 = arith.addi %mul3A_611, %add3A_809 : i32
      %get3A_811 = arith.constant 0 : i32
      %get3A_812 = arith.index_cast %get3A_811 : i32 to index
      %get3A_813 = arith.index_cast %add3A_810 : i32 to index
      %get3A_814 = tpu.vector_load %arg4[%get3A_812, %get3A_813] {strides = array<i32>} : memref<1x32768xf32, #tpu.memory_space<vmem>>, vector<16xf32>,
      %max3A_815 = arith.maximumf %max3A_771, %get3A_814 : vector<16xf32>
      %min3A_816 = arith.minimumf %max3A_771, %get3A_814 : vector<16xf32>
      %max3A_817 = arith.maximumf %max3A_773, %min3A_816 : vector<16xf32>
      %min3A_818 = arith.minimumf %max3A_773, %min3A_816 : vector<16xf32>
      %max3A_819 = arith.maximumf %max3A_775, %min3A_818 : vector<16xf32>
      %min3A_820 = arith.minimumf %max3A_775, %min3A_818 : vector<16xf32>
      %max3A_821 = arith.maximumf %max3A_777, %min3A_820 : vector<16xf32>
      %min3A_822 = arith.minimumf %max3A_777, %min3A_820 : vector<16xf32>
      %max3A_823 = arith.maximumf %max3A_779, %min3A_822 : vector<16xf32>
      %min3A_824 = arith.minimumf %max3A_779, %min3A_822 : vector<16xf32>
      %max3A_825 = arith.maximumf %max3A_781, %min3A_824 : vector<16xf32>
      %min3A_826 = arith.minimumf %max3A_781, %min3A_824 : vector<16xf32>
      %max3A_827 = arith.maximumf %max3A_783, %min3A_826 : vector<16xf32>
      %min3A_828 = arith.minimumf %max3A_783, %min3A_826 : vector<16xf32>
      %max3A_829 = arith.maximumf %max3A_785, %min3A_828 : vector<16xf32>
      %min3A_830 = arith.minimumf %max3A_785, %min3A_828 : vector<16xf32>
      %add3A_831 = arith.constant 160 : i32
      %add3A_832 = arith.addi %mul3A_611, %add3A_831 : i32
      %get3A_833 = arith.constant 0 : i32
      %get3A_834 = arith.index_cast %get3A_833 : i32 to index
      %get3A_835 = arith.index_cast %add3A_832 : i32 to index
      %get3A_836 = tpu.vector_load %arg4[%get3A_834, %get3A_835] {strides = array<i32>} : memref<1x32768xf32, #tpu.memory_space<vmem>>, vector<16xf32>,
      %max3A_837 = arith.maximumf %max3A_793, %get3A_836 : vector<16xf32>
      %min3A_838 = arith.minimumf %max3A_793, %get3A_836 : vector<16xf32>
      %max3A_839 = arith.maximumf %max3A_795, %min3A_838 : vector<16xf32>
      %min3A_840 = arith.minimumf %max3A_795, %min3A_838 : vector<16xf32>
      %max3A_841 = arith.maximumf %max3A_797, %min3A_840 : vector<16xf32>
      %min3A_842 = arith.minimumf %max3A_797, %min3A_840 : vector<16xf32>
      %max3A_843 = arith.maximumf %max3A_799, %min3A_842 : vector<16xf32>
      %min3A_844 = arith.minimumf %max3A_799, %min3A_842 : vector<16xf32>
      %max3A_845 = arith.maximumf %max3A_801, %min3A_844 : vector<16xf32>
      %min3A_846 = arith.minimumf %max3A_801, %min3A_844 : vector<16xf32>
      %max3A_847 = arith.maximumf %max3A_803, %min3A_846 : vector<16xf32>
      %min3A_848 = arith.minimumf %max3A_803, %min3A_846 : vector<16xf32>
      %max3A_849 = arith.maximumf %max3A_805, %min3A_848 : vector<16xf32>
      %min3A_850 = arith.minimumf %max3A_805, %min3A_848 : vector<16xf32>
      %max3A_851 = arith.maximumf %max3A_807, %min3A_850 : vector<16xf32>
      %min3A_852 = arith.minimumf %max3A_807, %min3A_850 : vector<16xf32>
      %add3A_853 = arith.constant 176 : i32
      %add3A_854 = arith.addi %mul3A_611, %add3A_853 : i32
      %get3A_855 = arith.constant 0 : i32
      %get3A_856 = arith.index_cast %get3A_855 : i32 to index
      %get3A_857 = arith.index_cast %add3A_854 : i32 to index
      %get3A_858 = tpu.vector_load %arg4[%get3A_856, %get3A_857] {strides = array<i32>} : memref<1x32768xf32, #tpu.memory_space<vmem>>, vector<16xf32>,
      %max3A_859 = arith.maximumf %max3A_815, %get3A_858 : vector<16xf32>
      %min3A_860 = arith.minimumf %max3A_815, %get3A_858 : vector<16xf32>
      %max3A_861 = arith.maximumf %max3A_817, %min3A_860 : vector<16xf32>
      %min3A_862 = arith.minimumf %max3A_817, %min3A_860 : vector<16xf32>
      %max3A_863 = arith.maximumf %max3A_819, %min3A_862 : vector<16xf32>
      %min3A_864 = arith.minimumf %max3A_819, %min3A_862 : vector<16xf32>
      %max3A_865 = arith.maximumf %max3A_821, %min3A_864 : vector<16xf32>
      %min3A_866 = arith.minimumf %max3A_821, %min3A_864 : vector<16xf32>
      %max3A_867 = arith.maximumf %max3A_823, %min3A_866 : vector<16xf32>
      %min3A_868 = arith.minimumf %max3A_823, %min3A_866 : vector<16xf32>
      %max3A_869 = arith.maximumf %max3A_825, %min3A_868 : vector<16xf32>
      %min3A_870 = arith.minimumf %max3A_825, %min3A_868 : vector<16xf32>
      %max3A_871 = arith.maximumf %max3A_827, %min3A_870 : vector<16xf32>
      %min3A_872 = arith.minimumf %max3A_827, %min3A_870 : vector<16xf32>
      %max3A_873 = arith.maximumf %max3A_829, %min3A_872 : vector<16xf32>
      %min3A_874 = arith.minimumf %max3A_829, %min3A_872 : vector<16xf32>
      %add3A_875 = arith.constant 192 : i32
      %add3A_876 = arith.addi %mul3A_611, %add3A_875 : i32
      %get3A_877 = arith.constant 0 : i32
      %get3A_878 = arith.index_cast %get3A_877 : i32 to index
      %get3A_879 = arith.index_cast %add3A_876 : i32 to index
      %get3A_880 = tpu.vector_load %arg4[%get3A_878, %get3A_879] {strides = array<i32>} : memref<1x32768xf32, #tpu.memory_space<vmem>>, vector<16xf32>,
      %max3A_881 = arith.maximumf %max3A_837, %get3A_880 : vector<16xf32>
      %min3A_882 = arith.minimumf %max3A_837, %get3A_880 : vector<16xf32>
      %max3A_883 = arith.maximumf %max3A_839, %min3A_882 : vector<16xf32>
      %min3A_884 = arith.minimumf %max3A_839, %min3A_882 : vector<16xf32>
      %max3A_885 = arith.maximumf %max3A_841, %min3A_884 : vector<16xf32>
      %min3A_886 = arith.minimumf %max3A_841, %min3A_884 : vector<16xf32>
      %max3A_887 = arith.maximumf %max3A_843, %min3A_886 : vector<16xf32>
      %min3A_888 = arith.minimumf %max3A_843, %min3A_886 : vector<16xf32>
      %max3A_889 = arith.maximumf %max3A_845, %min3A_888 : vector<16xf32>
      %min3A_890 = arith.minimumf %max3A_845, %min3A_888 : vector<16xf32>
      %max3A_891 = arith.maximumf %max3A_847, %min3A_890 : vector<16xf32>
      %min3A_892 = arith.minimumf %max3A_847, %min3A_890 : vector<16xf32>
      %max3A_893 = arith.maximumf %max3A_849, %min3A_892 : vector<16xf32>
      %min3A_894 = arith.minimumf %max3A_849, %min3A_892 : vector<16xf32>
      %max3A_895 = arith.maximumf %max3A_851, %min3A_894 : vector<16xf32>
      %min3A_896 = arith.minimumf %max3A_851, %min3A_894 : vector<16xf32>
      %add3A_897 = arith.constant 208 : i32
      %add3A_898 = arith.addi %mul3A_611, %add3A_897 : i32
      %get3A_899 = arith.constant 0 : i32
      %get3A_900 = arith.index_cast %get3A_899 : i32 to index
      %get3A_901 = arith.index_cast %add3A_898 : i32 to index
      %get3A_902 = tpu.vector_load %arg4[%get3A_900, %get3A_901] {strides = array<i32>} : memref<1x32768xf32, #tpu.memory_space<vmem>>, vector<16xf32>,
      %max3A_903 = arith.maximumf %max3A_859, %get3A_902 : vector<16xf32>
      %min3A_904 = arith.minimumf %max3A_859, %get3A_902 : vector<16xf32>
      %max3A_905 = arith.maximumf %max3A_861, %min3A_904 : vector<16xf32>
      %min3A_906 = arith.minimumf %max3A_861, %min3A_904 : vector<16xf32>
      %max3A_907 = arith.maximumf %max3A_863, %min3A_906 : vector<16xf32>
      %min3A_908 = arith.minimumf %max3A_863, %min3A_906 : vector<16xf32>
      %max3A_909 = arith.maximumf %max3A_865, %min3A_908 : vector<16xf32>
      %min3A_910 = arith.minimumf %max3A_865, %min3A_908 : vector<16xf32>
      %max3A_911 = arith.maximumf %max3A_867, %min3A_910 : vector<16xf32>
      %min3A_912 = arith.minimumf %max3A_867, %min3A_910 : vector<16xf32>
      %max3A_913 = arith.maximumf %max3A_869, %min3A_912 : vector<16xf32>
      %min3A_914 = arith.minimumf %max3A_869, %min3A_912 : vector<16xf32>
      %max3A_915 = arith.maximumf %max3A_871, %min3A_914 : vector<16xf32>
      %min3A_916 = arith.minimumf %max3A_871, %min3A_914 : vector<16xf32>
      %max3A_917 = arith.maximumf %max3A_873, %min3A_916 : vector<16xf32>
      %min3A_918 = arith.minimumf %max3A_873, %min3A_916 : vector<16xf32>
      %add3A_919 = arith.constant 224 : i32
      %add3A_920 = arith.addi %mul3A_611, %add3A_919 : i32
      %get3A_921 = arith.constant 0 : i32
      %get3A_922 = arith.index_cast %get3A_921 : i32 to index
      %get3A_923 = arith.index_cast %add3A_920 : i32 to index
      %get3A_924 = tpu.vector_load %arg4[%get3A_922, %get3A_923] {strides = array<i32>} : memref<1x32768xf32, #tpu.memory_space<vmem>>, vector<16xf32>,
      %max3A_925 = arith.maximumf %max3A_881, %get3A_924 : vector<16xf32>
      %min3A_926 = arith.minimumf %max3A_881, %get3A_924 : vector<16xf32>
      %max3A_927 = arith.maximumf %max3A_883, %min3A_926 : vector<16xf32>
      %min3A_928 = arith.minimumf %max3A_883, %min3A_926 : vector<16xf32>
      %max3A_929 = arith.maximumf %max3A_885, %min3A_928 : vector<16xf32>
      %min3A_930 = arith.minimumf %max3A_885, %min3A_928 : vector<16xf32>
      %max3A_931 = arith.maximumf %max3A_887, %min3A_930 : vector<16xf32>
      %min3A_932 = arith.minimumf %max3A_887, %min3A_930 : vector<16xf32>
      %max3A_933 = arith.maximumf %max3A_889, %min3A_932 : vector<16xf32>
      %min3A_934 = arith.minimumf %max3A_889, %min3A_932 : vector<16xf32>
      %max3A_935 = arith.maximumf %max3A_891, %min3A_934 : vector<16xf32>
      %min3A_936 = arith.minimumf %max3A_891, %min3A_934 : vector<16xf32>
      %max3A_937 = arith.maximumf %max3A_893, %min3A_936 : vector<16xf32>
      %min3A_938 = arith.minimumf %max3A_893, %min3A_936 : vector<16xf32>
      %max3A_939 = arith.maximumf %max3A_895, %min3A_938 : vector<16xf32>
      %min3A_940 = arith.minimumf %max3A_895, %min3A_938 : vector<16xf32>
      %add3A_941 = arith.constant 240 : i32
      %add3A_942 = arith.addi %mul3A_611, %add3A_941 : i32
      %get3A_943 = arith.constant 0 : i32
      %get3A_944 = arith.index_cast %get3A_943 : i32 to index
      %get3A_945 = arith.index_cast %add3A_942 : i32 to index
      %get3A_946 = tpu.vector_load %arg4[%get3A_944, %get3A_945] {strides = array<i32>} : memref<1x32768xf32, #tpu.memory_space<vmem>>, vector<16xf32>,
      %max3A_947 = arith.maximumf %max3A_903, %get3A_946 : vector<16xf32>
      %min3A_948 = arith.minimumf %max3A_903, %get3A_946 : vector<16xf32>
      %max3A_949 = arith.maximumf %max3A_905, %min3A_948 : vector<16xf32>
      %min3A_950 = arith.minimumf %max3A_905, %min3A_948 : vector<16xf32>
      %max3A_951 = arith.maximumf %max3A_907, %min3A_950 : vector<16xf32>
      %min3A_952 = arith.minimumf %max3A_907, %min3A_950 : vector<16xf32>
      %max3A_953 = arith.maximumf %max3A_909, %min3A_952 : vector<16xf32>
      %min3A_954 = arith.minimumf %max3A_909, %min3A_952 : vector<16xf32>
      %max3A_955 = arith.maximumf %max3A_911, %min3A_954 : vector<16xf32>
      %min3A_956 = arith.minimumf %max3A_911, %min3A_954 : vector<16xf32>
      %max3A_957 = arith.maximumf %max3A_913, %min3A_956 : vector<16xf32>
      %min3A_958 = arith.minimumf %max3A_913, %min3A_956 : vector<16xf32>
      %max3A_959 = arith.maximumf %max3A_915, %min3A_958 : vector<16xf32>
      %min3A_960 = arith.minimumf %max3A_915, %min3A_958 : vector<16xf32>
      %max3A_961 = arith.maximumf %max3A_917, %min3A_960 : vector<16xf32>
      %min3A_962 = arith.minimumf %max3A_917, %min3A_960 : vector<16xf32>
      %add3A_963 = arith.constant 256 : i32
      %add3A_964 = arith.addi %mul3A_611, %add3A_963 : i32
      %get3A_965 = arith.constant 0 : i32
      %get3A_966 = arith.index_cast %get3A_965 : i32 to index
      %get3A_967 = arith.index_cast %add3A_964 : i32 to index
      %get3A_968 = tpu.vector_load %arg4[%get3A_966, %get3A_967] {strides = array<i32>} : memref<1x32768xf32, #tpu.memory_space<vmem>>, vector<16xf32>,
      %max3A_969 = arith.maximumf %max3A_925, %get3A_968 : vector<16xf32>
      %min3A_970 = arith.minimumf %max3A_925, %get3A_968 : vector<16xf32>
      %max3A_971 = arith.maximumf %max3A_927, %min3A_970 : vector<16xf32>
      %min3A_972 = arith.minimumf %max3A_927, %min3A_970 : vector<16xf32>
      %max3A_973 = arith.maximumf %max3A_929, %min3A_972 : vector<16xf32>
      %min3A_974 = arith.minimumf %max3A_929, %min3A_972 : vector<16xf32>
      %max3A_975 = arith.maximumf %max3A_931, %min3A_974 : vector<16xf32>
      %min3A_976 = arith.minimumf %max3A_931, %min3A_974 : vector<16xf32>
      %max3A_977 = arith.maximumf %max3A_933, %min3A_976 : vector<16xf32>
      %min3A_978 = arith.minimumf %max3A_933, %min3A_976 : vector<16xf32>
      %max3A_979 = arith.maximumf %max3A_935, %min3A_978 : vector<16xf32>
      %min3A_980 = arith.minimumf %max3A_935, %min3A_978 : vector<16xf32>
      %max3A_981 = arith.maximumf %max3A_937, %min3A_980 : vector<16xf32>
      %min3A_982 = arith.minimumf %max3A_937, %min3A_980 : vector<16xf32>
      %max3A_983 = arith.maximumf %max3A_939, %min3A_982 : vector<16xf32>
      %min3A_984 = arith.minimumf %max3A_939, %min3A_982 : vector<16xf32>
      %add3A_985 = arith.constant 272 : i32
      %add3A_986 = arith.addi %mul3A_611, %add3A_985 : i32
      %get3A_987 = arith.constant 0 : i32
      %get3A_988 = arith.index_cast %get3A_987 : i32 to index
      %get3A_989 = arith.index_cast %add3A_986 : i32 to index
      %get3A_990 = tpu.vector_load %arg4[%get3A_988, %get3A_989] {strides = array<i32>} : memref<1x32768xf32, #tpu.memory_space<vmem>>, vector<16xf32>,
      %max3A_991 = arith.maximumf %max3A_947, %get3A_990 : vector<16xf32>
      %min3A_992 = arith.minimumf %max3A_947, %get3A_990 : vector<16xf32>
      %max3A_993 = arith.maximumf %max3A_949, %min3A_992 : vector<16xf32>
      %min3A_994 = arith.minimumf %max3A_949, %min3A_992 : vector<16xf32>
      %max3A_995 = arith.maximumf %max3A_951, %min3A_994 : vector<16xf32>
      %min3A_996 = arith.minimumf %max3A_951, %min3A_994 : vector<16xf32>
      %max3A_997 = arith.maximumf %max3A_953, %min3A_996 : vector<16xf32>
      %min3A_998 = arith.minimumf %max3A_953, %min3A_996 : vector<16xf32>
      %max3A_999 = arith.maximumf %max3A_955, %min3A_998 : vector<16xf32>
      %min3A_1000 = arith.minimumf %max3A_955, %min3A_998 : vector<16xf32>
      %max3A_1001 = arith.maximumf %max3A_957, %min3A_1000 : vector<16xf32>
      %min3A_1002 = arith.minimumf %max3A_957, %min3A_1000 : vector<16xf32>
      %max3A_1003 = arith.maximumf %max3A_959, %min3A_1002 : vector<16xf32>
      %min3A_1004 = arith.minimumf %max3A_959, %min3A_1002 : vector<16xf32>
      %max3A_1005 = arith.maximumf %max3A_961, %min3A_1004 : vector<16xf32>
      %min3A_1006 = arith.minimumf %max3A_961, %min3A_1004 : vector<16xf32>
      %add3A_1007 = arith.constant 288 : i32
      %add3A_1008 = arith.addi %mul3A_611, %add3A_1007 : i32
      %get3A_1009 = arith.constant 0 : i32
      %get3A_1010 = arith.index_cast %get3A_1009 : i32 to index
      %get3A_1011 = arith.index_cast %add3A_1008 : i32 to index
      %get3A_1012 = tpu.vector_load %arg4[%get3A_1010, %get3A_1011] {strides = array<i32>} : memref<1x32768xf32, #tpu.memory_space<vmem>>, vector<16xf32>,
      %max3A_1013 = arith.maximumf %max3A_969, %get3A_1012 : vector<16xf32>
      %min3A_1014 = arith.minimumf %max3A_969, %get3A_1012 : vector<16xf32>
      %max3A_1015 = arith.maximumf %max3A_971, %min3A_1014 : vector<16xf32>
      %min3A_1016 = arith.minimumf %max3A_971, %min3A_1014 : vector<16xf32>
      %max3A_1017 = arith.maximumf %max3A_973, %min3A_1016 : vector<16xf32>
      %min3A_1018 = arith.minimumf %max3A_973, %min3A_1016 : vector<16xf32>
      %max3A_1019 = arith.maximumf %max3A_975, %min3A_1018 : vector<16xf32>
      %min3A_1020 = arith.minimumf %max3A_975, %min3A_1018 : vector<16xf32>
      %max3A_1021 = arith.maximumf %max3A_977, %min3A_1020 : vector<16xf32>
      %min3A_1022 = arith.minimumf %max3A_977, %min3A_1020 : vector<16xf32>
      %max3A_1023 = arith.maximumf %max3A_979, %min3A_1022 : vector<16xf32>
      %min3A_1024 = arith.minimumf %max3A_979, %min3A_1022 : vector<16xf32>
      %max3A_1025 = arith.maximumf %max3A_981, %min3A_1024 : vector<16xf32>
      %min3A_1026 = arith.minimumf %max3A_981, %min3A_1024 : vector<16xf32>
      %max3A_1027 = arith.maximumf %max3A_983, %min3A_1026 : vector<16xf32>
      %min3A_1028 = arith.minimumf %max3A_983, %min3A_1026 : vector<16xf32>
      %add3A_1029 = arith.constant 304 : i32
      %add3A_1030 = arith.addi %mul3A_611, %add3A_1029 : i32
      %get3A_1031 = arith.constant 0 : i32
      %get3A_1032 = arith.index_cast %get3A_1031 : i32 to index
      %get3A_1033 = arith.index_cast %add3A_1030 : i32 to index
      %get3A_1034 = tpu.vector_load %arg4[%get3A_1032, %get3A_1033] {strides = array<i32>} : memref<1x32768xf32, #tpu.memory_space<vmem>>, vector<16xf32>,
      %max3A_1035 = arith.maximumf %max3A_991, %get3A_1034 : vector<16xf32>
      %min3A_1036 = arith.minimumf %max3A_991, %get3A_1034 : vector<16xf32>
      %max3A_1037 = arith.maximumf %max3A_993, %min3A_1036 : vector<16xf32>
      %min3A_1038 = arith.minimumf %max3A_993, %min3A_1036 : vector<16xf32>
      %max3A_1039 = arith.maximumf %max3A_995, %min3A_1038 : vector<16xf32>
      %min3A_1040 = arith.minimumf %max3A_995, %min3A_1038 : vector<16xf32>
      %max3A_1041 = arith.maximumf %max3A_997, %min3A_1040 : vector<16xf32>
      %min3A_1042 = arith.minimumf %max3A_997, %min3A_1040 : vector<16xf32>
      %max3A_1043 = arith.maximumf %max3A_999, %min3A_1042 : vector<16xf32>
      %min3A_1044 = arith.minimumf %max3A_999, %min3A_1042 : vector<16xf32>
      %max3A_1045 = arith.maximumf %max3A_1001, %min3A_1044 : vector<16xf32>
      %min3A_1046 = arith.minimumf %max3A_1001, %min3A_1044 : vector<16xf32>
      %max3A_1047 = arith.maximumf %max3A_1003, %min3A_1046 : vector<16xf32>
      %min3A_1048 = arith.minimumf %max3A_1003, %min3A_1046 : vector<16xf32>
      %max3A_1049 = arith.maximumf %max3A_1005, %min3A_1048 : vector<16xf32>
      %min3A_1050 = arith.minimumf %max3A_1005, %min3A_1048 : vector<16xf32>
      %add3A_1051 = arith.constant 320 : i32
      %add3A_1052 = arith.addi %mul3A_611, %add3A_1051 : i32
      %get3A_1053 = arith.constant 0 : i32
      %get3A_1054 = arith.index_cast %get3A_1053 : i32 to index
      %get3A_1055 = arith.index_cast %add3A_1052 : i32 to index
      %get3A_1056 = tpu.vector_load %arg4[%get3A_1054, %get3A_1055] {strides = array<i32>} : memref<1x32768xf32, #tpu.memory_space<vmem>>, vector<16xf32>,
      %max3A_1057 = arith.maximumf %max3A_1013, %get3A_1056 : vector<16xf32>
      %min3A_1058 = arith.minimumf %max3A_1013, %get3A_1056 : vector<16xf32>
      %max3A_1059 = arith.maximumf %max3A_1015, %min3A_1058 : vector<16xf32>
      %min3A_1060 = arith.minimumf %max3A_1015, %min3A_1058 : vector<16xf32>
      %max3A_1061 = arith.maximumf %max3A_1017, %min3A_1060 : vector<16xf32>
      %min3A_1062 = arith.minimumf %max3A_1017, %min3A_1060 : vector<16xf32>
      %max3A_1063 = arith.maximumf %max3A_1019, %min3A_1062 : vector<16xf32>
      %min3A_1064 = arith.minimumf %max3A_1019, %min3A_1062 : vector<16xf32>
      %max3A_1065 = arith.maximumf %max3A_1021, %min3A_1064 : vector<16xf32>
      %min3A_1066 = arith.minimumf %max3A_1021, %min3A_1064 : vector<16xf32>
      %max3A_1067 = arith.maximumf %max3A_1023, %min3A_1066 : vector<16xf32>
      %min3A_1068 = arith.minimumf %max3A_1023, %min3A_1066 : vector<16xf32>
      %max3A_1069 = arith.maximumf %max3A_1025, %min3A_1068 : vector<16xf32>
      %min3A_1070 = arith.minimumf %max3A_1025, %min3A_1068 : vector<16xf32>
      %max3A_1071 = arith.maximumf %max3A_1027, %min3A_1070 : vector<16xf32>
      %min3A_1072 = arith.minimumf %max3A_1027, %min3A_1070 : vector<16xf32>
      %add3A_1073 = arith.constant 336 : i32
      %add3A_1074 = arith.addi %mul3A_611, %add3A_1073 : i32
      %get3A_1075 = arith.constant 0 : i32
      %get3A_1076 = arith.index_cast %get3A_1075 : i32 to index
      %get3A_1077 = arith.index_cast %add3A_1074 : i32 to index
      %get3A_1078 = tpu.vector_load %arg4[%get3A_1076, %get3A_1077] {strides = array<i32>} : memref<1x32768xf32, #tpu.memory_space<vmem>>, vector<16xf32>,
      %max3A_1079 = arith.maximumf %max3A_1035, %get3A_1078 : vector<16xf32>
      %min3A_1080 = arith.minimumf %max3A_1035, %get3A_1078 : vector<16xf32>
      %max3A_1081 = arith.maximumf %max3A_1037, %min3A_1080 : vector<16xf32>
      %min3A_1082 = arith.minimumf %max3A_1037, %min3A_1080 : vector<16xf32>
      %max3A_1083 = arith.maximumf %max3A_1039, %min3A_1082 : vector<16xf32>
      %min3A_1084 = arith.minimumf %max3A_1039, %min3A_1082 : vector<16xf32>
      %max3A_1085 = arith.maximumf %max3A_1041, %min3A_1084 : vector<16xf32>
      %min3A_1086 = arith.minimumf %max3A_1041, %min3A_1084 : vector<16xf32>
      %max3A_1087 = arith.maximumf %max3A_1043, %min3A_1086 : vector<16xf32>
      %min3A_1088 = arith.minimumf %max3A_1043, %min3A_1086 : vector<16xf32>
      %max3A_1089 = arith.maximumf %max3A_1045, %min3A_1088 : vector<16xf32>
      %min3A_1090 = arith.minimumf %max3A_1045, %min3A_1088 : vector<16xf32>
      %max3A_1091 = arith.maximumf %max3A_1047, %min3A_1090 : vector<16xf32>
      %min3A_1092 = arith.minimumf %max3A_1047, %min3A_1090 : vector<16xf32>
      %max3A_1093 = arith.maximumf %max3A_1049, %min3A_1092 : vector<16xf32>
      %min3A_1094 = arith.minimumf %max3A_1049, %min3A_1092 : vector<16xf32>
      %add3A_1095 = arith.constant 352 : i32
      %add3A_1096 = arith.addi %mul3A_611, %add3A_1095 : i32
      %get3A_1097 = arith.constant 0 : i32
      %get3A_1098 = arith.index_cast %get3A_1097 : i32 to index
      %get3A_1099 = arith.index_cast %add3A_1096 : i32 to index
      %get3A_1100 = tpu.vector_load %arg4[%get3A_1098, %get3A_1099] {strides = array<i32>} : memref<1x32768xf32, #tpu.memory_space<vmem>>, vector<16xf32>,
      %max3A_1101 = arith.maximumf %max3A_1057, %get3A_1100 : vector<16xf32>
      %min3A_1102 = arith.minimumf %max3A_1057, %get3A_1100 : vector<16xf32>
      %max3A_1103 = arith.maximumf %max3A_1059, %min3A_1102 : vector<16xf32>
      %min3A_1104 = arith.minimumf %max3A_1059, %min3A_1102 : vector<16xf32>
      %max3A_1105 = arith.maximumf %max3A_1061, %min3A_1104 : vector<16xf32>
      %min3A_1106 = arith.minimumf %max3A_1061, %min3A_1104 : vector<16xf32>
      %max3A_1107 = arith.maximumf %max3A_1063, %min3A_1106 : vector<16xf32>
      %min3A_1108 = arith.minimumf %max3A_1063, %min3A_1106 : vector<16xf32>
      %max3A_1109 = arith.maximumf %max3A_1065, %min3A_1108 : vector<16xf32>
      %min3A_1110 = arith.minimumf %max3A_1065, %min3A_1108 : vector<16xf32>
      %max3A_1111 = arith.maximumf %max3A_1067, %min3A_1110 : vector<16xf32>
      %min3A_1112 = arith.minimumf %max3A_1067, %min3A_1110 : vector<16xf32>
      %max3A_1113 = arith.maximumf %max3A_1069, %min3A_1112 : vector<16xf32>
      %min3A_1114 = arith.minimumf %max3A_1069, %min3A_1112 : vector<16xf32>
      %max3A_1115 = arith.maximumf %max3A_1071, %min3A_1114 : vector<16xf32>
      %min3A_1116 = arith.minimumf %max3A_1071, %min3A_1114 : vector<16xf32>
      %add3A_1117 = arith.constant 368 : i32
      %add3A_1118 = arith.addi %mul3A_611, %add3A_1117 : i32
      %get3A_1119 = arith.constant 0 : i32
      %get3A_1120 = arith.index_cast %get3A_1119 : i32 to index
      %get3A_1121 = arith.index_cast %add3A_1118 : i32 to index
      %get3A_1122 = tpu.vector_load %arg4[%get3A_1120, %get3A_1121] {strides = array<i32>} : memref<1x32768xf32, #tpu.memory_space<vmem>>, vector<16xf32>,
      %max3A_1123 = arith.maximumf %max3A_1079, %get3A_1122 : vector<16xf32>
      %min3A_1124 = arith.minimumf %max3A_1079, %get3A_1122 : vector<16xf32>
      %max3A_1125 = arith.maximumf %max3A_1081, %min3A_1124 : vector<16xf32>
      %min3A_1126 = arith.minimumf %max3A_1081, %min3A_1124 : vector<16xf32>
      %max3A_1127 = arith.maximumf %max3A_1083, %min3A_1126 : vector<16xf32>
      %min3A_1128 = arith.minimumf %max3A_1083, %min3A_1126 : vector<16xf32>
      %max3A_1129 = arith.maximumf %max3A_1085, %min3A_1128 : vector<16xf32>
      %min3A_1130 = arith.minimumf %max3A_1085, %min3A_1128 : vector<16xf32>
      %max3A_1131 = arith.maximumf %max3A_1087, %min3A_1130 : vector<16xf32>
      %min3A_1132 = arith.minimumf %max3A_1087, %min3A_1130 : vector<16xf32>
      %max3A_1133 = arith.maximumf %max3A_1089, %min3A_1132 : vector<16xf32>
      %min3A_1134 = arith.minimumf %max3A_1089, %min3A_1132 : vector<16xf32>
      %max3A_1135 = arith.maximumf %max3A_1091, %min3A_1134 : vector<16xf32>
      %min3A_1136 = arith.minimumf %max3A_1091, %min3A_1134 : vector<16xf32>
      %max3A_1137 = arith.maximumf %max3A_1093, %min3A_1136 : vector<16xf32>
      %min3A_1138 = arith.minimumf %max3A_1093, %min3A_1136 : vector<16xf32>
      %add3A_1139 = arith.constant 384 : i32
      %add3A_1140 = arith.addi %mul3A_611, %add3A_1139 : i32
      %get3A_1141 = arith.constant 0 : i32
      %get3A_1142 = arith.index_cast %get3A_1141 : i32 to index
      %get3A_1143 = arith.index_cast %add3A_1140 : i32 to index
      %get3A_1144 = tpu.vector_load %arg4[%get3A_1142, %get3A_1143] {strides = array<i32>} : memref<1x32768xf32, #tpu.memory_space<vmem>>, vector<16xf32>,
      %max3A_1145 = arith.maximumf %max3A_1101, %get3A_1144 : vector<16xf32>
      %min3A_1146 = arith.minimumf %max3A_1101, %get3A_1144 : vector<16xf32>
      %max3A_1147 = arith.maximumf %max3A_1103, %min3A_1146 : vector<16xf32>
      %min3A_1148 = arith.minimumf %max3A_1103, %min3A_1146 : vector<16xf32>
      %max3A_1149 = arith.maximumf %max3A_1105, %min3A_1148 : vector<16xf32>
      %min3A_1150 = arith.minimumf %max3A_1105, %min3A_1148 : vector<16xf32>
      %max3A_1151 = arith.maximumf %max3A_1107, %min3A_1150 : vector<16xf32>
      %min3A_1152 = arith.minimumf %max3A_1107, %min3A_1150 : vector<16xf32>
      %max3A_1153 = arith.maximumf %max3A_1109, %min3A_1152 : vector<16xf32>
      %min3A_1154 = arith.minimumf %max3A_1109, %min3A_1152 : vector<16xf32>
      %max3A_1155 = arith.maximumf %max3A_1111, %min3A_1154 : vector<16xf32>
      %min3A_1156 = arith.minimumf %max3A_1111, %min3A_1154 : vector<16xf32>
      %max3A_1157 = arith.maximumf %max3A_1113, %min3A_1156 : vector<16xf32>
      %min3A_1158 = arith.minimumf %max3A_1113, %min3A_1156 : vector<16xf32>
      %max3A_1159 = arith.maximumf %max3A_1115, %min3A_1158 : vector<16xf32>
      %min3A_1160 = arith.minimumf %max3A_1115, %min3A_1158 : vector<16xf32>
      %add3A_1161 = arith.constant 400 : i32
      %add3A_1162 = arith.addi %mul3A_611, %add3A_1161 : i32
      %get3A_1163 = arith.constant 0 : i32
      %get3A_1164 = arith.index_cast %get3A_1163 : i32 to index
      %get3A_1165 = arith.index_cast %add3A_1162 : i32 to index
      %get3A_1166 = tpu.vector_load %arg4[%get3A_1164, %get3A_1165] {strides = array<i32>} : memref<1x32768xf32, #tpu.memory_space<vmem>>, vector<16xf32>,
      %max3A_1167 = arith.maximumf %max3A_1123, %get3A_1166 : vector<16xf32>
      %min3A_1168 = arith.minimumf %max3A_1123, %get3A_1166 : vector<16xf32>
      %max3A_1169 = arith.maximumf %max3A_1125, %min3A_1168 : vector<16xf32>
      %min3A_1170 = arith.minimumf %max3A_1125, %min3A_1168 : vector<16xf32>
      %max3A_1171 = arith.maximumf %max3A_1127, %min3A_1170 : vector<16xf32>
      %min3A_1172 = arith.minimumf %max3A_1127, %min3A_1170 : vector<16xf32>
      %max3A_1173 = arith.maximumf %max3A_1129, %min3A_1172 : vector<16xf32>
      %min3A_1174 = arith.minimumf %max3A_1129, %min3A_1172 : vector<16xf32>
      %max3A_1175 = arith.maximumf %max3A_1131, %min3A_1174 : vector<16xf32>
      %min3A_1176 = arith.minimumf %max3A_1131, %min3A_1174 : vector<16xf32>
      %max3A_1177 = arith.maximumf %max3A_1133, %min3A_1176 : vector<16xf32>
      %min3A_1178 = arith.minimumf %max3A_1133, %min3A_1176 : vector<16xf32>
      %max3A_1179 = arith.maximumf %max3A_1135, %min3A_1178 : vector<16xf32>
      %min3A_1180 = arith.minimumf %max3A_1135, %min3A_1178 : vector<16xf32>
      %max3A_1181 = arith.maximumf %max3A_1137, %min3A_1180 : vector<16xf32>
      %min3A_1182 = arith.minimumf %max3A_1137, %min3A_1180 : vector<16xf32>
      %add3A_1183 = arith.constant 416 : i32
      %add3A_1184 = arith.addi %mul3A_611, %add3A_1183 : i32
      %get3A_1185 = arith.constant 0 : i32
      %get3A_1186 = arith.index_cast %get3A_1185 : i32 to index
      %get3A_1187 = arith.index_cast %add3A_1184 : i32 to index
      %get3A_1188 = tpu.vector_load %arg4[%get3A_1186, %get3A_1187] {strides = array<i32>} : memref<1x32768xf32, #tpu.memory_space<vmem>>, vector<16xf32>,
      %max3A_1189 = arith.maximumf %max3A_1145, %get3A_1188 : vector<16xf32>
      %min3A_1190 = arith.minimumf %max3A_1145, %get3A_1188 : vector<16xf32>
      %max3A_1191 = arith.maximumf %max3A_1147, %min3A_1190 : vector<16xf32>
      %min3A_1192 = arith.minimumf %max3A_1147, %min3A_1190 : vector<16xf32>
      %max3A_1193 = arith.maximumf %max3A_1149, %min3A_1192 : vector<16xf32>
      %min3A_1194 = arith.minimumf %max3A_1149, %min3A_1192 : vector<16xf32>
      %max3A_1195 = arith.maximumf %max3A_1151, %min3A_1194 : vector<16xf32>
      %min3A_1196 = arith.minimumf %max3A_1151, %min3A_1194 : vector<16xf32>
      %max3A_1197 = arith.maximumf %max3A_1153, %min3A_1196 : vector<16xf32>
      %min3A_1198 = arith.minimumf %max3A_1153, %min3A_1196 : vector<16xf32>
      %max3A_1199 = arith.maximumf %max3A_1155, %min3A_1198 : vector<16xf32>
      %min3A_1200 = arith.minimumf %max3A_1155, %min3A_1198 : vector<16xf32>
      %max3A_1201 = arith.maximumf %max3A_1157, %min3A_1200 : vector<16xf32>
      %min3A_1202 = arith.minimumf %max3A_1157, %min3A_1200 : vector<16xf32>
      %max3A_1203 = arith.maximumf %max3A_1159, %min3A_1202 : vector<16xf32>
      %min3A_1204 = arith.minimumf %max3A_1159, %min3A_1202 : vector<16xf32>
      %add3A_1205 = arith.constant 432 : i32
      %add3A_1206 = arith.addi %mul3A_611, %add3A_1205 : i32
      %get3A_1207 = arith.constant 0 : i32
      %get3A_1208 = arith.index_cast %get3A_1207 : i32 to index
      %get3A_1209 = arith.index_cast %add3A_1206 : i32 to index
      %get3A_1210 = tpu.vector_load %arg4[%get3A_1208, %get3A_1209] {strides = array<i32>} : memref<1x32768xf32, #tpu.memory_space<vmem>>, vector<16xf32>,
      %max3A_1211 = arith.maximumf %max3A_1167, %get3A_1210 : vector<16xf32>
      %min3A_1212 = arith.minimumf %max3A_1167, %get3A_1210 : vector<16xf32>
      %max3A_1213 = arith.maximumf %max3A_1169, %min3A_1212 : vector<16xf32>
      %min3A_1214 = arith.minimumf %max3A_1169, %min3A_1212 : vector<16xf32>
      %max3A_1215 = arith.maximumf %max3A_1171, %min3A_1214 : vector<16xf32>
      %min3A_1216 = arith.minimumf %max3A_1171, %min3A_1214 : vector<16xf32>
      %max3A_1217 = arith.maximumf %max3A_1173, %min3A_1216 : vector<16xf32>
      %min3A_1218 = arith.minimumf %max3A_1173, %min3A_1216 : vector<16xf32>
      %max3A_1219 = arith.maximumf %max3A_1175, %min3A_1218 : vector<16xf32>
      %min3A_1220 = arith.minimumf %max3A_1175, %min3A_1218 : vector<16xf32>
      %max3A_1221 = arith.maximumf %max3A_1177, %min3A_1220 : vector<16xf32>
      %min3A_1222 = arith.minimumf %max3A_1177, %min3A_1220 : vector<16xf32>
      %max3A_1223 = arith.maximumf %max3A_1179, %min3A_1222 : vector<16xf32>
      %min3A_1224 = arith.minimumf %max3A_1179, %min3A_1222 : vector<16xf32>
      %max3A_1225 = arith.maximumf %max3A_1181, %min3A_1224 : vector<16xf32>
      %min3A_1226 = arith.minimumf %max3A_1181, %min3A_1224 : vector<16xf32>
      %add3A_1227 = arith.constant 448 : i32
      %add3A_1228 = arith.addi %mul3A_611, %add3A_1227 : i32
      %get3A_1229 = arith.constant 0 : i32
      %get3A_1230 = arith.index_cast %get3A_1229 : i32 to index
      %get3A_1231 = arith.index_cast %add3A_1228 : i32 to index
      %get3A_1232 = tpu.vector_load %arg4[%get3A_1230, %get3A_1231] {strides = array<i32>} : memref<1x32768xf32, #tpu.memory_space<vmem>>, vector<16xf32>,
      %max3A_1233 = arith.maximumf %max3A_1189, %get3A_1232 : vector<16xf32>
      %min3A_1234 = arith.minimumf %max3A_1189, %get3A_1232 : vector<16xf32>
      %max3A_1235 = arith.maximumf %max3A_1191, %min3A_1234 : vector<16xf32>
      %min3A_1236 = arith.minimumf %max3A_1191, %min3A_1234 : vector<16xf32>
      %max3A_1237 = arith.maximumf %max3A_1193, %min3A_1236 : vector<16xf32>
      %min3A_1238 = arith.minimumf %max3A_1193, %min3A_1236 : vector<16xf32>
      %max3A_1239 = arith.maximumf %max3A_1195, %min3A_1238 : vector<16xf32>
      %min3A_1240 = arith.minimumf %max3A_1195, %min3A_1238 : vector<16xf32>
      %max3A_1241 = arith.maximumf %max3A_1197, %min3A_1240 : vector<16xf32>
      %min3A_1242 = arith.minimumf %max3A_1197, %min3A_1240 : vector<16xf32>
      %max3A_1243 = arith.maximumf %max3A_1199, %min3A_1242 : vector<16xf32>
      %min3A_1244 = arith.minimumf %max3A_1199, %min3A_1242 : vector<16xf32>
      %max3A_1245 = arith.maximumf %max3A_1201, %min3A_1244 : vector<16xf32>
      %min3A_1246 = arith.minimumf %max3A_1201, %min3A_1244 : vector<16xf32>
      %max3A_1247 = arith.maximumf %max3A_1203, %min3A_1246 : vector<16xf32>
      %min3A_1248 = arith.minimumf %max3A_1203, %min3A_1246 : vector<16xf32>
      %add3A_1249 = arith.constant 464 : i32
      %add3A_1250 = arith.addi %mul3A_611, %add3A_1249 : i32
      %get3A_1251 = arith.constant 0 : i32
      %get3A_1252 = arith.index_cast %get3A_1251 : i32 to index
      %get3A_1253 = arith.index_cast %add3A_1250 : i32 to index
      %get3A_1254 = tpu.vector_load %arg4[%get3A_1252, %get3A_1253] {strides = array<i32>} : memref<1x32768xf32, #tpu.memory_space<vmem>>, vector<16xf32>,
      %max3A_1255 = arith.maximumf %max3A_1211, %get3A_1254 : vector<16xf32>
      %min3A_1256 = arith.minimumf %max3A_1211, %get3A_1254 : vector<16xf32>
      %max3A_1257 = arith.maximumf %max3A_1213, %min3A_1256 : vector<16xf32>
      %min3A_1258 = arith.minimumf %max3A_1213, %min3A_1256 : vector<16xf32>
      %max3A_1259 = arith.maximumf %max3A_1215, %min3A_1258 : vector<16xf32>
      %min3A_1260 = arith.minimumf %max3A_1215, %min3A_1258 : vector<16xf32>
      %max3A_1261 = arith.maximumf %max3A_1217, %min3A_1260 : vector<16xf32>
      %min3A_1262 = arith.minimumf %max3A_1217, %min3A_1260 : vector<16xf32>
      %max3A_1263 = arith.maximumf %max3A_1219, %min3A_1262 : vector<16xf32>
      %min3A_1264 = arith.minimumf %max3A_1219, %min3A_1262 : vector<16xf32>
      %max3A_1265 = arith.maximumf %max3A_1221, %min3A_1264 : vector<16xf32>
      %min3A_1266 = arith.minimumf %max3A_1221, %min3A_1264 : vector<16xf32>
      %max3A_1267 = arith.maximumf %max3A_1223, %min3A_1266 : vector<16xf32>
      %min3A_1268 = arith.minimumf %max3A_1223, %min3A_1266 : vector<16xf32>
      %max3A_1269 = arith.maximumf %max3A_1225, %min3A_1268 : vector<16xf32>
      %min3A_1270 = arith.minimumf %max3A_1225, %min3A_1268 : vector<16xf32>
      %add3A_1271 = arith.constant 480 : i32
      %add3A_1272 = arith.addi %mul3A_611, %add3A_1271 : i32
      %get3A_1273 = arith.constant 0 : i32
      %get3A_1274 = arith.index_cast %get3A_1273 : i32 to index
      %get3A_1275 = arith.index_cast %add3A_1272 : i32 to index
      %get3A_1276 = tpu.vector_load %arg4[%get3A_1274, %get3A_1275] {strides = array<i32>} : memref<1x32768xf32, #tpu.memory_space<vmem>>, vector<16xf32>,
      %max3A_1277 = arith.maximumf %max3A_1233, %get3A_1276 : vector<16xf32>
      %min3A_1278 = arith.minimumf %max3A_1233, %get3A_1276 : vector<16xf32>
      %max3A_1279 = arith.maximumf %max3A_1235, %min3A_1278 : vector<16xf32>
      %min3A_1280 = arith.minimumf %max3A_1235, %min3A_1278 : vector<16xf32>
      %max3A_1281 = arith.maximumf %max3A_1237, %min3A_1280 : vector<16xf32>
      %min3A_1282 = arith.minimumf %max3A_1237, %min3A_1280 : vector<16xf32>
      %max3A_1283 = arith.maximumf %max3A_1239, %min3A_1282 : vector<16xf32>
      %min3A_1284 = arith.minimumf %max3A_1239, %min3A_1282 : vector<16xf32>
      %max3A_1285 = arith.maximumf %max3A_1241, %min3A_1284 : vector<16xf32>
      %min3A_1286 = arith.minimumf %max3A_1241, %min3A_1284 : vector<16xf32>
      %max3A_1287 = arith.maximumf %max3A_1243, %min3A_1286 : vector<16xf32>
      %min3A_1288 = arith.minimumf %max3A_1243, %min3A_1286 : vector<16xf32>
      %max3A_1289 = arith.maximumf %max3A_1245, %min3A_1288 : vector<16xf32>
      %min3A_1290 = arith.minimumf %max3A_1245, %min3A_1288 : vector<16xf32>
      %max3A_1291 = arith.maximumf %max3A_1247, %min3A_1290 : vector<16xf32>
      %min3A_1292 = arith.minimumf %max3A_1247, %min3A_1290 : vector<16xf32>
      %add3A_1293 = arith.constant 496 : i32
      %add3A_1294 = arith.addi %mul3A_611, %add3A_1293 : i32
      %get3A_1295 = arith.constant 0 : i32
      %get3A_1296 = arith.index_cast %get3A_1295 : i32 to index
      %get3A_1297 = arith.index_cast %add3A_1294 : i32 to index
      %get3A_1298 = tpu.vector_load %arg4[%get3A_1296, %get3A_1297] {strides = array<i32>} : memref<1x32768xf32, #tpu.memory_space<vmem>>, vector<16xf32>,
      %max3A_1299 = arith.maximumf %max3A_1255, %get3A_1298 : vector<16xf32>
      %min3A_1300 = arith.minimumf %max3A_1255, %get3A_1298 : vector<16xf32>
      %max3A_1301 = arith.maximumf %max3A_1257, %min3A_1300 : vector<16xf32>
      %min3A_1302 = arith.minimumf %max3A_1257, %min3A_1300 : vector<16xf32>
      %max3A_1303 = arith.maximumf %max3A_1259, %min3A_1302 : vector<16xf32>
      %min3A_1304 = arith.minimumf %max3A_1259, %min3A_1302 : vector<16xf32>
      %max3A_1305 = arith.maximumf %max3A_1261, %min3A_1304 : vector<16xf32>
      %min3A_1306 = arith.minimumf %max3A_1261, %min3A_1304 : vector<16xf32>
      %max3A_1307 = arith.maximumf %max3A_1263, %min3A_1306 : vector<16xf32>
      %min3A_1308 = arith.minimumf %max3A_1263, %min3A_1306 : vector<16xf32>
      %max3A_1309 = arith.maximumf %max3A_1265, %min3A_1308 : vector<16xf32>
      %min3A_1310 = arith.minimumf %max3A_1265, %min3A_1308 : vector<16xf32>
      %max3A_1311 = arith.maximumf %max3A_1267, %min3A_1310 : vector<16xf32>
      %min3A_1312 = arith.minimumf %max3A_1267, %min3A_1310 : vector<16xf32>
      %max3A_1313 = arith.maximumf %max3A_1269, %min3A_1312 : vector<16xf32>
      %min3A_1314 = arith.minimumf %max3A_1269, %min3A_1312 : vector<16xf32>
      scf.yield %max3A_1277, %max3A_1279, %max3A_1281, %max3A_1283, %max3A_1285, %max3A_1287, %max3A_1289, %max3A_1291, %max3A_1299, %max3A_1301, %max3A_1303, %max3A_1305, %max3A_1307, %max3A_1309, %max3A_1311, %max3A_1313 : vector<16xf32>, vector<16xf32>, vector<16xf32>, vector<16xf32>, vector<16xf32>, vector<16xf32>, vector<16xf32>, vector<16xf32>, vector<16xf32>, vector<16xf32>, vector<16xf32>, vector<16xf32>, vector<16xf32>, vector<16xf32>, vector<16xf32>, vector<16xf32>
    }
    %max3A_197 = arith.maximumf %while3A_196#0, %while3A_196#15 : vector<16xf32>
    %max3A_198 = arith.maximumf %while3A_196#1, %while3A_196#14 : vector<16xf32>
    %max3A_199 = arith.maximumf %while3A_196#2, %while3A_196#13 : vector<16xf32>
    %max3A_200 = arith.maximumf %while3A_196#3, %while3A_196#12 : vector<16xf32>
    %max3A_201 = arith.maximumf %while3A_196#4, %while3A_196#11 : vector<16xf32>
    %max3A_202 = arith.maximumf %while3A_196#5, %while3A_196#10 : vector<16xf32>
    %max3A_203 = arith.maximumf %while3A_196#6, %while3A_196#9 : vector<16xf32>
    %max3A_204 = arith.maximumf %while3A_196#7, %while3A_196#8 : vector<16xf32>
    %sort3A_205 = arith.constant dense<true> : vector<16xi1>
    %sort3A_206, %sort3A_207, %sort3A_208 = tpu.sort %max3A_197, %max3A_197 masked %sort3A_205 : (vector<16xf32>, vector<16xf32>, vector<16xi1>) -> (vector<16xi1>, vector<16xf32>, vector<16xf32>)
    %sort3A_209 = arith.constant dense<true> : vector<16xi1>
    %sort3A_210, %sort3A_211, %sort3A_212 = tpu.sort %max3A_198, %max3A_198 masked %sort3A_209 : (vector<16xf32>, vector<16xf32>, vector<16xi1>) -> (vector<16xi1>, vector<16xf32>, vector<16xf32>)
    %sort3A_213 = arith.constant dense<true> : vector<16xi1>
    %sort3A_214, %sort3A_215, %sort3A_216 = tpu.sort %max3A_199, %max3A_199 masked %sort3A_213 : (vector<16xf32>, vector<16xf32>, vector<16xi1>) -> (vector<16xi1>, vector<16xf32>, vector<16xf32>)
    %sort3A_217 = arith.constant dense<true> : vector<16xi1>
    %sort3A_218, %sort3A_219, %sort3A_220 = tpu.sort %max3A_200, %max3A_200 masked %sort3A_217 : (vector<16xf32>, vector<16xf32>, vector<16xi1>) -> (vector<16xi1>, vector<16xf32>, vector<16xf32>)
    %sort3A_221 = arith.constant dense<true> : vector<16xi1>
    %sort3A_222, %sort3A_223, %sort3A_224 = tpu.sort %max3A_201, %max3A_201 masked %sort3A_221 : (vector<16xf32>, vector<16xf32>, vector<16xi1>) -> (vector<16xi1>, vector<16xf32>, vector<16xf32>)
    %sort3A_225 = arith.constant dense<true> : vector<16xi1>
    %sort3A_226, %sort3A_227, %sort3A_228 = tpu.sort %max3A_202, %max3A_202 masked %sort3A_225 : (vector<16xf32>, vector<16xf32>, vector<16xi1>) -> (vector<16xi1>, vector<16xf32>, vector<16xf32>)
    %sort3A_229 = arith.constant dense<true> : vector<16xi1>
    %sort3A_230, %sort3A_231, %sort3A_232 = tpu.sort %max3A_203, %max3A_203 masked %sort3A_229 : (vector<16xf32>, vector<16xf32>, vector<16xi1>) -> (vector<16xi1>, vector<16xf32>, vector<16xf32>)
    %sort3A_233 = arith.constant dense<true> : vector<16xi1>
    %sort3A_234, %sort3A_235, %sort3A_236 = tpu.sort %max3A_204, %max3A_204 masked %sort3A_233 : (vector<16xf32>, vector<16xf32>, vector<16xi1>) -> (vector<16xi1>, vector<16xf32>, vector<16xf32>)
    %rev3A_237 = arith.constant 15 : i32
    %rev3A_238 = vector.broadcast %rev3A_237 : i32 to vector<16xi32>
    %rev3A_239 = tpu.iota {dimensions = array<i32: 0>} : vector<16xi32>
    %rev3A_240 = arith.subi %rev3A_238, %rev3A_239 : vector<16xi32>
    %rev3A_241 = tpu.dynamic_gather %sort3A_211[%rev3A_240] in [0] : vector<16xf32>, vector<16xi32> -> vector<16xf32>
    %max3A_242 = arith.maximumf %sort3A_207, %rev3A_241 : vector<16xf32>
    %sort3A_243 = arith.constant dense<true> : vector<16xi1>
    %sort3A_244, %sort3A_245, %sort3A_246 = tpu.sort %max3A_242, %max3A_242 masked %sort3A_243 : (vector<16xf32>, vector<16xf32>, vector<16xi1>) -> (vector<16xi1>, vector<16xf32>, vector<16xf32>)
    %rev3A_247 = arith.constant 15 : i32
    %rev3A_248 = vector.broadcast %rev3A_247 : i32 to vector<16xi32>
    %rev3A_249 = tpu.iota {dimensions = array<i32: 0>} : vector<16xi32>
    %rev3A_250 = arith.subi %rev3A_248, %rev3A_249 : vector<16xi32>
    %rev3A_251 = tpu.dynamic_gather %sort3A_219[%rev3A_250] in [0] : vector<16xf32>, vector<16xi32> -> vector<16xf32>
    %max3A_252 = arith.maximumf %sort3A_215, %rev3A_251 : vector<16xf32>
    %sort3A_253 = arith.constant dense<true> : vector<16xi1>
    %sort3A_254, %sort3A_255, %sort3A_256 = tpu.sort %max3A_252, %max3A_252 masked %sort3A_253 : (vector<16xf32>, vector<16xf32>, vector<16xi1>) -> (vector<16xi1>, vector<16xf32>, vector<16xf32>)
    %rev3A_257 = arith.constant 15 : i32
    %rev3A_258 = vector.broadcast %rev3A_257 : i32 to vector<16xi32>
    %rev3A_259 = tpu.iota {dimensions = array<i32: 0>} : vector<16xi32>
    %rev3A_260 = arith.subi %rev3A_258, %rev3A_259 : vector<16xi32>
    %rev3A_261 = tpu.dynamic_gather %sort3A_227[%rev3A_260] in [0] : vector<16xf32>, vector<16xi32> -> vector<16xf32>
    %max3A_262 = arith.maximumf %sort3A_223, %rev3A_261 : vector<16xf32>
    %sort3A_263 = arith.constant dense<true> : vector<16xi1>
    %sort3A_264, %sort3A_265, %sort3A_266 = tpu.sort %max3A_262, %max3A_262 masked %sort3A_263 : (vector<16xf32>, vector<16xf32>, vector<16xi1>) -> (vector<16xi1>, vector<16xf32>, vector<16xf32>)
    %rev3A_267 = arith.constant 15 : i32
    %rev3A_268 = vector.broadcast %rev3A_267 : i32 to vector<16xi32>
    %rev3A_269 = tpu.iota {dimensions = array<i32: 0>} : vector<16xi32>
    %rev3A_270 = arith.subi %rev3A_268, %rev3A_269 : vector<16xi32>
    %rev3A_271 = tpu.dynamic_gather %sort3A_235[%rev3A_270] in [0] : vector<16xf32>, vector<16xi32> -> vector<16xf32>
    %max3A_272 = arith.maximumf %sort3A_231, %rev3A_271 : vector<16xf32>
    %sort3A_273 = arith.constant dense<true> : vector<16xi1>
    %sort3A_274, %sort3A_275, %sort3A_276 = tpu.sort %max3A_272, %max3A_272 masked %sort3A_273 : (vector<16xf32>, vector<16xf32>, vector<16xi1>) -> (vector<16xi1>, vector<16xf32>, vector<16xf32>)
    %rev3A_277 = arith.constant 15 : i32
    %rev3A_278 = vector.broadcast %rev3A_277 : i32 to vector<16xi32>
    %rev3A_279 = tpu.iota {dimensions = array<i32: 0>} : vector<16xi32>
    %rev3A_280 = arith.subi %rev3A_278, %rev3A_279 : vector<16xi32>
    %rev3A_281 = tpu.dynamic_gather %sort3A_255[%rev3A_280] in [0] : vector<16xf32>, vector<16xi32> -> vector<16xf32>
    %max3A_282 = arith.maximumf %sort3A_245, %rev3A_281 : vector<16xf32>
    %sort3A_283 = arith.constant dense<true> : vector<16xi1>
    %sort3A_284, %sort3A_285, %sort3A_286 = tpu.sort %max3A_282, %max3A_282 masked %sort3A_283 : (vector<16xf32>, vector<16xf32>, vector<16xi1>) -> (vector<16xi1>, vector<16xf32>, vector<16xf32>)
    %rev3A_287 = arith.constant 15 : i32
    %rev3A_288 = vector.broadcast %rev3A_287 : i32 to vector<16xi32>
    %rev3A_289 = tpu.iota {dimensions = array<i32: 0>} : vector<16xi32>
    %rev3A_290 = arith.subi %rev3A_288, %rev3A_289 : vector<16xi32>
    %rev3A_291 = tpu.dynamic_gather %sort3A_275[%rev3A_290] in [0] : vector<16xf32>, vector<16xi32> -> vector<16xf32>
    %max3A_292 = arith.maximumf %sort3A_265, %rev3A_291 : vector<16xf32>
    %sort3A_293 = arith.constant dense<true> : vector<16xi1>
    %sort3A_294, %sort3A_295, %sort3A_296 = tpu.sort %max3A_292, %max3A_292 masked %sort3A_293 : (vector<16xf32>, vector<16xf32>, vector<16xi1>) -> (vector<16xi1>, vector<16xf32>, vector<16xf32>)
    %rev3A_297 = arith.constant 15 : i32
    %rev3A_298 = vector.broadcast %rev3A_297 : i32 to vector<16xi32>
    %rev3A_299 = tpu.iota {dimensions = array<i32: 0>} : vector<16xi32>
    %rev3A_300 = arith.subi %rev3A_298, %rev3A_299 : vector<16xi32>
    %rev3A_301 = tpu.dynamic_gather %sort3A_295[%rev3A_300] in [0] : vector<16xf32>, vector<16xi32> -> vector<16xf32>
    %max3A_302 = arith.maximumf %sort3A_285, %rev3A_301 : vector<16xf32>
    %sort3A_303 = arith.constant dense<true> : vector<16xi1>
    %sort3A_304, %sort3A_305, %sort3A_306 = tpu.sort %max3A_302, %max3A_302 masked %sort3A_303 : (vector<16xf32>, vector<16xf32>, vector<16xi1>) -> (vector<16xi1>, vector<16xf32>, vector<16xf32>)
    %rev3A_307 = arith.constant 15 : i32
    %rev3A_308 = vector.broadcast %rev3A_307 : i32 to vector<16xi32>
    %rev3A_309 = tpu.iota {dimensions = array<i32: 0>} : vector<16xi32>
    %rev3A_310 = arith.subi %rev3A_308, %rev3A_309 : vector<16xi32>
    %rev3A_311 = tpu.dynamic_gather %sort3A_305[%rev3A_310] in [0] : vector<16xf32>, vector<16xi32> -> vector<16xf32>
    %swap3A = arith.constant 0 : index
    %swap3A_312 = tpu.vector_load %arg8[%swap3A] {strides = array<i32>} : memref<24xf32, #tpu.memory_space<vmem>>, vector<16xf32>,
    tpu.vector_store %arg8[%swap3A], %rev3A_311 {strides = array<i32>} : memref<24xf32, #tpu.memory_space<vmem>>, vector<16xf32>,
    %dma_wait3A_313 = arith.constant 0 : i32
    %dma_wait3A_314 = tpu.memref_slice %arg2[%add3A_23, %dma_wait3A_313] : memref<64x32768xf32, #tpu.memory_space<hbm>> -> memref<1x32768xf32, #tpu.memory_space<hbm>>
    %dma_wait3A_315 = arith.constant 0 : i32
    %dma_wait3A_316 = tpu.memref_slice %arg2[%add3A_23, %dma_wait3A_315] : memref<64x32768xf32, #tpu.memory_space<hbm>> -> memref<1x32768xf32, #tpu.memory_space<hbm>>
    tpu.wait_dma2 semaphore(%arg13 : memref<!tpu.dma_semaphore, #tpu.memory_space<semaphore_mem>>) src(%dma_wait3A_316 : memref<1x32768xf32, #tpu.memory_space<hbm>>) dst(%arg5 : memref<1x32768xf32, #tpu.memory_space<vmem>>)
    %broadcast_in_dim3A_317 = arith.constant 0xFF800000 : f32
    %broadcast_in_dim3A_318 = vector.broadcast %broadcast_in_dim3A_317 : f32 to vector<16xf32>
    %scan3A_319 = arith.constant 0 : i32
    %scan3A_320 = arith.constant 0 : i32
    %scan3A_321 = arith.constant 64 : i32
    %scan3A_322 = arith.addi %scan3A_320, %scan3A_321 : i32
    %scan3A_323 = arith.constant 1 : i32
    scf.for %scan3A_590 = %scan3A_320 to %scan3A_322 step %scan3A_323  : i32 {
      %mul3A_591 = arith.constant 32 : i32
      %mul3A_592 = arith.muli %scan3A_590, %mul3A_591 : i32
      %mul3A_593 = arith.constant 16 : i32
      %mul3A_594 = arith.muli %mul3A_592, %mul3A_593 : i32
      %add3A_595 = arith.constant 0 : i32
      %add3A_596 = arith.addi %mul3A_594, %add3A_595 : i32
      %get3A = arith.constant 0 : i32
      %get3A_597 = arith.index_cast %get3A : i32 to index
      %get3A_598 = arith.index_cast %add3A_596 : i32 to index
      %get3A_599 = tpu.vector_load %arg5[%get3A_597, %get3A_598] {strides = array<i32>} : memref<1x32768xf32, #tpu.memory_space<vmem>>, vector<16xf32>,
      %max3A_600 = arith.maximumf %broadcast_in_dim3A_318, %get3A_599 : vector<16xf32>
      %add3A_601 = arith.constant 16 : i32
      %add3A_602 = arith.addi %mul3A_594, %add3A_601 : i32
      %get3A_603 = arith.constant 0 : i32
      %get3A_604 = arith.index_cast %get3A_603 : i32 to index
      %get3A_605 = arith.index_cast %add3A_602 : i32 to index
      %get3A_606 = tpu.vector_load %arg5[%get3A_604, %get3A_605] {strides = array<i32>} : memref<1x32768xf32, #tpu.memory_space<vmem>>, vector<16xf32>,
      %max3A_607 = arith.maximumf %broadcast_in_dim3A_318, %get3A_606 : vector<16xf32>
      %add3A_608 = arith.constant 32 : i32
      %add3A_609 = arith.addi %mul3A_594, %add3A_608 : i32
      %get3A_610 = arith.constant 0 : i32
      %get3A_611 = arith.index_cast %get3A_610 : i32 to index
      %get3A_612 = arith.index_cast %add3A_609 : i32 to index
      %get3A_613 = tpu.vector_load %arg5[%get3A_611, %get3A_612] {strides = array<i32>} : memref<1x32768xf32, #tpu.memory_space<vmem>>, vector<16xf32>,
      %max3A_614 = arith.maximumf %broadcast_in_dim3A_318, %get3A_613 : vector<16xf32>
      %add3A_615 = arith.constant 48 : i32
      %add3A_616 = arith.addi %mul3A_594, %add3A_615 : i32
      %get3A_617 = arith.constant 0 : i32
      %get3A_618 = arith.index_cast %get3A_617 : i32 to index
      %get3A_619 = arith.index_cast %add3A_616 : i32 to index
      %get3A_620 = tpu.vector_load %arg5[%get3A_618, %get3A_619] {strides = array<i32>} : memref<1x32768xf32, #tpu.memory_space<vmem>>, vector<16xf32>,
      %max3A_621 = arith.maximumf %broadcast_in_dim3A_318, %get3A_620 : vector<16xf32>
      %add3A_622 = arith.constant 64 : i32
      %add3A_623 = arith.addi %mul3A_594, %add3A_622 : i32
      %get3A_624 = arith.constant 0 : i32
      %get3A_625 = arith.index_cast %get3A_624 : i32 to index
      %get3A_626 = arith.index_cast %add3A_623 : i32 to index
      %get3A_627 = tpu.vector_load %arg5[%get3A_625, %get3A_626] {strides = array<i32>} : memref<1x32768xf32, #tpu.memory_space<vmem>>, vector<16xf32>,
      %max3A_628 = arith.maximumf %max3A_600, %get3A_627 : vector<16xf32>
      %add3A_629 = arith.constant 80 : i32
      %add3A_630 = arith.addi %mul3A_594, %add3A_629 : i32
      %get3A_631 = arith.constant 0 : i32
      %get3A_632 = arith.index_cast %get3A_631 : i32 to index
      %get3A_633 = arith.index_cast %add3A_630 : i32 to index
      %get3A_634 = tpu.vector_load %arg5[%get3A_632, %get3A_633] {strides = array<i32>} : memref<1x32768xf32, #tpu.memory_space<vmem>>, vector<16xf32>,
      %max3A_635 = arith.maximumf %max3A_607, %get3A_634 : vector<16xf32>
      %add3A_636 = arith.constant 96 : i32
      %add3A_637 = arith.addi %mul3A_594, %add3A_636 : i32
      %get3A_638 = arith.constant 0 : i32
      %get3A_639 = arith.index_cast %get3A_638 : i32 to index
      %get3A_640 = arith.index_cast %add3A_637 : i32 to index
      %get3A_641 = tpu.vector_load %arg5[%get3A_639, %get3A_640] {strides = array<i32>} : memref<1x32768xf32, #tpu.memory_space<vmem>>, vector<16xf32>,
      %max3A_642 = arith.maximumf %max3A_614, %get3A_641 : vector<16xf32>
      %add3A_643 = arith.constant 112 : i32
      %add3A_644 = arith.addi %mul3A_594, %add3A_643 : i32
      %get3A_645 = arith.constant 0 : i32
      %get3A_646 = arith.index_cast %get3A_645 : i32 to index
      %get3A_647 = arith.index_cast %add3A_644 : i32 to index
      %get3A_648 = tpu.vector_load %arg5[%get3A_646, %get3A_647] {strides = array<i32>} : memref<1x32768xf32, #tpu.memory_space<vmem>>, vector<16xf32>,
      %max3A_649 = arith.maximumf %max3A_621, %get3A_648 : vector<16xf32>
      %add3A_650 = arith.constant 128 : i32
      %add3A_651 = arith.addi %mul3A_594, %add3A_650 : i32
      %get3A_652 = arith.constant 0 : i32
      %get3A_653 = arith.index_cast %get3A_652 : i32 to index
      %get3A_654 = arith.index_cast %add3A_651 : i32 to index
      %get3A_655 = tpu.vector_load %arg5[%get3A_653, %get3A_654] {strides = array<i32>} : memref<1x32768xf32, #tpu.memory_space<vmem>>, vector<16xf32>,
      %max3A_656 = arith.maximumf %max3A_628, %get3A_655 : vector<16xf32>
      %add3A_657 = arith.constant 144 : i32
      %add3A_658 = arith.addi %mul3A_594, %add3A_657 : i32
      %get3A_659 = arith.constant 0 : i32
      %get3A_660 = arith.index_cast %get3A_659 : i32 to index
      %get3A_661 = arith.index_cast %add3A_658 : i32 to index
      %get3A_662 = tpu.vector_load %arg5[%get3A_660, %get3A_661] {strides = array<i32>} : memref<1x32768xf32, #tpu.memory_space<vmem>>, vector<16xf32>,
      %max3A_663 = arith.maximumf %max3A_635, %get3A_662 : vector<16xf32>
      %add3A_664 = arith.constant 160 : i32
      %add3A_665 = arith.addi %mul3A_594, %add3A_664 : i32
      %get3A_666 = arith.constant 0 : i32
      %get3A_667 = arith.index_cast %get3A_666 : i32 to index
      %get3A_668 = arith.index_cast %add3A_665 : i32 to index
      %get3A_669 = tpu.vector_load %arg5[%get3A_667, %get3A_668] {strides = array<i32>} : memref<1x32768xf32, #tpu.memory_space<vmem>>, vector<16xf32>,
      %max3A_670 = arith.maximumf %max3A_642, %get3A_669 : vector<16xf32>
      %add3A_671 = arith.constant 176 : i32
      %add3A_672 = arith.addi %mul3A_594, %add3A_671 : i32
      %get3A_673 = arith.constant 0 : i32
      %get3A_674 = arith.index_cast %get3A_673 : i32 to index
      %get3A_675 = arith.index_cast %add3A_672 : i32 to index
      %get3A_676 = tpu.vector_load %arg5[%get3A_674, %get3A_675] {strides = array<i32>} : memref<1x32768xf32, #tpu.memory_space<vmem>>, vector<16xf32>,
      %max3A_677 = arith.maximumf %max3A_649, %get3A_676 : vector<16xf32>
      %add3A_678 = arith.constant 192 : i32
      %add3A_679 = arith.addi %mul3A_594, %add3A_678 : i32
      %get3A_680 = arith.constant 0 : i32
      %get3A_681 = arith.index_cast %get3A_680 : i32 to index
      %get3A_682 = arith.index_cast %add3A_679 : i32 to index
      %get3A_683 = tpu.vector_load %arg5[%get3A_681, %get3A_682] {strides = array<i32>} : memref<1x32768xf32, #tpu.memory_space<vmem>>, vector<16xf32>,
      %max3A_684 = arith.maximumf %max3A_656, %get3A_683 : vector<16xf32>
      %add3A_685 = arith.constant 208 : i32
      %add3A_686 = arith.addi %mul3A_594, %add3A_685 : i32
      %get3A_687 = arith.constant 0 : i32
      %get3A_688 = arith.index_cast %get3A_687 : i32 to index
      %get3A_689 = arith.index_cast %add3A_686 : i32 to index
      %get3A_690 = tpu.vector_load %arg5[%get3A_688, %get3A_689] {strides = array<i32>} : memref<1x32768xf32, #tpu.memory_space<vmem>>, vector<16xf32>,
      %max3A_691 = arith.maximumf %max3A_663, %get3A_690 : vector<16xf32>
      %add3A_692 = arith.constant 224 : i32
      %add3A_693 = arith.addi %mul3A_594, %add3A_692 : i32
      %get3A_694 = arith.constant 0 : i32
      %get3A_695 = arith.index_cast %get3A_694 : i32 to index
      %get3A_696 = arith.index_cast %add3A_693 : i32 to index
      %get3A_697 = tpu.vector_load %arg5[%get3A_695, %get3A_696] {strides = array<i32>} : memref<1x32768xf32, #tpu.memory_space<vmem>>, vector<16xf32>,
      %max3A_698 = arith.maximumf %max3A_670, %get3A_697 : vector<16xf32>
      %add3A_699 = arith.constant 240 : i32
      %add3A_700 = arith.addi %mul3A_594, %add3A_699 : i32
      %get3A_701 = arith.constant 0 : i32
      %get3A_702 = arith.index_cast %get3A_701 : i32 to index
      %get3A_703 = arith.index_cast %add3A_700 : i32 to index
      %get3A_704 = tpu.vector_load %arg5[%get3A_702, %get3A_703] {strides = array<i32>} : memref<1x32768xf32, #tpu.memory_space<vmem>>, vector<16xf32>,
      %max3A_705 = arith.maximumf %max3A_677, %get3A_704 : vector<16xf32>
      %add3A_706 = arith.constant 256 : i32
      %add3A_707 = arith.addi %mul3A_594, %add3A_706 : i32
      %get3A_708 = arith.constant 0 : i32
      %get3A_709 = arith.index_cast %get3A_708 : i32 to index
      %get3A_710 = arith.index_cast %add3A_707 : i32 to index
      %get3A_711 = tpu.vector_load %arg5[%get3A_709, %get3A_710] {strides = array<i32>} : memref<1x32768xf32, #tpu.memory_space<vmem>>, vector<16xf32>,
      %max3A_712 = arith.maximumf %max3A_684, %get3A_711 : vector<16xf32>
      %add3A_713 = arith.constant 272 : i32
      %add3A_714 = arith.addi %mul3A_594, %add3A_713 : i32
      %get3A_715 = arith.constant 0 : i32
      %get3A_716 = arith.index_cast %get3A_715 : i32 to index
      %get3A_717 = arith.index_cast %add3A_714 : i32 to index
      %get3A_718 = tpu.vector_load %arg5[%get3A_716, %get3A_717] {strides = array<i32>} : memref<1x32768xf32, #tpu.memory_space<vmem>>, vector<16xf32>,
      %max3A_719 = arith.maximumf %max3A_691, %get3A_718 : vector<16xf32>
      %add3A_720 = arith.constant 288 : i32
      %add3A_721 = arith.addi %mul3A_594, %add3A_720 : i32
      %get3A_722 = arith.constant 0 : i32
      %get3A_723 = arith.index_cast %get3A_722 : i32 to index
      %get3A_724 = arith.index_cast %add3A_721 : i32 to index
      %get3A_725 = tpu.vector_load %arg5[%get3A_723, %get3A_724] {strides = array<i32>} : memref<1x32768xf32, #tpu.memory_space<vmem>>, vector<16xf32>,
      %max3A_726 = arith.maximumf %max3A_698, %get3A_725 : vector<16xf32>
      %add3A_727 = arith.constant 304 : i32
      %add3A_728 = arith.addi %mul3A_594, %add3A_727 : i32
      %get3A_729 = arith.constant 0 : i32
      %get3A_730 = arith.index_cast %get3A_729 : i32 to index
      %get3A_731 = arith.index_cast %add3A_728 : i32 to index
      %get3A_732 = tpu.vector_load %arg5[%get3A_730, %get3A_731] {strides = array<i32>} : memref<1x32768xf32, #tpu.memory_space<vmem>>, vector<16xf32>,
      %max3A_733 = arith.maximumf %max3A_705, %get3A_732 : vector<16xf32>
      %add3A_734 = arith.constant 320 : i32
      %add3A_735 = arith.addi %mul3A_594, %add3A_734 : i32
      %get3A_736 = arith.constant 0 : i32
      %get3A_737 = arith.index_cast %get3A_736 : i32 to index
      %get3A_738 = arith.index_cast %add3A_735 : i32 to index
      %get3A_739 = tpu.vector_load %arg5[%get3A_737, %get3A_738] {strides = array<i32>} : memref<1x32768xf32, #tpu.memory_space<vmem>>, vector<16xf32>,
      %max3A_740 = arith.maximumf %max3A_712, %get3A_739 : vector<16xf32>
      %add3A_741 = arith.constant 336 : i32
      %add3A_742 = arith.addi %mul3A_594, %add3A_741 : i32
      %get3A_743 = arith.constant 0 : i32
      %get3A_744 = arith.index_cast %get3A_743 : i32 to index
      %get3A_745 = arith.index_cast %add3A_742 : i32 to index
      %get3A_746 = tpu.vector_load %arg5[%get3A_744, %get3A_745] {strides = array<i32>} : memref<1x32768xf32, #tpu.memory_space<vmem>>, vector<16xf32>,
      %max3A_747 = arith.maximumf %max3A_719, %get3A_746 : vector<16xf32>
      %add3A_748 = arith.constant 352 : i32
      %add3A_749 = arith.addi %mul3A_594, %add3A_748 : i32
      %get3A_750 = arith.constant 0 : i32
      %get3A_751 = arith.index_cast %get3A_750 : i32 to index
      %get3A_752 = arith.index_cast %add3A_749 : i32 to index
      %get3A_753 = tpu.vector_load %arg5[%get3A_751, %get3A_752] {strides = array<i32>} : memref<1x32768xf32, #tpu.memory_space<vmem>>, vector<16xf32>,
      %max3A_754 = arith.maximumf %max3A_726, %get3A_753 : vector<16xf32>
      %add3A_755 = arith.constant 368 : i32
      %add3A_756 = arith.addi %mul3A_594, %add3A_755 : i32
      %get3A_757 = arith.constant 0 : i32
      %get3A_758 = arith.index_cast %get3A_757 : i32 to index
      %get3A_759 = arith.index_cast %add3A_756 : i32 to index
      %get3A_760 = tpu.vector_load %arg5[%get3A_758, %get3A_759] {strides = array<i32>} : memref<1x32768xf32, #tpu.memory_space<vmem>>, vector<16xf32>,
      %max3A_761 = arith.maximumf %max3A_733, %get3A_760 : vector<16xf32>
      %add3A_762 = arith.constant 384 : i32
      %add3A_763 = arith.addi %mul3A_594, %add3A_762 : i32
      %get3A_764 = arith.constant 0 : i32
      %get3A_765 = arith.index_cast %get3A_764 : i32 to index
      %get3A_766 = arith.index_cast %add3A_763 : i32 to index
      %get3A_767 = tpu.vector_load %arg5[%get3A_765, %get3A_766] {strides = array<i32>} : memref<1x32768xf32, #tpu.memory_space<vmem>>, vector<16xf32>,
      %max3A_768 = arith.maximumf %max3A_740, %get3A_767 : vector<16xf32>
      %add3A_769 = arith.constant 400 : i32
      %add3A_770 = arith.addi %mul3A_594, %add3A_769 : i32
      %get3A_771 = arith.constant 0 : i32
      %get3A_772 = arith.index_cast %get3A_771 : i32 to index
      %get3A_773 = arith.index_cast %add3A_770 : i32 to index
      %get3A_774 = tpu.vector_load %arg5[%get3A_772, %get3A_773] {strides = array<i32>} : memref<1x32768xf32, #tpu.memory_space<vmem>>, vector<16xf32>,
      %max3A_775 = arith.maximumf %max3A_747, %get3A_774 : vector<16xf32>
      %add3A_776 = arith.constant 416 : i32
      %add3A_777 = arith.addi %mul3A_594, %add3A_776 : i32
      %get3A_778 = arith.constant 0 : i32
      %get3A_779 = arith.index_cast %get3A_778 : i32 to index
      %get3A_780 = arith.index_cast %add3A_777 : i32 to index
      %get3A_781 = tpu.vector_load %arg5[%get3A_779, %get3A_780] {strides = array<i32>} : memref<1x32768xf32, #tpu.memory_space<vmem>>, vector<16xf32>,
      %max3A_782 = arith.maximumf %max3A_754, %get3A_781 : vector<16xf32>
      %add3A_783 = arith.constant 432 : i32
      %add3A_784 = arith.addi %mul3A_594, %add3A_783 : i32
      %get3A_785 = arith.constant 0 : i32
      %get3A_786 = arith.index_cast %get3A_785 : i32 to index
      %get3A_787 = arith.index_cast %add3A_784 : i32 to index
      %get3A_788 = tpu.vector_load %arg5[%get3A_786, %get3A_787] {strides = array<i32>} : memref<1x32768xf32, #tpu.memory_space<vmem>>, vector<16xf32>,
      %max3A_789 = arith.maximumf %max3A_761, %get3A_788 : vector<16xf32>
      %add3A_790 = arith.constant 448 : i32
      %add3A_791 = arith.addi %mul3A_594, %add3A_790 : i32
      %get3A_792 = arith.constant 0 : i32
      %get3A_793 = arith.index_cast %get3A_792 : i32 to index
      %get3A_794 = arith.index_cast %add3A_791 : i32 to index
      %get3A_795 = tpu.vector_load %arg5[%get3A_793, %get3A_794] {strides = array<i32>} : memref<1x32768xf32, #tpu.memory_space<vmem>>, vector<16xf32>,
      %max3A_796 = arith.maximumf %max3A_768, %get3A_795 : vector<16xf32>
      %add3A_797 = arith.constant 464 : i32
      %add3A_798 = arith.addi %mul3A_594, %add3A_797 : i32
      %get3A_799 = arith.constant 0 : i32
      %get3A_800 = arith.index_cast %get3A_799 : i32 to index
      %get3A_801 = arith.index_cast %add3A_798 : i32 to index
      %get3A_802 = tpu.vector_load %arg5[%get3A_800, %get3A_801] {strides = array<i32>} : memref<1x32768xf32, #tpu.memory_space<vmem>>, vector<16xf32>,
      %max3A_803 = arith.maximumf %max3A_775, %get3A_802 : vector<16xf32>
      %add3A_804 = arith.constant 480 : i32
      %add3A_805 = arith.addi %mul3A_594, %add3A_804 : i32
      %get3A_806 = arith.constant 0 : i32
      %get3A_807 = arith.index_cast %get3A_806 : i32 to index
      %get3A_808 = arith.index_cast %add3A_805 : i32 to index
      %get3A_809 = tpu.vector_load %arg5[%get3A_807, %get3A_808] {strides = array<i32>} : memref<1x32768xf32, #tpu.memory_space<vmem>>, vector<16xf32>,
      %max3A_810 = arith.maximumf %max3A_782, %get3A_809 : vector<16xf32>
      %add3A_811 = arith.constant 496 : i32
      %add3A_812 = arith.addi %mul3A_594, %add3A_811 : i32
      %get3A_813 = arith.constant 0 : i32
      %get3A_814 = arith.index_cast %get3A_813 : i32 to index
      %get3A_815 = arith.index_cast %add3A_812 : i32 to index
      %get3A_816 = tpu.vector_load %arg5[%get3A_814, %get3A_815] {strides = array<i32>} : memref<1x32768xf32, #tpu.memory_space<vmem>>, vector<16xf32>,
      %max3A_817 = arith.maximumf %max3A_789, %get3A_816 : vector<16xf32>
      %max3A_818 = arith.maximumf %max3A_796, %max3A_803 : vector<16xf32>
      %max3A_819 = arith.maximumf %max3A_810, %max3A_817 : vector<16xf32>
      %max3A_820 = arith.maximumf %max3A_818, %max3A_819 : vector<16xf32>
      %mul3A_821 = arith.constant 16 : i32
      %mul3A_822 = arith.muli %scan3A_590, %mul3A_821 : i32
      %swap3A_823 = arith.index_cast %mul3A_822 : i32 to index
      %swap3A_824 = tpu.vector_load %arg6[%swap3A_823] {strides = array<i32>} : memref<1024xf32, #tpu.memory_space<vmem>>, vector<16xf32>,
      tpu.vector_store %arg6[%swap3A_823], %max3A_820 {strides = array<i32>} : memref<1024xf32, #tpu.memory_space<vmem>>, vector<16xf32>,
    }
    %scan3A_324 = arith.constant 64 : i32
    %scan3A_325 = arith.constant 0 : i32
    %scan3A_326 = arith.constant 16 : i32
    %scan3A_327 = arith.addi %scan3A_325, %scan3A_326 : i32
    %scan3A_328 = arith.constant 1 : i32
    %scan3A_329:16 = scf.for %scan3A_590 = %scan3A_325 to %scan3A_327 step %scan3A_328 iter_args(%scan3A_591 = %broadcast_in_dim3A_318, %scan3A_592 = %broadcast_in_dim3A_318, %scan3A_593 = %broadcast_in_dim3A_318, %scan3A_594 = %broadcast_in_dim3A_318, %scan3A_595 = %broadcast_in_dim3A_318, %scan3A_596 = %broadcast_in_dim3A_318, %scan3A_597 = %broadcast_in_dim3A_318, %scan3A_598 = %broadcast_in_dim3A_318, %scan3A_599 = %broadcast_in_dim3A_318, %scan3A_600 = %broadcast_in_dim3A_318, %scan3A_601 = %broadcast_in_dim3A_318, %scan3A_602 = %broadcast_in_dim3A_318, %scan3A_603 = %broadcast_in_dim3A_318, %scan3A_604 = %broadcast_in_dim3A_318, %scan3A_605 = %broadcast_in_dim3A_318, %scan3A_606 = %broadcast_in_dim3A_318) -> (vector<16xf32>, vector<16xf32>, vector<16xf32>, vector<16xf32>, vector<16xf32>, vector<16xf32>, vector<16xf32>, vector<16xf32>, vector<16xf32>, vector<16xf32>, vector<16xf32>, vector<16xf32>, vector<16xf32>, vector<16xf32>, vector<16xf32>, vector<16xf32>)  : i32 {
      %mul3A_607 = arith.constant 4 : i32
      %mul3A_608 = arith.muli %scan3A_590, %mul3A_607 : i32
      %add3A_609 = arith.constant 0 : i32
      %add3A_610 = arith.addi %mul3A_608, %add3A_609 : i32
      %mul3A_611 = arith.constant 16 : i32
      %mul3A_612 = arith.muli %add3A_610, %mul3A_611 : i32
      %get3A = arith.index_cast %mul3A_612 : i32 to index
      %get3A_613 = tpu.vector_load %arg6[%get3A] {strides = array<i32>} : memref<1024xf32, #tpu.memory_space<vmem>>, vector<16xf32>,
      %max3A_614 = arith.maximumf %scan3A_591, %get3A_613 : vector<16xf32>
      %min3A = arith.minimumf %scan3A_591, %get3A_613 : vector<16xf32>
      %max3A_615 = arith.maximumf %scan3A_592, %min3A : vector<16xf32>
      %min3A_616 = arith.minimumf %scan3A_592, %min3A : vector<16xf32>
      %max3A_617 = arith.maximumf %scan3A_593, %min3A_616 : vector<16xf32>
      %min3A_618 = arith.minimumf %scan3A_593, %min3A_616 : vector<16xf32>
      %max3A_619 = arith.maximumf %scan3A_594, %min3A_618 : vector<16xf32>
      %min3A_620 = arith.minimumf %scan3A_594, %min3A_618 : vector<16xf32>
      %max3A_621 = arith.maximumf %scan3A_595, %min3A_620 : vector<16xf32>
      %min3A_622 = arith.minimumf %scan3A_595, %min3A_620 : vector<16xf32>
      %max3A_623 = arith.maximumf %scan3A_596, %min3A_622 : vector<16xf32>
      %min3A_624 = arith.minimumf %scan3A_596, %min3A_622 : vector<16xf32>
      %max3A_625 = arith.maximumf %scan3A_597, %min3A_624 : vector<16xf32>
      %min3A_626 = arith.minimumf %scan3A_597, %min3A_624 : vector<16xf32>
      %max3A_627 = arith.maximumf %scan3A_598, %min3A_626 : vector<16xf32>
      %min3A_628 = arith.minimumf %scan3A_598, %min3A_626 : vector<16xf32>
      %mul3A_629 = arith.constant 4 : i32
      %mul3A_630 = arith.muli %scan3A_590, %mul3A_629 : i32
      %add3A_631 = arith.constant 1 : i32
      %add3A_632 = arith.addi %mul3A_630, %add3A_631 : i32
      %mul3A_633 = arith.constant 16 : i32
      %mul3A_634 = arith.muli %add3A_632, %mul3A_633 : i32
      %get3A_635 = arith.index_cast %mul3A_634 : i32 to index
      %get3A_636 = tpu.vector_load %arg6[%get3A_635] {strides = array<i32>} : memref<1024xf32, #tpu.memory_space<vmem>>, vector<16xf32>,
      %max3A_637 = arith.maximumf %scan3A_599, %get3A_636 : vector<16xf32>
      %min3A_638 = arith.minimumf %scan3A_599, %get3A_636 : vector<16xf32>
      %max3A_639 = arith.maximumf %scan3A_600, %min3A_638 : vector<16xf32>
      %min3A_640 = arith.minimumf %scan3A_600, %min3A_638 : vector<16xf32>
      %max3A_641 = arith.maximumf %scan3A_601, %min3A_640 : vector<16xf32>
      %min3A_642 = arith.minimumf %scan3A_601, %min3A_640 : vector<16xf32>
      %max3A_643 = arith.maximumf %scan3A_602, %min3A_642 : vector<16xf32>
      %min3A_644 = arith.minimumf %scan3A_602, %min3A_642 : vector<16xf32>
      %max3A_645 = arith.maximumf %scan3A_603, %min3A_644 : vector<16xf32>
      %min3A_646 = arith.minimumf %scan3A_603, %min3A_644 : vector<16xf32>
      %max3A_647 = arith.maximumf %scan3A_604, %min3A_646 : vector<16xf32>
      %min3A_648 = arith.minimumf %scan3A_604, %min3A_646 : vector<16xf32>
      %max3A_649 = arith.maximumf %scan3A_605, %min3A_648 : vector<16xf32>
      %min3A_650 = arith.minimumf %scan3A_605, %min3A_648 : vector<16xf32>
      %max3A_651 = arith.maximumf %scan3A_606, %min3A_650 : vector<16xf32>
      %min3A_652 = arith.minimumf %scan3A_606, %min3A_650 : vector<16xf32>
      %mul3A_653 = arith.constant 4 : i32
      %mul3A_654 = arith.muli %scan3A_590, %mul3A_653 : i32
      %add3A_655 = arith.constant 2 : i32
      %add3A_656 = arith.addi %mul3A_654, %add3A_655 : i32
      %mul3A_657 = arith.constant 16 : i32
      %mul3A_658 = arith.muli %add3A_656, %mul3A_657 : i32
      %get3A_659 = arith.index_cast %mul3A_658 : i32 to index
      %get3A_660 = tpu.vector_load %arg6[%get3A_659] {strides = array<i32>} : memref<1024xf32, #tpu.memory_space<vmem>>, vector<16xf32>,
      %max3A_661 = arith.maximumf %max3A_614, %get3A_660 : vector<16xf32>
      %min3A_662 = arith.minimumf %max3A_614, %get3A_660 : vector<16xf32>
      %max3A_663 = arith.maximumf %max3A_615, %min3A_662 : vector<16xf32>
      %min3A_664 = arith.minimumf %max3A_615, %min3A_662 : vector<16xf32>
      %max3A_665 = arith.maximumf %max3A_617, %min3A_664 : vector<16xf32>
      %min3A_666 = arith.minimumf %max3A_617, %min3A_664 : vector<16xf32>
      %max3A_667 = arith.maximumf %max3A_619, %min3A_666 : vector<16xf32>
      %min3A_668 = arith.minimumf %max3A_619, %min3A_666 : vector<16xf32>
      %max3A_669 = arith.maximumf %max3A_621, %min3A_668 : vector<16xf32>
      %min3A_670 = arith.minimumf %max3A_621, %min3A_668 : vector<16xf32>
      %max3A_671 = arith.maximumf %max3A_623, %min3A_670 : vector<16xf32>
      %min3A_672 = arith.minimumf %max3A_623, %min3A_670 : vector<16xf32>
      %max3A_673 = arith.maximumf %max3A_625, %min3A_672 : vector<16xf32>
      %min3A_674 = arith.minimumf %max3A_625, %min3A_672 : vector<16xf32>
      %max3A_675 = arith.maximumf %max3A_627, %min3A_674 : vector<16xf32>
      %min3A_676 = arith.minimumf %max3A_627, %min3A_674 : vector<16xf32>
      %mul3A_677 = arith.constant 4 : i32
      %mul3A_678 = arith.muli %scan3A_590, %mul3A_677 : i32
      %add3A_679 = arith.constant 3 : i32
      %add3A_680 = arith.addi %mul3A_678, %add3A_679 : i32
      %mul3A_681 = arith.constant 16 : i32
      %mul3A_682 = arith.muli %add3A_680, %mul3A_681 : i32
      %get3A_683 = arith.index_cast %mul3A_682 : i32 to index
      %get3A_684 = tpu.vector_load %arg6[%get3A_683] {strides = array<i32>} : memref<1024xf32, #tpu.memory_space<vmem>>, vector<16xf32>,
      %max3A_685 = arith.maximumf %max3A_637, %get3A_684 : vector<16xf32>
      %min3A_686 = arith.minimumf %max3A_637, %get3A_684 : vector<16xf32>
      %max3A_687 = arith.maximumf %max3A_639, %min3A_686 : vector<16xf32>
      %min3A_688 = arith.minimumf %max3A_639, %min3A_686 : vector<16xf32>
      %max3A_689 = arith.maximumf %max3A_641, %min3A_688 : vector<16xf32>
      %min3A_690 = arith.minimumf %max3A_641, %min3A_688 : vector<16xf32>
      %max3A_691 = arith.maximumf %max3A_643, %min3A_690 : vector<16xf32>
      %min3A_692 = arith.minimumf %max3A_643, %min3A_690 : vector<16xf32>
      %max3A_693 = arith.maximumf %max3A_645, %min3A_692 : vector<16xf32>
      %min3A_694 = arith.minimumf %max3A_645, %min3A_692 : vector<16xf32>
      %max3A_695 = arith.maximumf %max3A_647, %min3A_694 : vector<16xf32>
      %min3A_696 = arith.minimumf %max3A_647, %min3A_694 : vector<16xf32>
      %max3A_697 = arith.maximumf %max3A_649, %min3A_696 : vector<16xf32>
      %min3A_698 = arith.minimumf %max3A_649, %min3A_696 : vector<16xf32>
      %max3A_699 = arith.maximumf %max3A_651, %min3A_698 : vector<16xf32>
      %min3A_700 = arith.minimumf %max3A_651, %min3A_698 : vector<16xf32>
      scf.yield %max3A_661, %max3A_663, %max3A_665, %max3A_667, %max3A_669, %max3A_671, %max3A_673, %max3A_675, %max3A_685, %max3A_687, %max3A_689, %max3A_691, %max3A_693, %max3A_695, %max3A_697, %max3A_699 : vector<16xf32>, vector<16xf32>, vector<16xf32>, vector<16xf32>, vector<16xf32>, vector<16xf32>, vector<16xf32>, vector<16xf32>, vector<16xf32>, vector<16xf32>, vector<16xf32>, vector<16xf32>, vector<16xf32>, vector<16xf32>, vector<16xf32>, vector<16xf32>
    }
    %scan3A_330 = arith.constant 16 : i32
    %max3A_331 = arith.maximumf %scan3A_329#0, %scan3A_329#15 : vector<16xf32>
    %max3A_332 = arith.maximumf %scan3A_329#1, %scan3A_329#14 : vector<16xf32>
    %max3A_333 = arith.maximumf %scan3A_329#2, %scan3A_329#13 : vector<16xf32>
    %max3A_334 = arith.maximumf %scan3A_329#3, %scan3A_329#12 : vector<16xf32>
    %max3A_335 = arith.maximumf %scan3A_329#4, %scan3A_329#11 : vector<16xf32>
    %max3A_336 = arith.maximumf %scan3A_329#5, %scan3A_329#10 : vector<16xf32>
    %max3A_337 = arith.maximumf %scan3A_329#6, %scan3A_329#9 : vector<16xf32>
    %max3A_338 = arith.maximumf %scan3A_329#7, %scan3A_329#8 : vector<16xf32>
    %sort3A_339 = arith.constant dense<true> : vector<16xi1>
    %sort3A_340, %sort3A_341, %sort3A_342 = tpu.sort %max3A_331, %max3A_331 masked %sort3A_339 : (vector<16xf32>, vector<16xf32>, vector<16xi1>) -> (vector<16xi1>, vector<16xf32>, vector<16xf32>)
    %sort3A_343 = arith.constant dense<true> : vector<16xi1>
    %sort3A_344, %sort3A_345, %sort3A_346 = tpu.sort %max3A_332, %max3A_332 masked %sort3A_343 : (vector<16xf32>, vector<16xf32>, vector<16xi1>) -> (vector<16xi1>, vector<16xf32>, vector<16xf32>)
    %sort3A_347 = arith.constant dense<true> : vector<16xi1>
    %sort3A_348, %sort3A_349, %sort3A_350 = tpu.sort %max3A_333, %max3A_333 masked %sort3A_347 : (vector<16xf32>, vector<16xf32>, vector<16xi1>) -> (vector<16xi1>, vector<16xf32>, vector<16xf32>)
    %sort3A_351 = arith.constant dense<true> : vector<16xi1>
    %sort3A_352, %sort3A_353, %sort3A_354 = tpu.sort %max3A_334, %max3A_334 masked %sort3A_351 : (vector<16xf32>, vector<16xf32>, vector<16xi1>) -> (vector<16xi1>, vector<16xf32>, vector<16xf32>)
    %sort3A_355 = arith.constant dense<true> : vector<16xi1>
    %sort3A_356, %sort3A_357, %sort3A_358 = tpu.sort %max3A_335, %max3A_335 masked %sort3A_355 : (vector<16xf32>, vector<16xf32>, vector<16xi1>) -> (vector<16xi1>, vector<16xf32>, vector<16xf32>)
    %sort3A_359 = arith.constant dense<true> : vector<16xi1>
    %sort3A_360, %sort3A_361, %sort3A_362 = tpu.sort %max3A_336, %max3A_336 masked %sort3A_359 : (vector<16xf32>, vector<16xf32>, vector<16xi1>) -> (vector<16xi1>, vector<16xf32>, vector<16xf32>)
    %sort3A_363 = arith.constant dense<true> : vector<16xi1>
    %sort3A_364, %sort3A_365, %sort3A_366 = tpu.sort %max3A_337, %max3A_337 masked %sort3A_363 : (vector<16xf32>, vector<16xf32>, vector<16xi1>) -> (vector<16xi1>, vector<16xf32>, vector<16xf32>)
    %sort3A_367 = arith.constant dense<true> : vector<16xi1>
    %sort3A_368, %sort3A_369, %sort3A_370 = tpu.sort %max3A_338, %max3A_338 masked %sort3A_367 : (vector<16xf32>, vector<16xf32>, vector<16xi1>) -> (vector<16xi1>, vector<16xf32>, vector<16xf32>)
    %rev3A_371 = arith.constant 15 : i32
    %rev3A_372 = vector.broadcast %rev3A_371 : i32 to vector<16xi32>
    %rev3A_373 = tpu.iota {dimensions = array<i32: 0>} : vector<16xi32>
    %rev3A_374 = arith.subi %rev3A_372, %rev3A_373 : vector<16xi32>
    %rev3A_375 = tpu.dynamic_gather %sort3A_345[%rev3A_374] in [0] : vector<16xf32>, vector<16xi32> -> vector<16xf32>
    %max3A_376 = arith.maximumf %sort3A_341, %rev3A_375 : vector<16xf32>
    %sort3A_377 = arith.constant dense<true> : vector<16xi1>
    %sort3A_378, %sort3A_379, %sort3A_380 = tpu.sort %max3A_376, %max3A_376 masked %sort3A_377 : (vector<16xf32>, vector<16xf32>, vector<16xi1>) -> (vector<16xi1>, vector<16xf32>, vector<16xf32>)
    %rev3A_381 = arith.constant 15 : i32
    %rev3A_382 = vector.broadcast %rev3A_381 : i32 to vector<16xi32>
    %rev3A_383 = tpu.iota {dimensions = array<i32: 0>} : vector<16xi32>
    %rev3A_384 = arith.subi %rev3A_382, %rev3A_383 : vector<16xi32>
    %rev3A_385 = tpu.dynamic_gather %sort3A_353[%rev3A_384] in [0] : vector<16xf32>, vector<16xi32> -> vector<16xf32>
    %max3A_386 = arith.maximumf %sort3A_349, %rev3A_385 : vector<16xf32>
    %sort3A_387 = arith.constant dense<true> : vector<16xi1>
    %sort3A_388, %sort3A_389, %sort3A_390 = tpu.sort %max3A_386, %max3A_386 masked %sort3A_387 : (vector<16xf32>, vector<16xf32>, vector<16xi1>) -> (vector<16xi1>, vector<16xf32>, vector<16xf32>)
    %rev3A_391 = arith.constant 15 : i32
    %rev3A_392 = vector.broadcast %rev3A_391 : i32 to vector<16xi32>
    %rev3A_393 = tpu.iota {dimensions = array<i32: 0>} : vector<16xi32>
    %rev3A_394 = arith.subi %rev3A_392, %rev3A_393 : vector<16xi32>
    %rev3A_395 = tpu.dynamic_gather %sort3A_361[%rev3A_394] in [0] : vector<16xf32>, vector<16xi32> -> vector<16xf32>
    %max3A_396 = arith.maximumf %sort3A_357, %rev3A_395 : vector<16xf32>
    %sort3A_397 = arith.constant dense<true> : vector<16xi1>
    %sort3A_398, %sort3A_399, %sort3A_400 = tpu.sort %max3A_396, %max3A_396 masked %sort3A_397 : (vector<16xf32>, vector<16xf32>, vector<16xi1>) -> (vector<16xi1>, vector<16xf32>, vector<16xf32>)
    %rev3A_401 = arith.constant 15 : i32
    %rev3A_402 = vector.broadcast %rev3A_401 : i32 to vector<16xi32>
    %rev3A_403 = tpu.iota {dimensions = array<i32: 0>} : vector<16xi32>
    %rev3A_404 = arith.subi %rev3A_402, %rev3A_403 : vector<16xi32>
    %rev3A_405 = tpu.dynamic_gather %sort3A_369[%rev3A_404] in [0] : vector<16xf32>, vector<16xi32> -> vector<16xf32>
    %max3A_406 = arith.maximumf %sort3A_365, %rev3A_405 : vector<16xf32>
    %sort3A_407 = arith.constant dense<true> : vector<16xi1>
    %sort3A_408, %sort3A_409, %sort3A_410 = tpu.sort %max3A_406, %max3A_406 masked %sort3A_407 : (vector<16xf32>, vector<16xf32>, vector<16xi1>) -> (vector<16xi1>, vector<16xf32>, vector<16xf32>)
    %rev3A_411 = arith.constant 15 : i32
    %rev3A_412 = vector.broadcast %rev3A_411 : i32 to vector<16xi32>
    %rev3A_413 = tpu.iota {dimensions = array<i32: 0>} : vector<16xi32>
    %rev3A_414 = arith.subi %rev3A_412, %rev3A_413 : vector<16xi32>
    %rev3A_415 = tpu.dynamic_gather %sort3A_389[%rev3A_414] in [0] : vector<16xf32>, vector<16xi32> -> vector<16xf32>
    %max3A_416 = arith.maximumf %sort3A_379, %rev3A_415 : vector<16xf32>
    %sort3A_417 = arith.constant dense<true> : vector<16xi1>
    %sort3A_418, %sort3A_419, %sort3A_420 = tpu.sort %max3A_416, %max3A_416 masked %sort3A_417 : (vector<16xf32>, vector<16xf32>, vector<16xi1>) -> (vector<16xi1>, vector<16xf32>, vector<16xf32>)
    %rev3A_421 = arith.constant 15 : i32
    %rev3A_422 = vector.broadcast %rev3A_421 : i32 to vector<16xi32>
    %rev3A_423 = tpu.iota {dimensions = array<i32: 0>} : vector<16xi32>
    %rev3A_424 = arith.subi %rev3A_422, %rev3A_423 : vector<16xi32>
    %rev3A_425 = tpu.dynamic_gather %sort3A_409[%rev3A_424] in [0] : vector<16xf32>, vector<16xi32> -> vector<16xf32>
    %max3A_426 = arith.maximumf %sort3A_399, %rev3A_425 : vector<16xf32>
    %sort3A_427 = arith.constant dense<true> : vector<16xi1>
    %sort3A_428, %sort3A_429, %sort3A_430 = tpu.sort %max3A_426, %max3A_426 masked %sort3A_427 : (vector<16xf32>, vector<16xf32>, vector<16xi1>) -> (vector<16xi1>, vector<16xf32>, vector<16xf32>)
    %rev3A_431 = arith.constant 15 : i32
    %rev3A_432 = vector.broadcast %rev3A_431 : i32 to vector<16xi32>
    %rev3A_433 = tpu.iota {dimensions = array<i32: 0>} : vector<16xi32>
    %rev3A_434 = arith.subi %rev3A_432, %rev3A_433 : vector<16xi32>
    %rev3A_435 = tpu.dynamic_gather %sort3A_429[%rev3A_434] in [0] : vector<16xf32>, vector<16xi32> -> vector<16xf32>
    %max3A_436 = arith.maximumf %sort3A_419, %rev3A_435 : vector<16xf32>
    %sort3A_437 = arith.constant dense<true> : vector<16xi1>
    %sort3A_438, %sort3A_439, %sort3A_440 = tpu.sort %max3A_436, %max3A_436 masked %sort3A_437 : (vector<16xf32>, vector<16xf32>, vector<16xi1>) -> (vector<16xi1>, vector<16xf32>, vector<16xf32>)
    %rev3A_441 = arith.constant 15 : i32
    %rev3A_442 = vector.broadcast %rev3A_441 : i32 to vector<16xi32>
    %rev3A_443 = tpu.iota {dimensions = array<i32: 0>} : vector<16xi32>
    %rev3A_444 = arith.subi %rev3A_442, %rev3A_443 : vector<16xi32>
    %rev3A_445 = tpu.dynamic_gather %sort3A_439[%rev3A_444] in [0] : vector<16xf32>, vector<16xi32> -> vector<16xf32>
    %slice3A_446 = vector.extract_strided_slice %rev3A_445 {offsets = [7], sizes = [1], strides = [1]} : vector<16xf32> to vector<1xf32>
    %squeeze3A_447 = vector.extract %slice3A_446[0] : f32 from vector<1xf32>
    %broadcast_in_dim3A_448 = vector.broadcast %squeeze3A_447 : f32 to vector<16xf32>
    %iota3A_449 = tpu.iota {dimensions = array<i32: 0>} : vector<16xi32>
    %eq3A_450 = arith.constant 0 : i32
    %eq3A_451 = vector.broadcast %eq3A_450 : i32 to vector<16xi32>
    %eq3A_452 = arith.cmpi eq, %iota3A_449, %eq3A_451 : vector<16xi32>
    %scan3A_453 = arith.constant 0 : i32
    %scan3A_454 = arith.constant 0 : i32
    %scan3A_455 = arith.constant 64 : i32
    %scan3A_456 = arith.addi %scan3A_454, %scan3A_455 : i32
    %scan3A_457 = arith.constant 1 : i32
    %scan3A_458 = scf.for %scan3A_590 = %scan3A_454 to %scan3A_456 step %scan3A_457 iter_args(%scan3A_591 = %scan3A_453) -> (i32)  : i32 {
      %mul3A_592 = arith.constant 16 : i32
      %mul3A_593 = arith.muli %scan3A_590, %mul3A_592 : i32
      %get3A = arith.index_cast %mul3A_593 : i32 to index
      %get3A_594 = tpu.vector_load %arg6[%get3A] {strides = array<i32>} : memref<1024xf32, #tpu.memory_space<vmem>>, vector<16xf32>,
      %ge3A = arith.cmpf oge, %get3A_594, %broadcast_in_dim3A_448 : vector<16xf32>
      %all_reduce_population_count3A = tpu.all_reduce %ge3A {dim = 0 : i64, kind = #tpu.reduction_kind<sum>} : vector<16xi1> -> vector<16xi32>
      %gt3A = arith.constant 0 : i32
      %gt3A_595 = vector.broadcast %gt3A : i32 to vector<16xi32>
      %gt3A_596 = arith.cmpi sgt, %all_reduce_population_count3A, %gt3A_595 : vector<16xi32>
      %broadcast_in_dim3A_597 = vector.broadcast %scan3A_590 : i32 to vector<16xi32>
      %and3A = arith.andi %gt3A_596, %eq3A_452 : vector<16xi1>
      %swap3A_598 = arith.index_cast %scan3A_591 : i32 to index
      %swap3A_599 = tpu.vector_load %arg7[%swap3A_598] masked %and3A {strides = array<i32>} : memref<80xi32, #tpu.memory_space<vmem>>, vector<16xi32>, vector<16xi1>
      tpu.vector_store %arg7[%swap3A_598], %broadcast_in_dim3A_597 masked %and3A {strides = array<i32>} : memref<80xi32, #tpu.memory_space<vmem>>, vector<16xi32>, vector<16xi1>
      %slice3A_600 = vector.extract_strided_slice %all_reduce_population_count3A {offsets = [0], sizes = [1], strides = [1]} : vector<16xi32> to vector<1xi32>
      %squeeze3A_601 = vector.extract %slice3A_600[0] : i32 from vector<1xi32>
      %gt3A_602 = arith.constant 0 : i32
      %gt3A_603 = arith.cmpi sgt, %squeeze3A_601, %gt3A_602 : i32
      %jit3A = arith.constant 1 : i32
      %jit3A_604 = arith.constant 0 : i32
      %select_n3A = arith.select %gt3A_603, %jit3A, %jit3A_604 : i32
      %add3A_605 = arith.addi %scan3A_591, %select_n3A : i32
      scf.yield %add3A_605 : i32
    }
    %scan3A_459 = arith.constant 64 : i32
    %while3A_460 = arith.constant 0 : i32
    %while3A_461 = arith.subi %scan3A_458, %while3A_460 : i32
    %while3A_462 = arith.addi %while3A_460, %while3A_461 : i32
    %while3A_463 = arith.constant 1 : i32
    %while3A_464 = arith.divsi %while3A_461, %while3A_463 : i32
    %while3A_465 = arith.muli %while3A_464, %while3A_463 : i32
    %while3A_466 = arith.addi %while3A_460, %while3A_465 : i32
    %while3A_467 = arith.constant 1 : i32
    %while3A_468:16 = scf.for %while3A_590 = %while3A_460 to %while3A_466 step %while3A_467 iter_args(%while3A_591 = %broadcast_in_dim3A_318, %while3A_592 = %broadcast_in_dim3A_318, %while3A_593 = %broadcast_in_dim3A_318, %while3A_594 = %broadcast_in_dim3A_318, %while3A_595 = %broadcast_in_dim3A_318, %while3A_596 = %broadcast_in_dim3A_318, %while3A_597 = %broadcast_in_dim3A_318, %while3A_598 = %broadcast_in_dim3A_318, %while3A_599 = %broadcast_in_dim3A_318, %while3A_600 = %broadcast_in_dim3A_318, %while3A_601 = %broadcast_in_dim3A_318, %while3A_602 = %broadcast_in_dim3A_318, %while3A_603 = %broadcast_in_dim3A_318, %while3A_604 = %broadcast_in_dim3A_318, %while3A_605 = %broadcast_in_dim3A_318, %while3A_606 = %broadcast_in_dim3A_318) -> (vector<16xf32>, vector<16xf32>, vector<16xf32>, vector<16xf32>, vector<16xf32>, vector<16xf32>, vector<16xf32>, vector<16xf32>, vector<16xf32>, vector<16xf32>, vector<16xf32>, vector<16xf32>, vector<16xf32>, vector<16xf32>, vector<16xf32>, vector<16xf32>)  : i32 {
      %get3A = arith.index_cast %while3A_590 : i32 to index
      %get3A_607 = tpu.vector_load %arg7[%get3A] {strides = array<i32>} : memref<80xi32, #tpu.memory_space<vmem>>, vector<16xi32>,
      %slice3A_608 = vector.extract_strided_slice %get3A_607 {offsets = [0], sizes = [1], strides = [1]} : vector<16xi32> to vector<1xi32>
      %squeeze3A_609 = vector.extract %slice3A_608[0] : i32 from vector<1xi32>
      %mul3A_610 = arith.constant 512 : i32
      %mul3A_611 = arith.muli %squeeze3A_609, %mul3A_610 : i32
      %add3A_612 = arith.constant 0 : i32
      %add3A_613 = arith.addi %mul3A_611, %add3A_612 : i32
      %get3A_614 = arith.constant 0 : i32
      %get3A_615 = arith.index_cast %get3A_614 : i32 to index
      %get3A_616 = arith.index_cast %add3A_613 : i32 to index
      %get3A_617 = tpu.vector_load %arg5[%get3A_615, %get3A_616] {strides = array<i32>} : memref<1x32768xf32, #tpu.memory_space<vmem>>, vector<16xf32>,
      %max3A_618 = arith.maximumf %while3A_591, %get3A_617 : vector<16xf32>
      %min3A = arith.minimumf %while3A_591, %get3A_617 : vector<16xf32>
      %max3A_619 = arith.maximumf %while3A_592, %min3A : vector<16xf32>
      %min3A_620 = arith.minimumf %while3A_592, %min3A : vector<16xf32>
      %max3A_621 = arith.maximumf %while3A_593, %min3A_620 : vector<16xf32>
      %min3A_622 = arith.minimumf %while3A_593, %min3A_620 : vector<16xf32>
      %max3A_623 = arith.maximumf %while3A_594, %min3A_622 : vector<16xf32>
      %min3A_624 = arith.minimumf %while3A_594, %min3A_622 : vector<16xf32>
      %max3A_625 = arith.maximumf %while3A_595, %min3A_624 : vector<16xf32>
      %min3A_626 = arith.minimumf %while3A_595, %min3A_624 : vector<16xf32>
      %max3A_627 = arith.maximumf %while3A_596, %min3A_626 : vector<16xf32>
      %min3A_628 = arith.minimumf %while3A_596, %min3A_626 : vector<16xf32>
      %max3A_629 = arith.maximumf %while3A_597, %min3A_628 : vector<16xf32>
      %min3A_630 = arith.minimumf %while3A_597, %min3A_628 : vector<16xf32>
      %max3A_631 = arith.maximumf %while3A_598, %min3A_630 : vector<16xf32>
      %min3A_632 = arith.minimumf %while3A_598, %min3A_630 : vector<16xf32>
      %add3A_633 = arith.constant 16 : i32
      %add3A_634 = arith.addi %mul3A_611, %add3A_633 : i32
      %get3A_635 = arith.constant 0 : i32
      %get3A_636 = arith.index_cast %get3A_635 : i32 to index
      %get3A_637 = arith.index_cast %add3A_634 : i32 to index
      %get3A_638 = tpu.vector_load %arg5[%get3A_636, %get3A_637] {strides = array<i32>} : memref<1x32768xf32, #tpu.memory_space<vmem>>, vector<16xf32>,
      %max3A_639 = arith.maximumf %while3A_599, %get3A_638 : vector<16xf32>
      %min3A_640 = arith.minimumf %while3A_599, %get3A_638 : vector<16xf32>
      %max3A_641 = arith.maximumf %while3A_600, %min3A_640 : vector<16xf32>
      %min3A_642 = arith.minimumf %while3A_600, %min3A_640 : vector<16xf32>
      %max3A_643 = arith.maximumf %while3A_601, %min3A_642 : vector<16xf32>
      %min3A_644 = arith.minimumf %while3A_601, %min3A_642 : vector<16xf32>
      %max3A_645 = arith.maximumf %while3A_602, %min3A_644 : vector<16xf32>
      %min3A_646 = arith.minimumf %while3A_602, %min3A_644 : vector<16xf32>
      %max3A_647 = arith.maximumf %while3A_603, %min3A_646 : vector<16xf32>
      %min3A_648 = arith.minimumf %while3A_603, %min3A_646 : vector<16xf32>
      %max3A_649 = arith.maximumf %while3A_604, %min3A_648 : vector<16xf32>
      %min3A_650 = arith.minimumf %while3A_604, %min3A_648 : vector<16xf32>
      %max3A_651 = arith.maximumf %while3A_605, %min3A_650 : vector<16xf32>
      %min3A_652 = arith.minimumf %while3A_605, %min3A_650 : vector<16xf32>
      %max3A_653 = arith.maximumf %while3A_606, %min3A_652 : vector<16xf32>
      %min3A_654 = arith.minimumf %while3A_606, %min3A_652 : vector<16xf32>
      %add3A_655 = arith.constant 32 : i32
      %add3A_656 = arith.addi %mul3A_611, %add3A_655 : i32
      %get3A_657 = arith.constant 0 : i32
      %get3A_658 = arith.index_cast %get3A_657 : i32 to index
      %get3A_659 = arith.index_cast %add3A_656 : i32 to index
      %get3A_660 = tpu.vector_load %arg5[%get3A_658, %get3A_659] {strides = array<i32>} : memref<1x32768xf32, #tpu.memory_space<vmem>>, vector<16xf32>,
      %max3A_661 = arith.maximumf %max3A_618, %get3A_660 : vector<16xf32>
      %min3A_662 = arith.minimumf %max3A_618, %get3A_660 : vector<16xf32>
      %max3A_663 = arith.maximumf %max3A_619, %min3A_662 : vector<16xf32>
      %min3A_664 = arith.minimumf %max3A_619, %min3A_662 : vector<16xf32>
      %max3A_665 = arith.maximumf %max3A_621, %min3A_664 : vector<16xf32>
      %min3A_666 = arith.minimumf %max3A_621, %min3A_664 : vector<16xf32>
      %max3A_667 = arith.maximumf %max3A_623, %min3A_666 : vector<16xf32>
      %min3A_668 = arith.minimumf %max3A_623, %min3A_666 : vector<16xf32>
      %max3A_669 = arith.maximumf %max3A_625, %min3A_668 : vector<16xf32>
      %min3A_670 = arith.minimumf %max3A_625, %min3A_668 : vector<16xf32>
      %max3A_671 = arith.maximumf %max3A_627, %min3A_670 : vector<16xf32>
      %min3A_672 = arith.minimumf %max3A_627, %min3A_670 : vector<16xf32>
      %max3A_673 = arith.maximumf %max3A_629, %min3A_672 : vector<16xf32>
      %min3A_674 = arith.minimumf %max3A_629, %min3A_672 : vector<16xf32>
      %max3A_675 = arith.maximumf %max3A_631, %min3A_674 : vector<16xf32>
      %min3A_676 = arith.minimumf %max3A_631, %min3A_674 : vector<16xf32>
      %add3A_677 = arith.constant 48 : i32
      %add3A_678 = arith.addi %mul3A_611, %add3A_677 : i32
      %get3A_679 = arith.constant 0 : i32
      %get3A_680 = arith.index_cast %get3A_679 : i32 to index
      %get3A_681 = arith.index_cast %add3A_678 : i32 to index
      %get3A_682 = tpu.vector_load %arg5[%get3A_680, %get3A_681] {strides = array<i32>} : memref<1x32768xf32, #tpu.memory_space<vmem>>, vector<16xf32>,
      %max3A_683 = arith.maximumf %max3A_639, %get3A_682 : vector<16xf32>
      %min3A_684 = arith.minimumf %max3A_639, %get3A_682 : vector<16xf32>
      %max3A_685 = arith.maximumf %max3A_641, %min3A_684 : vector<16xf32>
      %min3A_686 = arith.minimumf %max3A_641, %min3A_684 : vector<16xf32>
      %max3A_687 = arith.maximumf %max3A_643, %min3A_686 : vector<16xf32>
      %min3A_688 = arith.minimumf %max3A_643, %min3A_686 : vector<16xf32>
      %max3A_689 = arith.maximumf %max3A_645, %min3A_688 : vector<16xf32>
      %min3A_690 = arith.minimumf %max3A_645, %min3A_688 : vector<16xf32>
      %max3A_691 = arith.maximumf %max3A_647, %min3A_690 : vector<16xf32>
      %min3A_692 = arith.minimumf %max3A_647, %min3A_690 : vector<16xf32>
      %max3A_693 = arith.maximumf %max3A_649, %min3A_692 : vector<16xf32>
      %min3A_694 = arith.minimumf %max3A_649, %min3A_692 : vector<16xf32>
      %max3A_695 = arith.maximumf %max3A_651, %min3A_694 : vector<16xf32>
      %min3A_696 = arith.minimumf %max3A_651, %min3A_694 : vector<16xf32>
      %max3A_697 = arith.maximumf %max3A_653, %min3A_696 : vector<16xf32>
      %min3A_698 = arith.minimumf %max3A_653, %min3A_696 : vector<16xf32>
      %add3A_699 = arith.constant 64 : i32
      %add3A_700 = arith.addi %mul3A_611, %add3A_699 : i32
      %get3A_701 = arith.constant 0 : i32
      %get3A_702 = arith.index_cast %get3A_701 : i32 to index
      %get3A_703 = arith.index_cast %add3A_700 : i32 to index
      %get3A_704 = tpu.vector_load %arg5[%get3A_702, %get3A_703] {strides = array<i32>} : memref<1x32768xf32, #tpu.memory_space<vmem>>, vector<16xf32>,
      %max3A_705 = arith.maximumf %max3A_661, %get3A_704 : vector<16xf32>
      %min3A_706 = arith.minimumf %max3A_661, %get3A_704 : vector<16xf32>
      %max3A_707 = arith.maximumf %max3A_663, %min3A_706 : vector<16xf32>
      %min3A_708 = arith.minimumf %max3A_663, %min3A_706 : vector<16xf32>
      %max3A_709 = arith.maximumf %max3A_665, %min3A_708 : vector<16xf32>
      %min3A_710 = arith.minimumf %max3A_665, %min3A_708 : vector<16xf32>
      %max3A_711 = arith.maximumf %max3A_667, %min3A_710 : vector<16xf32>
      %min3A_712 = arith.minimumf %max3A_667, %min3A_710 : vector<16xf32>
      %max3A_713 = arith.maximumf %max3A_669, %min3A_712 : vector<16xf32>
      %min3A_714 = arith.minimumf %max3A_669, %min3A_712 : vector<16xf32>
      %max3A_715 = arith.maximumf %max3A_671, %min3A_714 : vector<16xf32>
      %min3A_716 = arith.minimumf %max3A_671, %min3A_714 : vector<16xf32>
      %max3A_717 = arith.maximumf %max3A_673, %min3A_716 : vector<16xf32>
      %min3A_718 = arith.minimumf %max3A_673, %min3A_716 : vector<16xf32>
      %max3A_719 = arith.maximumf %max3A_675, %min3A_718 : vector<16xf32>
      %min3A_720 = arith.minimumf %max3A_675, %min3A_718 : vector<16xf32>
      %add3A_721 = arith.constant 80 : i32
      %add3A_722 = arith.addi %mul3A_611, %add3A_721 : i32
      %get3A_723 = arith.constant 0 : i32
      %get3A_724 = arith.index_cast %get3A_723 : i32 to index
      %get3A_725 = arith.index_cast %add3A_722 : i32 to index
      %get3A_726 = tpu.vector_load %arg5[%get3A_724, %get3A_725] {strides = array<i32>} : memref<1x32768xf32, #tpu.memory_space<vmem>>, vector<16xf32>,
      %max3A_727 = arith.maximumf %max3A_683, %get3A_726 : vector<16xf32>
      %min3A_728 = arith.minimumf %max3A_683, %get3A_726 : vector<16xf32>
      %max3A_729 = arith.maximumf %max3A_685, %min3A_728 : vector<16xf32>
      %min3A_730 = arith.minimumf %max3A_685, %min3A_728 : vector<16xf32>
      %max3A_731 = arith.maximumf %max3A_687, %min3A_730 : vector<16xf32>
      %min3A_732 = arith.minimumf %max3A_687, %min3A_730 : vector<16xf32>
      %max3A_733 = arith.maximumf %max3A_689, %min3A_732 : vector<16xf32>
      %min3A_734 = arith.minimumf %max3A_689, %min3A_732 : vector<16xf32>
      %max3A_735 = arith.maximumf %max3A_691, %min3A_734 : vector<16xf32>
      %min3A_736 = arith.minimumf %max3A_691, %min3A_734 : vector<16xf32>
      %max3A_737 = arith.maximumf %max3A_693, %min3A_736 : vector<16xf32>
      %min3A_738 = arith.minimumf %max3A_693, %min3A_736 : vector<16xf32>
      %max3A_739 = arith.maximumf %max3A_695, %min3A_738 : vector<16xf32>
      %min3A_740 = arith.minimumf %max3A_695, %min3A_738 : vector<16xf32>
      %max3A_741 = arith.maximumf %max3A_697, %min3A_740 : vector<16xf32>
      %min3A_742 = arith.minimumf %max3A_697, %min3A_740 : vector<16xf32>
      %add3A_743 = arith.constant 96 : i32
      %add3A_744 = arith.addi %mul3A_611, %add3A_743 : i32
      %get3A_745 = arith.constant 0 : i32
      %get3A_746 = arith.index_cast %get3A_745 : i32 to index
      %get3A_747 = arith.index_cast %add3A_744 : i32 to index
      %get3A_748 = tpu.vector_load %arg5[%get3A_746, %get3A_747] {strides = array<i32>} : memref<1x32768xf32, #tpu.memory_space<vmem>>, vector<16xf32>,
      %max3A_749 = arith.maximumf %max3A_705, %get3A_748 : vector<16xf32>
      %min3A_750 = arith.minimumf %max3A_705, %get3A_748 : vector<16xf32>
      %max3A_751 = arith.maximumf %max3A_707, %min3A_750 : vector<16xf32>
      %min3A_752 = arith.minimumf %max3A_707, %min3A_750 : vector<16xf32>
      %max3A_753 = arith.maximumf %max3A_709, %min3A_752 : vector<16xf32>
      %min3A_754 = arith.minimumf %max3A_709, %min3A_752 : vector<16xf32>
      %max3A_755 = arith.maximumf %max3A_711, %min3A_754 : vector<16xf32>
      %min3A_756 = arith.minimumf %max3A_711, %min3A_754 : vector<16xf32>
      %max3A_757 = arith.maximumf %max3A_713, %min3A_756 : vector<16xf32>
      %min3A_758 = arith.minimumf %max3A_713, %min3A_756 : vector<16xf32>
      %max3A_759 = arith.maximumf %max3A_715, %min3A_758 : vector<16xf32>
      %min3A_760 = arith.minimumf %max3A_715, %min3A_758 : vector<16xf32>
      %max3A_761 = arith.maximumf %max3A_717, %min3A_760 : vector<16xf32>
      %min3A_762 = arith.minimumf %max3A_717, %min3A_760 : vector<16xf32>
      %max3A_763 = arith.maximumf %max3A_719, %min3A_762 : vector<16xf32>
      %min3A_764 = arith.minimumf %max3A_719, %min3A_762 : vector<16xf32>
      %add3A_765 = arith.constant 112 : i32
      %add3A_766 = arith.addi %mul3A_611, %add3A_765 : i32
      %get3A_767 = arith.constant 0 : i32
      %get3A_768 = arith.index_cast %get3A_767 : i32 to index
      %get3A_769 = arith.index_cast %add3A_766 : i32 to index
      %get3A_770 = tpu.vector_load %arg5[%get3A_768, %get3A_769] {strides = array<i32>} : memref<1x32768xf32, #tpu.memory_space<vmem>>, vector<16xf32>,
      %max3A_771 = arith.maximumf %max3A_727, %get3A_770 : vector<16xf32>
      %min3A_772 = arith.minimumf %max3A_727, %get3A_770 : vector<16xf32>
      %max3A_773 = arith.maximumf %max3A_729, %min3A_772 : vector<16xf32>
      %min3A_774 = arith.minimumf %max3A_729, %min3A_772 : vector<16xf32>
      %max3A_775 = arith.maximumf %max3A_731, %min3A_774 : vector<16xf32>
      %min3A_776 = arith.minimumf %max3A_731, %min3A_774 : vector<16xf32>
      %max3A_777 = arith.maximumf %max3A_733, %min3A_776 : vector<16xf32>
      %min3A_778 = arith.minimumf %max3A_733, %min3A_776 : vector<16xf32>
      %max3A_779 = arith.maximumf %max3A_735, %min3A_778 : vector<16xf32>
      %min3A_780 = arith.minimumf %max3A_735, %min3A_778 : vector<16xf32>
      %max3A_781 = arith.maximumf %max3A_737, %min3A_780 : vector<16xf32>
      %min3A_782 = arith.minimumf %max3A_737, %min3A_780 : vector<16xf32>
      %max3A_783 = arith.maximumf %max3A_739, %min3A_782 : vector<16xf32>
      %min3A_784 = arith.minimumf %max3A_739, %min3A_782 : vector<16xf32>
      %max3A_785 = arith.maximumf %max3A_741, %min3A_784 : vector<16xf32>
      %min3A_786 = arith.minimumf %max3A_741, %min3A_784 : vector<16xf32>
      %add3A_787 = arith.constant 128 : i32
      %add3A_788 = arith.addi %mul3A_611, %add3A_787 : i32
      %get3A_789 = arith.constant 0 : i32
      %get3A_790 = arith.index_cast %get3A_789 : i32 to index
      %get3A_791 = arith.index_cast %add3A_788 : i32 to index
      %get3A_792 = tpu.vector_load %arg5[%get3A_790, %get3A_791] {strides = array<i32>} : memref<1x32768xf32, #tpu.memory_space<vmem>>, vector<16xf32>,
      %max3A_793 = arith.maximumf %max3A_749, %get3A_792 : vector<16xf32>
      %min3A_794 = arith.minimumf %max3A_749, %get3A_792 : vector<16xf32>
      %max3A_795 = arith.maximumf %max3A_751, %min3A_794 : vector<16xf32>
      %min3A_796 = arith.minimumf %max3A_751, %min3A_794 : vector<16xf32>
      %max3A_797 = arith.maximumf %max3A_753, %min3A_796 : vector<16xf32>
      %min3A_798 = arith.minimumf %max3A_753, %min3A_796 : vector<16xf32>
      %max3A_799 = arith.maximumf %max3A_755, %min3A_798 : vector<16xf32>
      %min3A_800 = arith.minimumf %max3A_755, %min3A_798 : vector<16xf32>
      %max3A_801 = arith.maximumf %max3A_757, %min3A_800 : vector<16xf32>
      %min3A_802 = arith.minimumf %max3A_757, %min3A_800 : vector<16xf32>
      %max3A_803 = arith.maximumf %max3A_759, %min3A_802 : vector<16xf32>
      %min3A_804 = arith.minimumf %max3A_759, %min3A_802 : vector<16xf32>
      %max3A_805 = arith.maximumf %max3A_761, %min3A_804 : vector<16xf32>
      %min3A_806 = arith.minimumf %max3A_761, %min3A_804 : vector<16xf32>
      %max3A_807 = arith.maximumf %max3A_763, %min3A_806 : vector<16xf32>
      %min3A_808 = arith.minimumf %max3A_763, %min3A_806 : vector<16xf32>
      %add3A_809 = arith.constant 144 : i32
      %add3A_810 = arith.addi %mul3A_611, %add3A_809 : i32
      %get3A_811 = arith.constant 0 : i32
      %get3A_812 = arith.index_cast %get3A_811 : i32 to index
      %get3A_813 = arith.index_cast %add3A_810 : i32 to index
      %get3A_814 = tpu.vector_load %arg5[%get3A_812, %get3A_813] {strides = array<i32>} : memref<1x32768xf32, #tpu.memory_space<vmem>>, vector<16xf32>,
      %max3A_815 = arith.maximumf %max3A_771, %get3A_814 : vector<16xf32>
      %min3A_816 = arith.minimumf %max3A_771, %get3A_814 : vector<16xf32>
      %max3A_817 = arith.maximumf %max3A_773, %min3A_816 : vector<16xf32>
      %min3A_818 = arith.minimumf %max3A_773, %min3A_816 : vector<16xf32>
      %max3A_819 = arith.maximumf %max3A_775, %min3A_818 : vector<16xf32>
      %min3A_820 = arith.minimumf %max3A_775, %min3A_818 : vector<16xf32>
      %max3A_821 = arith.maximumf %max3A_777, %min3A_820 : vector<16xf32>
      %min3A_822 = arith.minimumf %max3A_777, %min3A_820 : vector<16xf32>
      %max3A_823 = arith.maximumf %max3A_779, %min3A_822 : vector<16xf32>
      %min3A_824 = arith.minimumf %max3A_779, %min3A_822 : vector<16xf32>
      %max3A_825 = arith.maximumf %max3A_781, %min3A_824 : vector<16xf32>
      %min3A_826 = arith.minimumf %max3A_781, %min3A_824 : vector<16xf32>
      %max3A_827 = arith.maximumf %max3A_783, %min3A_826 : vector<16xf32>
      %min3A_828 = arith.minimumf %max3A_783, %min3A_826 : vector<16xf32>
      %max3A_829 = arith.maximumf %max3A_785, %min3A_828 : vector<16xf32>
      %min3A_830 = arith.minimumf %max3A_785, %min3A_828 : vector<16xf32>
      %add3A_831 = arith.constant 160 : i32
      %add3A_832 = arith.addi %mul3A_611, %add3A_831 : i32
      %get3A_833 = arith.constant 0 : i32
      %get3A_834 = arith.index_cast %get3A_833 : i32 to index
      %get3A_835 = arith.index_cast %add3A_832 : i32 to index
      %get3A_836 = tpu.vector_load %arg5[%get3A_834, %get3A_835] {strides = array<i32>} : memref<1x32768xf32, #tpu.memory_space<vmem>>, vector<16xf32>,
      %max3A_837 = arith.maximumf %max3A_793, %get3A_836 : vector<16xf32>
      %min3A_838 = arith.minimumf %max3A_793, %get3A_836 : vector<16xf32>
      %max3A_839 = arith.maximumf %max3A_795, %min3A_838 : vector<16xf32>
      %min3A_840 = arith.minimumf %max3A_795, %min3A_838 : vector<16xf32>
      %max3A_841 = arith.maximumf %max3A_797, %min3A_840 : vector<16xf32>
      %min3A_842 = arith.minimumf %max3A_797, %min3A_840 : vector<16xf32>
      %max3A_843 = arith.maximumf %max3A_799, %min3A_842 : vector<16xf32>
      %min3A_844 = arith.minimumf %max3A_799, %min3A_842 : vector<16xf32>
      %max3A_845 = arith.maximumf %max3A_801, %min3A_844 : vector<16xf32>
      %min3A_846 = arith.minimumf %max3A_801, %min3A_844 : vector<16xf32>
      %max3A_847 = arith.maximumf %max3A_803, %min3A_846 : vector<16xf32>
      %min3A_848 = arith.minimumf %max3A_803, %min3A_846 : vector<16xf32>
      %max3A_849 = arith.maximumf %max3A_805, %min3A_848 : vector<16xf32>
      %min3A_850 = arith.minimumf %max3A_805, %min3A_848 : vector<16xf32>
      %max3A_851 = arith.maximumf %max3A_807, %min3A_850 : vector<16xf32>
      %min3A_852 = arith.minimumf %max3A_807, %min3A_850 : vector<16xf32>
      %add3A_853 = arith.constant 176 : i32
      %add3A_854 = arith.addi %mul3A_611, %add3A_853 : i32
      %get3A_855 = arith.constant 0 : i32
      %get3A_856 = arith.index_cast %get3A_855 : i32 to index
      %get3A_857 = arith.index_cast %add3A_854 : i32 to index
      %get3A_858 = tpu.vector_load %arg5[%get3A_856, %get3A_857] {strides = array<i32>} : memref<1x32768xf32, #tpu.memory_space<vmem>>, vector<16xf32>,
      %max3A_859 = arith.maximumf %max3A_815, %get3A_858 : vector<16xf32>
      %min3A_860 = arith.minimumf %max3A_815, %get3A_858 : vector<16xf32>
      %max3A_861 = arith.maximumf %max3A_817, %min3A_860 : vector<16xf32>
      %min3A_862 = arith.minimumf %max3A_817, %min3A_860 : vector<16xf32>
      %max3A_863 = arith.maximumf %max3A_819, %min3A_862 : vector<16xf32>
      %min3A_864 = arith.minimumf %max3A_819, %min3A_862 : vector<16xf32>
      %max3A_865 = arith.maximumf %max3A_821, %min3A_864 : vector<16xf32>
      %min3A_866 = arith.minimumf %max3A_821, %min3A_864 : vector<16xf32>
      %max3A_867 = arith.maximumf %max3A_823, %min3A_866 : vector<16xf32>
      %min3A_868 = arith.minimumf %max3A_823, %min3A_866 : vector<16xf32>
      %max3A_869 = arith.maximumf %max3A_825, %min3A_868 : vector<16xf32>
      %min3A_870 = arith.minimumf %max3A_825, %min3A_868 : vector<16xf32>
      %max3A_871 = arith.maximumf %max3A_827, %min3A_870 : vector<16xf32>
      %min3A_872 = arith.minimumf %max3A_827, %min3A_870 : vector<16xf32>
      %max3A_873 = arith.maximumf %max3A_829, %min3A_872 : vector<16xf32>
      %min3A_874 = arith.minimumf %max3A_829, %min3A_872 : vector<16xf32>
      %add3A_875 = arith.constant 192 : i32
      %add3A_876 = arith.addi %mul3A_611, %add3A_875 : i32
      %get3A_877 = arith.constant 0 : i32
      %get3A_878 = arith.index_cast %get3A_877 : i32 to index
      %get3A_879 = arith.index_cast %add3A_876 : i32 to index
      %get3A_880 = tpu.vector_load %arg5[%get3A_878, %get3A_879] {strides = array<i32>} : memref<1x32768xf32, #tpu.memory_space<vmem>>, vector<16xf32>,
      %max3A_881 = arith.maximumf %max3A_837, %get3A_880 : vector<16xf32>
      %min3A_882 = arith.minimumf %max3A_837, %get3A_880 : vector<16xf32>
      %max3A_883 = arith.maximumf %max3A_839, %min3A_882 : vector<16xf32>
      %min3A_884 = arith.minimumf %max3A_839, %min3A_882 : vector<16xf32>
      %max3A_885 = arith.maximumf %max3A_841, %min3A_884 : vector<16xf32>
      %min3A_886 = arith.minimumf %max3A_841, %min3A_884 : vector<16xf32>
      %max3A_887 = arith.maximumf %max3A_843, %min3A_886 : vector<16xf32>
      %min3A_888 = arith.minimumf %max3A_843, %min3A_886 : vector<16xf32>
      %max3A_889 = arith.maximumf %max3A_845, %min3A_888 : vector<16xf32>
      %min3A_890 = arith.minimumf %max3A_845, %min3A_888 : vector<16xf32>
      %max3A_891 = arith.maximumf %max3A_847, %min3A_890 : vector<16xf32>
      %min3A_892 = arith.minimumf %max3A_847, %min3A_890 : vector<16xf32>
      %max3A_893 = arith.maximumf %max3A_849, %min3A_892 : vector<16xf32>
      %min3A_894 = arith.minimumf %max3A_849, %min3A_892 : vector<16xf32>
      %max3A_895 = arith.maximumf %max3A_851, %min3A_894 : vector<16xf32>
      %min3A_896 = arith.minimumf %max3A_851, %min3A_894 : vector<16xf32>
      %add3A_897 = arith.constant 208 : i32
      %add3A_898 = arith.addi %mul3A_611, %add3A_897 : i32
      %get3A_899 = arith.constant 0 : i32
      %get3A_900 = arith.index_cast %get3A_899 : i32 to index
      %get3A_901 = arith.index_cast %add3A_898 : i32 to index
      %get3A_902 = tpu.vector_load %arg5[%get3A_900, %get3A_901] {strides = array<i32>} : memref<1x32768xf32, #tpu.memory_space<vmem>>, vector<16xf32>,
      %max3A_903 = arith.maximumf %max3A_859, %get3A_902 : vector<16xf32>
      %min3A_904 = arith.minimumf %max3A_859, %get3A_902 : vector<16xf32>
      %max3A_905 = arith.maximumf %max3A_861, %min3A_904 : vector<16xf32>
      %min3A_906 = arith.minimumf %max3A_861, %min3A_904 : vector<16xf32>
      %max3A_907 = arith.maximumf %max3A_863, %min3A_906 : vector<16xf32>
      %min3A_908 = arith.minimumf %max3A_863, %min3A_906 : vector<16xf32>
      %max3A_909 = arith.maximumf %max3A_865, %min3A_908 : vector<16xf32>
      %min3A_910 = arith.minimumf %max3A_865, %min3A_908 : vector<16xf32>
      %max3A_911 = arith.maximumf %max3A_867, %min3A_910 : vector<16xf32>
      %min3A_912 = arith.minimumf %max3A_867, %min3A_910 : vector<16xf32>
      %max3A_913 = arith.maximumf %max3A_869, %min3A_912 : vector<16xf32>
      %min3A_914 = arith.minimumf %max3A_869, %min3A_912 : vector<16xf32>
      %max3A_915 = arith.maximumf %max3A_871, %min3A_914 : vector<16xf32>
      %min3A_916 = arith.minimumf %max3A_871, %min3A_914 : vector<16xf32>
      %max3A_917 = arith.maximumf %max3A_873, %min3A_916 : vector<16xf32>
      %min3A_918 = arith.minimumf %max3A_873, %min3A_916 : vector<16xf32>
      %add3A_919 = arith.constant 224 : i32
      %add3A_920 = arith.addi %mul3A_611, %add3A_919 : i32
      %get3A_921 = arith.constant 0 : i32
      %get3A_922 = arith.index_cast %get3A_921 : i32 to index
      %get3A_923 = arith.index_cast %add3A_920 : i32 to index
      %get3A_924 = tpu.vector_load %arg5[%get3A_922, %get3A_923] {strides = array<i32>} : memref<1x32768xf32, #tpu.memory_space<vmem>>, vector<16xf32>,
      %max3A_925 = arith.maximumf %max3A_881, %get3A_924 : vector<16xf32>
      %min3A_926 = arith.minimumf %max3A_881, %get3A_924 : vector<16xf32>
      %max3A_927 = arith.maximumf %max3A_883, %min3A_926 : vector<16xf32>
      %min3A_928 = arith.minimumf %max3A_883, %min3A_926 : vector<16xf32>
      %max3A_929 = arith.maximumf %max3A_885, %min3A_928 : vector<16xf32>
      %min3A_930 = arith.minimumf %max3A_885, %min3A_928 : vector<16xf32>
      %max3A_931 = arith.maximumf %max3A_887, %min3A_930 : vector<16xf32>
      %min3A_932 = arith.minimumf %max3A_887, %min3A_930 : vector<16xf32>
      %max3A_933 = arith.maximumf %max3A_889, %min3A_932 : vector<16xf32>
      %min3A_934 = arith.minimumf %max3A_889, %min3A_932 : vector<16xf32>
      %max3A_935 = arith.maximumf %max3A_891, %min3A_934 : vector<16xf32>
      %min3A_936 = arith.minimumf %max3A_891, %min3A_934 : vector<16xf32>
      %max3A_937 = arith.maximumf %max3A_893, %min3A_936 : vector<16xf32>
      %min3A_938 = arith.minimumf %max3A_893, %min3A_936 : vector<16xf32>
      %max3A_939 = arith.maximumf %max3A_895, %min3A_938 : vector<16xf32>
      %min3A_940 = arith.minimumf %max3A_895, %min3A_938 : vector<16xf32>
      %add3A_941 = arith.constant 240 : i32
      %add3A_942 = arith.addi %mul3A_611, %add3A_941 : i32
      %get3A_943 = arith.constant 0 : i32
      %get3A_944 = arith.index_cast %get3A_943 : i32 to index
      %get3A_945 = arith.index_cast %add3A_942 : i32 to index
      %get3A_946 = tpu.vector_load %arg5[%get3A_944, %get3A_945] {strides = array<i32>} : memref<1x32768xf32, #tpu.memory_space<vmem>>, vector<16xf32>,
      %max3A_947 = arith.maximumf %max3A_903, %get3A_946 : vector<16xf32>
      %min3A_948 = arith.minimumf %max3A_903, %get3A_946 : vector<16xf32>
      %max3A_949 = arith.maximumf %max3A_905, %min3A_948 : vector<16xf32>
      %min3A_950 = arith.minimumf %max3A_905, %min3A_948 : vector<16xf32>
      %max3A_951 = arith.maximumf %max3A_907, %min3A_950 : vector<16xf32>
      %min3A_952 = arith.minimumf %max3A_907, %min3A_950 : vector<16xf32>
      %max3A_953 = arith.maximumf %max3A_909, %min3A_952 : vector<16xf32>
      %min3A_954 = arith.minimumf %max3A_909, %min3A_952 : vector<16xf32>
      %max3A_955 = arith.maximumf %max3A_911, %min3A_954 : vector<16xf32>
      %min3A_956 = arith.minimumf %max3A_911, %min3A_954 : vector<16xf32>
      %max3A_957 = arith.maximumf %max3A_913, %min3A_956 : vector<16xf32>
      %min3A_958 = arith.minimumf %max3A_913, %min3A_956 : vector<16xf32>
      %max3A_959 = arith.maximumf %max3A_915, %min3A_958 : vector<16xf32>
      %min3A_960 = arith.minimumf %max3A_915, %min3A_958 : vector<16xf32>
      %max3A_961 = arith.maximumf %max3A_917, %min3A_960 : vector<16xf32>
      %min3A_962 = arith.minimumf %max3A_917, %min3A_960 : vector<16xf32>
      %add3A_963 = arith.constant 256 : i32
      %add3A_964 = arith.addi %mul3A_611, %add3A_963 : i32
      %get3A_965 = arith.constant 0 : i32
      %get3A_966 = arith.index_cast %get3A_965 : i32 to index
      %get3A_967 = arith.index_cast %add3A_964 : i32 to index
      %get3A_968 = tpu.vector_load %arg5[%get3A_966, %get3A_967] {strides = array<i32>} : memref<1x32768xf32, #tpu.memory_space<vmem>>, vector<16xf32>,
      %max3A_969 = arith.maximumf %max3A_925, %get3A_968 : vector<16xf32>
      %min3A_970 = arith.minimumf %max3A_925, %get3A_968 : vector<16xf32>
      %max3A_971 = arith.maximumf %max3A_927, %min3A_970 : vector<16xf32>
      %min3A_972 = arith.minimumf %max3A_927, %min3A_970 : vector<16xf32>
      %max3A_973 = arith.maximumf %max3A_929, %min3A_972 : vector<16xf32>
      %min3A_974 = arith.minimumf %max3A_929, %min3A_972 : vector<16xf32>
      %max3A_975 = arith.maximumf %max3A_931, %min3A_974 : vector<16xf32>
      %min3A_976 = arith.minimumf %max3A_931, %min3A_974 : vector<16xf32>
      %max3A_977 = arith.maximumf %max3A_933, %min3A_976 : vector<16xf32>
      %min3A_978 = arith.minimumf %max3A_933, %min3A_976 : vector<16xf32>
      %max3A_979 = arith.maximumf %max3A_935, %min3A_978 : vector<16xf32>
      %min3A_980 = arith.minimumf %max3A_935, %min3A_978 : vector<16xf32>
      %max3A_981 = arith.maximumf %max3A_937, %min3A_980 : vector<16xf32>
      %min3A_982 = arith.minimumf %max3A_937, %min3A_980 : vector<16xf32>
      %max3A_983 = arith.maximumf %max3A_939, %min3A_982 : vector<16xf32>
      %min3A_984 = arith.minimumf %max3A_939, %min3A_982 : vector<16xf32>
      %add3A_985 = arith.constant 272 : i32
      %add3A_986 = arith.addi %mul3A_611, %add3A_985 : i32
      %get3A_987 = arith.constant 0 : i32
      %get3A_988 = arith.index_cast %get3A_987 : i32 to index
      %get3A_989 = arith.index_cast %add3A_986 : i32 to index
      %get3A_990 = tpu.vector_load %arg5[%get3A_988, %get3A_989] {strides = array<i32>} : memref<1x32768xf32, #tpu.memory_space<vmem>>, vector<16xf32>,
      %max3A_991 = arith.maximumf %max3A_947, %get3A_990 : vector<16xf32>
      %min3A_992 = arith.minimumf %max3A_947, %get3A_990 : vector<16xf32>
      %max3A_993 = arith.maximumf %max3A_949, %min3A_992 : vector<16xf32>
      %min3A_994 = arith.minimumf %max3A_949, %min3A_992 : vector<16xf32>
      %max3A_995 = arith.maximumf %max3A_951, %min3A_994 : vector<16xf32>
      %min3A_996 = arith.minimumf %max3A_951, %min3A_994 : vector<16xf32>
      %max3A_997 = arith.maximumf %max3A_953, %min3A_996 : vector<16xf32>
      %min3A_998 = arith.minimumf %max3A_953, %min3A_996 : vector<16xf32>
      %max3A_999 = arith.maximumf %max3A_955, %min3A_998 : vector<16xf32>
      %min3A_1000 = arith.minimumf %max3A_955, %min3A_998 : vector<16xf32>
      %max3A_1001 = arith.maximumf %max3A_957, %min3A_1000 : vector<16xf32>
      %min3A_1002 = arith.minimumf %max3A_957, %min3A_1000 : vector<16xf32>
      %max3A_1003 = arith.maximumf %max3A_959, %min3A_1002 : vector<16xf32>
      %min3A_1004 = arith.minimumf %max3A_959, %min3A_1002 : vector<16xf32>
      %max3A_1005 = arith.maximumf %max3A_961, %min3A_1004 : vector<16xf32>
      %min3A_1006 = arith.minimumf %max3A_961, %min3A_1004 : vector<16xf32>
      %add3A_1007 = arith.constant 288 : i32
      %add3A_1008 = arith.addi %mul3A_611, %add3A_1007 : i32
      %get3A_1009 = arith.constant 0 : i32
      %get3A_1010 = arith.index_cast %get3A_1009 : i32 to index
      %get3A_1011 = arith.index_cast %add3A_1008 : i32 to index
      %get3A_1012 = tpu.vector_load %arg5[%get3A_1010, %get3A_1011] {strides = array<i32>} : memref<1x32768xf32, #tpu.memory_space<vmem>>, vector<16xf32>,
      %max3A_1013 = arith.maximumf %max3A_969, %get3A_1012 : vector<16xf32>
      %min3A_1014 = arith.minimumf %max3A_969, %get3A_1012 : vector<16xf32>
      %max3A_1015 = arith.maximumf %max3A_971, %min3A_1014 : vector<16xf32>
      %min3A_1016 = arith.minimumf %max3A_971, %min3A_1014 : vector<16xf32>
      %max3A_1017 = arith.maximumf %max3A_973, %min3A_1016 : vector<16xf32>
      %min3A_1018 = arith.minimumf %max3A_973, %min3A_1016 : vector<16xf32>
      %max3A_1019 = arith.maximumf %max3A_975, %min3A_1018 : vector<16xf32>
      %min3A_1020 = arith.minimumf %max3A_975, %min3A_1018 : vector<16xf32>
      %max3A_1021 = arith.maximumf %max3A_977, %min3A_1020 : vector<16xf32>
      %min3A_1022 = arith.minimumf %max3A_977, %min3A_1020 : vector<16xf32>
      %max3A_1023 = arith.maximumf %max3A_979, %min3A_1022 : vector<16xf32>
      %min3A_1024 = arith.minimumf %max3A_979, %min3A_1022 : vector<16xf32>
      %max3A_1025 = arith.maximumf %max3A_981, %min3A_1024 : vector<16xf32>
      %min3A_1026 = arith.minimumf %max3A_981, %min3A_1024 : vector<16xf32>
      %max3A_1027 = arith.maximumf %max3A_983, %min3A_1026 : vector<16xf32>
      %min3A_1028 = arith.minimumf %max3A_983, %min3A_1026 : vector<16xf32>
      %add3A_1029 = arith.constant 304 : i32
      %add3A_1030 = arith.addi %mul3A_611, %add3A_1029 : i32
      %get3A_1031 = arith.constant 0 : i32
      %get3A_1032 = arith.index_cast %get3A_1031 : i32 to index
      %get3A_1033 = arith.index_cast %add3A_1030 : i32 to index
      %get3A_1034 = tpu.vector_load %arg5[%get3A_1032, %get3A_1033] {strides = array<i32>} : memref<1x32768xf32, #tpu.memory_space<vmem>>, vector<16xf32>,
      %max3A_1035 = arith.maximumf %max3A_991, %get3A_1034 : vector<16xf32>
      %min3A_1036 = arith.minimumf %max3A_991, %get3A_1034 : vector<16xf32>
      %max3A_1037 = arith.maximumf %max3A_993, %min3A_1036 : vector<16xf32>
      %min3A_1038 = arith.minimumf %max3A_993, %min3A_1036 : vector<16xf32>
      %max3A_1039 = arith.maximumf %max3A_995, %min3A_1038 : vector<16xf32>
      %min3A_1040 = arith.minimumf %max3A_995, %min3A_1038 : vector<16xf32>
      %max3A_1041 = arith.maximumf %max3A_997, %min3A_1040 : vector<16xf32>
      %min3A_1042 = arith.minimumf %max3A_997, %min3A_1040 : vector<16xf32>
      %max3A_1043 = arith.maximumf %max3A_999, %min3A_1042 : vector<16xf32>
      %min3A_1044 = arith.minimumf %max3A_999, %min3A_1042 : vector<16xf32>
      %max3A_1045 = arith.maximumf %max3A_1001, %min3A_1044 : vector<16xf32>
      %min3A_1046 = arith.minimumf %max3A_1001, %min3A_1044 : vector<16xf32>
      %max3A_1047 = arith.maximumf %max3A_1003, %min3A_1046 : vector<16xf32>
      %min3A_1048 = arith.minimumf %max3A_1003, %min3A_1046 : vector<16xf32>
      %max3A_1049 = arith.maximumf %max3A_1005, %min3A_1048 : vector<16xf32>
      %min3A_1050 = arith.minimumf %max3A_1005, %min3A_1048 : vector<16xf32>
      %add3A_1051 = arith.constant 320 : i32
      %add3A_1052 = arith.addi %mul3A_611, %add3A_1051 : i32
      %get3A_1053 = arith.constant 0 : i32
      %get3A_1054 = arith.index_cast %get3A_1053 : i32 to index
      %get3A_1055 = arith.index_cast %add3A_1052 : i32 to index
      %get3A_1056 = tpu.vector_load %arg5[%get3A_1054, %get3A_1055] {strides = array<i32>} : memref<1x32768xf32, #tpu.memory_space<vmem>>, vector<16xf32>,
      %max3A_1057 = arith.maximumf %max3A_1013, %get3A_1056 : vector<16xf32>
      %min3A_1058 = arith.minimumf %max3A_1013, %get3A_1056 : vector<16xf32>
      %max3A_1059 = arith.maximumf %max3A_1015, %min3A_1058 : vector<16xf32>
      %min3A_1060 = arith.minimumf %max3A_1015, %min3A_1058 : vector<16xf32>
      %max3A_1061 = arith.maximumf %max3A_1017, %min3A_1060 : vector<16xf32>
      %min3A_1062 = arith.minimumf %max3A_1017, %min3A_1060 : vector<16xf32>
      %max3A_1063 = arith.maximumf %max3A_1019, %min3A_1062 : vector<16xf32>
      %min3A_1064 = arith.minimumf %max3A_1019, %min3A_1062 : vector<16xf32>
      %max3A_1065 = arith.maximumf %max3A_1021, %min3A_1064 : vector<16xf32>
      %min3A_1066 = arith.minimumf %max3A_1021, %min3A_1064 : vector<16xf32>
      %max3A_1067 = arith.maximumf %max3A_1023, %min3A_1066 : vector<16xf32>
      %min3A_1068 = arith.minimumf %max3A_1023, %min3A_1066 : vector<16xf32>
      %max3A_1069 = arith.maximumf %max3A_1025, %min3A_1068 : vector<16xf32>
      %min3A_1070 = arith.minimumf %max3A_1025, %min3A_1068 : vector<16xf32>
      %max3A_1071 = arith.maximumf %max3A_1027, %min3A_1070 : vector<16xf32>
      %min3A_1072 = arith.minimumf %max3A_1027, %min3A_1070 : vector<16xf32>
      %add3A_1073 = arith.constant 336 : i32
      %add3A_1074 = arith.addi %mul3A_611, %add3A_1073 : i32
      %get3A_1075 = arith.constant 0 : i32
      %get3A_1076 = arith.index_cast %get3A_1075 : i32 to index
      %get3A_1077 = arith.index_cast %add3A_1074 : i32 to index
      %get3A_1078 = tpu.vector_load %arg5[%get3A_1076, %get3A_1077] {strides = array<i32>} : memref<1x32768xf32, #tpu.memory_space<vmem>>, vector<16xf32>,
      %max3A_1079 = arith.maximumf %max3A_1035, %get3A_1078 : vector<16xf32>
      %min3A_1080 = arith.minimumf %max3A_1035, %get3A_1078 : vector<16xf32>
      %max3A_1081 = arith.maximumf %max3A_1037, %min3A_1080 : vector<16xf32>
      %min3A_1082 = arith.minimumf %max3A_1037, %min3A_1080 : vector<16xf32>
      %max3A_1083 = arith.maximumf %max3A_1039, %min3A_1082 : vector<16xf32>
      %min3A_1084 = arith.minimumf %max3A_1039, %min3A_1082 : vector<16xf32>
      %max3A_1085 = arith.maximumf %max3A_1041, %min3A_1084 : vector<16xf32>
      %min3A_1086 = arith.minimumf %max3A_1041, %min3A_1084 : vector<16xf32>
      %max3A_1087 = arith.maximumf %max3A_1043, %min3A_1086 : vector<16xf32>
      %min3A_1088 = arith.minimumf %max3A_1043, %min3A_1086 : vector<16xf32>
      %max3A_1089 = arith.maximumf %max3A_1045, %min3A_1088 : vector<16xf32>
      %min3A_1090 = arith.minimumf %max3A_1045, %min3A_1088 : vector<16xf32>
      %max3A_1091 = arith.maximumf %max3A_1047, %min3A_1090 : vector<16xf32>
      %min3A_1092 = arith.minimumf %max3A_1047, %min3A_1090 : vector<16xf32>
      %max3A_1093 = arith.maximumf %max3A_1049, %min3A_1092 : vector<16xf32>
      %min3A_1094 = arith.minimumf %max3A_1049, %min3A_1092 : vector<16xf32>
      %add3A_1095 = arith.constant 352 : i32
      %add3A_1096 = arith.addi %mul3A_611, %add3A_1095 : i32
      %get3A_1097 = arith.constant 0 : i32
      %get3A_1098 = arith.index_cast %get3A_1097 : i32 to index
      %get3A_1099 = arith.index_cast %add3A_1096 : i32 to index
      %get3A_1100 = tpu.vector_load %arg5[%get3A_1098, %get3A_1099] {strides = array<i32>} : memref<1x32768xf32, #tpu.memory_space<vmem>>, vector<16xf32>,
      %max3A_1101 = arith.maximumf %max3A_1057, %get3A_1100 : vector<16xf32>
      %min3A_1102 = arith.minimumf %max3A_1057, %get3A_1100 : vector<16xf32>
      %max3A_1103 = arith.maximumf %max3A_1059, %min3A_1102 : vector<16xf32>
      %min3A_1104 = arith.minimumf %max3A_1059, %min3A_1102 : vector<16xf32>
      %max3A_1105 = arith.maximumf %max3A_1061, %min3A_1104 : vector<16xf32>
      %min3A_1106 = arith.minimumf %max3A_1061, %min3A_1104 : vector<16xf32>
      %max3A_1107 = arith.maximumf %max3A_1063, %min3A_1106 : vector<16xf32>
      %min3A_1108 = arith.minimumf %max3A_1063, %min3A_1106 : vector<16xf32>
      %max3A_1109 = arith.maximumf %max3A_1065, %min3A_1108 : vector<16xf32>
      %min3A_1110 = arith.minimumf %max3A_1065, %min3A_1108 : vector<16xf32>
      %max3A_1111 = arith.maximumf %max3A_1067, %min3A_1110 : vector<16xf32>
      %min3A_1112 = arith.minimumf %max3A_1067, %min3A_1110 : vector<16xf32>
      %max3A_1113 = arith.maximumf %max3A_1069, %min3A_1112 : vector<16xf32>
      %min3A_1114 = arith.minimumf %max3A_1069, %min3A_1112 : vector<16xf32>
      %max3A_1115 = arith.maximumf %max3A_1071, %min3A_1114 : vector<16xf32>
      %min3A_1116 = arith.minimumf %max3A_1071, %min3A_1114 : vector<16xf32>
      %add3A_1117 = arith.constant 368 : i32
      %add3A_1118 = arith.addi %mul3A_611, %add3A_1117 : i32
      %get3A_1119 = arith.constant 0 : i32
      %get3A_1120 = arith.index_cast %get3A_1119 : i32 to index
      %get3A_1121 = arith.index_cast %add3A_1118 : i32 to index
      %get3A_1122 = tpu.vector_load %arg5[%get3A_1120, %get3A_1121] {strides = array<i32>} : memref<1x32768xf32, #tpu.memory_space<vmem>>, vector<16xf32>,
      %max3A_1123 = arith.maximumf %max3A_1079, %get3A_1122 : vector<16xf32>
      %min3A_1124 = arith.minimumf %max3A_1079, %get3A_1122 : vector<16xf32>
      %max3A_1125 = arith.maximumf %max3A_1081, %min3A_1124 : vector<16xf32>
      %min3A_1126 = arith.minimumf %max3A_1081, %min3A_1124 : vector<16xf32>
      %max3A_1127 = arith.maximumf %max3A_1083, %min3A_1126 : vector<16xf32>
      %min3A_1128 = arith.minimumf %max3A_1083, %min3A_1126 : vector<16xf32>
      %max3A_1129 = arith.maximumf %max3A_1085, %min3A_1128 : vector<16xf32>
      %min3A_1130 = arith.minimumf %max3A_1085, %min3A_1128 : vector<16xf32>
      %max3A_1131 = arith.maximumf %max3A_1087, %min3A_1130 : vector<16xf32>
      %min3A_1132 = arith.minimumf %max3A_1087, %min3A_1130 : vector<16xf32>
      %max3A_1133 = arith.maximumf %max3A_1089, %min3A_1132 : vector<16xf32>
      %min3A_1134 = arith.minimumf %max3A_1089, %min3A_1132 : vector<16xf32>
      %max3A_1135 = arith.maximumf %max3A_1091, %min3A_1134 : vector<16xf32>
      %min3A_1136 = arith.minimumf %max3A_1091, %min3A_1134 : vector<16xf32>
      %max3A_1137 = arith.maximumf %max3A_1093, %min3A_1136 : vector<16xf32>
      %min3A_1138 = arith.minimumf %max3A_1093, %min3A_1136 : vector<16xf32>
      %add3A_1139 = arith.constant 384 : i32
      %add3A_1140 = arith.addi %mul3A_611, %add3A_1139 : i32
      %get3A_1141 = arith.constant 0 : i32
      %get3A_1142 = arith.index_cast %get3A_1141 : i32 to index
      %get3A_1143 = arith.index_cast %add3A_1140 : i32 to index
      %get3A_1144 = tpu.vector_load %arg5[%get3A_1142, %get3A_1143] {strides = array<i32>} : memref<1x32768xf32, #tpu.memory_space<vmem>>, vector<16xf32>,
      %max3A_1145 = arith.maximumf %max3A_1101, %get3A_1144 : vector<16xf32>
      %min3A_1146 = arith.minimumf %max3A_1101, %get3A_1144 : vector<16xf32>
      %max3A_1147 = arith.maximumf %max3A_1103, %min3A_1146 : vector<16xf32>
      %min3A_1148 = arith.minimumf %max3A_1103, %min3A_1146 : vector<16xf32>
      %max3A_1149 = arith.maximumf %max3A_1105, %min3A_1148 : vector<16xf32>
      %min3A_1150 = arith.minimumf %max3A_1105, %min3A_1148 : vector<16xf32>
      %max3A_1151 = arith.maximumf %max3A_1107, %min3A_1150 : vector<16xf32>
      %min3A_1152 = arith.minimumf %max3A_1107, %min3A_1150 : vector<16xf32>
      %max3A_1153 = arith.maximumf %max3A_1109, %min3A_1152 : vector<16xf32>
      %min3A_1154 = arith.minimumf %max3A_1109, %min3A_1152 : vector<16xf32>
      %max3A_1155 = arith.maximumf %max3A_1111, %min3A_1154 : vector<16xf32>
      %min3A_1156 = arith.minimumf %max3A_1111, %min3A_1154 : vector<16xf32>
      %max3A_1157 = arith.maximumf %max3A_1113, %min3A_1156 : vector<16xf32>
      %min3A_1158 = arith.minimumf %max3A_1113, %min3A_1156 : vector<16xf32>
      %max3A_1159 = arith.maximumf %max3A_1115, %min3A_1158 : vector<16xf32>
      %min3A_1160 = arith.minimumf %max3A_1115, %min3A_1158 : vector<16xf32>
      %add3A_1161 = arith.constant 400 : i32
      %add3A_1162 = arith.addi %mul3A_611, %add3A_1161 : i32
      %get3A_1163 = arith.constant 0 : i32
      %get3A_1164 = arith.index_cast %get3A_1163 : i32 to index
      %get3A_1165 = arith.index_cast %add3A_1162 : i32 to index
      %get3A_1166 = tpu.vector_load %arg5[%get3A_1164, %get3A_1165] {strides = array<i32>} : memref<1x32768xf32, #tpu.memory_space<vmem>>, vector<16xf32>,
      %max3A_1167 = arith.maximumf %max3A_1123, %get3A_1166 : vector<16xf32>
      %min3A_1168 = arith.minimumf %max3A_1123, %get3A_1166 : vector<16xf32>
      %max3A_1169 = arith.maximumf %max3A_1125, %min3A_1168 : vector<16xf32>
      %min3A_1170 = arith.minimumf %max3A_1125, %min3A_1168 : vector<16xf32>
      %max3A_1171 = arith.maximumf %max3A_1127, %min3A_1170 : vector<16xf32>
      %min3A_1172 = arith.minimumf %max3A_1127, %min3A_1170 : vector<16xf32>
      %max3A_1173 = arith.maximumf %max3A_1129, %min3A_1172 : vector<16xf32>
      %min3A_1174 = arith.minimumf %max3A_1129, %min3A_1172 : vector<16xf32>
      %max3A_1175 = arith.maximumf %max3A_1131, %min3A_1174 : vector<16xf32>
      %min3A_1176 = arith.minimumf %max3A_1131, %min3A_1174 : vector<16xf32>
      %max3A_1177 = arith.maximumf %max3A_1133, %min3A_1176 : vector<16xf32>
      %min3A_1178 = arith.minimumf %max3A_1133, %min3A_1176 : vector<16xf32>
      %max3A_1179 = arith.maximumf %max3A_1135, %min3A_1178 : vector<16xf32>
      %min3A_1180 = arith.minimumf %max3A_1135, %min3A_1178 : vector<16xf32>
      %max3A_1181 = arith.maximumf %max3A_1137, %min3A_1180 : vector<16xf32>
      %min3A_1182 = arith.minimumf %max3A_1137, %min3A_1180 : vector<16xf32>
      %add3A_1183 = arith.constant 416 : i32
      %add3A_1184 = arith.addi %mul3A_611, %add3A_1183 : i32
      %get3A_1185 = arith.constant 0 : i32
      %get3A_1186 = arith.index_cast %get3A_1185 : i32 to index
      %get3A_1187 = arith.index_cast %add3A_1184 : i32 to index
      %get3A_1188 = tpu.vector_load %arg5[%get3A_1186, %get3A_1187] {strides = array<i32>} : memref<1x32768xf32, #tpu.memory_space<vmem>>, vector<16xf32>,
      %max3A_1189 = arith.maximumf %max3A_1145, %get3A_1188 : vector<16xf32>
      %min3A_1190 = arith.minimumf %max3A_1145, %get3A_1188 : vector<16xf32>
      %max3A_1191 = arith.maximumf %max3A_1147, %min3A_1190 : vector<16xf32>
      %min3A_1192 = arith.minimumf %max3A_1147, %min3A_1190 : vector<16xf32>
      %max3A_1193 = arith.maximumf %max3A_1149, %min3A_1192 : vector<16xf32>
      %min3A_1194 = arith.minimumf %max3A_1149, %min3A_1192 : vector<16xf32>
      %max3A_1195 = arith.maximumf %max3A_1151, %min3A_1194 : vector<16xf32>
      %min3A_1196 = arith.minimumf %max3A_1151, %min3A_1194 : vector<16xf32>
      %max3A_1197 = arith.maximumf %max3A_1153, %min3A_1196 : vector<16xf32>
      %min3A_1198 = arith.minimumf %max3A_1153, %min3A_1196 : vector<16xf32>
      %max3A_1199 = arith.maximumf %max3A_1155, %min3A_1198 : vector<16xf32>
      %min3A_1200 = arith.minimumf %max3A_1155, %min3A_1198 : vector<16xf32>
      %max3A_1201 = arith.maximumf %max3A_1157, %min3A_1200 : vector<16xf32>
      %min3A_1202 = arith.minimumf %max3A_1157, %min3A_1200 : vector<16xf32>
      %max3A_1203 = arith.maximumf %max3A_1159, %min3A_1202 : vector<16xf32>
      %min3A_1204 = arith.minimumf %max3A_1159, %min3A_1202 : vector<16xf32>
      %add3A_1205 = arith.constant 432 : i32
      %add3A_1206 = arith.addi %mul3A_611, %add3A_1205 : i32
      %get3A_1207 = arith.constant 0 : i32
      %get3A_1208 = arith.index_cast %get3A_1207 : i32 to index
      %get3A_1209 = arith.index_cast %add3A_1206 : i32 to index
      %get3A_1210 = tpu.vector_load %arg5[%get3A_1208, %get3A_1209] {strides = array<i32>} : memref<1x32768xf32, #tpu.memory_space<vmem>>, vector<16xf32>,
      %max3A_1211 = arith.maximumf %max3A_1167, %get3A_1210 : vector<16xf32>
      %min3A_1212 = arith.minimumf %max3A_1167, %get3A_1210 : vector<16xf32>
      %max3A_1213 = arith.maximumf %max3A_1169, %min3A_1212 : vector<16xf32>
      %min3A_1214 = arith.minimumf %max3A_1169, %min3A_1212 : vector<16xf32>
      %max3A_1215 = arith.maximumf %max3A_1171, %min3A_1214 : vector<16xf32>
      %min3A_1216 = arith.minimumf %max3A_1171, %min3A_1214 : vector<16xf32>
      %max3A_1217 = arith.maximumf %max3A_1173, %min3A_1216 : vector<16xf32>
      %min3A_1218 = arith.minimumf %max3A_1173, %min3A_1216 : vector<16xf32>
      %max3A_1219 = arith.maximumf %max3A_1175, %min3A_1218 : vector<16xf32>
      %min3A_1220 = arith.minimumf %max3A_1175, %min3A_1218 : vector<16xf32>
      %max3A_1221 = arith.maximumf %max3A_1177, %min3A_1220 : vector<16xf32>
      %min3A_1222 = arith.minimumf %max3A_1177, %min3A_1220 : vector<16xf32>
      %max3A_1223 = arith.maximumf %max3A_1179, %min3A_1222 : vector<16xf32>
      %min3A_1224 = arith.minimumf %max3A_1179, %min3A_1222 : vector<16xf32>
      %max3A_1225 = arith.maximumf %max3A_1181, %min3A_1224 : vector<16xf32>
      %min3A_1226 = arith.minimumf %max3A_1181, %min3A_1224 : vector<16xf32>
      %add3A_1227 = arith.constant 448 : i32
      %add3A_1228 = arith.addi %mul3A_611, %add3A_1227 : i32
      %get3A_1229 = arith.constant 0 : i32
      %get3A_1230 = arith.index_cast %get3A_1229 : i32 to index
      %get3A_1231 = arith.index_cast %add3A_1228 : i32 to index
      %get3A_1232 = tpu.vector_load %arg5[%get3A_1230, %get3A_1231] {strides = array<i32>} : memref<1x32768xf32, #tpu.memory_space<vmem>>, vector<16xf32>,
      %max3A_1233 = arith.maximumf %max3A_1189, %get3A_1232 : vector<16xf32>
      %min3A_1234 = arith.minimumf %max3A_1189, %get3A_1232 : vector<16xf32>
      %max3A_1235 = arith.maximumf %max3A_1191, %min3A_1234 : vector<16xf32>
      %min3A_1236 = arith.minimumf %max3A_1191, %min3A_1234 : vector<16xf32>
      %max3A_1237 = arith.maximumf %max3A_1193, %min3A_1236 : vector<16xf32>
      %min3A_1238 = arith.minimumf %max3A_1193, %min3A_1236 : vector<16xf32>
      %max3A_1239 = arith.maximumf %max3A_1195, %min3A_1238 : vector<16xf32>
      %min3A_1240 = arith.minimumf %max3A_1195, %min3A_1238 : vector<16xf32>
      %max3A_1241 = arith.maximumf %max3A_1197, %min3A_1240 : vector<16xf32>
      %min3A_1242 = arith.minimumf %max3A_1197, %min3A_1240 : vector<16xf32>
      %max3A_1243 = arith.maximumf %max3A_1199, %min3A_1242 : vector<16xf32>
      %min3A_1244 = arith.minimumf %max3A_1199, %min3A_1242 : vector<16xf32>
      %max3A_1245 = arith.maximumf %max3A_1201, %min3A_1244 : vector<16xf32>
      %min3A_1246 = arith.minimumf %max3A_1201, %min3A_1244 : vector<16xf32>
      %max3A_1247 = arith.maximumf %max3A_1203, %min3A_1246 : vector<16xf32>
      %min3A_1248 = arith.minimumf %max3A_1203, %min3A_1246 : vector<16xf32>
      %add3A_1249 = arith.constant 464 : i32
      %add3A_1250 = arith.addi %mul3A_611, %add3A_1249 : i32
      %get3A_1251 = arith.constant 0 : i32
      %get3A_1252 = arith.index_cast %get3A_1251 : i32 to index
      %get3A_1253 = arith.index_cast %add3A_1250 : i32 to index
      %get3A_1254 = tpu.vector_load %arg5[%get3A_1252, %get3A_1253] {strides = array<i32>} : memref<1x32768xf32, #tpu.memory_space<vmem>>, vector<16xf32>,
      %max3A_1255 = arith.maximumf %max3A_1211, %get3A_1254 : vector<16xf32>
      %min3A_1256 = arith.minimumf %max3A_1211, %get3A_1254 : vector<16xf32>
      %max3A_1257 = arith.maximumf %max3A_1213, %min3A_1256 : vector<16xf32>
      %min3A_1258 = arith.minimumf %max3A_1213, %min3A_1256 : vector<16xf32>
      %max3A_1259 = arith.maximumf %max3A_1215, %min3A_1258 : vector<16xf32>
      %min3A_1260 = arith.minimumf %max3A_1215, %min3A_1258 : vector<16xf32>
      %max3A_1261 = arith.maximumf %max3A_1217, %min3A_1260 : vector<16xf32>
      %min3A_1262 = arith.minimumf %max3A_1217, %min3A_1260 : vector<16xf32>
      %max3A_1263 = arith.maximumf %max3A_1219, %min3A_1262 : vector<16xf32>
      %min3A_1264 = arith.minimumf %max3A_1219, %min3A_1262 : vector<16xf32>
      %max3A_1265 = arith.maximumf %max3A_1221, %min3A_1264 : vector<16xf32>
      %min3A_1266 = arith.minimumf %max3A_1221, %min3A_1264 : vector<16xf32>
      %max3A_1267 = arith.maximumf %max3A_1223, %min3A_1266 : vector<16xf32>
      %min3A_1268 = arith.minimumf %max3A_1223, %min3A_1266 : vector<16xf32>
      %max3A_1269 = arith.maximumf %max3A_1225, %min3A_1268 : vector<16xf32>
      %min3A_1270 = arith.minimumf %max3A_1225, %min3A_1268 : vector<16xf32>
      %add3A_1271 = arith.constant 480 : i32
      %add3A_1272 = arith.addi %mul3A_611, %add3A_1271 : i32
      %get3A_1273 = arith.constant 0 : i32
      %get3A_1274 = arith.index_cast %get3A_1273 : i32 to index
      %get3A_1275 = arith.index_cast %add3A_1272 : i32 to index
      %get3A_1276 = tpu.vector_load %arg5[%get3A_1274, %get3A_1275] {strides = array<i32>} : memref<1x32768xf32, #tpu.memory_space<vmem>>, vector<16xf32>,
      %max3A_1277 = arith.maximumf %max3A_1233, %get3A_1276 : vector<16xf32>
      %min3A_1278 = arith.minimumf %max3A_1233, %get3A_1276 : vector<16xf32>
      %max3A_1279 = arith.maximumf %max3A_1235, %min3A_1278 : vector<16xf32>
      %min3A_1280 = arith.minimumf %max3A_1235, %min3A_1278 : vector<16xf32>
      %max3A_1281 = arith.maximumf %max3A_1237, %min3A_1280 : vector<16xf32>
      %min3A_1282 = arith.minimumf %max3A_1237, %min3A_1280 : vector<16xf32>
      %max3A_1283 = arith.maximumf %max3A_1239, %min3A_1282 : vector<16xf32>
      %min3A_1284 = arith.minimumf %max3A_1239, %min3A_1282 : vector<16xf32>
      %max3A_1285 = arith.maximumf %max3A_1241, %min3A_1284 : vector<16xf32>
      %min3A_1286 = arith.minimumf %max3A_1241, %min3A_1284 : vector<16xf32>
      %max3A_1287 = arith.maximumf %max3A_1243, %min3A_1286 : vector<16xf32>
      %min3A_1288 = arith.minimumf %max3A_1243, %min3A_1286 : vector<16xf32>
      %max3A_1289 = arith.maximumf %max3A_1245, %min3A_1288 : vector<16xf32>
      %min3A_1290 = arith.minimumf %max3A_1245, %min3A_1288 : vector<16xf32>
      %max3A_1291 = arith.maximumf %max3A_1247, %min3A_1290 : vector<16xf32>
      %min3A_1292 = arith.minimumf %max3A_1247, %min3A_1290 : vector<16xf32>
      %add3A_1293 = arith.constant 496 : i32
      %add3A_1294 = arith.addi %mul3A_611, %add3A_1293 : i32
      %get3A_1295 = arith.constant 0 : i32
      %get3A_1296 = arith.index_cast %get3A_1295 : i32 to index
      %get3A_1297 = arith.index_cast %add3A_1294 : i32 to index
      %get3A_1298 = tpu.vector_load %arg5[%get3A_1296, %get3A_1297] {strides = array<i32>} : memref<1x32768xf32, #tpu.memory_space<vmem>>, vector<16xf32>,
      %max3A_1299 = arith.maximumf %max3A_1255, %get3A_1298 : vector<16xf32>
      %min3A_1300 = arith.minimumf %max3A_1255, %get3A_1298 : vector<16xf32>
      %max3A_1301 = arith.maximumf %max3A_1257, %min3A_1300 : vector<16xf32>
      %min3A_1302 = arith.minimumf %max3A_1257, %min3A_1300 : vector<16xf32>
      %max3A_1303 = arith.maximumf %max3A_1259, %min3A_1302 : vector<16xf32>
      %min3A_1304 = arith.minimumf %max3A_1259, %min3A_1302 : vector<16xf32>
      %max3A_1305 = arith.maximumf %max3A_1261, %min3A_1304 : vector<16xf32>
      %min3A_1306 = arith.minimumf %max3A_1261, %min3A_1304 : vector<16xf32>
      %max3A_1307 = arith.maximumf %max3A_1263, %min3A_1306 : vector<16xf32>
      %min3A_1308 = arith.minimumf %max3A_1263, %min3A_1306 : vector<16xf32>
      %max3A_1309 = arith.maximumf %max3A_1265, %min3A_1308 : vector<16xf32>
      %min3A_1310 = arith.minimumf %max3A_1265, %min3A_1308 : vector<16xf32>
      %max3A_1311 = arith.maximumf %max3A_1267, %min3A_1310 : vector<16xf32>
      %min3A_1312 = arith.minimumf %max3A_1267, %min3A_1310 : vector<16xf32>
      %max3A_1313 = arith.maximumf %max3A_1269, %min3A_1312 : vector<16xf32>
      %min3A_1314 = arith.minimumf %max3A_1269, %min3A_1312 : vector<16xf32>
      scf.yield %max3A_1277, %max3A_1279, %max3A_1281, %max3A_1283, %max3A_1285, %max3A_1287, %max3A_1289, %max3A_1291, %max3A_1299, %max3A_1301, %max3A_1303, %max3A_1305, %max3A_1307, %max3A_1309, %max3A_1311, %max3A_1313 : vector<16xf32>, vector<16xf32>, vector<16xf32>, vector<16xf32>, vector<16xf32>, vector<16xf32>, vector<16xf32>, vector<16xf32>, vector<16xf32>, vector<16xf32>, vector<16xf32>, vector<16xf32>, vector<16xf32>, vector<16xf32>, vector<16xf32>, vector<16xf32>
    }
    %while3A_469 = arith.constant 1 : i32
    %while3A_470:16 = scf.for %while3A_590 = %while3A_466 to %while3A_462 step %while3A_469 iter_args(%while3A_591 = %while3A_468#0, %while3A_592 = %while3A_468#1, %while3A_593 = %while3A_468#2, %while3A_594 = %while3A_468#3, %while3A_595 = %while3A_468#4, %while3A_596 = %while3A_468#5, %while3A_597 = %while3A_468#6, %while3A_598 = %while3A_468#7, %while3A_599 = %while3A_468#8, %while3A_600 = %while3A_468#9, %while3A_601 = %while3A_468#10, %while3A_602 = %while3A_468#11, %while3A_603 = %while3A_468#12, %while3A_604 = %while3A_468#13, %while3A_605 = %while3A_468#14, %while3A_606 = %while3A_468#15) -> (vector<16xf32>, vector<16xf32>, vector<16xf32>, vector<16xf32>, vector<16xf32>, vector<16xf32>, vector<16xf32>, vector<16xf32>, vector<16xf32>, vector<16xf32>, vector<16xf32>, vector<16xf32>, vector<16xf32>, vector<16xf32>, vector<16xf32>, vector<16xf32>)  : i32 {
      %get3A = arith.index_cast %while3A_590 : i32 to index
      %get3A_607 = tpu.vector_load %arg7[%get3A] {strides = array<i32>} : memref<80xi32, #tpu.memory_space<vmem>>, vector<16xi32>,
      %slice3A_608 = vector.extract_strided_slice %get3A_607 {offsets = [0], sizes = [1], strides = [1]} : vector<16xi32> to vector<1xi32>
      %squeeze3A_609 = vector.extract %slice3A_608[0] : i32 from vector<1xi32>
      %mul3A_610 = arith.constant 512 : i32
      %mul3A_611 = arith.muli %squeeze3A_609, %mul3A_610 : i32
      %add3A_612 = arith.constant 0 : i32
      %add3A_613 = arith.addi %mul3A_611, %add3A_612 : i32
      %get3A_614 = arith.constant 0 : i32
      %get3A_615 = arith.index_cast %get3A_614 : i32 to index
      %get3A_616 = arith.index_cast %add3A_613 : i32 to index
      %get3A_617 = tpu.vector_load %arg5[%get3A_615, %get3A_616] {strides = array<i32>} : memref<1x32768xf32, #tpu.memory_space<vmem>>, vector<16xf32>,
      %max3A_618 = arith.maximumf %while3A_591, %get3A_617 : vector<16xf32>
      %min3A = arith.minimumf %while3A_591, %get3A_617 : vector<16xf32>
      %max3A_619 = arith.maximumf %while3A_592, %min3A : vector<16xf32>
      %min3A_620 = arith.minimumf %while3A_592, %min3A : vector<16xf32>
      %max3A_621 = arith.maximumf %while3A_593, %min3A_620 : vector<16xf32>
      %min3A_622 = arith.minimumf %while3A_593, %min3A_620 : vector<16xf32>
      %max3A_623 = arith.maximumf %while3A_594, %min3A_622 : vector<16xf32>
      %min3A_624 = arith.minimumf %while3A_594, %min3A_622 : vector<16xf32>
      %max3A_625 = arith.maximumf %while3A_595, %min3A_624 : vector<16xf32>
      %min3A_626 = arith.minimumf %while3A_595, %min3A_624 : vector<16xf32>
      %max3A_627 = arith.maximumf %while3A_596, %min3A_626 : vector<16xf32>
      %min3A_628 = arith.minimumf %while3A_596, %min3A_626 : vector<16xf32>
      %max3A_629 = arith.maximumf %while3A_597, %min3A_628 : vector<16xf32>
      %min3A_630 = arith.minimumf %while3A_597, %min3A_628 : vector<16xf32>
      %max3A_631 = arith.maximumf %while3A_598, %min3A_630 : vector<16xf32>
      %min3A_632 = arith.minimumf %while3A_598, %min3A_630 : vector<16xf32>
      %add3A_633 = arith.constant 16 : i32
      %add3A_634 = arith.addi %mul3A_611, %add3A_633 : i32
      %get3A_635 = arith.constant 0 : i32
      %get3A_636 = arith.index_cast %get3A_635 : i32 to index
      %get3A_637 = arith.index_cast %add3A_634 : i32 to index
      %get3A_638 = tpu.vector_load %arg5[%get3A_636, %get3A_637] {strides = array<i32>} : memref<1x32768xf32, #tpu.memory_space<vmem>>, vector<16xf32>,
      %max3A_639 = arith.maximumf %while3A_599, %get3A_638 : vector<16xf32>
      %min3A_640 = arith.minimumf %while3A_599, %get3A_638 : vector<16xf32>
      %max3A_641 = arith.maximumf %while3A_600, %min3A_640 : vector<16xf32>
      %min3A_642 = arith.minimumf %while3A_600, %min3A_640 : vector<16xf32>
      %max3A_643 = arith.maximumf %while3A_601, %min3A_642 : vector<16xf32>
      %min3A_644 = arith.minimumf %while3A_601, %min3A_642 : vector<16xf32>
      %max3A_645 = arith.maximumf %while3A_602, %min3A_644 : vector<16xf32>
      %min3A_646 = arith.minimumf %while3A_602, %min3A_644 : vector<16xf32>
      %max3A_647 = arith.maximumf %while3A_603, %min3A_646 : vector<16xf32>
      %min3A_648 = arith.minimumf %while3A_603, %min3A_646 : vector<16xf32>
      %max3A_649 = arith.maximumf %while3A_604, %min3A_648 : vector<16xf32>
      %min3A_650 = arith.minimumf %while3A_604, %min3A_648 : vector<16xf32>
      %max3A_651 = arith.maximumf %while3A_605, %min3A_650 : vector<16xf32>
      %min3A_652 = arith.minimumf %while3A_605, %min3A_650 : vector<16xf32>
      %max3A_653 = arith.maximumf %while3A_606, %min3A_652 : vector<16xf32>
      %min3A_654 = arith.minimumf %while3A_606, %min3A_652 : vector<16xf32>
      %add3A_655 = arith.constant 32 : i32
      %add3A_656 = arith.addi %mul3A_611, %add3A_655 : i32
      %get3A_657 = arith.constant 0 : i32
      %get3A_658 = arith.index_cast %get3A_657 : i32 to index
      %get3A_659 = arith.index_cast %add3A_656 : i32 to index
      %get3A_660 = tpu.vector_load %arg5[%get3A_658, %get3A_659] {strides = array<i32>} : memref<1x32768xf32, #tpu.memory_space<vmem>>, vector<16xf32>,
      %max3A_661 = arith.maximumf %max3A_618, %get3A_660 : vector<16xf32>
      %min3A_662 = arith.minimumf %max3A_618, %get3A_660 : vector<16xf32>
      %max3A_663 = arith.maximumf %max3A_619, %min3A_662 : vector<16xf32>
      %min3A_664 = arith.minimumf %max3A_619, %min3A_662 : vector<16xf32>
      %max3A_665 = arith.maximumf %max3A_621, %min3A_664 : vector<16xf32>
      %min3A_666 = arith.minimumf %max3A_621, %min3A_664 : vector<16xf32>
      %max3A_667 = arith.maximumf %max3A_623, %min3A_666 : vector<16xf32>
      %min3A_668 = arith.minimumf %max3A_623, %min3A_666 : vector<16xf32>
      %max3A_669 = arith.maximumf %max3A_625, %min3A_668 : vector<16xf32>
      %min3A_670 = arith.minimumf %max3A_625, %min3A_668 : vector<16xf32>
      %max3A_671 = arith.maximumf %max3A_627, %min3A_670 : vector<16xf32>
      %min3A_672 = arith.minimumf %max3A_627, %min3A_670 : vector<16xf32>
      %max3A_673 = arith.maximumf %max3A_629, %min3A_672 : vector<16xf32>
      %min3A_674 = arith.minimumf %max3A_629, %min3A_672 : vector<16xf32>
      %max3A_675 = arith.maximumf %max3A_631, %min3A_674 : vector<16xf32>
      %min3A_676 = arith.minimumf %max3A_631, %min3A_674 : vector<16xf32>
      %add3A_677 = arith.constant 48 : i32
      %add3A_678 = arith.addi %mul3A_611, %add3A_677 : i32
      %get3A_679 = arith.constant 0 : i32
      %get3A_680 = arith.index_cast %get3A_679 : i32 to index
      %get3A_681 = arith.index_cast %add3A_678 : i32 to index
      %get3A_682 = tpu.vector_load %arg5[%get3A_680, %get3A_681] {strides = array<i32>} : memref<1x32768xf32, #tpu.memory_space<vmem>>, vector<16xf32>,
      %max3A_683 = arith.maximumf %max3A_639, %get3A_682 : vector<16xf32>
      %min3A_684 = arith.minimumf %max3A_639, %get3A_682 : vector<16xf32>
      %max3A_685 = arith.maximumf %max3A_641, %min3A_684 : vector<16xf32>
      %min3A_686 = arith.minimumf %max3A_641, %min3A_684 : vector<16xf32>
      %max3A_687 = arith.maximumf %max3A_643, %min3A_686 : vector<16xf32>
      %min3A_688 = arith.minimumf %max3A_643, %min3A_686 : vector<16xf32>
      %max3A_689 = arith.maximumf %max3A_645, %min3A_688 : vector<16xf32>
      %min3A_690 = arith.minimumf %max3A_645, %min3A_688 : vector<16xf32>
      %max3A_691 = arith.maximumf %max3A_647, %min3A_690 : vector<16xf32>
      %min3A_692 = arith.minimumf %max3A_647, %min3A_690 : vector<16xf32>
      %max3A_693 = arith.maximumf %max3A_649, %min3A_692 : vector<16xf32>
      %min3A_694 = arith.minimumf %max3A_649, %min3A_692 : vector<16xf32>
      %max3A_695 = arith.maximumf %max3A_651, %min3A_694 : vector<16xf32>
      %min3A_696 = arith.minimumf %max3A_651, %min3A_694 : vector<16xf32>
      %max3A_697 = arith.maximumf %max3A_653, %min3A_696 : vector<16xf32>
      %min3A_698 = arith.minimumf %max3A_653, %min3A_696 : vector<16xf32>
      %add3A_699 = arith.constant 64 : i32
      %add3A_700 = arith.addi %mul3A_611, %add3A_699 : i32
      %get3A_701 = arith.constant 0 : i32
      %get3A_702 = arith.index_cast %get3A_701 : i32 to index
      %get3A_703 = arith.index_cast %add3A_700 : i32 to index
      %get3A_704 = tpu.vector_load %arg5[%get3A_702, %get3A_703] {strides = array<i32>} : memref<1x32768xf32, #tpu.memory_space<vmem>>, vector<16xf32>,
      %max3A_705 = arith.maximumf %max3A_661, %get3A_704 : vector<16xf32>
      %min3A_706 = arith.minimumf %max3A_661, %get3A_704 : vector<16xf32>
      %max3A_707 = arith.maximumf %max3A_663, %min3A_706 : vector<16xf32>
      %min3A_708 = arith.minimumf %max3A_663, %min3A_706 : vector<16xf32>
      %max3A_709 = arith.maximumf %max3A_665, %min3A_708 : vector<16xf32>
      %min3A_710 = arith.minimumf %max3A_665, %min3A_708 : vector<16xf32>
      %max3A_711 = arith.maximumf %max3A_667, %min3A_710 : vector<16xf32>
      %min3A_712 = arith.minimumf %max3A_667, %min3A_710 : vector<16xf32>
      %max3A_713 = arith.maximumf %max3A_669, %min3A_712 : vector<16xf32>
      %min3A_714 = arith.minimumf %max3A_669, %min3A_712 : vector<16xf32>
      %max3A_715 = arith.maximumf %max3A_671, %min3A_714 : vector<16xf32>
      %min3A_716 = arith.minimumf %max3A_671, %min3A_714 : vector<16xf32>
      %max3A_717 = arith.maximumf %max3A_673, %min3A_716 : vector<16xf32>
      %min3A_718 = arith.minimumf %max3A_673, %min3A_716 : vector<16xf32>
      %max3A_719 = arith.maximumf %max3A_675, %min3A_718 : vector<16xf32>
      %min3A_720 = arith.minimumf %max3A_675, %min3A_718 : vector<16xf32>
      %add3A_721 = arith.constant 80 : i32
      %add3A_722 = arith.addi %mul3A_611, %add3A_721 : i32
      %get3A_723 = arith.constant 0 : i32
      %get3A_724 = arith.index_cast %get3A_723 : i32 to index
      %get3A_725 = arith.index_cast %add3A_722 : i32 to index
      %get3A_726 = tpu.vector_load %arg5[%get3A_724, %get3A_725] {strides = array<i32>} : memref<1x32768xf32, #tpu.memory_space<vmem>>, vector<16xf32>,
      %max3A_727 = arith.maximumf %max3A_683, %get3A_726 : vector<16xf32>
      %min3A_728 = arith.minimumf %max3A_683, %get3A_726 : vector<16xf32>
      %max3A_729 = arith.maximumf %max3A_685, %min3A_728 : vector<16xf32>
      %min3A_730 = arith.minimumf %max3A_685, %min3A_728 : vector<16xf32>
      %max3A_731 = arith.maximumf %max3A_687, %min3A_730 : vector<16xf32>
      %min3A_732 = arith.minimumf %max3A_687, %min3A_730 : vector<16xf32>
      %max3A_733 = arith.maximumf %max3A_689, %min3A_732 : vector<16xf32>
      %min3A_734 = arith.minimumf %max3A_689, %min3A_732 : vector<16xf32>
      %max3A_735 = arith.maximumf %max3A_691, %min3A_734 : vector<16xf32>
      %min3A_736 = arith.minimumf %max3A_691, %min3A_734 : vector<16xf32>
      %max3A_737 = arith.maximumf %max3A_693, %min3A_736 : vector<16xf32>
      %min3A_738 = arith.minimumf %max3A_693, %min3A_736 : vector<16xf32>
      %max3A_739 = arith.maximumf %max3A_695, %min3A_738 : vector<16xf32>
      %min3A_740 = arith.minimumf %max3A_695, %min3A_738 : vector<16xf32>
      %max3A_741 = arith.maximumf %max3A_697, %min3A_740 : vector<16xf32>
      %min3A_742 = arith.minimumf %max3A_697, %min3A_740 : vector<16xf32>
      %add3A_743 = arith.constant 96 : i32
      %add3A_744 = arith.addi %mul3A_611, %add3A_743 : i32
      %get3A_745 = arith.constant 0 : i32
      %get3A_746 = arith.index_cast %get3A_745 : i32 to index
      %get3A_747 = arith.index_cast %add3A_744 : i32 to index
      %get3A_748 = tpu.vector_load %arg5[%get3A_746, %get3A_747] {strides = array<i32>} : memref<1x32768xf32, #tpu.memory_space<vmem>>, vector<16xf32>,
      %max3A_749 = arith.maximumf %max3A_705, %get3A_748 : vector<16xf32>
      %min3A_750 = arith.minimumf %max3A_705, %get3A_748 : vector<16xf32>
      %max3A_751 = arith.maximumf %max3A_707, %min3A_750 : vector<16xf32>
      %min3A_752 = arith.minimumf %max3A_707, %min3A_750 : vector<16xf32>
      %max3A_753 = arith.maximumf %max3A_709, %min3A_752 : vector<16xf32>
      %min3A_754 = arith.minimumf %max3A_709, %min3A_752 : vector<16xf32>
      %max3A_755 = arith.maximumf %max3A_711, %min3A_754 : vector<16xf32>
      %min3A_756 = arith.minimumf %max3A_711, %min3A_754 : vector<16xf32>
      %max3A_757 = arith.maximumf %max3A_713, %min3A_756 : vector<16xf32>
      %min3A_758 = arith.minimumf %max3A_713, %min3A_756 : vector<16xf32>
      %max3A_759 = arith.maximumf %max3A_715, %min3A_758 : vector<16xf32>
      %min3A_760 = arith.minimumf %max3A_715, %min3A_758 : vector<16xf32>
      %max3A_761 = arith.maximumf %max3A_717, %min3A_760 : vector<16xf32>
      %min3A_762 = arith.minimumf %max3A_717, %min3A_760 : vector<16xf32>
      %max3A_763 = arith.maximumf %max3A_719, %min3A_762 : vector<16xf32>
      %min3A_764 = arith.minimumf %max3A_719, %min3A_762 : vector<16xf32>
      %add3A_765 = arith.constant 112 : i32
      %add3A_766 = arith.addi %mul3A_611, %add3A_765 : i32
      %get3A_767 = arith.constant 0 : i32
      %get3A_768 = arith.index_cast %get3A_767 : i32 to index
      %get3A_769 = arith.index_cast %add3A_766 : i32 to index
      %get3A_770 = tpu.vector_load %arg5[%get3A_768, %get3A_769] {strides = array<i32>} : memref<1x32768xf32, #tpu.memory_space<vmem>>, vector<16xf32>,
      %max3A_771 = arith.maximumf %max3A_727, %get3A_770 : vector<16xf32>
      %min3A_772 = arith.minimumf %max3A_727, %get3A_770 : vector<16xf32>
      %max3A_773 = arith.maximumf %max3A_729, %min3A_772 : vector<16xf32>
      %min3A_774 = arith.minimumf %max3A_729, %min3A_772 : vector<16xf32>
      %max3A_775 = arith.maximumf %max3A_731, %min3A_774 : vector<16xf32>
      %min3A_776 = arith.minimumf %max3A_731, %min3A_774 : vector<16xf32>
      %max3A_777 = arith.maximumf %max3A_733, %min3A_776 : vector<16xf32>
      %min3A_778 = arith.minimumf %max3A_733, %min3A_776 : vector<16xf32>
      %max3A_779 = arith.maximumf %max3A_735, %min3A_778 : vector<16xf32>
      %min3A_780 = arith.minimumf %max3A_735, %min3A_778 : vector<16xf32>
      %max3A_781 = arith.maximumf %max3A_737, %min3A_780 : vector<16xf32>
      %min3A_782 = arith.minimumf %max3A_737, %min3A_780 : vector<16xf32>
      %max3A_783 = arith.maximumf %max3A_739, %min3A_782 : vector<16xf32>
      %min3A_784 = arith.minimumf %max3A_739, %min3A_782 : vector<16xf32>
      %max3A_785 = arith.maximumf %max3A_741, %min3A_784 : vector<16xf32>
      %min3A_786 = arith.minimumf %max3A_741, %min3A_784 : vector<16xf32>
      %add3A_787 = arith.constant 128 : i32
      %add3A_788 = arith.addi %mul3A_611, %add3A_787 : i32
      %get3A_789 = arith.constant 0 : i32
      %get3A_790 = arith.index_cast %get3A_789 : i32 to index
      %get3A_791 = arith.index_cast %add3A_788 : i32 to index
      %get3A_792 = tpu.vector_load %arg5[%get3A_790, %get3A_791] {strides = array<i32>} : memref<1x32768xf32, #tpu.memory_space<vmem>>, vector<16xf32>,
      %max3A_793 = arith.maximumf %max3A_749, %get3A_792 : vector<16xf32>
      %min3A_794 = arith.minimumf %max3A_749, %get3A_792 : vector<16xf32>
      %max3A_795 = arith.maximumf %max3A_751, %min3A_794 : vector<16xf32>
      %min3A_796 = arith.minimumf %max3A_751, %min3A_794 : vector<16xf32>
      %max3A_797 = arith.maximumf %max3A_753, %min3A_796 : vector<16xf32>
      %min3A_798 = arith.minimumf %max3A_753, %min3A_796 : vector<16xf32>
      %max3A_799 = arith.maximumf %max3A_755, %min3A_798 : vector<16xf32>
      %min3A_800 = arith.minimumf %max3A_755, %min3A_798 : vector<16xf32>
      %max3A_801 = arith.maximumf %max3A_757, %min3A_800 : vector<16xf32>
      %min3A_802 = arith.minimumf %max3A_757, %min3A_800 : vector<16xf32>
      %max3A_803 = arith.maximumf %max3A_759, %min3A_802 : vector<16xf32>
      %min3A_804 = arith.minimumf %max3A_759, %min3A_802 : vector<16xf32>
      %max3A_805 = arith.maximumf %max3A_761, %min3A_804 : vector<16xf32>
      %min3A_806 = arith.minimumf %max3A_761, %min3A_804 : vector<16xf32>
      %max3A_807 = arith.maximumf %max3A_763, %min3A_806 : vector<16xf32>
      %min3A_808 = arith.minimumf %max3A_763, %min3A_806 : vector<16xf32>
      %add3A_809 = arith.constant 144 : i32
      %add3A_810 = arith.addi %mul3A_611, %add3A_809 : i32
      %get3A_811 = arith.constant 0 : i32
      %get3A_812 = arith.index_cast %get3A_811 : i32 to index
      %get3A_813 = arith.index_cast %add3A_810 : i32 to index
      %get3A_814 = tpu.vector_load %arg5[%get3A_812, %get3A_813] {strides = array<i32>} : memref<1x32768xf32, #tpu.memory_space<vmem>>, vector<16xf32>,
      %max3A_815 = arith.maximumf %max3A_771, %get3A_814 : vector<16xf32>
      %min3A_816 = arith.minimumf %max3A_771, %get3A_814 : vector<16xf32>
      %max3A_817 = arith.maximumf %max3A_773, %min3A_816 : vector<16xf32>
      %min3A_818 = arith.minimumf %max3A_773, %min3A_816 : vector<16xf32>
      %max3A_819 = arith.maximumf %max3A_775, %min3A_818 : vector<16xf32>
      %min3A_820 = arith.minimumf %max3A_775, %min3A_818 : vector<16xf32>
      %max3A_821 = arith.maximumf %max3A_777, %min3A_820 : vector<16xf32>
      %min3A_822 = arith.minimumf %max3A_777, %min3A_820 : vector<16xf32>
      %max3A_823 = arith.maximumf %max3A_779, %min3A_822 : vector<16xf32>
      %min3A_824 = arith.minimumf %max3A_779, %min3A_822 : vector<16xf32>
      %max3A_825 = arith.maximumf %max3A_781, %min3A_824 : vector<16xf32>
      %min3A_826 = arith.minimumf %max3A_781, %min3A_824 : vector<16xf32>
      %max3A_827 = arith.maximumf %max3A_783, %min3A_826 : vector<16xf32>
      %min3A_828 = arith.minimumf %max3A_783, %min3A_826 : vector<16xf32>
      %max3A_829 = arith.maximumf %max3A_785, %min3A_828 : vector<16xf32>
      %min3A_830 = arith.minimumf %max3A_785, %min3A_828 : vector<16xf32>
      %add3A_831 = arith.constant 160 : i32
      %add3A_832 = arith.addi %mul3A_611, %add3A_831 : i32
      %get3A_833 = arith.constant 0 : i32
      %get3A_834 = arith.index_cast %get3A_833 : i32 to index
      %get3A_835 = arith.index_cast %add3A_832 : i32 to index
      %get3A_836 = tpu.vector_load %arg5[%get3A_834, %get3A_835] {strides = array<i32>} : memref<1x32768xf32, #tpu.memory_space<vmem>>, vector<16xf32>,
      %max3A_837 = arith.maximumf %max3A_793, %get3A_836 : vector<16xf32>
      %min3A_838 = arith.minimumf %max3A_793, %get3A_836 : vector<16xf32>
      %max3A_839 = arith.maximumf %max3A_795, %min3A_838 : vector<16xf32>
      %min3A_840 = arith.minimumf %max3A_795, %min3A_838 : vector<16xf32>
      %max3A_841 = arith.maximumf %max3A_797, %min3A_840 : vector<16xf32>
      %min3A_842 = arith.minimumf %max3A_797, %min3A_840 : vector<16xf32>
      %max3A_843 = arith.maximumf %max3A_799, %min3A_842 : vector<16xf32>
      %min3A_844 = arith.minimumf %max3A_799, %min3A_842 : vector<16xf32>
      %max3A_845 = arith.maximumf %max3A_801, %min3A_844 : vector<16xf32>
      %min3A_846 = arith.minimumf %max3A_801, %min3A_844 : vector<16xf32>
      %max3A_847 = arith.maximumf %max3A_803, %min3A_846 : vector<16xf32>
      %min3A_848 = arith.minimumf %max3A_803, %min3A_846 : vector<16xf32>
      %max3A_849 = arith.maximumf %max3A_805, %min3A_848 : vector<16xf32>
      %min3A_850 = arith.minimumf %max3A_805, %min3A_848 : vector<16xf32>
      %max3A_851 = arith.maximumf %max3A_807, %min3A_850 : vector<16xf32>
      %min3A_852 = arith.minimumf %max3A_807, %min3A_850 : vector<16xf32>
      %add3A_853 = arith.constant 176 : i32
      %add3A_854 = arith.addi %mul3A_611, %add3A_853 : i32
      %get3A_855 = arith.constant 0 : i32
      %get3A_856 = arith.index_cast %get3A_855 : i32 to index
      %get3A_857 = arith.index_cast %add3A_854 : i32 to index
      %get3A_858 = tpu.vector_load %arg5[%get3A_856, %get3A_857] {strides = array<i32>} : memref<1x32768xf32, #tpu.memory_space<vmem>>, vector<16xf32>,
      %max3A_859 = arith.maximumf %max3A_815, %get3A_858 : vector<16xf32>
      %min3A_860 = arith.minimumf %max3A_815, %get3A_858 : vector<16xf32>
      %max3A_861 = arith.maximumf %max3A_817, %min3A_860 : vector<16xf32>
      %min3A_862 = arith.minimumf %max3A_817, %min3A_860 : vector<16xf32>
      %max3A_863 = arith.maximumf %max3A_819, %min3A_862 : vector<16xf32>
      %min3A_864 = arith.minimumf %max3A_819, %min3A_862 : vector<16xf32>
      %max3A_865 = arith.maximumf %max3A_821, %min3A_864 : vector<16xf32>
      %min3A_866 = arith.minimumf %max3A_821, %min3A_864 : vector<16xf32>
      %max3A_867 = arith.maximumf %max3A_823, %min3A_866 : vector<16xf32>
      %min3A_868 = arith.minimumf %max3A_823, %min3A_866 : vector<16xf32>
      %max3A_869 = arith.maximumf %max3A_825, %min3A_868 : vector<16xf32>
      %min3A_870 = arith.minimumf %max3A_825, %min3A_868 : vector<16xf32>
      %max3A_871 = arith.maximumf %max3A_827, %min3A_870 : vector<16xf32>
      %min3A_872 = arith.minimumf %max3A_827, %min3A_870 : vector<16xf32>
      %max3A_873 = arith.maximumf %max3A_829, %min3A_872 : vector<16xf32>
      %min3A_874 = arith.minimumf %max3A_829, %min3A_872 : vector<16xf32>
      %add3A_875 = arith.constant 192 : i32
      %add3A_876 = arith.addi %mul3A_611, %add3A_875 : i32
      %get3A_877 = arith.constant 0 : i32
      %get3A_878 = arith.index_cast %get3A_877 : i32 to index
      %get3A_879 = arith.index_cast %add3A_876 : i32 to index
      %get3A_880 = tpu.vector_load %arg5[%get3A_878, %get3A_879] {strides = array<i32>} : memref<1x32768xf32, #tpu.memory_space<vmem>>, vector<16xf32>,
      %max3A_881 = arith.maximumf %max3A_837, %get3A_880 : vector<16xf32>
      %min3A_882 = arith.minimumf %max3A_837, %get3A_880 : vector<16xf32>
      %max3A_883 = arith.maximumf %max3A_839, %min3A_882 : vector<16xf32>
      %min3A_884 = arith.minimumf %max3A_839, %min3A_882 : vector<16xf32>
      %max3A_885 = arith.maximumf %max3A_841, %min3A_884 : vector<16xf32>
      %min3A_886 = arith.minimumf %max3A_841, %min3A_884 : vector<16xf32>
      %max3A_887 = arith.maximumf %max3A_843, %min3A_886 : vector<16xf32>
      %min3A_888 = arith.minimumf %max3A_843, %min3A_886 : vector<16xf32>
      %max3A_889 = arith.maximumf %max3A_845, %min3A_888 : vector<16xf32>
      %min3A_890 = arith.minimumf %max3A_845, %min3A_888 : vector<16xf32>
      %max3A_891 = arith.maximumf %max3A_847, %min3A_890 : vector<16xf32>
      %min3A_892 = arith.minimumf %max3A_847, %min3A_890 : vector<16xf32>
      %max3A_893 = arith.maximumf %max3A_849, %min3A_892 : vector<16xf32>
      %min3A_894 = arith.minimumf %max3A_849, %min3A_892 : vector<16xf32>
      %max3A_895 = arith.maximumf %max3A_851, %min3A_894 : vector<16xf32>
      %min3A_896 = arith.minimumf %max3A_851, %min3A_894 : vector<16xf32>
      %add3A_897 = arith.constant 208 : i32
      %add3A_898 = arith.addi %mul3A_611, %add3A_897 : i32
      %get3A_899 = arith.constant 0 : i32
      %get3A_900 = arith.index_cast %get3A_899 : i32 to index
      %get3A_901 = arith.index_cast %add3A_898 : i32 to index
      %get3A_902 = tpu.vector_load %arg5[%get3A_900, %get3A_901] {strides = array<i32>} : memref<1x32768xf32, #tpu.memory_space<vmem>>, vector<16xf32>,
      %max3A_903 = arith.maximumf %max3A_859, %get3A_902 : vector<16xf32>
      %min3A_904 = arith.minimumf %max3A_859, %get3A_902 : vector<16xf32>
      %max3A_905 = arith.maximumf %max3A_861, %min3A_904 : vector<16xf32>
      %min3A_906 = arith.minimumf %max3A_861, %min3A_904 : vector<16xf32>
      %max3A_907 = arith.maximumf %max3A_863, %min3A_906 : vector<16xf32>
      %min3A_908 = arith.minimumf %max3A_863, %min3A_906 : vector<16xf32>
      %max3A_909 = arith.maximumf %max3A_865, %min3A_908 : vector<16xf32>
      %min3A_910 = arith.minimumf %max3A_865, %min3A_908 : vector<16xf32>
      %max3A_911 = arith.maximumf %max3A_867, %min3A_910 : vector<16xf32>
      %min3A_912 = arith.minimumf %max3A_867, %min3A_910 : vector<16xf32>
      %max3A_913 = arith.maximumf %max3A_869, %min3A_912 : vector<16xf32>
      %min3A_914 = arith.minimumf %max3A_869, %min3A_912 : vector<16xf32>
      %max3A_915 = arith.maximumf %max3A_871, %min3A_914 : vector<16xf32>
      %min3A_916 = arith.minimumf %max3A_871, %min3A_914 : vector<16xf32>
      %max3A_917 = arith.maximumf %max3A_873, %min3A_916 : vector<16xf32>
      %min3A_918 = arith.minimumf %max3A_873, %min3A_916 : vector<16xf32>
      %add3A_919 = arith.constant 224 : i32
      %add3A_920 = arith.addi %mul3A_611, %add3A_919 : i32
      %get3A_921 = arith.constant 0 : i32
      %get3A_922 = arith.index_cast %get3A_921 : i32 to index
      %get3A_923 = arith.index_cast %add3A_920 : i32 to index
      %get3A_924 = tpu.vector_load %arg5[%get3A_922, %get3A_923] {strides = array<i32>} : memref<1x32768xf32, #tpu.memory_space<vmem>>, vector<16xf32>,
      %max3A_925 = arith.maximumf %max3A_881, %get3A_924 : vector<16xf32>
      %min3A_926 = arith.minimumf %max3A_881, %get3A_924 : vector<16xf32>
      %max3A_927 = arith.maximumf %max3A_883, %min3A_926 : vector<16xf32>
      %min3A_928 = arith.minimumf %max3A_883, %min3A_926 : vector<16xf32>
      %max3A_929 = arith.maximumf %max3A_885, %min3A_928 : vector<16xf32>
      %min3A_930 = arith.minimumf %max3A_885, %min3A_928 : vector<16xf32>
      %max3A_931 = arith.maximumf %max3A_887, %min3A_930 : vector<16xf32>
      %min3A_932 = arith.minimumf %max3A_887, %min3A_930 : vector<16xf32>
      %max3A_933 = arith.maximumf %max3A_889, %min3A_932 : vector<16xf32>
      %min3A_934 = arith.minimumf %max3A_889, %min3A_932 : vector<16xf32>
      %max3A_935 = arith.maximumf %max3A_891, %min3A_934 : vector<16xf32>
      %min3A_936 = arith.minimumf %max3A_891, %min3A_934 : vector<16xf32>
      %max3A_937 = arith.maximumf %max3A_893, %min3A_936 : vector<16xf32>
      %min3A_938 = arith.minimumf %max3A_893, %min3A_936 : vector<16xf32>
      %max3A_939 = arith.maximumf %max3A_895, %min3A_938 : vector<16xf32>
      %min3A_940 = arith.minimumf %max3A_895, %min3A_938 : vector<16xf32>
      %add3A_941 = arith.constant 240 : i32
      %add3A_942 = arith.addi %mul3A_611, %add3A_941 : i32
      %get3A_943 = arith.constant 0 : i32
      %get3A_944 = arith.index_cast %get3A_943 : i32 to index
      %get3A_945 = arith.index_cast %add3A_942 : i32 to index
      %get3A_946 = tpu.vector_load %arg5[%get3A_944, %get3A_945] {strides = array<i32>} : memref<1x32768xf32, #tpu.memory_space<vmem>>, vector<16xf32>,
      %max3A_947 = arith.maximumf %max3A_903, %get3A_946 : vector<16xf32>
      %min3A_948 = arith.minimumf %max3A_903, %get3A_946 : vector<16xf32>
      %max3A_949 = arith.maximumf %max3A_905, %min3A_948 : vector<16xf32>
      %min3A_950 = arith.minimumf %max3A_905, %min3A_948 : vector<16xf32>
      %max3A_951 = arith.maximumf %max3A_907, %min3A_950 : vector<16xf32>
      %min3A_952 = arith.minimumf %max3A_907, %min3A_950 : vector<16xf32>
      %max3A_953 = arith.maximumf %max3A_909, %min3A_952 : vector<16xf32>
      %min3A_954 = arith.minimumf %max3A_909, %min3A_952 : vector<16xf32>
      %max3A_955 = arith.maximumf %max3A_911, %min3A_954 : vector<16xf32>
      %min3A_956 = arith.minimumf %max3A_911, %min3A_954 : vector<16xf32>
      %max3A_957 = arith.maximumf %max3A_913, %min3A_956 : vector<16xf32>
      %min3A_958 = arith.minimumf %max3A_913, %min3A_956 : vector<16xf32>
      %max3A_959 = arith.maximumf %max3A_915, %min3A_958 : vector<16xf32>
      %min3A_960 = arith.minimumf %max3A_915, %min3A_958 : vector<16xf32>
      %max3A_961 = arith.maximumf %max3A_917, %min3A_960 : vector<16xf32>
      %min3A_962 = arith.minimumf %max3A_917, %min3A_960 : vector<16xf32>
      %add3A_963 = arith.constant 256 : i32
      %add3A_964 = arith.addi %mul3A_611, %add3A_963 : i32
      %get3A_965 = arith.constant 0 : i32
      %get3A_966 = arith.index_cast %get3A_965 : i32 to index
      %get3A_967 = arith.index_cast %add3A_964 : i32 to index
      %get3A_968 = tpu.vector_load %arg5[%get3A_966, %get3A_967] {strides = array<i32>} : memref<1x32768xf32, #tpu.memory_space<vmem>>, vector<16xf32>,
      %max3A_969 = arith.maximumf %max3A_925, %get3A_968 : vector<16xf32>
      %min3A_970 = arith.minimumf %max3A_925, %get3A_968 : vector<16xf32>
      %max3A_971 = arith.maximumf %max3A_927, %min3A_970 : vector<16xf32>
      %min3A_972 = arith.minimumf %max3A_927, %min3A_970 : vector<16xf32>
      %max3A_973 = arith.maximumf %max3A_929, %min3A_972 : vector<16xf32>
      %min3A_974 = arith.minimumf %max3A_929, %min3A_972 : vector<16xf32>
      %max3A_975 = arith.maximumf %max3A_931, %min3A_974 : vector<16xf32>
      %min3A_976 = arith.minimumf %max3A_931, %min3A_974 : vector<16xf32>
      %max3A_977 = arith.maximumf %max3A_933, %min3A_976 : vector<16xf32>
      %min3A_978 = arith.minimumf %max3A_933, %min3A_976 : vector<16xf32>
      %max3A_979 = arith.maximumf %max3A_935, %min3A_978 : vector<16xf32>
      %min3A_980 = arith.minimumf %max3A_935, %min3A_978 : vector<16xf32>
      %max3A_981 = arith.maximumf %max3A_937, %min3A_980 : vector<16xf32>
      %min3A_982 = arith.minimumf %max3A_937, %min3A_980 : vector<16xf32>
      %max3A_983 = arith.maximumf %max3A_939, %min3A_982 : vector<16xf32>
      %min3A_984 = arith.minimumf %max3A_939, %min3A_982 : vector<16xf32>
      %add3A_985 = arith.constant 272 : i32
      %add3A_986 = arith.addi %mul3A_611, %add3A_985 : i32
      %get3A_987 = arith.constant 0 : i32
      %get3A_988 = arith.index_cast %get3A_987 : i32 to index
      %get3A_989 = arith.index_cast %add3A_986 : i32 to index
      %get3A_990 = tpu.vector_load %arg5[%get3A_988, %get3A_989] {strides = array<i32>} : memref<1x32768xf32, #tpu.memory_space<vmem>>, vector<16xf32>,
      %max3A_991 = arith.maximumf %max3A_947, %get3A_990 : vector<16xf32>
      %min3A_992 = arith.minimumf %max3A_947, %get3A_990 : vector<16xf32>
      %max3A_993 = arith.maximumf %max3A_949, %min3A_992 : vector<16xf32>
      %min3A_994 = arith.minimumf %max3A_949, %min3A_992 : vector<16xf32>
      %max3A_995 = arith.maximumf %max3A_951, %min3A_994 : vector<16xf32>
      %min3A_996 = arith.minimumf %max3A_951, %min3A_994 : vector<16xf32>
      %max3A_997 = arith.maximumf %max3A_953, %min3A_996 : vector<16xf32>
      %min3A_998 = arith.minimumf %max3A_953, %min3A_996 : vector<16xf32>
      %max3A_999 = arith.maximumf %max3A_955, %min3A_998 : vector<16xf32>
      %min3A_1000 = arith.minimumf %max3A_955, %min3A_998 : vector<16xf32>
      %max3A_1001 = arith.maximumf %max3A_957, %min3A_1000 : vector<16xf32>
      %min3A_1002 = arith.minimumf %max3A_957, %min3A_1000 : vector<16xf32>
      %max3A_1003 = arith.maximumf %max3A_959, %min3A_1002 : vector<16xf32>
      %min3A_1004 = arith.minimumf %max3A_959, %min3A_1002 : vector<16xf32>
      %max3A_1005 = arith.maximumf %max3A_961, %min3A_1004 : vector<16xf32>
      %min3A_1006 = arith.minimumf %max3A_961, %min3A_1004 : vector<16xf32>
      %add3A_1007 = arith.constant 288 : i32
      %add3A_1008 = arith.addi %mul3A_611, %add3A_1007 : i32
      %get3A_1009 = arith.constant 0 : i32
      %get3A_1010 = arith.index_cast %get3A_1009 : i32 to index
      %get3A_1011 = arith.index_cast %add3A_1008 : i32 to index
      %get3A_1012 = tpu.vector_load %arg5[%get3A_1010, %get3A_1011] {strides = array<i32>} : memref<1x32768xf32, #tpu.memory_space<vmem>>, vector<16xf32>,
      %max3A_1013 = arith.maximumf %max3A_969, %get3A_1012 : vector<16xf32>
      %min3A_1014 = arith.minimumf %max3A_969, %get3A_1012 : vector<16xf32>
      %max3A_1015 = arith.maximumf %max3A_971, %min3A_1014 : vector<16xf32>
      %min3A_1016 = arith.minimumf %max3A_971, %min3A_1014 : vector<16xf32>
      %max3A_1017 = arith.maximumf %max3A_973, %min3A_1016 : vector<16xf32>
      %min3A_1018 = arith.minimumf %max3A_973, %min3A_1016 : vector<16xf32>
      %max3A_1019 = arith.maximumf %max3A_975, %min3A_1018 : vector<16xf32>
      %min3A_1020 = arith.minimumf %max3A_975, %min3A_1018 : vector<16xf32>
      %max3A_1021 = arith.maximumf %max3A_977, %min3A_1020 : vector<16xf32>
      %min3A_1022 = arith.minimumf %max3A_977, %min3A_1020 : vector<16xf32>
      %max3A_1023 = arith.maximumf %max3A_979, %min3A_1022 : vector<16xf32>
      %min3A_1024 = arith.minimumf %max3A_979, %min3A_1022 : vector<16xf32>
      %max3A_1025 = arith.maximumf %max3A_981, %min3A_1024 : vector<16xf32>
      %min3A_1026 = arith.minimumf %max3A_981, %min3A_1024 : vector<16xf32>
      %max3A_1027 = arith.maximumf %max3A_983, %min3A_1026 : vector<16xf32>
      %min3A_1028 = arith.minimumf %max3A_983, %min3A_1026 : vector<16xf32>
      %add3A_1029 = arith.constant 304 : i32
      %add3A_1030 = arith.addi %mul3A_611, %add3A_1029 : i32
      %get3A_1031 = arith.constant 0 : i32
      %get3A_1032 = arith.index_cast %get3A_1031 : i32 to index
      %get3A_1033 = arith.index_cast %add3A_1030 : i32 to index
      %get3A_1034 = tpu.vector_load %arg5[%get3A_1032, %get3A_1033] {strides = array<i32>} : memref<1x32768xf32, #tpu.memory_space<vmem>>, vector<16xf32>,
      %max3A_1035 = arith.maximumf %max3A_991, %get3A_1034 : vector<16xf32>
      %min3A_1036 = arith.minimumf %max3A_991, %get3A_1034 : vector<16xf32>
      %max3A_1037 = arith.maximumf %max3A_993, %min3A_1036 : vector<16xf32>
      %min3A_1038 = arith.minimumf %max3A_993, %min3A_1036 : vector<16xf32>
      %max3A_1039 = arith.maximumf %max3A_995, %min3A_1038 : vector<16xf32>
      %min3A_1040 = arith.minimumf %max3A_995, %min3A_1038 : vector<16xf32>
      %max3A_1041 = arith.maximumf %max3A_997, %min3A_1040 : vector<16xf32>
      %min3A_1042 = arith.minimumf %max3A_997, %min3A_1040 : vector<16xf32>
      %max3A_1043 = arith.maximumf %max3A_999, %min3A_1042 : vector<16xf32>
      %min3A_1044 = arith.minimumf %max3A_999, %min3A_1042 : vector<16xf32>
      %max3A_1045 = arith.maximumf %max3A_1001, %min3A_1044 : vector<16xf32>
      %min3A_1046 = arith.minimumf %max3A_1001, %min3A_1044 : vector<16xf32>
      %max3A_1047 = arith.maximumf %max3A_1003, %min3A_1046 : vector<16xf32>
      %min3A_1048 = arith.minimumf %max3A_1003, %min3A_1046 : vector<16xf32>
      %max3A_1049 = arith.maximumf %max3A_1005, %min3A_1048 : vector<16xf32>
      %min3A_1050 = arith.minimumf %max3A_1005, %min3A_1048 : vector<16xf32>
      %add3A_1051 = arith.constant 320 : i32
      %add3A_1052 = arith.addi %mul3A_611, %add3A_1051 : i32
      %get3A_1053 = arith.constant 0 : i32
      %get3A_1054 = arith.index_cast %get3A_1053 : i32 to index
      %get3A_1055 = arith.index_cast %add3A_1052 : i32 to index
      %get3A_1056 = tpu.vector_load %arg5[%get3A_1054, %get3A_1055] {strides = array<i32>} : memref<1x32768xf32, #tpu.memory_space<vmem>>, vector<16xf32>,
      %max3A_1057 = arith.maximumf %max3A_1013, %get3A_1056 : vector<16xf32>
      %min3A_1058 = arith.minimumf %max3A_1013, %get3A_1056 : vector<16xf32>
      %max3A_1059 = arith.maximumf %max3A_1015, %min3A_1058 : vector<16xf32>
      %min3A_1060 = arith.minimumf %max3A_1015, %min3A_1058 : vector<16xf32>
      %max3A_1061 = arith.maximumf %max3A_1017, %min3A_1060 : vector<16xf32>
      %min3A_1062 = arith.minimumf %max3A_1017, %min3A_1060 : vector<16xf32>
      %max3A_1063 = arith.maximumf %max3A_1019, %min3A_1062 : vector<16xf32>
      %min3A_1064 = arith.minimumf %max3A_1019, %min3A_1062 : vector<16xf32>
      %max3A_1065 = arith.maximumf %max3A_1021, %min3A_1064 : vector<16xf32>
      %min3A_1066 = arith.minimumf %max3A_1021, %min3A_1064 : vector<16xf32>
      %max3A_1067 = arith.maximumf %max3A_1023, %min3A_1066 : vector<16xf32>
      %min3A_1068 = arith.minimumf %max3A_1023, %min3A_1066 : vector<16xf32>
      %max3A_1069 = arith.maximumf %max3A_1025, %min3A_1068 : vector<16xf32>
      %min3A_1070 = arith.minimumf %max3A_1025, %min3A_1068 : vector<16xf32>
      %max3A_1071 = arith.maximumf %max3A_1027, %min3A_1070 : vector<16xf32>
      %min3A_1072 = arith.minimumf %max3A_1027, %min3A_1070 : vector<16xf32>
      %add3A_1073 = arith.constant 336 : i32
      %add3A_1074 = arith.addi %mul3A_611, %add3A_1073 : i32
      %get3A_1075 = arith.constant 0 : i32
      %get3A_1076 = arith.index_cast %get3A_1075 : i32 to index
      %get3A_1077 = arith.index_cast %add3A_1074 : i32 to index
      %get3A_1078 = tpu.vector_load %arg5[%get3A_1076, %get3A_1077] {strides = array<i32>} : memref<1x32768xf32, #tpu.memory_space<vmem>>, vector<16xf32>,
      %max3A_1079 = arith.maximumf %max3A_1035, %get3A_1078 : vector<16xf32>
      %min3A_1080 = arith.minimumf %max3A_1035, %get3A_1078 : vector<16xf32>
      %max3A_1081 = arith.maximumf %max3A_1037, %min3A_1080 : vector<16xf32>
      %min3A_1082 = arith.minimumf %max3A_1037, %min3A_1080 : vector<16xf32>
      %max3A_1083 = arith.maximumf %max3A_1039, %min3A_1082 : vector<16xf32>
      %min3A_1084 = arith.minimumf %max3A_1039, %min3A_1082 : vector<16xf32>
      %max3A_1085 = arith.maximumf %max3A_1041, %min3A_1084 : vector<16xf32>
      %min3A_1086 = arith.minimumf %max3A_1041, %min3A_1084 : vector<16xf32>
      %max3A_1087 = arith.maximumf %max3A_1043, %min3A_1086 : vector<16xf32>
      %min3A_1088 = arith.minimumf %max3A_1043, %min3A_1086 : vector<16xf32>
      %max3A_1089 = arith.maximumf %max3A_1045, %min3A_1088 : vector<16xf32>
      %min3A_1090 = arith.minimumf %max3A_1045, %min3A_1088 : vector<16xf32>
      %max3A_1091 = arith.maximumf %max3A_1047, %min3A_1090 : vector<16xf32>
      %min3A_1092 = arith.minimumf %max3A_1047, %min3A_1090 : vector<16xf32>
      %max3A_1093 = arith.maximumf %max3A_1049, %min3A_1092 : vector<16xf32>
      %min3A_1094 = arith.minimumf %max3A_1049, %min3A_1092 : vector<16xf32>
      %add3A_1095 = arith.constant 352 : i32
      %add3A_1096 = arith.addi %mul3A_611, %add3A_1095 : i32
      %get3A_1097 = arith.constant 0 : i32
      %get3A_1098 = arith.index_cast %get3A_1097 : i32 to index
      %get3A_1099 = arith.index_cast %add3A_1096 : i32 to index
      %get3A_1100 = tpu.vector_load %arg5[%get3A_1098, %get3A_1099] {strides = array<i32>} : memref<1x32768xf32, #tpu.memory_space<vmem>>, vector<16xf32>,
      %max3A_1101 = arith.maximumf %max3A_1057, %get3A_1100 : vector<16xf32>
      %min3A_1102 = arith.minimumf %max3A_1057, %get3A_1100 : vector<16xf32>
      %max3A_1103 = arith.maximumf %max3A_1059, %min3A_1102 : vector<16xf32>
      %min3A_1104 = arith.minimumf %max3A_1059, %min3A_1102 : vector<16xf32>
      %max3A_1105 = arith.maximumf %max3A_1061, %min3A_1104 : vector<16xf32>
      %min3A_1106 = arith.minimumf %max3A_1061, %min3A_1104 : vector<16xf32>
      %max3A_1107 = arith.maximumf %max3A_1063, %min3A_1106 : vector<16xf32>
      %min3A_1108 = arith.minimumf %max3A_1063, %min3A_1106 : vector<16xf32>
      %max3A_1109 = arith.maximumf %max3A_1065, %min3A_1108 : vector<16xf32>
      %min3A_1110 = arith.minimumf %max3A_1065, %min3A_1108 : vector<16xf32>
      %max3A_1111 = arith.maximumf %max3A_1067, %min3A_1110 : vector<16xf32>
      %min3A_1112 = arith.minimumf %max3A_1067, %min3A_1110 : vector<16xf32>
      %max3A_1113 = arith.maximumf %max3A_1069, %min3A_1112 : vector<16xf32>
      %min3A_1114 = arith.minimumf %max3A_1069, %min3A_1112 : vector<16xf32>
      %max3A_1115 = arith.maximumf %max3A_1071, %min3A_1114 : vector<16xf32>
      %min3A_1116 = arith.minimumf %max3A_1071, %min3A_1114 : vector<16xf32>
      %add3A_1117 = arith.constant 368 : i32
      %add3A_1118 = arith.addi %mul3A_611, %add3A_1117 : i32
      %get3A_1119 = arith.constant 0 : i32
      %get3A_1120 = arith.index_cast %get3A_1119 : i32 to index
      %get3A_1121 = arith.index_cast %add3A_1118 : i32 to index
      %get3A_1122 = tpu.vector_load %arg5[%get3A_1120, %get3A_1121] {strides = array<i32>} : memref<1x32768xf32, #tpu.memory_space<vmem>>, vector<16xf32>,
      %max3A_1123 = arith.maximumf %max3A_1079, %get3A_1122 : vector<16xf32>
      %min3A_1124 = arith.minimumf %max3A_1079, %get3A_1122 : vector<16xf32>
      %max3A_1125 = arith.maximumf %max3A_1081, %min3A_1124 : vector<16xf32>
      %min3A_1126 = arith.minimumf %max3A_1081, %min3A_1124 : vector<16xf32>
      %max3A_1127 = arith.maximumf %max3A_1083, %min3A_1126 : vector<16xf32>
      %min3A_1128 = arith.minimumf %max3A_1083, %min3A_1126 : vector<16xf32>
      %max3A_1129 = arith.maximumf %max3A_1085, %min3A_1128 : vector<16xf32>
      %min3A_1130 = arith.minimumf %max3A_1085, %min3A_1128 : vector<16xf32>
      %max3A_1131 = arith.maximumf %max3A_1087, %min3A_1130 : vector<16xf32>
      %min3A_1132 = arith.minimumf %max3A_1087, %min3A_1130 : vector<16xf32>
      %max3A_1133 = arith.maximumf %max3A_1089, %min3A_1132 : vector<16xf32>
      %min3A_1134 = arith.minimumf %max3A_1089, %min3A_1132 : vector<16xf32>
      %max3A_1135 = arith.maximumf %max3A_1091, %min3A_1134 : vector<16xf32>
      %min3A_1136 = arith.minimumf %max3A_1091, %min3A_1134 : vector<16xf32>
      %max3A_1137 = arith.maximumf %max3A_1093, %min3A_1136 : vector<16xf32>
      %min3A_1138 = arith.minimumf %max3A_1093, %min3A_1136 : vector<16xf32>
      %add3A_1139 = arith.constant 384 : i32
      %add3A_1140 = arith.addi %mul3A_611, %add3A_1139 : i32
      %get3A_1141 = arith.constant 0 : i32
      %get3A_1142 = arith.index_cast %get3A_1141 : i32 to index
      %get3A_1143 = arith.index_cast %add3A_1140 : i32 to index
      %get3A_1144 = tpu.vector_load %arg5[%get3A_1142, %get3A_1143] {strides = array<i32>} : memref<1x32768xf32, #tpu.memory_space<vmem>>, vector<16xf32>,
      %max3A_1145 = arith.maximumf %max3A_1101, %get3A_1144 : vector<16xf32>
      %min3A_1146 = arith.minimumf %max3A_1101, %get3A_1144 : vector<16xf32>
      %max3A_1147 = arith.maximumf %max3A_1103, %min3A_1146 : vector<16xf32>
      %min3A_1148 = arith.minimumf %max3A_1103, %min3A_1146 : vector<16xf32>
      %max3A_1149 = arith.maximumf %max3A_1105, %min3A_1148 : vector<16xf32>
      %min3A_1150 = arith.minimumf %max3A_1105, %min3A_1148 : vector<16xf32>
      %max3A_1151 = arith.maximumf %max3A_1107, %min3A_1150 : vector<16xf32>
      %min3A_1152 = arith.minimumf %max3A_1107, %min3A_1150 : vector<16xf32>
      %max3A_1153 = arith.maximumf %max3A_1109, %min3A_1152 : vector<16xf32>
      %min3A_1154 = arith.minimumf %max3A_1109, %min3A_1152 : vector<16xf32>
      %max3A_1155 = arith.maximumf %max3A_1111, %min3A_1154 : vector<16xf32>
      %min3A_1156 = arith.minimumf %max3A_1111, %min3A_1154 : vector<16xf32>
      %max3A_1157 = arith.maximumf %max3A_1113, %min3A_1156 : vector<16xf32>
      %min3A_1158 = arith.minimumf %max3A_1113, %min3A_1156 : vector<16xf32>
      %max3A_1159 = arith.maximumf %max3A_1115, %min3A_1158 : vector<16xf32>
      %min3A_1160 = arith.minimumf %max3A_1115, %min3A_1158 : vector<16xf32>
      %add3A_1161 = arith.constant 400 : i32
      %add3A_1162 = arith.addi %mul3A_611, %add3A_1161 : i32
      %get3A_1163 = arith.constant 0 : i32
      %get3A_1164 = arith.index_cast %get3A_1163 : i32 to index
      %get3A_1165 = arith.index_cast %add3A_1162 : i32 to index
      %get3A_1166 = tpu.vector_load %arg5[%get3A_1164, %get3A_1165] {strides = array<i32>} : memref<1x32768xf32, #tpu.memory_space<vmem>>, vector<16xf32>,
      %max3A_1167 = arith.maximumf %max3A_1123, %get3A_1166 : vector<16xf32>
      %min3A_1168 = arith.minimumf %max3A_1123, %get3A_1166 : vector<16xf32>
      %max3A_1169 = arith.maximumf %max3A_1125, %min3A_1168 : vector<16xf32>
      %min3A_1170 = arith.minimumf %max3A_1125, %min3A_1168 : vector<16xf32>
      %max3A_1171 = arith.maximumf %max3A_1127, %min3A_1170 : vector<16xf32>
      %min3A_1172 = arith.minimumf %max3A_1127, %min3A_1170 : vector<16xf32>
      %max3A_1173 = arith.maximumf %max3A_1129, %min3A_1172 : vector<16xf32>
      %min3A_1174 = arith.minimumf %max3A_1129, %min3A_1172 : vector<16xf32>
      %max3A_1175 = arith.maximumf %max3A_1131, %min3A_1174 : vector<16xf32>
      %min3A_1176 = arith.minimumf %max3A_1131, %min3A_1174 : vector<16xf32>
      %max3A_1177 = arith.maximumf %max3A_1133, %min3A_1176 : vector<16xf32>
      %min3A_1178 = arith.minimumf %max3A_1133, %min3A_1176 : vector<16xf32>
      %max3A_1179 = arith.maximumf %max3A_1135, %min3A_1178 : vector<16xf32>
      %min3A_1180 = arith.minimumf %max3A_1135, %min3A_1178 : vector<16xf32>
      %max3A_1181 = arith.maximumf %max3A_1137, %min3A_1180 : vector<16xf32>
      %min3A_1182 = arith.minimumf %max3A_1137, %min3A_1180 : vector<16xf32>
      %add3A_1183 = arith.constant 416 : i32
      %add3A_1184 = arith.addi %mul3A_611, %add3A_1183 : i32
      %get3A_1185 = arith.constant 0 : i32
      %get3A_1186 = arith.index_cast %get3A_1185 : i32 to index
      %get3A_1187 = arith.index_cast %add3A_1184 : i32 to index
      %get3A_1188 = tpu.vector_load %arg5[%get3A_1186, %get3A_1187] {strides = array<i32>} : memref<1x32768xf32, #tpu.memory_space<vmem>>, vector<16xf32>,
      %max3A_1189 = arith.maximumf %max3A_1145, %get3A_1188 : vector<16xf32>
      %min3A_1190 = arith.minimumf %max3A_1145, %get3A_1188 : vector<16xf32>
      %max3A_1191 = arith.maximumf %max3A_1147, %min3A_1190 : vector<16xf32>
      %min3A_1192 = arith.minimumf %max3A_1147, %min3A_1190 : vector<16xf32>
      %max3A_1193 = arith.maximumf %max3A_1149, %min3A_1192 : vector<16xf32>
      %min3A_1194 = arith.minimumf %max3A_1149, %min3A_1192 : vector<16xf32>
      %max3A_1195 = arith.maximumf %max3A_1151, %min3A_1194 : vector<16xf32>
      %min3A_1196 = arith.minimumf %max3A_1151, %min3A_1194 : vector<16xf32>
      %max3A_1197 = arith.maximumf %max3A_1153, %min3A_1196 : vector<16xf32>
      %min3A_1198 = arith.minimumf %max3A_1153, %min3A_1196 : vector<16xf32>
      %max3A_1199 = arith.maximumf %max3A_1155, %min3A_1198 : vector<16xf32>
      %min3A_1200 = arith.minimumf %max3A_1155, %min3A_1198 : vector<16xf32>
      %max3A_1201 = arith.maximumf %max3A_1157, %min3A_1200 : vector<16xf32>
      %min3A_1202 = arith.minimumf %max3A_1157, %min3A_1200 : vector<16xf32>
      %max3A_1203 = arith.maximumf %max3A_1159, %min3A_1202 : vector<16xf32>
      %min3A_1204 = arith.minimumf %max3A_1159, %min3A_1202 : vector<16xf32>
      %add3A_1205 = arith.constant 432 : i32
      %add3A_1206 = arith.addi %mul3A_611, %add3A_1205 : i32
      %get3A_1207 = arith.constant 0 : i32
      %get3A_1208 = arith.index_cast %get3A_1207 : i32 to index
      %get3A_1209 = arith.index_cast %add3A_1206 : i32 to index
      %get3A_1210 = tpu.vector_load %arg5[%get3A_1208, %get3A_1209] {strides = array<i32>} : memref<1x32768xf32, #tpu.memory_space<vmem>>, vector<16xf32>,
      %max3A_1211 = arith.maximumf %max3A_1167, %get3A_1210 : vector<16xf32>
      %min3A_1212 = arith.minimumf %max3A_1167, %get3A_1210 : vector<16xf32>
      %max3A_1213 = arith.maximumf %max3A_1169, %min3A_1212 : vector<16xf32>
      %min3A_1214 = arith.minimumf %max3A_1169, %min3A_1212 : vector<16xf32>
      %max3A_1215 = arith.maximumf %max3A_1171, %min3A_1214 : vector<16xf32>
      %min3A_1216 = arith.minimumf %max3A_1171, %min3A_1214 : vector<16xf32>
      %max3A_1217 = arith.maximumf %max3A_1173, %min3A_1216 : vector<16xf32>
      %min3A_1218 = arith.minimumf %max3A_1173, %min3A_1216 : vector<16xf32>
      %max3A_1219 = arith.maximumf %max3A_1175, %min3A_1218 : vector<16xf32>
      %min3A_1220 = arith.minimumf %max3A_1175, %min3A_1218 : vector<16xf32>
      %max3A_1221 = arith.maximumf %max3A_1177, %min3A_1220 : vector<16xf32>
      %min3A_1222 = arith.minimumf %max3A_1177, %min3A_1220 : vector<16xf32>
      %max3A_1223 = arith.maximumf %max3A_1179, %min3A_1222 : vector<16xf32>
      %min3A_1224 = arith.minimumf %max3A_1179, %min3A_1222 : vector<16xf32>
      %max3A_1225 = arith.maximumf %max3A_1181, %min3A_1224 : vector<16xf32>
      %min3A_1226 = arith.minimumf %max3A_1181, %min3A_1224 : vector<16xf32>
      %add3A_1227 = arith.constant 448 : i32
      %add3A_1228 = arith.addi %mul3A_611, %add3A_1227 : i32
      %get3A_1229 = arith.constant 0 : i32
      %get3A_1230 = arith.index_cast %get3A_1229 : i32 to index
      %get3A_1231 = arith.index_cast %add3A_1228 : i32 to index
      %get3A_1232 = tpu.vector_load %arg5[%get3A_1230, %get3A_1231] {strides = array<i32>} : memref<1x32768xf32, #tpu.memory_space<vmem>>, vector<16xf32>,
      %max3A_1233 = arith.maximumf %max3A_1189, %get3A_1232 : vector<16xf32>
      %min3A_1234 = arith.minimumf %max3A_1189, %get3A_1232 : vector<16xf32>
      %max3A_1235 = arith.maximumf %max3A_1191, %min3A_1234 : vector<16xf32>
      %min3A_1236 = arith.minimumf %max3A_1191, %min3A_1234 : vector<16xf32>
      %max3A_1237 = arith.maximumf %max3A_1193, %min3A_1236 : vector<16xf32>
      %min3A_1238 = arith.minimumf %max3A_1193, %min3A_1236 : vector<16xf32>
      %max3A_1239 = arith.maximumf %max3A_1195, %min3A_1238 : vector<16xf32>
      %min3A_1240 = arith.minimumf %max3A_1195, %min3A_1238 : vector<16xf32>
      %max3A_1241 = arith.maximumf %max3A_1197, %min3A_1240 : vector<16xf32>
      %min3A_1242 = arith.minimumf %max3A_1197, %min3A_1240 : vector<16xf32>
      %max3A_1243 = arith.maximumf %max3A_1199, %min3A_1242 : vector<16xf32>
      %min3A_1244 = arith.minimumf %max3A_1199, %min3A_1242 : vector<16xf32>
      %max3A_1245 = arith.maximumf %max3A_1201, %min3A_1244 : vector<16xf32>
      %min3A_1246 = arith.minimumf %max3A_1201, %min3A_1244 : vector<16xf32>
      %max3A_1247 = arith.maximumf %max3A_1203, %min3A_1246 : vector<16xf32>
      %min3A_1248 = arith.minimumf %max3A_1203, %min3A_1246 : vector<16xf32>
      %add3A_1249 = arith.constant 464 : i32
      %add3A_1250 = arith.addi %mul3A_611, %add3A_1249 : i32
      %get3A_1251 = arith.constant 0 : i32
      %get3A_1252 = arith.index_cast %get3A_1251 : i32 to index
      %get3A_1253 = arith.index_cast %add3A_1250 : i32 to index
      %get3A_1254 = tpu.vector_load %arg5[%get3A_1252, %get3A_1253] {strides = array<i32>} : memref<1x32768xf32, #tpu.memory_space<vmem>>, vector<16xf32>,
      %max3A_1255 = arith.maximumf %max3A_1211, %get3A_1254 : vector<16xf32>
      %min3A_1256 = arith.minimumf %max3A_1211, %get3A_1254 : vector<16xf32>
      %max3A_1257 = arith.maximumf %max3A_1213, %min3A_1256 : vector<16xf32>
      %min3A_1258 = arith.minimumf %max3A_1213, %min3A_1256 : vector<16xf32>
      %max3A_1259 = arith.maximumf %max3A_1215, %min3A_1258 : vector<16xf32>
      %min3A_1260 = arith.minimumf %max3A_1215, %min3A_1258 : vector<16xf32>
      %max3A_1261 = arith.maximumf %max3A_1217, %min3A_1260 : vector<16xf32>
      %min3A_1262 = arith.minimumf %max3A_1217, %min3A_1260 : vector<16xf32>
      %max3A_1263 = arith.maximumf %max3A_1219, %min3A_1262 : vector<16xf32>
      %min3A_1264 = arith.minimumf %max3A_1219, %min3A_1262 : vector<16xf32>
      %max3A_1265 = arith.maximumf %max3A_1221, %min3A_1264 : vector<16xf32>
      %min3A_1266 = arith.minimumf %max3A_1221, %min3A_1264 : vector<16xf32>
      %max3A_1267 = arith.maximumf %max3A_1223, %min3A_1266 : vector<16xf32>
      %min3A_1268 = arith.minimumf %max3A_1223, %min3A_1266 : vector<16xf32>
      %max3A_1269 = arith.maximumf %max3A_1225, %min3A_1268 : vector<16xf32>
      %min3A_1270 = arith.minimumf %max3A_1225, %min3A_1268 : vector<16xf32>
      %add3A_1271 = arith.constant 480 : i32
      %add3A_1272 = arith.addi %mul3A_611, %add3A_1271 : i32
      %get3A_1273 = arith.constant 0 : i32
      %get3A_1274 = arith.index_cast %get3A_1273 : i32 to index
      %get3A_1275 = arith.index_cast %add3A_1272 : i32 to index
      %get3A_1276 = tpu.vector_load %arg5[%get3A_1274, %get3A_1275] {strides = array<i32>} : memref<1x32768xf32, #tpu.memory_space<vmem>>, vector<16xf32>,
      %max3A_1277 = arith.maximumf %max3A_1233, %get3A_1276 : vector<16xf32>
      %min3A_1278 = arith.minimumf %max3A_1233, %get3A_1276 : vector<16xf32>
      %max3A_1279 = arith.maximumf %max3A_1235, %min3A_1278 : vector<16xf32>
      %min3A_1280 = arith.minimumf %max3A_1235, %min3A_1278 : vector<16xf32>
      %max3A_1281 = arith.maximumf %max3A_1237, %min3A_1280 : vector<16xf32>
      %min3A_1282 = arith.minimumf %max3A_1237, %min3A_1280 : vector<16xf32>
      %max3A_1283 = arith.maximumf %max3A_1239, %min3A_1282 : vector<16xf32>
      %min3A_1284 = arith.minimumf %max3A_1239, %min3A_1282 : vector<16xf32>
      %max3A_1285 = arith.maximumf %max3A_1241, %min3A_1284 : vector<16xf32>
      %min3A_1286 = arith.minimumf %max3A_1241, %min3A_1284 : vector<16xf32>
      %max3A_1287 = arith.maximumf %max3A_1243, %min3A_1286 : vector<16xf32>
      %min3A_1288 = arith.minimumf %max3A_1243, %min3A_1286 : vector<16xf32>
      %max3A_1289 = arith.maximumf %max3A_1245, %min3A_1288 : vector<16xf32>
      %min3A_1290 = arith.minimumf %max3A_1245, %min3A_1288 : vector<16xf32>
      %max3A_1291 = arith.maximumf %max3A_1247, %min3A_1290 : vector<16xf32>
      %min3A_1292 = arith.minimumf %max3A_1247, %min3A_1290 : vector<16xf32>
      %add3A_1293 = arith.constant 496 : i32
      %add3A_1294 = arith.addi %mul3A_611, %add3A_1293 : i32
      %get3A_1295 = arith.constant 0 : i32
      %get3A_1296 = arith.index_cast %get3A_1295 : i32 to index
      %get3A_1297 = arith.index_cast %add3A_1294 : i32 to index
      %get3A_1298 = tpu.vector_load %arg5[%get3A_1296, %get3A_1297] {strides = array<i32>} : memref<1x32768xf32, #tpu.memory_space<vmem>>, vector<16xf32>,
      %max3A_1299 = arith.maximumf %max3A_1255, %get3A_1298 : vector<16xf32>
      %min3A_1300 = arith.minimumf %max3A_1255, %get3A_1298 : vector<16xf32>
      %max3A_1301 = arith.maximumf %max3A_1257, %min3A_1300 : vector<16xf32>
      %min3A_1302 = arith.minimumf %max3A_1257, %min3A_1300 : vector<16xf32>
      %max3A_1303 = arith.maximumf %max3A_1259, %min3A_1302 : vector<16xf32>
      %min3A_1304 = arith.minimumf %max3A_1259, %min3A_1302 : vector<16xf32>
      %max3A_1305 = arith.maximumf %max3A_1261, %min3A_1304 : vector<16xf32>
      %min3A_1306 = arith.minimumf %max3A_1261, %min3A_1304 : vector<16xf32>
      %max3A_1307 = arith.maximumf %max3A_1263, %min3A_1306 : vector<16xf32>
      %min3A_1308 = arith.minimumf %max3A_1263, %min3A_1306 : vector<16xf32>
      %max3A_1309 = arith.maximumf %max3A_1265, %min3A_1308 : vector<16xf32>
      %min3A_1310 = arith.minimumf %max3A_1265, %min3A_1308 : vector<16xf32>
      %max3A_1311 = arith.maximumf %max3A_1267, %min3A_1310 : vector<16xf32>
      %min3A_1312 = arith.minimumf %max3A_1267, %min3A_1310 : vector<16xf32>
      %max3A_1313 = arith.maximumf %max3A_1269, %min3A_1312 : vector<16xf32>
      %min3A_1314 = arith.minimumf %max3A_1269, %min3A_1312 : vector<16xf32>
      scf.yield %max3A_1277, %max3A_1279, %max3A_1281, %max3A_1283, %max3A_1285, %max3A_1287, %max3A_1289, %max3A_1291, %max3A_1299, %max3A_1301, %max3A_1303, %max3A_1305, %max3A_1307, %max3A_1309, %max3A_1311, %max3A_1313 : vector<16xf32>, vector<16xf32>, vector<16xf32>, vector<16xf32>, vector<16xf32>, vector<16xf32>, vector<16xf32>, vector<16xf32>, vector<16xf32>, vector<16xf32>, vector<16xf32>, vector<16xf32>, vector<16xf32>, vector<16xf32>, vector<16xf32>, vector<16xf32>
    }
    %max3A_471 = arith.maximumf %while3A_470#0, %while3A_470#15 : vector<16xf32>
    %max3A_472 = arith.maximumf %while3A_470#1, %while3A_470#14 : vector<16xf32>
    %max3A_473 = arith.maximumf %while3A_470#2, %while3A_470#13 : vector<16xf32>
    %max3A_474 = arith.maximumf %while3A_470#3, %while3A_470#12 : vector<16xf32>
    %max3A_475 = arith.maximumf %while3A_470#4, %while3A_470#11 : vector<16xf32>
    %max3A_476 = arith.maximumf %while3A_470#5, %while3A_470#10 : vector<16xf32>
    %max3A_477 = arith.maximumf %while3A_470#6, %while3A_470#9 : vector<16xf32>
    %max3A_478 = arith.maximumf %while3A_470#7, %while3A_470#8 : vector<16xf32>
    %sort3A_479 = arith.constant dense<true> : vector<16xi1>
    %sort3A_480, %sort3A_481, %sort3A_482 = tpu.sort %max3A_471, %max3A_471 masked %sort3A_479 : (vector<16xf32>, vector<16xf32>, vector<16xi1>) -> (vector<16xi1>, vector<16xf32>, vector<16xf32>)
    %sort3A_483 = arith.constant dense<true> : vector<16xi1>
    %sort3A_484, %sort3A_485, %sort3A_486 = tpu.sort %max3A_472, %max3A_472 masked %sort3A_483 : (vector<16xf32>, vector<16xf32>, vector<16xi1>) -> (vector<16xi1>, vector<16xf32>, vector<16xf32>)
    %sort3A_487 = arith.constant dense<true> : vector<16xi1>
    %sort3A_488, %sort3A_489, %sort3A_490 = tpu.sort %max3A_473, %max3A_473 masked %sort3A_487 : (vector<16xf32>, vector<16xf32>, vector<16xi1>) -> (vector<16xi1>, vector<16xf32>, vector<16xf32>)
    %sort3A_491 = arith.constant dense<true> : vector<16xi1>
    %sort3A_492, %sort3A_493, %sort3A_494 = tpu.sort %max3A_474, %max3A_474 masked %sort3A_491 : (vector<16xf32>, vector<16xf32>, vector<16xi1>) -> (vector<16xi1>, vector<16xf32>, vector<16xf32>)
    %sort3A_495 = arith.constant dense<true> : vector<16xi1>
    %sort3A_496, %sort3A_497, %sort3A_498 = tpu.sort %max3A_475, %max3A_475 masked %sort3A_495 : (vector<16xf32>, vector<16xf32>, vector<16xi1>) -> (vector<16xi1>, vector<16xf32>, vector<16xf32>)
    %sort3A_499 = arith.constant dense<true> : vector<16xi1>
    %sort3A_500, %sort3A_501, %sort3A_502 = tpu.sort %max3A_476, %max3A_476 masked %sort3A_499 : (vector<16xf32>, vector<16xf32>, vector<16xi1>) -> (vector<16xi1>, vector<16xf32>, vector<16xf32>)
    %sort3A_503 = arith.constant dense<true> : vector<16xi1>
    %sort3A_504, %sort3A_505, %sort3A_506 = tpu.sort %max3A_477, %max3A_477 masked %sort3A_503 : (vector<16xf32>, vector<16xf32>, vector<16xi1>) -> (vector<16xi1>, vector<16xf32>, vector<16xf32>)
    %sort3A_507 = arith.constant dense<true> : vector<16xi1>
    %sort3A_508, %sort3A_509, %sort3A_510 = tpu.sort %max3A_478, %max3A_478 masked %sort3A_507 : (vector<16xf32>, vector<16xf32>, vector<16xi1>) -> (vector<16xi1>, vector<16xf32>, vector<16xf32>)
    %rev3A_511 = arith.constant 15 : i32
    %rev3A_512 = vector.broadcast %rev3A_511 : i32 to vector<16xi32>
    %rev3A_513 = tpu.iota {dimensions = array<i32: 0>} : vector<16xi32>
    %rev3A_514 = arith.subi %rev3A_512, %rev3A_513 : vector<16xi32>
    %rev3A_515 = tpu.dynamic_gather %sort3A_485[%rev3A_514] in [0] : vector<16xf32>, vector<16xi32> -> vector<16xf32>
    %max3A_516 = arith.maximumf %sort3A_481, %rev3A_515 : vector<16xf32>
    %sort3A_517 = arith.constant dense<true> : vector<16xi1>
    %sort3A_518, %sort3A_519, %sort3A_520 = tpu.sort %max3A_516, %max3A_516 masked %sort3A_517 : (vector<16xf32>, vector<16xf32>, vector<16xi1>) -> (vector<16xi1>, vector<16xf32>, vector<16xf32>)
    %rev3A_521 = arith.constant 15 : i32
    %rev3A_522 = vector.broadcast %rev3A_521 : i32 to vector<16xi32>
    %rev3A_523 = tpu.iota {dimensions = array<i32: 0>} : vector<16xi32>
    %rev3A_524 = arith.subi %rev3A_522, %rev3A_523 : vector<16xi32>
    %rev3A_525 = tpu.dynamic_gather %sort3A_493[%rev3A_524] in [0] : vector<16xf32>, vector<16xi32> -> vector<16xf32>
    %max3A_526 = arith.maximumf %sort3A_489, %rev3A_525 : vector<16xf32>
    %sort3A_527 = arith.constant dense<true> : vector<16xi1>
    %sort3A_528, %sort3A_529, %sort3A_530 = tpu.sort %max3A_526, %max3A_526 masked %sort3A_527 : (vector<16xf32>, vector<16xf32>, vector<16xi1>) -> (vector<16xi1>, vector<16xf32>, vector<16xf32>)
    %rev3A_531 = arith.constant 15 : i32
    %rev3A_532 = vector.broadcast %rev3A_531 : i32 to vector<16xi32>
    %rev3A_533 = tpu.iota {dimensions = array<i32: 0>} : vector<16xi32>
    %rev3A_534 = arith.subi %rev3A_532, %rev3A_533 : vector<16xi32>
    %rev3A_535 = tpu.dynamic_gather %sort3A_501[%rev3A_534] in [0] : vector<16xf32>, vector<16xi32> -> vector<16xf32>
    %max3A_536 = arith.maximumf %sort3A_497, %rev3A_535 : vector<16xf32>
    %sort3A_537 = arith.constant dense<true> : vector<16xi1>
    %sort3A_538, %sort3A_539, %sort3A_540 = tpu.sort %max3A_536, %max3A_536 masked %sort3A_537 : (vector<16xf32>, vector<16xf32>, vector<16xi1>) -> (vector<16xi1>, vector<16xf32>, vector<16xf32>)
    %rev3A_541 = arith.constant 15 : i32
    %rev3A_542 = vector.broadcast %rev3A_541 : i32 to vector<16xi32>
    %rev3A_543 = tpu.iota {dimensions = array<i32: 0>} : vector<16xi32>
    %rev3A_544 = arith.subi %rev3A_542, %rev3A_543 : vector<16xi32>
    %rev3A_545 = tpu.dynamic_gather %sort3A_509[%rev3A_544] in [0] : vector<16xf32>, vector<16xi32> -> vector<16xf32>
    %max3A_546 = arith.maximumf %sort3A_505, %rev3A_545 : vector<16xf32>
    %sort3A_547 = arith.constant dense<true> : vector<16xi1>
    %sort3A_548, %sort3A_549, %sort3A_550 = tpu.sort %max3A_546, %max3A_546 masked %sort3A_547 : (vector<16xf32>, vector<16xf32>, vector<16xi1>) -> (vector<16xi1>, vector<16xf32>, vector<16xf32>)
    %rev3A_551 = arith.constant 15 : i32
    %rev3A_552 = vector.broadcast %rev3A_551 : i32 to vector<16xi32>
    %rev3A_553 = tpu.iota {dimensions = array<i32: 0>} : vector<16xi32>
    %rev3A_554 = arith.subi %rev3A_552, %rev3A_553 : vector<16xi32>
    %rev3A_555 = tpu.dynamic_gather %sort3A_529[%rev3A_554] in [0] : vector<16xf32>, vector<16xi32> -> vector<16xf32>
    %max3A_556 = arith.maximumf %sort3A_519, %rev3A_555 : vector<16xf32>
    %sort3A_557 = arith.constant dense<true> : vector<16xi1>
    %sort3A_558, %sort3A_559, %sort3A_560 = tpu.sort %max3A_556, %max3A_556 masked %sort3A_557 : (vector<16xf32>, vector<16xf32>, vector<16xi1>) -> (vector<16xi1>, vector<16xf32>, vector<16xf32>)
    %rev3A_561 = arith.constant 15 : i32
    %rev3A_562 = vector.broadcast %rev3A_561 : i32 to vector<16xi32>
    %rev3A_563 = tpu.iota {dimensions = array<i32: 0>} : vector<16xi32>
    %rev3A_564 = arith.subi %rev3A_562, %rev3A_563 : vector<16xi32>
    %rev3A_565 = tpu.dynamic_gather %sort3A_549[%rev3A_564] in [0] : vector<16xf32>, vector<16xi32> -> vector<16xf32>
    %max3A_566 = arith.maximumf %sort3A_539, %rev3A_565 : vector<16xf32>
    %sort3A_567 = arith.constant dense<true> : vector<16xi1>
    %sort3A_568, %sort3A_569, %sort3A_570 = tpu.sort %max3A_566, %max3A_566 masked %sort3A_567 : (vector<16xf32>, vector<16xf32>, vector<16xi1>) -> (vector<16xi1>, vector<16xf32>, vector<16xf32>)
    %rev3A_571 = arith.constant 15 : i32
    %rev3A_572 = vector.broadcast %rev3A_571 : i32 to vector<16xi32>
    %rev3A_573 = tpu.iota {dimensions = array<i32: 0>} : vector<16xi32>
    %rev3A_574 = arith.subi %rev3A_572, %rev3A_573 : vector<16xi32>
    %rev3A_575 = tpu.dynamic_gather %sort3A_569[%rev3A_574] in [0] : vector<16xf32>, vector<16xi32> -> vector<16xf32>
    %max3A_576 = arith.maximumf %sort3A_559, %rev3A_575 : vector<16xf32>
    %sort3A_577 = arith.constant dense<true> : vector<16xi1>
    %sort3A_578, %sort3A_579, %sort3A_580 = tpu.sort %max3A_576, %max3A_576 masked %sort3A_577 : (vector<16xf32>, vector<16xf32>, vector<16xi1>) -> (vector<16xi1>, vector<16xf32>, vector<16xf32>)
    %rev3A_581 = arith.constant 15 : i32
    %rev3A_582 = vector.broadcast %rev3A_581 : i32 to vector<16xi32>
    %rev3A_583 = tpu.iota {dimensions = array<i32: 0>} : vector<16xi32>
    %rev3A_584 = arith.subi %rev3A_582, %rev3A_583 : vector<16xi32>
    %rev3A_585 = tpu.dynamic_gather %sort3A_579[%rev3A_584] in [0] : vector<16xf32>, vector<16xi32> -> vector<16xf32>
    %swap3A_586 = arith.constant 8 : index
    %swap3A_587 = tpu.vector_load %arg8[%swap3A_586] {strides = array<i32>} : memref<24xf32, #tpu.memory_space<vmem>>, vector<16xf32>,
    tpu.vector_store %arg8[%swap3A_586], %rev3A_585 {strides = array<i32>} : memref<24xf32, #tpu.memory_space<vmem>>, vector<16xf32>,
    %mul3A_588 = arith.constant 8 : i32
    %mul3A_589 = arith.muli %mul3A_2, %mul3A_588 : i32
    "tpu.region"() ({
      %run_scoped3A = tpu.sem_alloc : memref<!tpu.dma_semaphore, #tpu.memory_space<semaphore_mem>>
      %dma_start3A_590 = arith.constant 0 : i32
      %dma_start3A_591 = tpu.memref_slice %arg8[%dma_start3A_590] : memref<24xf32, #tpu.memory_space<vmem>> -> memref<16xf32, #tpu.memory_space<vmem>>
      %dma_start3A_592 = tpu.memref_slice %arg3[%mul3A_589] : memref<512xf32, #tpu.memory_space<hbm>> -> memref<16xf32, #tpu.memory_space<hbm>>
      %dma_start3A_593 = tpu.memref_slice %arg3[%mul3A_589] : memref<512xf32, #tpu.memory_space<hbm>> -> memref<16xf32, #tpu.memory_space<hbm>>
      %dma_start3A_594 = arith.constant 0 : i32
      %dma_start3A_595 = tpu.memref_slice %arg8[%dma_start3A_594] : memref<24xf32, #tpu.memory_space<vmem>> -> memref<16xf32, #tpu.memory_space<vmem>>
      tpu.enqueue_dma source(%dma_start3A_595 : memref<16xf32, #tpu.memory_space<vmem>>) target(%dma_start3A_593 : memref<16xf32, #tpu.memory_space<hbm>>) target_semaphore(%run_scoped3A : memref<!tpu.dma_semaphore, #tpu.memory_space<semaphore_mem>>)
      %dma_wait3A_596 = arith.constant 0 : i32
      %dma_wait3A_597 = tpu.memref_slice %arg8[%dma_wait3A_596] : memref<24xf32, #tpu.memory_space<vmem>> -> memref<16xf32, #tpu.memory_space<vmem>>
      %dma_wait3A_598 = tpu.memref_slice %arg3[%mul3A_589] : memref<512xf32, #tpu.memory_space<hbm>> -> memref<16xf32, #tpu.memory_space<hbm>>
      %dma_wait3A_599 = tpu.memref_slice %arg3[%mul3A_589] : memref<512xf32, #tpu.memory_space<hbm>> -> memref<16xf32, #tpu.memory_space<hbm>>
      %dma_wait3A_600 = arith.constant 0 : i32
      %dma_wait3A_601 = tpu.memref_slice %arg8[%dma_wait3A_600] : memref<24xf32, #tpu.memory_space<vmem>> -> memref<16xf32, #tpu.memory_space<vmem>>
      tpu.wait_dma2 semaphore(%run_scoped3A : memref<!tpu.dma_semaphore, #tpu.memory_space<semaphore_mem>>) src(%dma_wait3A_601 : memref<16xf32, #tpu.memory_space<vmem>>) dst(%dma_wait3A_599 : memref<16xf32, #tpu.memory_space<hbm>>)
      tpu.yield
    }) : () -> ()
    return
  }
}

</mosaic_0001>

<sc_bundles>
// kernel: kernel.3.cloned.1.call-start
scs
__scs_entry_jumppad:
0x0: {  	(pc) =	sbr.rel $0x88, $3  }
0x1: {  	(tag) =	ssettag $0x0;
	lr =	simm.s32 $0x1  }
0x2: {  	[smem:$0x3FA0] =	sst lr;
	_ =	strace $0xD0000000  }
0x3: {  	_ = 	snop  }
0x4: {  	_ = 	snop  }
0x5: {  	_ = 	snop  }
0x6: {  	_ = 	snop  }
0x7: {  	_ = 	snop  }
__scs_overlays_trampoline_lowered:
0x8: {  	[smem:$0x3FAF] =	sst s0  }
0x9: {  	[smem:$0x3FB0] =	sst s1  }
0xa: {  	[smem:$0x3FB1] =	sst s2  }
0xb: {  	[smem:$0x3FB2] =	sst s3  }
0xc: {  	[smem:$0x3FB3] =	sst s4  }
0xd: {  	[smem:$0x3FB4] =	sst s5  }
0xe: {  	[smem:$0x3FB5] =	sst s6  }
0xf: {  	[smem:$0x3FB6] =	sst s7  }
0x10: {  	[smem:$0x3FB7] =	sst s8  }
0x11: {  	[smem:$0x3FB8] =	sst s9;
	s0 =	simm.s32 @!p0 $0x0  }
0x12: {  	s1 =	sld [smem:$0x3F9E];
	s0 =	simm.s32 @p0 $0x1  }
0x13: {  	[smem:$0x3FB9] =	sst s0;
	s0 =	simm.s32 @!p1 $0x0  }
0x14: {  	s2 =	sld [smem:$0x3F9D];
	s0 =	simm.s32 @p1 $0x1  }
0x15: {  	[smem:$0x3FBA] =	sst s0;
	s0 =	simm.s32 @!p2 $0x0  }
0x16: {  	s3 =	sld [smem:$0x3FDB];
	s0 =	simm.s32 @p2 $0x1  }
0x17: {  	s4 =	simm.s32 $0x1BF5;
	[smem:$0x3FBC] =	sst s0  }
0x18: {  	s0 =	sld [smem:$0x3F9F];
	_ =	swait.ge [sflag:s4], $0x0  }
0x19: {  	s7 =	sld [smem:$0x3FA0]  }
0x1a: {  	s8 =	sadd.s32 $0xFFFFE003, lr  }
0x1b: {  	s9 =	sadd.s32 $0xFFFFFEF7, lr;
	s5 =	simm.s32 $0xFFFFFFFF;
	p2 =	slt.u32 s8, $0xFFFFF086  }
0x1c: {  	p1 =	slt.u32 s9, $0xF7A;
	s5 =	simm.s32 @!p2 $0x0  }
0x1d: {  	s5 =	simm.s32 @p1 $0x1;
	p0 =	seq.s32 s7, s2  }
0x1e: {  	s7 =	smul.u32 @!p0 $0xF7A, s2;
	p2 =	seq.s32 @!p0 s5, $0x0  }
0x1f: {  	s9 =	smul.u32 $0xF7A, s1;
	s8 =	simm.s32 @!p0 $0x1BF5;
	p2 =	por !p2, p0  }
0x20: {  	[sflag:s8] =	ssyncset.s32 @!p0 $0xFFFFF086;
	s6 =	sadd.s32 @!p0 s3, s7;
	s7 =	simm.s32 @!p0 $0x108  }
0x21: {  	s3 =	sadd.s32 s3, s9;
	s6 =	sadd.s32 @!p0 $0x88, s6;
	s7 =	simm.s32 @p2 $0x1082  }
0x22: {  	[simem:s7], [sflag:s8] =	dma.local @!p0 [hbm:s6], $0xF7A  }
0x23: {  	s9 =	sor.u32 $0xD0000000, s2;
	s6 =	simm.s32 $0x108;
	_ =	swait.ge @!p0 [sflag:s8], $0x0  }
0x24: {  	s3 =	sadd.s32 $0x88, s3;
	s6 =	simm.s32 @!p1 $0x1082;
	[sflag:s4] =	ssyncset.s32 $0xFFFFF086  }
0x25: {  	[simem:s6], [sflag:s4] =	dma.local [hbm:s3], $0xF7A  }
0x26: {  	[smem:$0x3FA0] =	sst s1;
	(tag) =	ssettag s2;
	_ =	strace s9  }
0x27: {  	s1 =	sld [smem:$0x3FB0]  }
0x28: {  	s2 =	sld [smem:$0x3FB1]  }
0x29: {  	s4 =	sld [smem:$0x3FB3]  }
0x2a: {  	p0 =	seq.s32 s5, $0x0;
	s5 =	sld [smem:$0x3FB4]  }
0x2b: {  	s6 =	sld [smem:$0x3FB5]  }
0x2c: {  	s7 =	sld [smem:$0x3FB6]  }
0x2d: {  	s3 =	simm.s32 $0x108;
	s8 =	sld [smem:$0x3FB7]  }
0x2e: {  	s3 =	simm.s32 @!p0 $0x1082;
	s9 =	sld [smem:$0x3FB8]  }
0x2f: {  	lr =	sadd.s32 s0, s3;
	s0 =	sld [smem:$0x3FAF]  }
0x30: {  	s3 =	sld [smem:$0x3FB2]  }
0x31: {  	[smem:$0x3FBB] =	sst s10  }
0x32: {  	s10 =	sld [smem:$0x3FB9];
	_ =	sdelay $0x3  }
0x33: {  	p0 =	seq.s32 s10, $0x1;
	s10 =	sld [smem:$0x3FBB];
	_ =	sdelay $0x3  }
0x34: {  	[smem:$0x3FBB] =	sst s10  }
0x35: {  	s10 =	sld [smem:$0x3FBA];
	_ =	sdelay $0x3  }
0x36: {  	p1 =	seq.s32 s10, $0x1;
	s10 =	sld [smem:$0x3FBB];
	_ =	sdelay $0x3  }
0x37: {  	[smem:$0x3FBB] =	sst s10  }
0x38: {  	s10 =	sld [smem:$0x3FBC]  }
0x39: {  	_ = 	snop;
	(pc) =	sbr.ind lr, $3  }
0x3a: {  	_ = 	snop  }
0x3b: {  	_ = 	snop  }
0x3c: {  	p2 =	seq.s32 s10, $0x1;
	s10 =	sld [smem:$0x3FBB]  }
0x3d: {  	_ =	shalt  }
0x3e: {  	_ =	shalt  }
0x3f: {  	_ =	shalt  }
0x40: {  	_ =	shalt  }
0x41: {  	_ =	shalt  }
0x42: {  	_ =	shalt  }
0x43: {  	_ =	shalt  }
0x44: {  	_ =	shalt  }
0x45: {  	_ =	shalt  }
0x46: {  	_ =	shalt  }
0x47: {  	_ =	shalt  }
0x48: {  	_ =	shalt  }
0x49: {  	_ =	shalt  }
0x4a: {  	_ =	shalt  }
0x4b: {  	_ =	shalt  }
0x4c: {  	_ =	shalt  }
0x4d: {  	_ =	shalt  }
0x4e: {  	_ =	shalt  }
0x4f: {  	_ =	shalt  }
0x50: {  	_ =	shalt  }
0x51: {  	_ =	shalt  }
0x52: {  	_ =	shalt  }
0x53: {  	_ =	shalt  }
0x54: {  	_ =	shalt  }
0x55: {  	_ =	shalt  }
0x56: {  	_ =	shalt  }
0x57: {  	_ =	shalt  }
0x58: {  	_ =	shalt  }
0x59: {  	_ =	shalt  }
0x5a: {  	_ =	shalt  }
0x5b: {  	_ =	shalt  }
0x5c: {  	_ =	shalt  }
0x5d: {  	_ =	shalt  }
0x5e: {  	_ =	shalt  }
0x5f: {  	_ =	shalt  }
0x60: {  	_ =	shalt  }
0x61: {  	_ =	shalt  }
0x62: {  	_ =	shalt  }
0x63: {  	_ =	shalt  }
0x64: {  	_ =	shalt  }
0x65: {  	_ =	shalt  }
0x66: {  	_ =	shalt  }
0x67: {  	_ =	shalt  }
0x68: {  	_ =	shalt  }
0x69: {  	_ =	shalt  }
0x6a: {  	_ =	shalt  }
0x6b: {  	_ =	shalt  }
0x6c: {  	_ =	shalt  }
0x6d: {  	_ =	shalt  }
0x6e: {  	_ =	shalt  }
0x6f: {  	_ =	shalt  }
0x70: {  	_ =	shalt  }
0x71: {  	_ =	shalt  }
0x72: {  	_ =	shalt  }
0x73: {  	_ =	shalt  }
0x74: {  	_ =	shalt  }
0x75: {  	_ =	shalt  }
0x76: {  	_ =	shalt  }
0x77: {  	_ =	shalt  }
0x78: {  	_ =	shalt  }
0x79: {  	_ =	shalt  }
0x7a: {  	_ =	shalt  }
0x7b: {  	_ =	shalt  }
0x7c: {  	_ =	shalt  }
0x7d: {  	_ =	shalt  }
0x7e: {  	_ =	shalt  }
0x7f: {  	_ =	shalt  }
0x80: {  	_ =	shalt  }
0x81: {  	_ =	shalt  }
0x82: {  	_ =	shalt  }
0x83: {  	_ =	shalt  }
0x84: {  	_ =	shalt  }
0x85: {  	_ =	shalt  }
0x86: {  	_ =	shalt  }
0x87: {  	_ =	shalt  }
.Lfunc_end0:
.L_simem_size_0:
called_computation_lowered:
.L_overlay_start_0:
0x88: {  	s2 =	sld [smem:$0x3FD9]  }
0x89: {  	s3 =	sld [smem:$0x3FFE];
	_ =	sdelay $0x1  }
0x8a: {  	s1 =	srdreg.scid  }
0x8b: {  	s0 =	sand.u32 $0x1, s1  }
0x8c: {  	s18 =	sshll.u32 s0, $0xA;
	s2 =	sadd.s32 s3, s2  }
0x8d: {  	s2 =	sadd.s32 s2, s18  }
0x8e: {  	[smem:$0x3FC7] =	sst s2  }
0x8f: {  	_ = 	snop  }
0x90: {  	s2 =	sld [smem:$0x3FC9]  }
0x91: {  	s19 =	sld [smem:$0x3FD0];
	(tm) =	ssettm $0x1  }
0x92: {  	s4 =	sld [smem:$0x3FFB];
	_ =	sdelay $0x3  }
0x93: {  	_ =	strace s4  }
0x94: {  	s4 =	sld [smem:$0x3FFC];
	_ =	sdelay $0x3  }
0x95: {  	_ =	strace s4  }
0x96: {  	s4 =	sld [smem:$0x3FFD];
	_ =	sdelay $0x3  }
0x97: {  	_ =	strace s4  }
0x98: {  	_ =	strace $0x8FFFFFFF  }
0x99: {  	s20 =	sld [smem:$0x3FDB];
	_ =	sdelay $0x1  }
0x9a: {  	s5 =	simm.s32 $_scs_section_size  }
0x9b: {  	s6 =	simm.s32 $_size__tile_overlayer_lowered;
	s7 =	simm.s32 $_tile_overlayer_lowered  }
0x9c: {  	s23 =	simm.s32 $0x1BFF;
	s22 =	sshll.u32 s7, $0x1;
	s4 =	sadd.s32 s5, s20  }
0x9d: {  	s8 =	simm.s32 $0x0;
	s21 =	sshll.u32 s6, $0x1;
	s6 =	sadd.s32 s22, s4  }
0x9e: {  	[timem:s8], [sflag:s23] =	dma.local [hbm:s6], s21  }
0x9f: {  	_ =	swait.ge [sflag:s23], s21  }
0xa0: {  	s5 =	ssub.s32 $0x0, s21;
	[sflag:s23] =	ssyncset.done $0x0  }
0xa1: {  	[sflag:s23] =	ssyncadd.s32 s5;
	_ =	sdelay $0x1  }
0xa2: {  	s24 =	simm.s32 $0x1B8B  }
0xa3: {  	_ =	swait.ge [sflag:s24], $0x1  }
0xa4: {  	[sflag:s24] =	ssyncset.done $0x0  }
0xa5: {  	s25 =	simm.s32 $0x1B8E;
	[sflag:s24] =	ssyncadd.s32 $0xFFFFFFFF  }
0xa6: {  	s26 =	simm.s32 $execute0_lowered;
	[smem:$0x3FD2] =	sst s25  }
0xa7: {  	s5 =	sshll.u32 s26, $0x1;
	_ =	strace $0x80000046;
	[dreg:$0x1] =	wrdreg $0xFFFFFFFF  }
0xa8: {  	s28 =	simm.s32 $_size_execute0_lowered;
	s4 =	sadd.s32 s4, s5;
	[dreg:$0x0] =	wrdreg $0x0  }
0xa9: {  	s5 =	sshll.u32 s28, $0x1;
	[dreg:$0x2] =	wrdreg s4  }
0xaa: {  	[dreg:$0x3] =	wrdreg s5  }
0xab: {  	[dreg:$0x4] =	wrdreg $0xC0  }
0xac: {  	_ =	task [dreg:s8], $0x5FFFF  }
0xad: {  	[dreg:$0x1] =	wrdreg $0xFFFFFFFF  }
0xae: {  	[dreg:$0x0] =	wrdreg $0x60  }
0xaf: {  	[dreg:$0x2] =	wrdreg s2  }
0xb0: {  	[dreg:$0x3] =	wrdreg s19  }
0xb1: {  	[dreg:$0x4] =	wrdreg $0x9  }
0xb2: {  	_ =	task.clear_ibuf [dreg:s8], $0x5FFFF;
	_ =	strace $0x90000046  }
0xb3: {  	s29 =	simm.s32 $0x9;
	_ =	strace $0x80000048  }
0xb4: {  	_ =	swait.ge [sflag:s29], $0x1  }
0xb5: {  	[sflag:s29] =	ssyncadd.s32 $0xFFFFFFFF  }
0xb6: {  	_ =	strace $0x90000048  }
0xb7: {  	_ =	sfence  }
0xb8: {  	s30 =	sld [smem:$0x0];
	_ =	sdelay $0x2  }
0xb9: {  	s31 =	sshll.u32 s1, $0xD;
	s1 =	sshrl.u32 s1, $0x2  }
0xba: {  	s3 =	sand.u32 $0x4000, s31;
	s1 =	sadd.s32 s1, s30  }
0xbb: {  	s0 =	sor.u32 s3, s0;
	s1 =	sshll.u32 s1, $0x11  }
0xbc: {  	s0 =	sor.u32 s1, s0  }
0xbd: {  	s0 =	sadd.s32 $0x8F2B, s0  }
0xbe: {  	[sflag:s0] =	ssyncadd.remote.s32 $0x1  }
0xbf: {  	_ =	sfence.sel $0xFFFF  }
0xc0: {  	[dreg:$0x0] =	wrdreg $0xFFFFFFFF;
	(pc) =	sbr.abs _section_cstart, $3  }
0xc1: {  	[dreg:$0x1] =	wrdreg $0xFFFFFFFF  }
0xc2: {  	_ =	task.clear_ibuf [dreg:s8], $0x2FFFF;
	_ =	strace $0x9FFFFFFF  }
0xc3: {  	(tm) =	ssettm $0x7FFFFFFF  }
tec
execute0_lowered:
.L_overlay_start_1:
0x0: {  	(tag) =	ssettag $0x1  }
0x1: {  	s1 =	srdreg.scid;
	s3 =	rddreg [dreg:$0x0]  }
0x2: {  	s0 =	stileid.u32;
	s6 =	rddreg [dreg:$0x1];
	s2 =	simm.s32 $0x0  }
0x3: {  	s9 =	simm.s32 $0x400;
	s10 =	simm.s32 $0x4000;
	s11 =	simm.s32 $0x8000  }
0x4: {  	s12 =	simm.s32 $0x1;
	s13 =	simm.s32 $0x2;
	s14 =	simm.s32 $0x3  }
0x5: {  	s15 =	simm.s32 $0x10480;
	s16 =	simm.s32 $0x4;
	s17 =	simm.s32 $0x0  }
0x6: {  	s4 =	sand.u32 $0x1, s1;
	s30 =	sshll.u32 s0, $0x1;
	s1 =	rddreg [dreg:$0x2]  }
0x7: {  	s8 =	sshll.u32 s0, $0xE;
	[smem:$0x7FF] =	sst s2;
	s7 =	sor.u32 s4, s30  }
.Ltmp0:
0x8: {  	s4 =	ssub.s32 $0x2, s4;
	s5 =	sshll.u32 s7, $0x5;
	(pc) =	sbr.rel .LBB2_1-.Ltmp0, $4  }
0x9: {  	v0 =	vlaneseq.u32;
	_ =	strace $0x80000047;
	s31 =	sshrl.u32 s4, $0x1;
	s5 =	sor.u32 s8, s5  }
0xa: {  	v0 =	vmul.u32 $0xFFFFFFFF, v0;
	s7 =	sshll.u32 s7, $0x1;
	s8 =	ssub.s32 s4, s31;
	s5 =	sand.u32 $0x38060, s5  }
0xb: {  	s6 =	sadd.s32 s6, s7;
	s7 =	smax.u32 s8, $0x1;
	s3 =	sadd.s32 s3, s5  }
0xc: {  	v0 =	vadd.s32 $0xF, v0;
	s8 =	simm.s32 $0x80;
	s4 =	sadd.s32 $0x4000, s3;
	s5 =	sadd.s32 $0x10, s3  }
.LBB2_23:
0xd: {  	(xrf1) =	vsort.ascd.msk.f32 $0xffff, v1, v1  }
0xe: {  	(xrf1) =	vsort.ascd.msk.f32 $0xffff, v2, v2  }
0xf: {  	(xrf1) =	vsort.ascd.msk.f32 $0xffff, v3, v3  }
0x10: {  	(xrf1) =	vsort.ascd.msk.f32 $0xffff, v4, v4  }
0x11: {  	(xrf1) =	vsort.ascd.msk.f32 $0xffff, v7, v7  }
0x12: {  	(xrf1) =	vsort.ascd.msk.f32 $0xffff, v5, v5  }
0x13: {  	(xrf1) =	vsort.ascd.msk.f32 $0xffff, v8, v8  }
0x14: {  	(xrf1) =	vsort.ascd.msk.f32 $0xffff, v6, v6;
	_ =	sdelay $0x6  }
0x15: {  	v1, _, _ =	vpop (xrf1)  }
0x16: {  	v2, _, _ =	vpop (xrf1)  }
0x17: {  	v3, _, _ =	vpop (xrf1)  }
0x18: {  	v4, _, _ =	vpop (xrf1)  }
0x19: {  	v59, _, _ =	vpop (xrf1)  }
0x1a: {  	v2 =	vperm.xlane v2, v0;
	v60, _, _ =	vpop (xrf1)  }
0x1b: {  	v4 =	vperm.xlane v4, v0;
	v61, _, _ =	vpop (xrf1)  }
0x1c: {  	v1 =	vmax.f32 v1, v2;
	v2 =	vperm.xlane v60, v0;
	v62, _, _ =	vpop (xrf1)  }
0x1d: {  	(xrf1) =	vsort.ascd.msk.f32 $0xffff, v1, v1;
	v1 =	vmax.f32 v3, v4;
	v3 =	vperm.xlane v62, v0  }
0x1e: {  	(xrf1) =	vsort.ascd.msk.f32 $0xffff, v1, v1;
	v1 =	vmax.f32 v59, v2  }
0x1f: {  	(xrf1) =	vsort.ascd.msk.f32 $0xffff, v1, v1;
	v1 =	vmax.f32 v61, v3  }
0x20: {  	(xrf1) =	vsort.ascd.msk.f32 $0xffff, v1, v1;
	_ =	sdelay $0xa  }
0x21: {  	v1, _, _ =	vpop (xrf1)  }
0x22: {  	v2, _, _ =	vpop (xrf1)  }
0x23: {  	v3, _, _ =	vpop (xrf1)  }
0x24: {  	v2 =	vperm.xlane v2, v0;
	v63, _, _ =	vpop (xrf1)  }
0x25: {  	v4 =	vperm.xlane v63, v0  }
0x26: {  	v1 =	vmax.f32 v1, v2  }
0x27: {  	(xrf1) =	vsort.ascd.msk.f32 $0xffff, v1, v1;
	v1 =	vmax.f32 v3, v4  }
0x28: {  	(xrf1) =	vsort.ascd.msk.f32 $0xffff, v1, v1;
	_ =	sdelay $0xc  }
0x29: {  	v1, _, _ =	vpop (xrf1)  }
0x2a: {  	v2, _, _ =	vpop (xrf1)  }
0x2b: {  	v2 =	vperm.xlane v2, v0;
	_ =	sdelay $0x1  }
0x2c: {  	v1 =	vmax.f32 v1, v2  }
0x2d: {  	(xrf1) =	vsort.ascd.msk.f32 $0xffff, v1, v1;
	_ =	sdelay $0xd  }
0x2e: {  	v1, _, _ =	vpop (xrf1)  }
0x2f: {  	s17 =	sadd.s32 $0x1, s17;
	v1 =	vperm.xlane v1, v0  }
0x30: {  	p0 =	sne.s32 s17, s7  }
.Ltmp1:
0x31: {  	[tilespmem:$0x10488] =	vst v1;
	(pc) =	sbr.rel @!p0 .LBB2_24-.Ltmp1, $4  }
0x32: {  	[hbm4b:s6+s2] =	stream.linear.scatter [tilespmem:s15], [sflag:$0x4], $0x10, $0x38;
	[tilespmem:$0x10500] =	vst v63  }
0x33: {  	_ =	swait.ge [sflag:s16], $0x10  }
0x34: {  	[sflag:s16] =	ssyncset.done $0x0  }
0x35: {  	[sflag:s16] =	ssyncadd.s32 $0xFFFFFFF0  }
.LBB2_1:
0x36: {  	[tilespmem:s2], [sflag:$0x1] =	stream.strided.gather [hbm4b:s3+s8], $0x4000, s9, s8, $0x38;
	[tilespmem:$0x10500] =	vst v63  }
0x37: {  	_ = 	snop  }
0x38: {  	[tilespmem:s10], [sflag:$0x2] =	stream.strided.gather [hbm4b:s4+s8], $0x4000, s9, s8, $0x38;
	[tilespmem:$0x10500] =	vst v63  }
0x39: {  	_ = 	snop  }
0x3a: {  	[tilespmem:s11], [sflag:$0x3] =	stream.strided.gather [hbm4b:s5+s8], $0x8000, s9, s8, $0x38;
	[tilespmem:$0x10500] =	vst v63  }
0x3b: {  	_ =	swait.ge [sflag:s12], $0x4000  }
0x3c: {  	[sflag:s12] =	ssyncset.done $0x0  }
0x3d: {  	s18 =	simm.s32 $0x100;
	[sflag:s12] =	ssyncadd.s32 $0xFFFFC000  }
0x3e: {  	v7 =	vld [tilespmem:s18+$0xC0]  }
0x3f: {  	v1 =	vld [tilespmem:s18+$0xD0]  }
0x40: {  	v2 =	vld [tilespmem:s18+$0xE0]  }
0x41: {  	v10 =	vld [tilespmem:s18+$0x80]  }
0x42: {  	v3 =	vld [tilespmem:s18+$0x90]  }
0x43: {  	v4 =	vld [tilespmem:s18+$0xA0]  }
0x44: {  	v13 =	vld [tilespmem:s18+$0x40]  }
0x45: {  	v5 =	vld [tilespmem:s18+$0x50]  }
0x46: {  	v6 =	vld [tilespmem:s18+$0x60]  }
0x47: {  	v15 =	vld [tilespmem:s18+$0x0]  }
0x48: {  	v8 =	vld [tilespmem:s18+$0x10]  }
0x49: {  	v9 =	vld [tilespmem:s18+$0x20]  }
0x4a: {  	v23 =	vld [tilespmem:s18+$0xFFFFFFC0]  }
0x4b: {  	v11 =	vld [tilespmem:s18+$0xFFFFFFD0]  }
0x4c: {  	v12 =	vld [tilespmem:s18+$0xFFFFFFE0]  }
0x4d: {  	v22 =	vld [tilespmem:s18+$0xFFFFFF80]  }
0x4e: {  	v14 =	vld [tilespmem:s18+$0xFFFFFF90]  }
0x4f: {  	v20 =	vld [tilespmem:s18+$0xFFFFFF40]  }
0x50: {  	v21 =	vld [tilespmem:s18+$0xFFFFFF00]  }
0x51: {  	v16 =	vld [tilespmem:s18+$0xFFFFFFA0]  }
0x52: {  	v17 =	vld [tilespmem:s18+$0xFFFFFF10]  }
0x53: {  	v18 =	vld [tilespmem:s18+$0xFFFFFF50]  }
0x54: {  	v19 =	vld [tilespmem:s18+$0xFFFFFF20]  }
0x55: {  	v24 =	vmax.f32 v21, v20;
	v20 =	vld [tilespmem:s18+$0xFFFFFF60]  }
0x56: {  	v21 =	vld [tilespmem:s18+$0xFFFFFF30];
	v24 =	vmax.f32 v24, v22  }
0x57: {  	s20 =	simm.s32 $0x40;
	s19 =	simm.s32 $0x0;
	v22 =	vld [tilespmem:s18+$0xFFFFFF70];
	v23 =	vmax.f32 v24, v23  }
.LBB2_2:
0x58: {  	p0 =	sne.s32 s20, $0x7C0;
	v24 =	vld [tilespmem:s18+$0xFFFFFFB0];
	v15 =	vmax.f32 v23, v15  }
0x59: {  	v23 =	vld [tilespmem:s18+$0xFFFFFFF0];
	v13 =	vmax.f32 v15, v13  }
0x5a: {  	v15 =	vld [tilespmem:s18+$0x30];
	v10 =	vmax.f32 v13, v10  }
0x5b: {  	v13 =	vld [tilespmem:s18+$0x70];
	v7 =	vmax.f32 v10, v7  }
0x5c: {  	v10 =	vmax.f32 v17, v18;
	v17 =	vmax.f32 v19, v20;
	v18 =	vmax.f32 v21, v22;
	v19 =	vld [tilespmem:s18+$0xB0]  }
0x5d: {  	v10 =	vmax.f32 v10, v14;
	v14 =	vmax.f32 v17, v16;
	v16 =	vmax.f32 v18, v24;
	v17 =	vld [tilespmem:s18+$0xF0]  }
0x5e: {  	v10 =	vmax.f32 v10, v11;
	v11 =	vmax.f32 v14, v12;
	v12 =	vmax.f32 v16, v23  }
0x5f: {  	v8 =	vmax.f32 v10, v8;
	v9 =	vmax.f32 v11, v9;
	v10 =	vmax.f32 v12, v15  }
0x60: {  	v5 =	vmax.f32 v8, v5;
	v6 =	vmax.f32 v9, v6;
	v8 =	vmax.f32 v10, v13  }
0x61: {  	v3 =	vmax.f32 v5, v3;
	v4 =	vmax.f32 v6, v4;
	v5 =	vmax.f32 v8, v19  }
0x62: {  	v1 =	vmax.f32 v3, v1;
	v2 =	vmax.f32 v4, v2;
	v3 =	vmax.f32 v5, v17  }
0x63: {  	v1 =	vmax.f32 v7, v1;
	v2 =	vmax.f32 v2, v3  }
0x64: {  	s21 =	sshra.s32 s19, $0x2;
	s19 =	smov.u32 s20;
	v1 =	vmax.f32 v1, v2  }
0x65: {  	s18 =	sadd.s32 $0x200, s18;
	[tilespmem:s21+$0x10000] =	vst v1  }
0x66: {  	v7 =	vld [tilespmem:s18+$0xC0]  }
0x67: {  	v1 =	vld [tilespmem:s18+$0xD0]  }
0x68: {  	v2 =	vld [tilespmem:s18+$0xE0]  }
0x69: {  	v10 =	vld [tilespmem:s18+$0x80]  }
0x6a: {  	v3 =	vld [tilespmem:s18+$0x90]  }
0x6b: {  	v4 =	vld [tilespmem:s18+$0xA0]  }
0x6c: {  	v13 =	vld [tilespmem:s18+$0x40]  }
0x6d: {  	v5 =	vld [tilespmem:s18+$0x50]  }
0x6e: {  	v6 =	vld [tilespmem:s18+$0x60]  }
0x6f: {  	v15 =	vld [tilespmem:s18+$0x0]  }
0x70: {  	v8 =	vld [tilespmem:s18+$0x10]  }
0x71: {  	v9 =	vld [tilespmem:s18+$0x20]  }
0x72: {  	v23 =	vld [tilespmem:s18+$0xFFFFFFC0]  }
0x73: {  	v11 =	vld [tilespmem:s18+$0xFFFFFFD0]  }
0x74: {  	v12 =	vld [tilespmem:s18+$0xFFFFFFE0]  }
0x75: {  	v22 =	vld [tilespmem:s18+$0xFFFFFF80]  }
0x76: {  	v14 =	vld [tilespmem:s18+$0xFFFFFF90]  }
0x77: {  	v20 =	vld [tilespmem:s18+$0xFFFFFF40]  }
0x78: {  	v21 =	vld [tilespmem:s18+$0xFFFFFF00]  }
0x79: {  	v16 =	vld [tilespmem:s18+$0xFFFFFFA0]  }
0x7a: {  	v17 =	vld [tilespmem:s18+$0xFFFFFF10]  }
.Ltmp2:
0x7b: {  	v18 =	vld [tilespmem:s18+$0xFFFFFF50];
	(pc) =	sbr.rel @p0 .LBB2_2-.Ltmp2, $4  }
0x7c: {  	v19 =	vld [tilespmem:s18+$0xFFFFFF20]  }
0x7d: {  	v24 =	vmax.f32 v21, v20;
	v20 =	vld [tilespmem:s18+$0xFFFFFF60]  }
0x7e: {  	v21 =	vld [tilespmem:s18+$0xFFFFFF30];
	v24 =	vmax.f32 v24, v22  }
0x7f: {  	s20 =	sadd.s32 $0x40, s20;
	v22 =	vld [tilespmem:s18+$0xFFFFFF70];
	v23 =	vmax.f32 v24, v23  }
0x80: {  	v24 =	vld [tilespmem:s18+$0xFFFFFFB0];
	v15 =	vmax.f32 v23, v15  }
0x81: {  	v23 =	vld [tilespmem:s18+$0xFFFFFFF0];
	v13 =	vmax.f32 v15, v13  }
0x82: {  	v15 =	vld [tilespmem:s18+$0x30];
	v10 =	vmax.f32 v13, v10  }
0x83: {  	v13 =	vld [tilespmem:s18+$0x70];
	v7 =	vmax.f32 v10, v7  }
0x84: {  	v10 =	vmax.f32 v17, v18;
	v17 =	vmax.f32 v19, v20;
	v19 =	vld [tilespmem:s18+$0xB0];
	v18 =	vmax.f32 v21, v22  }
0x85: {  	v10 =	vmax.f32 v10, v14;
	v14 =	vmax.f32 v17, v16;
	v17 =	vld [tilespmem:s18+$0xF0];
	v16 =	vmax.f32 v18, v24  }
0x86: {  	v10 =	vmax.f32 v10, v11;
	v11 =	vmax.f32 v14, v12;
	v12 =	vmax.f32 v16, v23  }
0x87: {  	v8 =	vmax.f32 v10, v8;
	v9 =	vmax.f32 v11, v9;
	v10 =	vmax.f32 v12, v15  }
0x88: {  	v5 =	vmax.f32 v8, v5;
	v6 =	vmax.f32 v9, v6;
	v8 =	vmax.f32 v10, v13  }
0x89: {  	v3 =	vmax.f32 v5, v3;
	v4 =	vmax.f32 v6, v4;
	v5 =	vmax.f32 v8, v19  }
0x8a: {  	v1 =	vmax.f32 v3, v1;
	v2 =	vmax.f32 v4, v2;
	v3 =	vmax.f32 v5, v17  }
0x8b: {  	v1 =	vmax.f32 v7, v1;
	v2 =	vmax.f32 v2, v3  }
0x8c: {  	s31 =	sshra.s32 s19, $0x2;
	v1 =	vmax.f32 v1, v2  }
0x8d: {  	[tilespmem:s31+$0x10000] =	vst v1  }
0x8e: {  	_ =	swait.ge [sflag:s13], $0x4000  }
0x8f: {  	[sflag:s13] =	ssyncset.done $0x0  }
0x90: {  	s18 =	simm.s32 $0x0;
	[sflag:s13] =	ssyncadd.s32 $0xFFFFC000  }
0x91: {  	v1 =	vld [tilespmem:s18+$0x41C0]  }
0x92: {  	v2 =	vld [tilespmem:s18+$0x41D0]  }
0x93: {  	v3 =	vld [tilespmem:s18+$0x41E0]  }
0x94: {  	v4 =	vld [tilespmem:s18+$0x4180]  }
0x95: {  	v5 =	vld [tilespmem:s18+$0x4190]  }
0x96: {  	v6 =	vld [tilespmem:s18+$0x41A0]  }
0x97: {  	v7 =	vld [tilespmem:s18+$0x4140]  }
0x98: {  	v8 =	vld [tilespmem:s18+$0x4150]  }
0x99: {  	v9 =	vld [tilespmem:s18+$0x4160]  }
0x9a: {  	v10 =	vld [tilespmem:s18+$0x4100]  }
0x9b: {  	v11 =	vld [tilespmem:s18+$0x4110]  }
0x9c: {  	v12 =	vld [tilespmem:s18+$0x4120]  }
0x9d: {  	v13 =	vld [tilespmem:s18+$0x40C0]  }
0x9e: {  	v14 =	vld [tilespmem:s18+$0x40D0]  }
0x9f: {  	v15 =	vld [tilespmem:s18+$0x40E0]  }
0xa0: {  	v16 =	vld [tilespmem:s18+$0x4080]  }
0xa1: {  	v17 =	vld [tilespmem:s18+$0x4090]  }
0xa2: {  	v18 =	vld [tilespmem:s18+$0x4040]  }
0xa3: {  	v19 =	vld [tilespmem:s18+$0x4000]  }
0xa4: {  	v20 =	vld [tilespmem:s18+$0x40A0]  }
0xa5: {  	v21 =	vld [tilespmem:s18+$0x4010]  }
0xa6: {  	v22 =	vld [tilespmem:s18+$0x4050]  }
0xa7: {  	v23 =	vld [tilespmem:s18+$0x4020]  }
0xa8: {  	v62 =	vld [tilespmem:s18+$0x4030]  }
0xa9: {  	v18 =	vmax.f32 v19, v18;
	v19 =	vld [tilespmem:s18+$0x4060]  }
0xaa: {  	v16 =	vmax.f32 v18, v16;
	v18 =	vld [tilespmem:s18+$0x4070]  }
0xab: {  	v13 =	vmax.f32 v16, v13;
	v16 =	vld [tilespmem:s18+$0x40B0]  }
0xac: {  	v10 =	vmax.f32 v13, v10;
	v13 =	vld [tilespmem:s18+$0x40F0]  }
0xad: {  	v7 =	vmax.f32 v10, v7;
	v10 =	vld [tilespmem:s18+$0x4130]  }
0xae: {  	v4 =	vmax.f32 v7, v4;
	v7 =	vld [tilespmem:s18+$0x4170];
	v19 =	vmax.f32 v23, v19  }
0xaf: {  	v1 =	vmax.f32 v4, v1;
	v4 =	vmax.f32 v21, v22;
	v18 =	vmax.f32 v62, v18;
	v21 =	vld [tilespmem:s18+$0x41B0]  }
0xb0: {  	v4 =	vmax.f32 v4, v17;
	v17 =	vmax.f32 v19, v20;
	v16 =	vmax.f32 v18, v16;
	v18 =	vld [tilespmem:s18+$0x41F0]  }
0xb1: {  	v4 =	vmax.f32 v4, v14;
	v14 =	vmax.f32 v17, v15;
	v13 =	vmax.f32 v16, v13  }
0xb2: {  	v4 =	vmax.f32 v4, v11;
	v11 =	vmax.f32 v14, v12;
	v10 =	vmax.f32 v13, v10  }
0xb3: {  	v4 =	vmax.f32 v4, v8;
	v8 =	vmax.f32 v11, v9;
	v7 =	vmax.f32 v10, v7  }
0xb4: {  	v4 =	vmax.f32 v4, v5;
	v5 =	vmax.f32 v8, v6;
	v6 =	vmax.f32 v7, v21  }
0xb5: {  	v2 =	vmax.f32 v4, v2;
	v3 =	vmax.f32 v5, v3;
	v4 =	vmax.f32 v6, v18  }
0xb6: {  	v1 =	vmax.f32 v1, v2;
	v2 =	vmax.f32 v3, v4  }
0xb7: {  	s19 =	simm.s32 $0x10200;
	v1 =	vmax.f32 v1, v2  }
0xb8: {  	s20 =	simm.s32 $0x200;
	[tilespmem:s19+$0x0] =	vst v1  }
0xb9: {  	v7 =	vld [tilespmem:s20+$0x41C0]  }
0xba: {  	v1 =	vld [tilespmem:s20+$0x41D0]  }
0xbb: {  	v2 =	vld [tilespmem:s20+$0x41E0]  }
0xbc: {  	v10 =	vld [tilespmem:s20+$0x4180]  }
0xbd: {  	v3 =	vld [tilespmem:s20+$0x4190]  }
0xbe: {  	v4 =	vld [tilespmem:s20+$0x41A0]  }
0xbf: {  	v13 =	vld [tilespmem:s20+$0x4140]  }
0xc0: {  	v5 =	vld [tilespmem:s20+$0x4150]  }
0xc1: {  	v6 =	vld [tilespmem:s20+$0x4160]  }
0xc2: {  	v15 =	vld [tilespmem:s20+$0x4100]  }
0xc3: {  	v8 =	vld [tilespmem:s20+$0x4110]  }
0xc4: {  	v9 =	vld [tilespmem:s20+$0x4120]  }
0xc5: {  	v17 =	vld [tilespmem:s20+$0x40C0]  }
0xc6: {  	v11 =	vld [tilespmem:s20+$0x40D0]  }
0xc7: {  	v12 =	vld [tilespmem:s20+$0x40E0]  }
0xc8: {  	v23 =	vld [tilespmem:s20+$0x4080]  }
0xc9: {  	v14 =	vld [tilespmem:s20+$0x4090]  }
0xca: {  	v21 =	vld [tilespmem:s20+$0x4040]  }
0xcb: {  	v22 =	vld [tilespmem:s20+$0x4000]  }
0xcc: {  	v16 =	vld [tilespmem:s20+$0x40A0]  }
0xcd: {  	v18 =	vld [tilespmem:s20+$0x4010]  }
0xce: {  	v19 =	vld [tilespmem:s20+$0x4050]  }
0xcf: {  	v20 =	vld [tilespmem:s20+$0x4020]  }
0xd0: {  	v63 =	vmax.f32 v22, v21;
	v21 =	vld [tilespmem:s20+$0x4060]  }
0xd1: {  	s21 =	simm.s32 $0x1000;
	v22 =	vld [tilespmem:s20+$0x4030];
	v23 =	vmax.f32 v63, v23  }
.LBB2_4:
0xd2: {  	p0 =	sne.s32 s21, $0xF800;
	v24 =	vld [tilespmem:s20+$0x4070];
	v17 =	vmax.f32 v23, v17  }
0xd3: {  	v23 =	vld [tilespmem:s20+$0x40B0];
	v15 =	vmax.f32 v17, v15  }
0xd4: {  	v17 =	vld [tilespmem:s20+$0x40F0];
	v13 =	vmax.f32 v15, v13  }
0xd5: {  	v15 =	vld [tilespmem:s20+$0x4130];
	v10 =	vmax.f32 v13, v10  }
0xd6: {  	v13 =	vld [tilespmem:s20+$0x4170];
	v7 =	vmax.f32 v10, v7  }
0xd7: {  	v10 =	vmax.f32 v18, v19;
	v18 =	vmax.f32 v20, v21;
	v19 =	vmax.f32 v22, v24;
	v20 =	vld [tilespmem:s20+$0x41B0]  }
0xd8: {  	v10 =	vmax.f32 v10, v14;
	v14 =	vmax.f32 v18, v16;
	v16 =	vmax.f32 v19, v23;
	v18 =	vld [tilespmem:s20+$0x41F0]  }
0xd9: {  	v10 =	vmax.f32 v10, v11;
	v11 =	vmax.f32 v14, v12;
	v12 =	vmax.f32 v16, v17  }
0xda: {  	v8 =	vmax.f32 v10, v8;
	v9 =	vmax.f32 v11, v9;
	v10 =	vmax.f32 v12, v15  }
0xdb: {  	v5 =	vmax.f32 v8, v5;
	v6 =	vmax.f32 v9, v6;
	v8 =	vmax.f32 v10, v13  }
0xdc: {  	v3 =	vmax.f32 v5, v3;
	v4 =	vmax.f32 v6, v4;
	v5 =	vmax.f32 v8, v20  }
0xdd: {  	v1 =	vmax.f32 v3, v1;
	v2 =	vmax.f32 v4, v2;
	v3 =	vmax.f32 v5, v18  }
0xde: {  	v1 =	vmax.f32 v7, v1;
	v2 =	vmax.f32 v2, v3  }
0xdf: {  	s19 =	sadd.s32 $0x10, s19;
	v1 =	vmax.f32 v1, v2  }
0xe0: {  	s20 =	sshra.s32 s21, $0x2;
	[tilespmem:s19+$0x0] =	vst v1  }
0xe1: {  	v7 =	vld [tilespmem:s20+$0x41C0]  }
0xe2: {  	v1 =	vld [tilespmem:s20+$0x41D0]  }
0xe3: {  	v2 =	vld [tilespmem:s20+$0x41E0]  }
0xe4: {  	v10 =	vld [tilespmem:s20+$0x4180]  }
0xe5: {  	v3 =	vld [tilespmem:s20+$0x4190]  }
0xe6: {  	v4 =	vld [tilespmem:s20+$0x41A0]  }
0xe7: {  	v13 =	vld [tilespmem:s20+$0x4140]  }
0xe8: {  	v5 =	vld [tilespmem:s20+$0x4150]  }
0xe9: {  	v6 =	vld [tilespmem:s20+$0x4160]  }
0xea: {  	v15 =	vld [tilespmem:s20+$0x4100]  }
0xeb: {  	v8 =	vld [tilespmem:s20+$0x4110]  }
0xec: {  	v9 =	vld [tilespmem:s20+$0x4120]  }
0xed: {  	v17 =	vld [tilespmem:s20+$0x40C0]  }
0xee: {  	v11 =	vld [tilespmem:s20+$0x40D0]  }
0xef: {  	v12 =	vld [tilespmem:s20+$0x40E0]  }
0xf0: {  	v23 =	vld [tilespmem:s20+$0x4080]  }
0xf1: {  	v14 =	vld [tilespmem:s20+$0x4090]  }
0xf2: {  	v21 =	vld [tilespmem:s20+$0x4040]  }
0xf3: {  	v22 =	vld [tilespmem:s20+$0x4000]  }
0xf4: {  	v16 =	vld [tilespmem:s20+$0x40A0]  }
.Ltmp3:
0xf5: {  	v18 =	vld [tilespmem:s20+$0x4010];
	(pc) =	sbr.rel @p0 .LBB2_4-.Ltmp3, $4  }
0xf6: {  	v19 =	vld [tilespmem:s20+$0x4050]  }
0xf7: {  	v20 =	vld [tilespmem:s20+$0x4020]  }
0xf8: {  	v24 =	vmax.f32 v22, v21;
	v21 =	vld [tilespmem:s20+$0x4060]  }
0xf9: {  	s21 =	sadd.s32 $0x800, s21;
	v22 =	vld [tilespmem:s20+$0x4030];
	v23 =	vmax.f32 v24, v23  }
0xfa: {  	v24 =	vld [tilespmem:s20+$0x4070];
	v17 =	vmax.f32 v23, v17  }
0xfb: {  	v23 =	vld [tilespmem:s20+$0x40B0];
	v15 =	vmax.f32 v17, v15  }
0xfc: {  	v17 =	vld [tilespmem:s20+$0x40F0];
	v13 =	vmax.f32 v15, v13  }
0xfd: {  	v15 =	vld [tilespmem:s20+$0x4130];
	v10 =	vmax.f32 v13, v10  }
0xfe: {  	v13 =	vld [tilespmem:s20+$0x4170];
	v7 =	vmax.f32 v10, v7  }
0xff: {  	v10 =	vmax.f32 v18, v19;
	v18 =	vmax.f32 v20, v21;
	v20 =	vld [tilespmem:s20+$0x41B0];
	v19 =	vmax.f32 v22, v24  }
0x100: {  	v10 =	vmax.f32 v10, v14;
	v14 =	vmax.f32 v18, v16;
	v18 =	vld [tilespmem:s20+$0x41F0];
	v16 =	vmax.f32 v19, v23  }
0x101: {  	v10 =	vmax.f32 v10, v11;
	v11 =	vmax.f32 v14, v12;
	v12 =	vmax.f32 v16, v17  }
0x102: {  	v8 =	vmax.f32 v10, v8;
	v9 =	vmax.f32 v11, v9;
	v10 =	vmax.f32 v12, v15  }
0x103: {  	v5 =	vmax.f32 v8, v5;
	v6 =	vmax.f32 v9, v6;
	v8 =	vmax.f32 v10, v13  }
0x104: {  	v3 =	vmax.f32 v5, v3;
	v4 =	vmax.f32 v6, v4;
	v5 =	vmax.f32 v8, v20  }
0x105: {  	v1 =	vmax.f32 v3, v1;
	v2 =	vmax.f32 v4, v2;
	v3 =	vmax.f32 v5, v18  }
0x106: {  	v1 =	vmax.f32 v7, v1;
	v2 =	vmax.f32 v2, v3  }
0x107: {  	s19 =	sadd.s32 $0x10, s19;
	v1 =	vmax.f32 v1, v2  }
0x108: {  	[tilespmem:s19+$0x0] =	vst v1  }
0x109: {  	v2 =	vld [tilespmem:s18+$0x10000]  }
0x10a: {  	v14 =	vld [tilespmem:s18+$0x10010]  }
0x10b: {  	v1 =	vld [tilespmem:s18+$0x10020];
	_ =	sdelay $0x1  }
0x10c: {  	v8 =	vimm.f32 $-Inf  }
0x10d: {  	v17 =	vimm.f32 $-Inf;
	v16 =	vimm.f32 $-Inf;
	v3 =	vmin.f32 v8, v2  }
0x10e: {  	v2 =	vmax.f32 v8, v2;
	v22 =	vmax.f32 v8, v14;
	v4 =	vmin.f32 v8, v3  }
0x10f: {  	v3 =	vmax.f32 v8, v3;
	v10 =	vmin.f32 v2, v1;
	v5 =	vmin.f32 v8, v4  }
0x110: {  	v7 =	vmax.f32 v8, v4;
	v12 =	vmin.f32 v3, v10;
	v10 =	vmax.f32 v3, v10  }
0x111: {  	v3 =	vmin.f32 v8, v14;
	v6 =	vmin.f32 v8, v5;
	v13 =	vmax.f32 v8, v5  }
0x112: {  	v20 =	vld [tilespmem:s18+$0x10030];
	v15 =	vmin.f32 v7, v12;
	v14 =	vmin.f32 v8, v3;
	v3 =	vmax.f32 v8, v3  }
0x113: {  	v5 =	vmin.f32 v8, v6;
	v4 =	vmax.f32 v8, v6;
	v25 =	vmin.f32 v8, v14  }
0x114: {  	v23 =	vmax.f32 v8, v14;
	v14 =	vimm.f32 $-Inf;
	v6 =	vmin.f32 v8, v5  }
0x115: {  	v5 =	vmax.f32 v8, v5;
	v19 =	vmax.f32 v8, v25;
	v11 =	vmin.f32 v8, v6  }
0x116: {  	v9 =	vmax.f32 v8, v6;
	v6 =	vmax.f32 v7, v12;
	v12 =	vmin.f32 v13, v15  }
0x117: {  	v7 =	vmax.f32 v13, v15;
	v15 =	vmin.f32 v22, v20;
	v11 =	vmax.f32 v8, v11  }
0x118: {  	v13 =	vmin.f32 v4, v12;
	v24 =	vmin.f32 v3, v15;
	v3 =	vmax.f32 v3, v15  }
0x119: {  	s18 =	simm.s32 $0x100;
	v15 =	vimm.f32 $-Inf;
	v18 =	vmin.f32 v5, v13;
	v21 =	vmin.f32 v23, v24  }
.LBB2_6:
0x11a: {  	s19 =	sshra.s32 s18, $0x2;
	p0 =	sne.s32 s18, $0xF00;
	s18 =	sadd.s32 $0x100, s18;
	v8 =	vmin.f32 v8, v25;
	v25 =	vmax.f32 v22, v20;
	v24 =	vmax.f32 v23, v24  }
0x11b: {  	v20 =	vld [tilespmem:s19+$0x10020];
	v22 =	vmax.f32 v17, v8;
	v8 =	vmin.f32 v17, v8;
	v17 =	vmin.f32 v9, v18  }
0x11c: {  	v27 =	vmin.f32 v19, v21;
	v23 =	vld [tilespmem:s19+$0x10000];
	v26 =	vmax.f32 v16, v8;
	v11 =	vmax.f32 v11, v17  }
0x11d: {  	v18 =	vmax.f32 v9, v18;
	v17 =	vmax.f32 v22, v27;
	v9 =	vmin.f32 v22, v27;
	v28 =	vld [tilespmem:s19+$0x10010]  }
0x11e: {  	v12 =	vmax.f32 v4, v12;
	v13 =	vmax.f32 v5, v13;
	v16 =	vmin.f32 v16, v8  }
0x11f: {  	v4 =	vmax.f32 v2, v1;
	v8 =	vmax.f32 v19, v21;
	v5 =	vmin.f32 v26, v9  }
0x120: {  	v19 =	vmax.f32 v14, v16;
	v14 =	vmin.f32 v14, v16;
	v16 =	vmax.f32 v26, v9;
	v1 =	vmovc v20  }
0x121: {  	v9 =	vmax.f32 v15, v14;
	v2 =	vmax.f32 v4, v23;
	v4 =	vmin.f32 v4, v23  }
0x122: {  	v14 =	vmax.f32 v19, v5;
	v21 =	vmax.f32 v10, v4;
	v4 =	vmin.f32 v10, v4  }
0x123: {  	v5 =	vmin.f32 v19, v5;
	v10 =	vmax.f32 v6, v4;
	v4 =	vmin.f32 v6, v4  }
0x124: {  	v15 =	vmax.f32 v9, v5;
	v19 =	vmax.f32 v7, v4;
	v6 =	vmin.f32 v7, v4  }
0x125: {  	v7 =	vmin.f32 v2, v1;
	v4 =	vmax.f32 v12, v6;
	v6 =	vmin.f32 v12, v6  }
0x126: {  	v12 =	vmin.f32 v21, v7;
	v5 =	vmax.f32 v13, v6;
	v6 =	vmin.f32 v13, v6;
	v20 =	vld [tilespmem:s19+$0x10030]  }
0x127: {  	v13 =	vmin.f32 v10, v12;
	v9 =	vmax.f32 v18, v6;
	v6 =	vmin.f32 v18, v6  }
0x128: {  	v11 =	vmax.f32 v11, v6;
	v6 =	vmax.f32 v10, v12;
	v12 =	vmin.f32 v19, v13  }
.Ltmp4:
0x129: {  	v10 =	vmax.f32 v21, v7;
	v7 =	vmax.f32 v19, v13;
	v13 =	vmin.f32 v4, v12;
	(pc) =	sbr.rel @p0 .LBB2_6-.Ltmp4, $4  }
0x12a: {  	v22 =	vmax.f32 v25, v28;
	v19 =	vmin.f32 v25, v28;
	v18 =	vmin.f32 v5, v13  }
0x12b: {  	v21 =	vmax.f32 v3, v19;
	v3 =	vmin.f32 v3, v19;
	v26 =	vmin.f32 v22, v20  }
0x12c: {  	v23 =	vmax.f32 v24, v3;
	v25 =	vmin.f32 v24, v3;
	v24 =	vmin.f32 v21, v26  }
0x12d: {  	v19 =	vmax.f32 v8, v25;
	v3 =	vmax.f32 v21, v26;
	v21 =	vmin.f32 v23, v24  }
0x12e: {  	v8 =	vmin.f32 v8, v25;
	v20 =	vmax.f32 v22, v20  }
0x12f: {  	v48 =	vmin.f32 v19, v21;
	v47 =	vmax.f32 v17, v8;
	v8 =	vmin.f32 v17, v8  }
0x130: {  	v49 =	vmax.f32 v16, v8;
	v26 =	vmin.f32 v47, v48;
	v8 =	vmin.f32 v16, v8  }
0x131: {  	v16 =	vmax.f32 v14, v8;
	v8 =	vmin.f32 v14, v8;
	v50 =	vmin.f32 v49, v26  }
0x132: {  	v23 =	vmax.f32 v23, v24;
	v8 =	vmax.f32 v15, v8;
	v51 =	vmin.f32 v16, v50  }
0x133: {  	v1 =	vmax.f32 v2, v1;
	v2 =	vmin.f32 v9, v18;
	v8 =	vmax.f32 v8, v51  }
0x134: {  	v55 =	vmax.f32 v19, v21;
	v14 =	vmax.f32 v16, v50;
	v1 =	vmax.f32 v1, v8  }
0x135: {  	v53 =	vmax.f32 v49, v26;
	v10 =	vmax.f32 v10, v14;
	(xrf1) =	vsort.ascd.msk.f32 $0xffff, v1, v1  }
0x136: {  	v52 =	vmax.f32 v47, v48;
	v54 =	vmax.f32 v6, v53;
	(xrf1) =	vsort.ascd.msk.f32 $0xffff, v10, v10  }
0x137: {  	v7 =	vmax.f32 v7, v52;
	v1 =	vmax.f32 v4, v12;
	(xrf1) =	vsort.ascd.msk.f32 $0xffff, v54, v54  }
0x138: {  	v56 =	vmax.f32 v5, v13;
	v1 =	vmax.f32 v1, v55;
	(xrf1) =	vsort.ascd.msk.f32 $0xffff, v7, v7  }
0x139: {  	v57 =	vmax.f32 v9, v18;
	v4 =	vmax.f32 v56, v23;
	(xrf1) =	vsort.ascd.msk.f32 $0xffff, v1, v1  }
0x13a: {  	v1 =	vmax.f32 v11, v2;
	v2 =	vmax.f32 v57, v3;
	(xrf1) =	vsort.ascd.msk.f32 $0xffff, v4, v4  }
0x13b: {  	v1 =	vmax.f32 v1, v20;
	(xrf1) =	vsort.ascd.msk.f32 $0xffff, v2, v2  }
0x13c: {  	(xrf1) =	vsort.ascd.msk.f32 $0xffff, v1, v1;
	_ =	sdelay $0x6  }
0x13d: {  	v1, _, _ =	vpop (xrf1)  }
0x13e: {  	v2, _, _ =	vpop (xrf1)  }
0x13f: {  	v3, _, _ =	vpop (xrf1)  }
0x140: {  	v58, _, _ =	vpop (xrf1)  }
0x141: {  	v59, _, _ =	vpop (xrf1)  }
0x142: {  	v2 =	vperm.xlane v2, v0;
	v60, _, _ =	vpop (xrf1)  }
0x143: {  	v4 =	vperm.xlane v58, v0;
	v61, _, _ =	vpop (xrf1)  }
0x144: {  	v1 =	vmax.f32 v1, v2;
	v2 =	vperm.xlane v60, v0;
	v62, _, _ =	vpop (xrf1)  }
0x145: {  	(xrf1) =	vsort.ascd.msk.f32 $0xffff, v1, v1;
	v1 =	vmax.f32 v3, v4;
	v3 =	vperm.xlane v62, v0  }
0x146: {  	(xrf1) =	vsort.ascd.msk.f32 $0xffff, v1, v1;
	v1 =	vmax.f32 v59, v2  }
0x147: {  	(xrf1) =	vsort.ascd.msk.f32 $0xffff, v1, v1;
	v1 =	vmax.f32 v61, v3  }
0x148: {  	(xrf1) =	vsort.ascd.msk.f32 $0xffff, v1, v1;
	_ =	sdelay $0xa  }
0x149: {  	v1, _, _ =	vpop (xrf1)  }
0x14a: {  	v2, _, _ =	vpop (xrf1)  }
0x14b: {  	v3, _, _ =	vpop (xrf1)  }
0x14c: {  	v2 =	vperm.xlane v2, v0;
	v63, _, _ =	vpop (xrf1)  }
0x14d: {  	v4 =	vperm.xlane v63, v0  }
0x14e: {  	v1 =	vmax.f32 v1, v2  }
0x14f: {  	(xrf1) =	vsort.ascd.msk.f32 $0xffff, v1, v1;
	v1 =	vmax.f32 v3, v4  }
0x150: {  	(xrf1) =	vsort.ascd.msk.f32 $0xffff, v1, v1;
	_ =	sdelay $0xc  }
0x151: {  	v1, _, _ =	vpop (xrf1)  }
0x152: {  	v2, _, _ =	vpop (xrf1)  }
0x153: {  	v2 =	vperm.xlane v2, v0;
	_ =	sdelay $0x1  }
0x154: {  	v1 =	vmax.f32 v1, v2  }
0x155: {  	(xrf1) =	vsort.ascd.msk.f32 $0xffff, v1, v1;
	_ =	sdelay $0xc  }
0x156: {  	s19 =	simm.s32 $0x10000  }
0x157: {  	v2 =	vld [tilespmem:s19+$0x0];
	v1, _, _ =	vpop (xrf1)  }
0x158: {  	v1 =	vperm.xlane v1, v0;
	_ =	sdelay $0x1  }
0x159: {  	v1 =	vbroadcast v1, $0x7;
	_ =	sdelay $0x1  }
0x15a: {  	vm0 =	vge.f32 v2, v1  }
0x15b: {  	v2 =	vmpcnt.ones.xlane vm0;
	_ =	sdelay $0x1  }
0x15c: {  	(v2sf) =	vpush v2, $0x0;
	_ =	sdelay $0x4  }
0x15d: {  	s18 =	simm.s32 $0x0;
	vm0 =	vmmov $0x1;
	vm1 =	vgt.s32 v2, $0x0  }
0x15e: {  	v3 =	vmov s18;
	vm1 =	vmand vm1, vm0  }
0x15f: {  	s20 =	simm.s32 $0x10010;
	[tilespmem:s18+$0x10400] =	vst.msk vm1, v3  }
0x160: {  	s21 =	simm.s32 $0x2;
	s19 =	simm.s32 $0x1;
	v2 =	vld [tilespmem:s20+$0x0]  }
.LBB2_8:
0x161: {  	p0 =	seq.s32 s21, $0x3F;
	_ =	sdelay $0x3  }
0x162: {  	vm1 =	vge.f32 v2, v1  }
0x163: {  	v2 =	vmpcnt.ones.xlane vm1  }
0x164: {  	s22 =	spop (v2sf)  }
0x165: {  	vm1 =	vgt.s32 v2, $0x0;
	(v2sf) =	vpush v2, $0x0;
	p1 =	sgt.s32 s22, $0x0;
	s22 =	simm.s32 $0x1  }
0x166: {  	s22 =	simm.s32 @!p1 $0x0  }
0x167: {  	v2 =	vmov s19;
	s19 =	smov.u32 s21;
	vm1 =	vmand vm1, vm0;
	s18 =	sadd.s32 s22, s18  }
0x168: {  	[tilespmem:s18+$0x10400] =	vst.msk vm1, v2  }
.Ltmp5:
0x169: {  	(pc) =	sbr.rel @!p0 .LBB2_8-.Ltmp5, $3  }
0x16a: {  	_ =	sdelay $0x1  }
0x16b: {  	s20 =	sadd.s32 $0x10, s20  }
0x16c: {  	s21 =	sadd.s32 $0x1, s21;
	v2 =	vld [tilespmem:s20+$0x0]  }
0x16d: {  	_ =	sdelay $0x3  }
0x16e: {  	vm1 =	vge.f32 v2, v1  }
0x16f: {  	v1 =	vmpcnt.ones.xlane vm1;
	_ =	sdelay $0x1  }
0x170: {  	(v2sf) =	vpush v1, $0x0;
	_ =	sdelay $0xd  }
0x171: {  	s20 =	spop (v2sf)  }
0x172: {  	s21 =	simm.s32 $0x1;
	p0 =	sgt.s32 s20, $0x0;
	s30 =	spop (v2sf)  }
0x173: {  	s20 =	simm.s32 $0x1;
	s21 =	simm.s32 @!p0 $0x0;
	p0 =	sgt.s32 s30, $0x0  }
0x174: {  	s18 =	sadd.s32 s21, s18;
	s20 =	simm.s32 @!p0 $0x0  }
0x175: {  	s31 =	sadd.s32 s20, s18  }
0x176: {  	p0 =	slt.s32 s31, $0x1  }
.Ltmp6:
0x177: {  	_ = 	snop;
	(pc) =	sbr.rel @p0 .LBB2_13-.Ltmp6, $4  }
0x178: {  	v3 =	vimm.f32 $-Inf;
	v4 =	vimm.f32 $-Inf  }
0x179: {  	v7 =	vimm.f32 $-Inf;
	v5 =	vimm.f32 $-Inf;
	vm1 =	vgt.s32 v1, $0x0  }
0x17a: {  	v8 =	vimm.f32 $-Inf;
	v1 =	vmov s19;
	vm1 =	vmand vm1, vm0  }
0x17b: {  	v6 =	vimm.f32 $-Inf;
	v2 =	vimm.f32 $-Inf;
	[tilespmem:s18+$0x10400] =	vst.msk vm1, v1;
	v1 =	vimm.f32 $-Inf  }
0x17c: {  	v9 =	vimm.f32 $-Inf;
	v10 =	vimm.f32 $-Inf  }
0x17d: {  	v11 =	vimm.f32 $-Inf;
	v12 =	vimm.f32 $-Inf;
	v13 =	vimm.f32 $-Inf  }
0x17e: {  	s18 =	sadd.s32 s20, s18;
	s19 =	simm.s32 $0x10400;
	v14 =	vimm.f32 $-Inf;
	v15 =	vimm.f32 $-Inf;
	v16 =	vimm.f32 $-Inf  }
.LBB2_11:
0x17f: {  	v17 =	vld [tilespmem:s19+$0x0];
	_ =	sdelay $0x4  }
0x180: {  	(v2sf) =	vpush v17, $0x0;
	_ =	sdelay $0xe  }
0x181: {  	s20 =	spop (v2sf)  }
0x182: {  	s20 =	sshll.u32 s20, $0xB  }
0x183: {  	s20 =	sshra.s32 s20, $0x2  }
0x184: {  	v17 =	vld [tilespmem:s20+$0x0]  }
0x185: {  	v19 =	vld [tilespmem:s20+$0x10];
	_ =	sdelay $0x2  }
0x186: {  	v46 =	vld [tilespmem:s20+$0x20];
	_ =	sdelay $0x1  }
0x187: {  	v18 =	vmin.f32 v16, v17;
	v16 =	vmax.f32 v16, v17;
	v45 =	vmin.f32 v6, v19  }
0x188: {  	v6 =	vmax.f32 v6, v19;
	v20 =	vmin.f32 v15, v18;
	v15 =	vmax.f32 v15, v18  }
0x189: {  	v22 =	vmin.f32 v8, v45;
	v8 =	vmax.f32 v8, v45;
	v21 =	vmin.f32 v14, v20  }
0x18a: {  	v47 =	vld [tilespmem:s20+$0x30];
	v19 =	vmin.f32 v16, v46;
	v16 =	vmax.f32 v16, v46;
	v17 =	vmin.f32 v13, v21  }
0x18b: {  	v14 =	vmax.f32 v14, v20;
	v48 =	vmin.f32 v15, v19;
	v18 =	vmin.f32 v12, v17  }
0x18c: {  	v12 =	vmax.f32 v12, v17;
	v17 =	vmin.f32 v11, v18;
	v11 =	vmax.f32 v11, v18  }
0x18d: {  	v18 =	vmin.f32 v10, v17;
	v10 =	vmax.f32 v10, v17;
	v17 =	vmin.f32 v5, v22  }
0x18e: {  	v15 =	vmax.f32 v15, v19;
	v9 =	vmax.f32 v9, v18;
	v18 =	vmin.f32 v7, v17  }
0x18f: {  	v49 =	vld [tilespmem:s20+$0x40];
	v19 =	vmin.f32 v6, v47;
	v7 =	vmax.f32 v7, v17;
	v17 =	vmin.f32 v4, v18  }
0x190: {  	v6 =	vmax.f32 v6, v47;
	v4 =	vmax.f32 v4, v18;
	v18 =	vmin.f32 v3, v17  }
0x191: {  	v13 =	vmax.f32 v13, v21;
	v3 =	vmax.f32 v3, v17;
	v17 =	vmin.f32 v2, v18  }
0x192: {  	v50 =	vmin.f32 v8, v19;
	v1 =	vmax.f32 v1, v17;
	v17 =	vmin.f32 v14, v48  }
0x193: {  	v8 =	vmax.f32 v8, v19;
	v2 =	vmax.f32 v2, v18;
	v18 =	vmin.f32 v13, v17  }
0x194: {  	v51 =	vld [tilespmem:s20+$0x50];
	v19 =	vmin.f32 v16, v49;
	v13 =	vmax.f32 v13, v17;
	v17 =	vmin.f32 v12, v18  }
0x195: {  	v16 =	vmax.f32 v16, v49;
	v12 =	vmax.f32 v12, v18;
	v18 =	vmin.f32 v11, v17  }
0x196: {  	v5 =	vmax.f32 v5, v22;
	v11 =	vmax.f32 v11, v17;
	v17 =	vmin.f32 v10, v18  }
0x197: {  	v52 =	vmin.f32 v15, v19;
	v9 =	vmax.f32 v9, v17;
	v17 =	vmin.f32 v5, v50  }
0x198: {  	v15 =	vmax.f32 v15, v19;
	v10 =	vmax.f32 v10, v18;
	v18 =	vmin.f32 v7, v17  }
0x199: {  	v53 =	vld [tilespmem:s20+$0x60];
	v19 =	vmin.f32 v6, v51;
	v7 =	vmax.f32 v7, v17;
	v17 =	vmin.f32 v4, v18  }
0x19a: {  	v6 =	vmax.f32 v6, v51;
	v4 =	vmax.f32 v4, v18;
	v18 =	vmin.f32 v3, v17  }
0x19b: {  	v14 =	vmax.f32 v14, v48;
	v3 =	vmax.f32 v3, v17;
	v17 =	vmin.f32 v2, v18  }
0x19c: {  	v54 =	vmin.f32 v8, v19;
	v1 =	vmax.f32 v1, v17;
	v17 =	vmin.f32 v14, v52  }
0x19d: {  	v8 =	vmax.f32 v8, v19;
	v2 =	vmax.f32 v2, v18;
	v18 =	vmin.f32 v13, v17  }
0x19e: {  	v55 =	vld [tilespmem:s20+$0x70];
	v19 =	vmin.f32 v16, v53;
	v13 =	vmax.f32 v13, v17;
	v17 =	vmin.f32 v12, v18  }
0x19f: {  	v16 =	vmax.f32 v16, v53;
	v12 =	vmax.f32 v12, v18;
	v18 =	vmin.f32 v11, v17  }
0x1a0: {  	v5 =	vmax.f32 v5, v50;
	v11 =	vmax.f32 v11, v17;
	v17 =	vmin.f32 v10, v18  }
0x1a1: {  	v56 =	vmin.f32 v15, v19;
	v9 =	vmax.f32 v9, v17;
	v17 =	vmin.f32 v5, v54  }
0x1a2: {  	v15 =	vmax.f32 v15, v19;
	v10 =	vmax.f32 v10, v18;
	v18 =	vmin.f32 v7, v17  }
0x1a3: {  	v57 =	vld [tilespmem:s20+$0x80];
	v19 =	vmin.f32 v6, v55;
	v7 =	vmax.f32 v7, v17;
	v17 =	vmin.f32 v4, v18  }
0x1a4: {  	v6 =	vmax.f32 v6, v55;
	v4 =	vmax.f32 v4, v18;
	v18 =	vmin.f32 v3, v17  }
0x1a5: {  	v14 =	vmax.f32 v14, v52;
	v3 =	vmax.f32 v3, v17;
	v17 =	vmin.f32 v2, v18  }
0x1a6: {  	v58 =	vmin.f32 v8, v19;
	v1 =	vmax.f32 v1, v17;
	v17 =	vmin.f32 v14, v56  }
0x1a7: {  	v8 =	vmax.f32 v8, v19;
	v2 =	vmax.f32 v2, v18;
	v18 =	vmin.f32 v13, v17  }
0x1a8: {  	v59 =	vld [tilespmem:s20+$0x90];
	v19 =	vmin.f32 v16, v57;
	v13 =	vmax.f32 v13, v17;
	v17 =	vmin.f32 v12, v18  }
0x1a9: {  	v16 =	vmax.f32 v16, v57;
	v12 =	vmax.f32 v12, v18;
	v18 =	vmin.f32 v11, v17  }
0x1aa: {  	v5 =	vmax.f32 v5, v54;
	v11 =	vmax.f32 v11, v17;
	v17 =	vmin.f32 v10, v18  }
0x1ab: {  	v60 =	vmin.f32 v15, v19;
	v9 =	vmax.f32 v9, v17;
	v17 =	vmin.f32 v5, v58  }
0x1ac: {  	v15 =	vmax.f32 v15, v19;
	v10 =	vmax.f32 v10, v18;
	v18 =	vmin.f32 v7, v17  }
0x1ad: {  	v61 =	vld [tilespmem:s20+$0xA0];
	v19 =	vmin.f32 v6, v59;
	v7 =	vmax.f32 v7, v17;
	v17 =	vmin.f32 v4, v18  }
0x1ae: {  	v6 =	vmax.f32 v6, v59;
	v4 =	vmax.f32 v4, v18;
	v18 =	vmin.f32 v3, v17  }
0x1af: {  	v14 =	vmax.f32 v14, v56;
	v3 =	vmax.f32 v3, v17;
	v17 =	vmin.f32 v2, v18  }
0x1b0: {  	v62 =	vmin.f32 v8, v19;
	v1 =	vmax.f32 v1, v17;
	v17 =	vmin.f32 v14, v60  }
0x1b1: {  	v8 =	vmax.f32 v8, v19;
	v2 =	vmax.f32 v2, v18;
	v18 =	vmin.f32 v13, v17  }
0x1b2: {  	v63 =	vld [tilespmem:s20+$0xB0];
	v19 =	vmin.f32 v16, v61;
	v13 =	vmax.f32 v13, v17;
	v17 =	vmin.f32 v12, v18  }
0x1b3: {  	v16 =	vmax.f32 v16, v61;
	v12 =	vmax.f32 v12, v18;
	v18 =	vmin.f32 v11, v17  }
0x1b4: {  	v5 =	vmax.f32 v5, v58;
	v11 =	vmax.f32 v11, v17;
	v17 =	vmin.f32 v10, v18  }
0x1b5: {  	v24 =	vmin.f32 v15, v19;
	v9 =	vmax.f32 v9, v17;
	v17 =	vmin.f32 v5, v62  }
0x1b6: {  	v15 =	vmax.f32 v15, v19;
	v10 =	vmax.f32 v10, v18;
	v18 =	vmin.f32 v7, v17  }
0x1b7: {  	v25 =	vld [tilespmem:s20+$0xC0];
	v19 =	vmin.f32 v6, v63;
	v7 =	vmax.f32 v7, v17;
	v17 =	vmin.f32 v4, v18  }
0x1b8: {  	v6 =	vmax.f32 v6, v63;
	v4 =	vmax.f32 v4, v18;
	v18 =	vmin.f32 v3, v17  }
0x1b9: {  	v14 =	vmax.f32 v14, v60;
	v3 =	vmax.f32 v3, v17;
	v17 =	vmin.f32 v2, v18  }
0x1ba: {  	v26 =	vmin.f32 v8, v19;
	v1 =	vmax.f32 v1, v17;
	v17 =	vmin.f32 v14, v24  }
0x1bb: {  	v8 =	vmax.f32 v8, v19;
	v2 =	vmax.f32 v2, v18;
	v18 =	vmin.f32 v13, v17  }
0x1bc: {  	v27 =	vld [tilespmem:s20+$0xD0];
	v19 =	vmin.f32 v16, v25;
	v13 =	vmax.f32 v13, v17;
	v17 =	vmin.f32 v12, v18  }
0x1bd: {  	v16 =	vmax.f32 v16, v25;
	v12 =	vmax.f32 v12, v18;
	v18 =	vmin.f32 v11, v17  }
0x1be: {  	v5 =	vmax.f32 v5, v62;
	v11 =	vmax.f32 v11, v17;
	v17 =	vmin.f32 v10, v18  }
0x1bf: {  	v28 =	vmin.f32 v15, v19;
	v9 =	vmax.f32 v9, v17;
	v17 =	vmin.f32 v5, v26  }
0x1c0: {  	v15 =	vmax.f32 v15, v19;
	v10 =	vmax.f32 v10, v18;
	v18 =	vmin.f32 v7, v17  }
0x1c1: {  	v29 =	vld [tilespmem:s20+$0xE0];
	v19 =	vmin.f32 v6, v27;
	v7 =	vmax.f32 v7, v17;
	v17 =	vmin.f32 v4, v18  }
0x1c2: {  	v6 =	vmax.f32 v6, v27;
	v4 =	vmax.f32 v4, v18;
	v18 =	vmin.f32 v3, v17  }
0x1c3: {  	v14 =	vmax.f32 v14, v24;
	v3 =	vmax.f32 v3, v17;
	v17 =	vmin.f32 v2, v18  }
0x1c4: {  	v30 =	vmin.f32 v8, v19;
	v1 =	vmax.f32 v1, v17;
	v17 =	vmin.f32 v14, v28  }
0x1c5: {  	v8 =	vmax.f32 v8, v19;
	v2 =	vmax.f32 v2, v18;
	v18 =	vmin.f32 v13, v17  }
0x1c6: {  	v31 =	vld [tilespmem:s20+$0xF0];
	v19 =	vmin.f32 v16, v29;
	v13 =	vmax.f32 v13, v17;
	v17 =	vmin.f32 v12, v18  }
0x1c7: {  	v16 =	vmax.f32 v16, v29;
	v12 =	vmax.f32 v12, v18;
	v18 =	vmin.f32 v11, v17  }
0x1c8: {  	v5 =	vmax.f32 v5, v26;
	v11 =	vmax.f32 v11, v17;
	v17 =	vmin.f32 v10, v18  }
0x1c9: {  	v32 =	vmin.f32 v15, v19;
	v9 =	vmax.f32 v9, v17;
	v17 =	vmin.f32 v5, v30  }
0x1ca: {  	v15 =	vmax.f32 v15, v19;
	v10 =	vmax.f32 v10, v18;
	v18 =	vmin.f32 v7, v17  }
0x1cb: {  	v33 =	vld [tilespmem:s20+$0x100];
	v19 =	vmin.f32 v6, v31;
	v7 =	vmax.f32 v7, v17;
	v17 =	vmin.f32 v4, v18  }
0x1cc: {  	v6 =	vmax.f32 v6, v31;
	v4 =	vmax.f32 v4, v18;
	v18 =	vmin.f32 v3, v17  }
0x1cd: {  	v14 =	vmax.f32 v14, v28;
	v3 =	vmax.f32 v3, v17;
	v17 =	vmin.f32 v2, v18  }
0x1ce: {  	v34 =	vmin.f32 v8, v19;
	v1 =	vmax.f32 v1, v17;
	v17 =	vmin.f32 v14, v32  }
0x1cf: {  	v8 =	vmax.f32 v8, v19;
	v2 =	vmax.f32 v2, v18;
	v18 =	vmin.f32 v13, v17  }
0x1d0: {  	v35 =	vld [tilespmem:s20+$0x110];
	v19 =	vmin.f32 v16, v33;
	v13 =	vmax.f32 v13, v17;
	v17 =	vmin.f32 v12, v18  }
0x1d1: {  	v16 =	vmax.f32 v16, v33;
	v12 =	vmax.f32 v12, v18;
	v18 =	vmin.f32 v11, v17  }
0x1d2: {  	v5 =	vmax.f32 v5, v30;
	v11 =	vmax.f32 v11, v17;
	v17 =	vmin.f32 v10, v18  }
0x1d3: {  	v36 =	vmin.f32 v15, v19;
	v9 =	vmax.f32 v9, v17;
	v17 =	vmin.f32 v5, v34  }
0x1d4: {  	v15 =	vmax.f32 v15, v19;
	v10 =	vmax.f32 v10, v18;
	v18 =	vmin.f32 v7, v17  }
0x1d5: {  	v37 =	vld [tilespmem:s20+$0x120];
	v19 =	vmin.f32 v6, v35;
	v7 =	vmax.f32 v7, v17;
	v17 =	vmin.f32 v4, v18  }
0x1d6: {  	v6 =	vmax.f32 v6, v35;
	v4 =	vmax.f32 v4, v18;
	v18 =	vmin.f32 v3, v17  }
0x1d7: {  	v14 =	vmax.f32 v14, v32;
	v3 =	vmax.f32 v3, v17;
	v17 =	vmin.f32 v2, v18  }
0x1d8: {  	v38 =	vmin.f32 v8, v19;
	v1 =	vmax.f32 v1, v17;
	v17 =	vmin.f32 v14, v36  }
0x1d9: {  	v8 =	vmax.f32 v8, v19;
	v2 =	vmax.f32 v2, v18;
	v18 =	vmin.f32 v13, v17  }
0x1da: {  	v39 =	vld [tilespmem:s20+$0x130];
	v19 =	vmin.f32 v16, v37;
	v13 =	vmax.f32 v13, v17;
	v17 =	vmin.f32 v12, v18  }
0x1db: {  	v16 =	vmax.f32 v16, v37;
	v12 =	vmax.f32 v12, v18;
	v18 =	vmin.f32 v11, v17  }
0x1dc: {  	v5 =	vmax.f32 v5, v34;
	v11 =	vmax.f32 v11, v17;
	v17 =	vmin.f32 v10, v18  }
0x1dd: {  	v40 =	vmin.f32 v15, v19;
	v9 =	vmax.f32 v9, v17;
	v17 =	vmin.f32 v5, v38  }
0x1de: {  	v15 =	vmax.f32 v15, v19;
	v10 =	vmax.f32 v10, v18;
	v18 =	vmin.f32 v7, v17  }
0x1df: {  	v41 =	vld [tilespmem:s20+$0x140];
	v19 =	vmin.f32 v6, v39;
	v7 =	vmax.f32 v7, v17;
	v17 =	vmin.f32 v4, v18  }
0x1e0: {  	v6 =	vmax.f32 v6, v39;
	v4 =	vmax.f32 v4, v18;
	v18 =	vmin.f32 v3, v17  }
0x1e1: {  	v14 =	vmax.f32 v14, v36;
	v3 =	vmax.f32 v3, v17;
	v17 =	vmin.f32 v2, v18  }
0x1e2: {  	v42 =	vmin.f32 v8, v19;
	v1 =	vmax.f32 v1, v17;
	v17 =	vmin.f32 v14, v40  }
0x1e3: {  	v8 =	vmax.f32 v8, v19;
	v2 =	vmax.f32 v2, v18;
	v18 =	vmin.f32 v13, v17  }
0x1e4: {  	v43 =	vld [tilespmem:s20+$0x150];
	v19 =	vmin.f32 v16, v41;
	v13 =	vmax.f32 v13, v17;
	v17 =	vmin.f32 v12, v18  }
0x1e5: {  	v16 =	vmax.f32 v16, v41;
	v12 =	vmax.f32 v12, v18;
	v18 =	vmin.f32 v11, v17  }
0x1e6: {  	v5 =	vmax.f32 v5, v38;
	v11 =	vmax.f32 v11, v17;
	v17 =	vmin.f32 v10, v18  }
0x1e7: {  	v44 =	vmin.f32 v15, v19;
	v9 =	vmax.f32 v9, v17;
	v17 =	vmin.f32 v5, v42  }
0x1e8: {  	v15 =	vmax.f32 v15, v19;
	v10 =	vmax.f32 v10, v18;
	v18 =	vmin.f32 v7, v17  }
0x1e9: {  	v45 =	vld [tilespmem:s20+$0x160];
	v19 =	vmin.f32 v6, v43;
	v7 =	vmax.f32 v7, v17;
	v17 =	vmin.f32 v4, v18  }
0x1ea: {  	v6 =	vmax.f32 v6, v43;
	v4 =	vmax.f32 v4, v18;
	v18 =	vmin.f32 v3, v17  }
0x1eb: {  	v14 =	vmax.f32 v14, v40;
	v3 =	vmax.f32 v3, v17;
	v17 =	vmin.f32 v2, v18  }
0x1ec: {  	v46 =	vmin.f32 v8, v19;
	v1 =	vmax.f32 v1, v17;
	v17 =	vmin.f32 v14, v44  }
0x1ed: {  	v8 =	vmax.f32 v8, v19;
	v2 =	vmax.f32 v2, v18;
	v18 =	vmin.f32 v13, v17  }
0x1ee: {  	v47 =	vld [tilespmem:s20+$0x170];
	v19 =	vmin.f32 v16, v45;
	v13 =	vmax.f32 v13, v17;
	v17 =	vmin.f32 v12, v18  }
0x1ef: {  	v16 =	vmax.f32 v16, v45;
	v12 =	vmax.f32 v12, v18;
	v18 =	vmin.f32 v11, v17  }
0x1f0: {  	v5 =	vmax.f32 v5, v42;
	v11 =	vmax.f32 v11, v17;
	v17 =	vmin.f32 v10, v18  }
0x1f1: {  	v48 =	vmin.f32 v15, v19;
	v9 =	vmax.f32 v9, v17;
	v17 =	vmin.f32 v5, v46  }
0x1f2: {  	v15 =	vmax.f32 v15, v19;
	v10 =	vmax.f32 v10, v18;
	v18 =	vmin.f32 v7, v17  }
0x1f3: {  	v49 =	vld [tilespmem:s20+$0x180];
	v19 =	vmin.f32 v6, v47;
	v7 =	vmax.f32 v7, v17;
	v17 =	vmin.f32 v4, v18  }
0x1f4: {  	v6 =	vmax.f32 v6, v47;
	v4 =	vmax.f32 v4, v18;
	v18 =	vmin.f32 v3, v17  }
0x1f5: {  	v14 =	vmax.f32 v14, v44;
	v3 =	vmax.f32 v3, v17;
	v17 =	vmin.f32 v2, v18  }
0x1f6: {  	v50 =	vmin.f32 v8, v19;
	v1 =	vmax.f32 v1, v17;
	v17 =	vmin.f32 v14, v48  }
0x1f7: {  	v8 =	vmax.f32 v8, v19;
	v2 =	vmax.f32 v2, v18;
	v18 =	vmin.f32 v13, v17  }
0x1f8: {  	v51 =	vld [tilespmem:s20+$0x190];
	v19 =	vmin.f32 v16, v49;
	v13 =	vmax.f32 v13, v17;
	v17 =	vmin.f32 v12, v18  }
0x1f9: {  	v16 =	vmax.f32 v16, v49;
	v12 =	vmax.f32 v12, v18;
	v18 =	vmin.f32 v11, v17  }
0x1fa: {  	v5 =	vmax.f32 v5, v46;
	v11 =	vmax.f32 v11, v17;
	v17 =	vmin.f32 v10, v18  }
0x1fb: {  	v52 =	vmin.f32 v15, v19;
	v9 =	vmax.f32 v9, v17;
	v17 =	vmin.f32 v5, v50  }
0x1fc: {  	v15 =	vmax.f32 v15, v19;
	v10 =	vmax.f32 v10, v18;
	v18 =	vmin.f32 v7, v17  }
0x1fd: {  	v53 =	vld [tilespmem:s20+$0x1A0];
	v19 =	vmin.f32 v6, v51;
	v7 =	vmax.f32 v7, v17;
	v17 =	vmin.f32 v4, v18  }
0x1fe: {  	v6 =	vmax.f32 v6, v51;
	v4 =	vmax.f32 v4, v18;
	v18 =	vmin.f32 v3, v17  }
0x1ff: {  	v14 =	vmax.f32 v14, v48;
	v3 =	vmax.f32 v3, v17;
	v17 =	vmin.f32 v2, v18  }
0x200: {  	v54 =	vmin.f32 v8, v19;
	v1 =	vmax.f32 v1, v17;
	v17 =	vmin.f32 v14, v52  }
0x201: {  	v8 =	vmax.f32 v8, v19;
	v2 =	vmax.f32 v2, v18;
	v18 =	vmin.f32 v13, v17  }
0x202: {  	v55 =	vld [tilespmem:s20+$0x1B0];
	v19 =	vmin.f32 v16, v53;
	v13 =	vmax.f32 v13, v17;
	v17 =	vmin.f32 v12, v18  }
0x203: {  	v16 =	vmax.f32 v16, v53;
	v12 =	vmax.f32 v12, v18;
	v18 =	vmin.f32 v11, v17  }
0x204: {  	v5 =	vmax.f32 v5, v50;
	v11 =	vmax.f32 v11, v17;
	v17 =	vmin.f32 v10, v18  }
0x205: {  	v56 =	vmin.f32 v15, v19;
	v9 =	vmax.f32 v9, v17;
	v17 =	vmin.f32 v5, v54  }
0x206: {  	v15 =	vmax.f32 v15, v19;
	v10 =	vmax.f32 v10, v18;
	v18 =	vmin.f32 v7, v17  }
0x207: {  	v57 =	vld [tilespmem:s20+$0x1C0];
	v19 =	vmin.f32 v6, v55;
	v7 =	vmax.f32 v7, v17;
	v17 =	vmin.f32 v4, v18  }
0x208: {  	v6 =	vmax.f32 v6, v55;
	v4 =	vmax.f32 v4, v18;
	v18 =	vmin.f32 v3, v17  }
0x209: {  	v14 =	vmax.f32 v14, v52;
	v3 =	vmax.f32 v3, v17;
	v17 =	vmin.f32 v2, v18  }
0x20a: {  	v58 =	vmin.f32 v8, v19;
	v1 =	vmax.f32 v1, v17;
	v17 =	vmin.f32 v14, v56  }
0x20b: {  	v8 =	vmax.f32 v8, v19;
	v2 =	vmax.f32 v2, v18;
	v18 =	vmin.f32 v13, v17  }
0x20c: {  	v19 =	vmin.f32 v16, v57;
	v13 =	vmax.f32 v13, v17;
	v17 =	vmin.f32 v12, v18  }
0x20d: {  	v16 =	vmax.f32 v16, v57;
	v12 =	vmax.f32 v12, v18;
	v18 =	vmin.f32 v11, v17  }
0x20e: {  	v5 =	vmax.f32 v5, v54;
	v11 =	vmax.f32 v11, v17;
	v17 =	vmin.f32 v10, v18  }
0x20f: {  	v60 =	vmin.f32 v15, v19;
	v9 =	vmax.f32 v9, v17;
	v17 =	vmin.f32 v5, v58  }
0x210: {  	v59 =	vld [tilespmem:s20+$0x1D0];
	v15 =	vmax.f32 v15, v19;
	v10 =	vmax.f32 v10, v18;
	v18 =	vmin.f32 v7, v17  }
0x211: {  	v14 =	vmax.f32 v14, v56;
	v7 =	vmax.f32 v7, v17;
	v17 =	vmin.f32 v4, v18  }
0x212: {  	v19 =	vmax.f32 v14, v60;
	v4 =	vmax.f32 v4, v18;
	v18 =	vmin.f32 v3, v17  }
0x213: {  	v5 =	vmax.f32 v5, v58;
	v3 =	vmax.f32 v3, v17;
	v17 =	vmin.f32 v2, v18  }
0x214: {  	v2 =	vmax.f32 v2, v18;
	v1 =	vmax.f32 v1, v17;
	v17 =	vmin.f32 v14, v60  }
0x215: {  	v14 =	vmin.f32 v6, v59;
	v6 =	vmax.f32 v6, v59;
	v18 =	vmin.f32 v13, v17  }
0x216: {  	v17 =	vmax.f32 v13, v17;
	v13 =	vmin.f32 v12, v18;
	v18 =	vmax.f32 v12, v18  }
0x217: {  	v62 =	vld [tilespmem:s20+$0x1E0];
	v12 =	vmin.f32 v11, v13;
	v61 =	vmax.f32 v11, v13;
	v13 =	vmin.f32 v8, v14  }
0x218: {  	v11 =	vmin.f32 v10, v12;
	v23 =	vmax.f32 v10, v12;
	v10 =	vmin.f32 v5, v13  }
0x219: {  	v8 =	vmax.f32 v8, v14;
	v9 =	vmax.f32 v9, v11;
	v11 =	vmin.f32 v7, v10  }
0x21a: {  	v63 =	vld [tilespmem:s20+$0x1F0];
	v5 =	vmax.f32 v5, v13;
	v7 =	vmax.f32 v7, v10;
	v10 =	vmin.f32 v4, v11  }
0x21b: {  	v4 =	vmax.f32 v4, v11;
	v24 =	vmax.f32 v3, v10;
	v3 =	vmin.f32 v3, v10  }
0x21c: {  	v25 =	vmax.f32 v2, v3;
	v2 =	vmin.f32 v2, v3;
	v3 =	vmin.f32 v16, v62  }
0x21d: {  	v16 =	vmax.f32 v16, v62;
	v1 =	vmax.f32 v1, v2;
	v2 =	vmin.f32 v15, v3  }
0x21e: {  	v15 =	vmax.f32 v15, v3;
	v14 =	vmax.f32 v19, v2;
	v2 =	vmin.f32 v19, v2  }
0x21f: {  	v3 =	vmin.f32 v6, v63;
	v13 =	vmax.f32 v17, v2;
	v2 =	vmin.f32 v17, v2  }
0x220: {  	v17 =	vmin.f32 v8, v3;
	v12 =	vmax.f32 v18, v2;
	v2 =	vmin.f32 v18, v2  }
0x221: {  	p0 =	sne.s32 s18, $0x1;
	v18 =	vmin.f32 v5, v17;
	v11 =	vmax.f32 v61, v2;
	v2 =	vmin.f32 v61, v2  }
.Ltmp7:
0x222: {  	v19 =	vmin.f32 v7, v18;
	v10 =	vmax.f32 v23, v2;
	v2 =	vmin.f32 v23, v2;
	(pc) =	sbr.rel @p0 .LBB2_11-.Ltmp7, $4  }
0x223: {  	v6 =	vmax.f32 v6, v63;
	v9 =	vmax.f32 v9, v2;
	v2 =	vmin.f32 v4, v19  }
0x224: {  	v8 =	vmax.f32 v8, v3;
	v5 =	vmax.f32 v5, v17;
	v17 =	vmin.f32 v24, v2  }
0x225: {  	v7 =	vmax.f32 v7, v18;
	v4 =	vmax.f32 v4, v19;
	v18 =	vmin.f32 v25, v17  }
0x226: {  	s19 =	sadd.s32 $0x1, s19;
	s18 =	sadd.s32 $0xFFFFFFFF, s18;
	v3 =	vmax.f32 v24, v2;
	v2 =	vmax.f32 v25, v17;
	v1 =	vmax.f32 v1, v18  }
0x227: {  	v1 =	vmax.f32 v16, v1;
	v2 =	vmax.f32 v15, v2  }
0x228: {  	v3 =	vmax.f32 v14, v3;
	v4 =	vmax.f32 v13, v4;
	v7 =	vmax.f32 v12, v7  }
0x229: {  	v5 =	vmax.f32 v11, v5;
	v8 =	vmax.f32 v10, v8;
	v6 =	vmax.f32 v9, v6  }
.LBB2_13:
0x22a: {  	(xrf1) =	vsort.ascd.msk.f32 $0xffff, v1, v1  }
0x22b: {  	(xrf1) =	vsort.ascd.msk.f32 $0xffff, v2, v2  }
0x22c: {  	(xrf1) =	vsort.ascd.msk.f32 $0xffff, v3, v3  }
0x22d: {  	(xrf1) =	vsort.ascd.msk.f32 $0xffff, v4, v4  }
0x22e: {  	(xrf1) =	vsort.ascd.msk.f32 $0xffff, v7, v7  }
0x22f: {  	(xrf1) =	vsort.ascd.msk.f32 $0xffff, v5, v5  }
0x230: {  	(xrf1) =	vsort.ascd.msk.f32 $0xffff, v8, v8  }
0x231: {  	(xrf1) =	vsort.ascd.msk.f32 $0xffff, v6, v6;
	_ =	sdelay $0x6  }
0x232: {  	v1, _, _ =	vpop (xrf1)  }
0x233: {  	v2, _, _ =	vpop (xrf1)  }
0x234: {  	v3, _, _ =	vpop (xrf1)  }
0x235: {  	v4, _, _ =	vpop (xrf1)  }
0x236: {  	v5, _, _ =	vpop (xrf1)  }
0x237: {  	v2 =	vperm.xlane v2, v0;
	v6, _, _ =	vpop (xrf1)  }
0x238: {  	v4 =	vperm.xlane v4, v0;
	v7, _, _ =	vpop (xrf1)  }
0x239: {  	v1 =	vmax.f32 v1, v2;
	v2 =	vperm.xlane v6, v0;
	v8, _, _ =	vpop (xrf1)  }
0x23a: {  	(xrf1) =	vsort.ascd.msk.f32 $0xffff, v1, v1;
	v1 =	vmax.f32 v3, v4;
	v3 =	vperm.xlane v8, v0  }
0x23b: {  	(xrf1) =	vsort.ascd.msk.f32 $0xffff, v1, v1;
	v1 =	vmax.f32 v5, v2  }
0x23c: {  	(xrf1) =	vsort.ascd.msk.f32 $0xffff, v1, v1;
	v1 =	vmax.f32 v7, v3  }
0x23d: {  	(xrf1) =	vsort.ascd.msk.f32 $0xffff, v1, v1;
	_ =	sdelay $0xa  }
0x23e: {  	v1, _, _ =	vpop (xrf1)  }
0x23f: {  	v2, _, _ =	vpop (xrf1)  }
0x240: {  	v3, _, _ =	vpop (xrf1)  }
0x241: {  	v2 =	vperm.xlane v2, v0;
	v4, _, _ =	vpop (xrf1)  }
0x242: {  	v4 =	vperm.xlane v4, v0  }
0x243: {  	v1 =	vmax.f32 v1, v2  }
0x244: {  	(xrf1) =	vsort.ascd.msk.f32 $0xffff, v1, v1;
	v1 =	vmax.f32 v3, v4  }
0x245: {  	(xrf1) =	vsort.ascd.msk.f32 $0xffff, v1, v1;
	_ =	sdelay $0xc  }
0x246: {  	v1, _, _ =	vpop (xrf1)  }
0x247: {  	v2, _, _ =	vpop (xrf1)  }
0x248: {  	v2 =	vperm.xlane v2, v0;
	_ =	sdelay $0x1  }
0x249: {  	v1 =	vmax.f32 v1, v2  }
0x24a: {  	(xrf1) =	vsort.ascd.msk.f32 $0xffff, v1, v1;
	_ =	sdelay $0xd  }
0x24b: {  	v1, _, _ =	vpop (xrf1)  }
0x24c: {  	v1 =	vperm.xlane v1, v0;
	_ =	sdelay $0x1  }
0x24d: {  	[tilespmem:$0x10480] =	vst v1  }
0x24e: {  	_ =	swait.ge [sflag:s14], $0x8000  }
0x24f: {  	[sflag:s14] =	ssyncset.done $0x0  }
0x250: {  	s18 =	simm.s32 $0x8100;
	[sflag:s14] =	ssyncadd.s32 $0xFFFF8000  }
0x251: {  	v7 =	vld [tilespmem:s18+$0xC0]  }
0x252: {  	v1 =	vld [tilespmem:s18+$0xD0]  }
0x253: {  	v2 =	vld [tilespmem:s18+$0xE0]  }
0x254: {  	v10 =	vld [tilespmem:s18+$0x80]  }
0x255: {  	v3 =	vld [tilespmem:s18+$0x90]  }
0x256: {  	v4 =	vld [tilespmem:s18+$0xA0]  }
0x257: {  	v13 =	vld [tilespmem:s18+$0x40]  }
0x258: {  	v5 =	vld [tilespmem:s18+$0x50]  }
0x259: {  	v6 =	vld [tilespmem:s18+$0x60]  }
0x25a: {  	v15 =	vld [tilespmem:s18+$0x0]  }
0x25b: {  	v8 =	vld [tilespmem:s18+$0x10]  }
0x25c: {  	v9 =	vld [tilespmem:s18+$0x20]  }
0x25d: {  	v23 =	vld [tilespmem:s18+$0xFFFFFFC0]  }
0x25e: {  	v11 =	vld [tilespmem:s18+$0xFFFFFFD0]  }
0x25f: {  	v12 =	vld [tilespmem:s18+$0xFFFFFFE0]  }
0x260: {  	v22 =	vld [tilespmem:s18+$0xFFFFFF80]  }
0x261: {  	v14 =	vld [tilespmem:s18+$0xFFFFFF90]  }
0x262: {  	v20 =	vld [tilespmem:s18+$0xFFFFFF40]  }
0x263: {  	v21 =	vld [tilespmem:s18+$0xFFFFFF00]  }
0x264: {  	v16 =	vld [tilespmem:s18+$0xFFFFFFA0]  }
0x265: {  	v17 =	vld [tilespmem:s18+$0xFFFFFF10]  }
0x266: {  	v18 =	vld [tilespmem:s18+$0xFFFFFF50]  }
0x267: {  	v19 =	vld [tilespmem:s18+$0xFFFFFF20]  }
0x268: {  	v24 =	vmax.f32 v21, v20;
	v20 =	vld [tilespmem:s18+$0xFFFFFF60]  }
0x269: {  	v21 =	vld [tilespmem:s18+$0xFFFFFF30];
	v24 =	vmax.f32 v24, v22  }
0x26a: {  	s19 =	simm.s32 $0x0;
	s20 =	simm.s32 $0x40;
	v22 =	vld [tilespmem:s18+$0xFFFFFF70];
	v23 =	vmax.f32 v24, v23  }
.LBB2_14:
0x26b: {  	p0 =	sne.s32 s20, $0xFC0;
	v24 =	vld [tilespmem:s18+$0xFFFFFFB0];
	v15 =	vmax.f32 v23, v15  }
0x26c: {  	v23 =	vld [tilespmem:s18+$0xFFFFFFF0];
	v13 =	vmax.f32 v15, v13  }
0x26d: {  	v15 =	vld [tilespmem:s18+$0x30];
	v10 =	vmax.f32 v13, v10  }
0x26e: {  	v13 =	vld [tilespmem:s18+$0x70];
	v7 =	vmax.f32 v10, v7  }
0x26f: {  	v10 =	vmax.f32 v17, v18;
	v17 =	vmax.f32 v19, v20;
	v18 =	vmax.f32 v21, v22;
	v19 =	vld [tilespmem:s18+$0xB0]  }
0x270: {  	v10 =	vmax.f32 v10, v14;
	v14 =	vmax.f32 v17, v16;
	v16 =	vmax.f32 v18, v24;
	v17 =	vld [tilespmem:s18+$0xF0]  }
0x271: {  	v10 =	vmax.f32 v10, v11;
	v11 =	vmax.f32 v14, v12;
	v12 =	vmax.f32 v16, v23  }
0x272: {  	v8 =	vmax.f32 v10, v8;
	v9 =	vmax.f32 v11, v9;
	v10 =	vmax.f32 v12, v15  }
0x273: {  	v5 =	vmax.f32 v8, v5;
	v6 =	vmax.f32 v9, v6;
	v8 =	vmax.f32 v10, v13  }
0x274: {  	v3 =	vmax.f32 v5, v3;
	v4 =	vmax.f32 v6, v4;
	v5 =	vmax.f32 v8, v19  }
0x275: {  	v1 =	vmax.f32 v3, v1;
	v2 =	vmax.f32 v4, v2;
	v3 =	vmax.f32 v5, v17  }
0x276: {  	v1 =	vmax.f32 v7, v1;
	v2 =	vmax.f32 v2, v3  }
0x277: {  	s21 =	sshra.s32 s19, $0x2;
	s19 =	smov.u32 s20;
	v1 =	vmax.f32 v1, v2  }
0x278: {  	s18 =	sadd.s32 $0x200, s18;
	[tilespmem:s21+$0x10000] =	vst v1  }
0x279: {  	v7 =	vld [tilespmem:s18+$0xC0]  }
0x27a: {  	v1 =	vld [tilespmem:s18+$0xD0]  }
0x27b: {  	v2 =	vld [tilespmem:s18+$0xE0]  }
0x27c: {  	v10 =	vld [tilespmem:s18+$0x80]  }
0x27d: {  	v3 =	vld [tilespmem:s18+$0x90]  }
0x27e: {  	v4 =	vld [tilespmem:s18+$0xA0]  }
0x27f: {  	v13 =	vld [tilespmem:s18+$0x40]  }
0x280: {  	v5 =	vld [tilespmem:s18+$0x50]  }
0x281: {  	v6 =	vld [tilespmem:s18+$0x60]  }
0x282: {  	v15 =	vld [tilespmem:s18+$0x0]  }
0x283: {  	v8 =	vld [tilespmem:s18+$0x10]  }
0x284: {  	v9 =	vld [tilespmem:s18+$0x20]  }
0x285: {  	v23 =	vld [tilespmem:s18+$0xFFFFFFC0]  }
0x286: {  	v11 =	vld [tilespmem:s18+$0xFFFFFFD0]  }
0x287: {  	v12 =	vld [tilespmem:s18+$0xFFFFFFE0]  }
0x288: {  	v22 =	vld [tilespmem:s18+$0xFFFFFF80]  }
0x289: {  	v14 =	vld [tilespmem:s18+$0xFFFFFF90]  }
0x28a: {  	v20 =	vld [tilespmem:s18+$0xFFFFFF40]  }
0x28b: {  	v21 =	vld [tilespmem:s18+$0xFFFFFF00]  }
0x28c: {  	v16 =	vld [tilespmem:s18+$0xFFFFFFA0]  }
0x28d: {  	v17 =	vld [tilespmem:s18+$0xFFFFFF10]  }
.Ltmp8:
0x28e: {  	v18 =	vld [tilespmem:s18+$0xFFFFFF50];
	(pc) =	sbr.rel @p0 .LBB2_14-.Ltmp8, $4  }
0x28f: {  	v19 =	vld [tilespmem:s18+$0xFFFFFF20]  }
0x290: {  	v24 =	vmax.f32 v21, v20;
	v20 =	vld [tilespmem:s18+$0xFFFFFF60]  }
0x291: {  	v21 =	vld [tilespmem:s18+$0xFFFFFF30];
	v24 =	vmax.f32 v24, v22  }
0x292: {  	s20 =	sadd.s32 $0x40, s20;
	v22 =	vld [tilespmem:s18+$0xFFFFFF70];
	v23 =	vmax.f32 v24, v23  }
0x293: {  	v24 =	vld [tilespmem:s18+$0xFFFFFFB0];
	v15 =	vmax.f32 v23, v15  }
0x294: {  	v23 =	vld [tilespmem:s18+$0xFFFFFFF0];
	v13 =	vmax.f32 v15, v13  }
0x295: {  	v15 =	vld [tilespmem:s18+$0x30];
	v10 =	vmax.f32 v13, v10  }
0x296: {  	v13 =	vld [tilespmem:s18+$0x70];
	v7 =	vmax.f32 v10, v7  }
0x297: {  	v10 =	vmax.f32 v17, v18;
	v17 =	vmax.f32 v19, v20;
	v19 =	vld [tilespmem:s18+$0xB0];
	v18 =	vmax.f32 v21, v22  }
0x298: {  	v10 =	vmax.f32 v10, v14;
	v14 =	vmax.f32 v17, v16;
	v17 =	vld [tilespmem:s18+$0xF0];
	v16 =	vmax.f32 v18, v24  }
0x299: {  	v10 =	vmax.f32 v10, v11;
	v11 =	vmax.f32 v14, v12;
	v12 =	vmax.f32 v16, v23  }
0x29a: {  	v8 =	vmax.f32 v10, v8;
	v9 =	vmax.f32 v11, v9;
	v10 =	vmax.f32 v12, v15  }
0x29b: {  	v5 =	vmax.f32 v8, v5;
	v6 =	vmax.f32 v9, v6;
	v8 =	vmax.f32 v10, v13  }
0x29c: {  	v3 =	vmax.f32 v5, v3;
	v4 =	vmax.f32 v6, v4;
	v5 =	vmax.f32 v8, v19  }
0x29d: {  	v1 =	vmax.f32 v3, v1;
	v2 =	vmax.f32 v4, v2;
	v3 =	vmax.f32 v5, v17  }
0x29e: {  	v1 =	vmax.f32 v7, v1;
	v2 =	vmax.f32 v2, v3  }
0x29f: {  	s30 =	sshra.s32 s19, $0x2;
	v1 =	vmax.f32 v1, v2  }
0x2a0: {  	s31 =	simm.s32 $0x0;
	[tilespmem:s30+$0x10000] =	vst v1  }
0x2a1: {  	v2 =	vld [tilespmem:s31+$0x10000]  }
0x2a2: {  	v14 =	vld [tilespmem:s31+$0x10010]  }
0x2a3: {  	v1 =	vld [tilespmem:s31+$0x10020];
	_ =	sdelay $0x1  }
0x2a4: {  	v8 =	vimm.f32 $-Inf  }
0x2a5: {  	v16 =	vimm.f32 $-Inf;
	v17 =	vimm.f32 $-Inf;
	v3 =	vmin.f32 v8, v2  }
0x2a6: {  	v2 =	vmax.f32 v8, v2;
	v22 =	vmax.f32 v8, v14;
	v4 =	vmin.f32 v8, v3  }
0x2a7: {  	v3 =	vmax.f32 v8, v3;
	v10 =	vmin.f32 v2, v1;
	v5 =	vmin.f32 v8, v4  }
0x2a8: {  	v7 =	vmax.f32 v8, v4;
	v12 =	vmin.f32 v3, v10;
	v10 =	vmax.f32 v3, v10  }
0x2a9: {  	v3 =	vmin.f32 v8, v14;
	v6 =	vmin.f32 v8, v5;
	v13 =	vmax.f32 v8, v5  }
0x2aa: {  	v20 =	vld [tilespmem:s31+$0x10030];
	v15 =	vmin.f32 v7, v12;
	v14 =	vmin.f32 v8, v3;
	v3 =	vmax.f32 v8, v3  }
0x2ab: {  	v5 =	vmin.f32 v8, v6;
	v4 =	vmax.f32 v8, v6;
	v25 =	vmin.f32 v8, v14  }
0x2ac: {  	v23 =	vmax.f32 v8, v14;
	v14 =	vimm.f32 $-Inf;
	v6 =	vmin.f32 v8, v5  }
0x2ad: {  	v5 =	vmax.f32 v8, v5;
	v19 =	vmax.f32 v8, v25;
	v11 =	vmin.f32 v8, v6  }
0x2ae: {  	v9 =	vmax.f32 v8, v6;
	v6 =	vmax.f32 v7, v12;
	v12 =	vmin.f32 v13, v15  }
0x2af: {  	v7 =	vmax.f32 v13, v15;
	v15 =	vmin.f32 v22, v20;
	v11 =	vmax.f32 v8, v11  }
0x2b0: {  	v13 =	vmin.f32 v4, v12;
	v24 =	vmin.f32 v3, v15;
	v3 =	vmax.f32 v3, v15  }
0x2b1: {  	s18 =	simm.s32 $0x100;
	v15 =	vimm.f32 $-Inf;
	v18 =	vmin.f32 v5, v13;
	v21 =	vmin.f32 v23, v24  }
.LBB2_16:
0x2b2: {  	s19 =	sshra.s32 s18, $0x2;
	p0 =	sne.s32 s18, $0xF00;
	s18 =	sadd.s32 $0x100, s18;
	v8 =	vmin.f32 v8, v25;
	v25 =	vmax.f32 v22, v20;
	v24 =	vmax.f32 v23, v24  }
0x2b3: {  	v20 =	vld [tilespmem:s19+$0x10020];
	v22 =	vmax.f32 v17, v8;
	v8 =	vmin.f32 v17, v8;
	v17 =	vmin.f32 v9, v18  }
0x2b4: {  	v27 =	vmin.f32 v19, v21;
	v23 =	vld [tilespmem:s19+$0x10000];
	v26 =	vmax.f32 v16, v8;
	v11 =	vmax.f32 v11, v17  }
0x2b5: {  	v18 =	vmax.f32 v9, v18;
	v17 =	vmax.f32 v22, v27;
	v9 =	vmin.f32 v22, v27;
	v28 =	vld [tilespmem:s19+$0x10010]  }
0x2b6: {  	v12 =	vmax.f32 v4, v12;
	v13 =	vmax.f32 v5, v13;
	v16 =	vmin.f32 v16, v8  }
0x2b7: {  	v4 =	vmax.f32 v2, v1;
	v8 =	vmax.f32 v19, v21;
	v5 =	vmin.f32 v26, v9  }
0x2b8: {  	v19 =	vmax.f32 v14, v16;
	v14 =	vmin.f32 v14, v16;
	v16 =	vmax.f32 v26, v9;
	v1 =	vmovc v20  }
0x2b9: {  	v9 =	vmax.f32 v15, v14;
	v2 =	vmax.f32 v4, v23;
	v4 =	vmin.f32 v4, v23  }
0x2ba: {  	v14 =	vmax.f32 v19, v5;
	v21 =	vmax.f32 v10, v4;
	v4 =	vmin.f32 v10, v4  }
0x2bb: {  	v5 =	vmin.f32 v19, v5;
	v10 =	vmax.f32 v6, v4;
	v4 =	vmin.f32 v6, v4  }
0x2bc: {  	v15 =	vmax.f32 v9, v5;
	v19 =	vmax.f32 v7, v4;
	v6 =	vmin.f32 v7, v4  }
0x2bd: {  	v7 =	vmin.f32 v2, v1;
	v4 =	vmax.f32 v12, v6;
	v6 =	vmin.f32 v12, v6  }
0x2be: {  	v12 =	vmin.f32 v21, v7;
	v5 =	vmax.f32 v13, v6;
	v6 =	vmin.f32 v13, v6;
	v20 =	vld [tilespmem:s19+$0x10030]  }
0x2bf: {  	v13 =	vmin.f32 v10, v12;
	v9 =	vmax.f32 v18, v6;
	v6 =	vmin.f32 v18, v6  }
0x2c0: {  	v11 =	vmax.f32 v11, v6;
	v6 =	vmax.f32 v10, v12;
	v12 =	vmin.f32 v19, v13  }
.Ltmp9:
0x2c1: {  	v10 =	vmax.f32 v21, v7;
	v7 =	vmax.f32 v19, v13;
	v13 =	vmin.f32 v4, v12;
	(pc) =	sbr.rel @p0 .LBB2_16-.Ltmp9, $4  }
0x2c2: {  	v22 =	vmax.f32 v25, v28;
	v19 =	vmin.f32 v25, v28;
	v18 =	vmin.f32 v5, v13  }
0x2c3: {  	v21 =	vmax.f32 v3, v19;
	v3 =	vmin.f32 v3, v19;
	v26 =	vmin.f32 v22, v20  }
0x2c4: {  	v23 =	vmax.f32 v24, v3;
	v25 =	vmin.f32 v24, v3;
	v24 =	vmin.f32 v21, v26  }
0x2c5: {  	v19 =	vmax.f32 v8, v25;
	v3 =	vmax.f32 v21, v26;
	v21 =	vmin.f32 v23, v24  }
0x2c6: {  	v8 =	vmin.f32 v8, v25;
	v20 =	vmax.f32 v22, v20  }
0x2c7: {  	v48 =	vmin.f32 v19, v21;
	v47 =	vmax.f32 v17, v8;
	v8 =	vmin.f32 v17, v8  }
0x2c8: {  	v49 =	vmax.f32 v16, v8;
	v26 =	vmin.f32 v47, v48;
	v8 =	vmin.f32 v16, v8  }
0x2c9: {  	v16 =	vmax.f32 v14, v8;
	v8 =	vmin.f32 v14, v8;
	v50 =	vmin.f32 v49, v26  }
0x2ca: {  	v23 =	vmax.f32 v23, v24;
	v8 =	vmax.f32 v15, v8;
	v51 =	vmin.f32 v16, v50  }
0x2cb: {  	v1 =	vmax.f32 v2, v1;
	v2 =	vmin.f32 v9, v18;
	v8 =	vmax.f32 v8, v51  }
0x2cc: {  	v55 =	vmax.f32 v19, v21;
	v14 =	vmax.f32 v16, v50;
	v1 =	vmax.f32 v1, v8  }
0x2cd: {  	v53 =	vmax.f32 v49, v26;
	v10 =	vmax.f32 v10, v14;
	(xrf1) =	vsort.ascd.msk.f32 $0xffff, v1, v1  }
0x2ce: {  	v52 =	vmax.f32 v47, v48;
	v54 =	vmax.f32 v6, v53;
	(xrf1) =	vsort.ascd.msk.f32 $0xffff, v10, v10  }
0x2cf: {  	v7 =	vmax.f32 v7, v52;
	v1 =	vmax.f32 v4, v12;
	(xrf1) =	vsort.ascd.msk.f32 $0xffff, v54, v54  }
0x2d0: {  	v56 =	vmax.f32 v5, v13;
	v1 =	vmax.f32 v1, v55;
	(xrf1) =	vsort.ascd.msk.f32 $0xffff, v7, v7  }
0x2d1: {  	v57 =	vmax.f32 v9, v18;
	v4 =	vmax.f32 v56, v23;
	(xrf1) =	vsort.ascd.msk.f32 $0xffff, v1, v1  }
0x2d2: {  	v1 =	vmax.f32 v11, v2;
	v2 =	vmax.f32 v57, v3;
	(xrf1) =	vsort.ascd.msk.f32 $0xffff, v4, v4  }
0x2d3: {  	v1 =	vmax.f32 v1, v20;
	(xrf1) =	vsort.ascd.msk.f32 $0xffff, v2, v2  }
0x2d4: {  	(xrf1) =	vsort.ascd.msk.f32 $0xffff, v1, v1;
	_ =	sdelay $0x6  }
0x2d5: {  	v1, _, _ =	vpop (xrf1)  }
0x2d6: {  	v2, _, _ =	vpop (xrf1)  }
0x2d7: {  	v3, _, _ =	vpop (xrf1)  }
0x2d8: {  	v58, _, _ =	vpop (xrf1)  }
0x2d9: {  	v59, _, _ =	vpop (xrf1)  }
0x2da: {  	v2 =	vperm.xlane v2, v0;
	v60, _, _ =	vpop (xrf1)  }
0x2db: {  	v4 =	vperm.xlane v58, v0;
	v61, _, _ =	vpop (xrf1)  }
0x2dc: {  	v1 =	vmax.f32 v1, v2;
	v2 =	vperm.xlane v60, v0;
	v62, _, _ =	vpop (xrf1)  }
0x2dd: {  	(xrf1) =	vsort.ascd.msk.f32 $0xffff, v1, v1;
	v1 =	vmax.f32 v3, v4;
	v3 =	vperm.xlane v62, v0  }
0x2de: {  	(xrf1) =	vsort.ascd.msk.f32 $0xffff, v1, v1;
	v1 =	vmax.f32 v59, v2  }
0x2df: {  	(xrf1) =	vsort.ascd.msk.f32 $0xffff, v1, v1;
	v1 =	vmax.f32 v61, v3  }
0x2e0: {  	(xrf1) =	vsort.ascd.msk.f32 $0xffff, v1, v1;
	_ =	sdelay $0xa  }
0x2e1: {  	v1, _, _ =	vpop (xrf1)  }
0x2e2: {  	v2, _, _ =	vpop (xrf1)  }
0x2e3: {  	v3, _, _ =	vpop (xrf1)  }
0x2e4: {  	v2 =	vperm.xlane v2, v0;
	v63, _, _ =	vpop (xrf1)  }
0x2e5: {  	v4 =	vperm.xlane v63, v0  }
0x2e6: {  	v1 =	vmax.f32 v1, v2  }
0x2e7: {  	(xrf1) =	vsort.ascd.msk.f32 $0xffff, v1, v1;
	v1 =	vmax.f32 v3, v4  }
0x2e8: {  	(xrf1) =	vsort.ascd.msk.f32 $0xffff, v1, v1;
	_ =	sdelay $0xc  }
0x2e9: {  	v1, _, _ =	vpop (xrf1)  }
0x2ea: {  	v2, _, _ =	vpop (xrf1)  }
0x2eb: {  	v2 =	vperm.xlane v2, v0;
	_ =	sdelay $0x1  }
0x2ec: {  	v1 =	vmax.f32 v1, v2  }
0x2ed: {  	(xrf1) =	vsort.ascd.msk.f32 $0xffff, v1, v1;
	_ =	sdelay $0xc  }
0x2ee: {  	s19 =	simm.s32 $0x10000  }
0x2ef: {  	v2 =	vld [tilespmem:s19+$0x0];
	v1, _, _ =	vpop (xrf1)  }
0x2f0: {  	v1 =	vperm.xlane v1, v0;
	_ =	sdelay $0x1  }
0x2f1: {  	v1 =	vbroadcast v1, $0x7;
	_ =	sdelay $0x1  }
0x2f2: {  	vm1 =	vge.f32 v2, v1  }
0x2f3: {  	v2 =	vmpcnt.ones.xlane vm1;
	_ =	sdelay $0x1  }
0x2f4: {  	(v2sf) =	vpush v2, $0x0;
	_ =	sdelay $0x4  }
0x2f5: {  	s18 =	simm.s32 $0x0;
	vm1 =	vgt.s32 v2, $0x0  }
0x2f6: {  	v3 =	vmov s18;
	vm1 =	vmand vm1, vm0  }
0x2f7: {  	s20 =	simm.s32 $0x10010;
	[tilespmem:s18+$0x10400] =	vst.msk vm1, v3  }
0x2f8: {  	s21 =	simm.s32 $0x2;
	s19 =	simm.s32 $0x1;
	v2 =	vld [tilespmem:s20+$0x0]  }
.LBB2_18:
0x2f9: {  	p0 =	seq.s32 s21, $0x3F;
	_ =	sdelay $0x3  }
0x2fa: {  	vm1 =	vge.f32 v2, v1  }
0x2fb: {  	v2 =	vmpcnt.ones.xlane vm1  }
0x2fc: {  	s22 =	spop (v2sf)  }
0x2fd: {  	vm1 =	vgt.s32 v2, $0x0;
	(v2sf) =	vpush v2, $0x0;
	p1 =	sgt.s32 s22, $0x0;
	s22 =	simm.s32 $0x1  }
0x2fe: {  	s22 =	simm.s32 @!p1 $0x0  }
0x2ff: {  	v2 =	vmov s19;
	s19 =	smov.u32 s21;
	vm1 =	vmand vm1, vm0;
	s18 =	sadd.s32 s22, s18  }
0x300: {  	[tilespmem:s18+$0x10400] =	vst.msk vm1, v2  }
.Ltmp10:
0x301: {  	(pc) =	sbr.rel @!p0 .LBB2_18-.Ltmp10, $3  }
0x302: {  	_ =	sdelay $0x1  }
0x303: {  	s20 =	sadd.s32 $0x10, s20  }
0x304: {  	s21 =	sadd.s32 $0x1, s21;
	v2 =	vld [tilespmem:s20+$0x0]  }
0x305: {  	_ =	sdelay $0x3  }
0x306: {  	vm1 =	vge.f32 v2, v1  }
0x307: {  	v1 =	vmpcnt.ones.xlane vm1;
	_ =	sdelay $0x1  }
0x308: {  	(v2sf) =	vpush v1, $0x0;
	_ =	sdelay $0xd  }
0x309: {  	s20 =	spop (v2sf)  }
0x30a: {  	s21 =	simm.s32 $0x1;
	p0 =	sgt.s32 s20, $0x0;
	s30 =	spop (v2sf)  }
0x30b: {  	s20 =	simm.s32 $0x1;
	s21 =	simm.s32 @!p0 $0x0;
	p0 =	sgt.s32 s30, $0x0  }
0x30c: {  	s18 =	sadd.s32 s21, s18;
	s20 =	simm.s32 @!p0 $0x0  }
0x30d: {  	s31 =	sadd.s32 s20, s18  }
0x30e: {  	p0 =	slt.s32 s31, $0x1  }
.Ltmp11:
0x30f: {  	_ = 	snop;
	(pc) =	sbr.rel @p0 .LBB2_23-.Ltmp11, $4  }
0x310: {  	v3 =	vimm.f32 $-Inf;
	v4 =	vimm.f32 $-Inf  }
0x311: {  	v7 =	vimm.f32 $-Inf;
	v5 =	vimm.f32 $-Inf;
	vm1 =	vgt.s32 v1, $0x0  }
0x312: {  	v8 =	vimm.f32 $-Inf;
	v1 =	vmov s19;
	vm0 =	vmand vm1, vm0  }
0x313: {  	v6 =	vimm.f32 $-Inf;
	v2 =	vimm.f32 $-Inf;
	[tilespmem:s18+$0x10400] =	vst.msk vm0, v1;
	v1 =	vimm.f32 $-Inf  }
0x314: {  	v9 =	vimm.f32 $-Inf;
	v10 =	vimm.f32 $-Inf  }
0x315: {  	v11 =	vimm.f32 $-Inf;
	v12 =	vimm.f32 $-Inf;
	v13 =	vimm.f32 $-Inf  }
0x316: {  	s18 =	sadd.s32 s20, s18;
	s19 =	simm.s32 $0x10400;
	v14 =	vimm.f32 $-Inf;
	v15 =	vimm.f32 $-Inf;
	v16 =	vimm.f32 $-Inf  }
.LBB2_21:
0x317: {  	v17 =	vld [tilespmem:s19+$0x0];
	_ =	sdelay $0x4  }
0x318: {  	(v2sf) =	vpush v17, $0x0;
	_ =	sdelay $0xe  }
0x319: {  	s20 =	spop (v2sf)  }
0x31a: {  	s20 =	sshll.u32 s20, $0xB  }
0x31b: {  	s20 =	sshra.s32 s20, $0x2  }
0x31c: {  	v17 =	vld [tilespmem:s20+$0x8000]  }
0x31d: {  	v19 =	vld [tilespmem:s20+$0x8010];
	_ =	sdelay $0x2  }
0x31e: {  	v46 =	vld [tilespmem:s20+$0x8020];
	_ =	sdelay $0x1  }
0x31f: {  	v18 =	vmin.f32 v16, v17;
	v16 =	vmax.f32 v16, v17;
	v45 =	vmin.f32 v6, v19  }
0x320: {  	v6 =	vmax.f32 v6, v19;
	v20 =	vmin.f32 v15, v18;
	v15 =	vmax.f32 v15, v18  }
0x321: {  	v22 =	vmin.f32 v8, v45;
	v8 =	vmax.f32 v8, v45;
	v21 =	vmin.f32 v14, v20  }
0x322: {  	v47 =	vld [tilespmem:s20+$0x8030];
	v19 =	vmin.f32 v16, v46;
	v16 =	vmax.f32 v16, v46;
	v17 =	vmin.f32 v13, v21  }
0x323: {  	v14 =	vmax.f32 v14, v20;
	v48 =	vmin.f32 v15, v19;
	v18 =	vmin.f32 v12, v17  }
0x324: {  	v12 =	vmax.f32 v12, v17;
	v17 =	vmin.f32 v11, v18;
	v11 =	vmax.f32 v11, v18  }
0x325: {  	v18 =	vmin.f32 v10, v17;
	v10 =	vmax.f32 v10, v17;
	v17 =	vmin.f32 v5, v22  }
0x326: {  	v15 =	vmax.f32 v15, v19;
	v9 =	vmax.f32 v9, v18;
	v18 =	vmin.f32 v7, v17  }
0x327: {  	v49 =	vld [tilespmem:s20+$0x8040];
	v19 =	vmin.f32 v6, v47;
	v7 =	vmax.f32 v7, v17;
	v17 =	vmin.f32 v4, v18  }
0x328: {  	v6 =	vmax.f32 v6, v47;
	v4 =	vmax.f32 v4, v18;
	v18 =	vmin.f32 v3, v17  }
0x329: {  	v13 =	vmax.f32 v13, v21;
	v3 =	vmax.f32 v3, v17;
	v17 =	vmin.f32 v2, v18  }
0x32a: {  	v50 =	vmin.f32 v8, v19;
	v1 =	vmax.f32 v1, v17;
	v17 =	vmin.f32 v14, v48  }
0x32b: {  	v8 =	vmax.f32 v8, v19;
	v2 =	vmax.f32 v2, v18;
	v18 =	vmin.f32 v13, v17  }
0x32c: {  	v51 =	vld [tilespmem:s20+$0x8050];
	v19 =	vmin.f32 v16, v49;
	v13 =	vmax.f32 v13, v17;
	v17 =	vmin.f32 v12, v18  }
0x32d: {  	v16 =	vmax.f32 v16, v49;
	v12 =	vmax.f32 v12, v18;
	v18 =	vmin.f32 v11, v17  }
0x32e: {  	v5 =	vmax.f32 v5, v22;
	v11 =	vmax.f32 v11, v17;
	v17 =	vmin.f32 v10, v18  }
0x32f: {  	v52 =	vmin.f32 v15, v19;
	v9 =	vmax.f32 v9, v17;
	v17 =	vmin.f32 v5, v50  }
0x330: {  	v15 =	vmax.f32 v15, v19;
	v10 =	vmax.f32 v10, v18;
	v18 =	vmin.f32 v7, v17  }
0x331: {  	v53 =	vld [tilespmem:s20+$0x8060];
	v19 =	vmin.f32 v6, v51;
	v7 =	vmax.f32 v7, v17;
	v17 =	vmin.f32 v4, v18  }
0x332: {  	v6 =	vmax.f32 v6, v51;
	v4 =	vmax.f32 v4, v18;
	v18 =	vmin.f32 v3, v17  }
0x333: {  	v14 =	vmax.f32 v14, v48;
	v3 =	vmax.f32 v3, v17;
	v17 =	vmin.f32 v2, v18  }
0x334: {  	v54 =	vmin.f32 v8, v19;
	v1 =	vmax.f32 v1, v17;
	v17 =	vmin.f32 v14, v52  }
0x335: {  	v8 =	vmax.f32 v8, v19;
	v2 =	vmax.f32 v2, v18;
	v18 =	vmin.f32 v13, v17  }
0x336: {  	v55 =	vld [tilespmem:s20+$0x8070];
	v19 =	vmin.f32 v16, v53;
	v13 =	vmax.f32 v13, v17;
	v17 =	vmin.f32 v12, v18  }
0x337: {  	v16 =	vmax.f32 v16, v53;
	v12 =	vmax.f32 v12, v18;
	v18 =	vmin.f32 v11, v17  }
0x338: {  	v5 =	vmax.f32 v5, v50;
	v11 =	vmax.f32 v11, v17;
	v17 =	vmin.f32 v10, v18  }
0x339: {  	v56 =	vmin.f32 v15, v19;
	v9 =	vmax.f32 v9, v17;
	v17 =	vmin.f32 v5, v54  }
0x33a: {  	v15 =	vmax.f32 v15, v19;
	v10 =	vmax.f32 v10, v18;
	v18 =	vmin.f32 v7, v17  }
0x33b: {  	v57 =	vld [tilespmem:s20+$0x8080];
	v19 =	vmin.f32 v6, v55;
	v7 =	vmax.f32 v7, v17;
	v17 =	vmin.f32 v4, v18  }
0x33c: {  	v6 =	vmax.f32 v6, v55;
	v4 =	vmax.f32 v4, v18;
	v18 =	vmin.f32 v3, v17  }
0x33d: {  	v14 =	vmax.f32 v14, v52;
	v3 =	vmax.f32 v3, v17;
	v17 =	vmin.f32 v2, v18  }
0x33e: {  	v58 =	vmin.f32 v8, v19;
	v1 =	vmax.f32 v1, v17;
	v17 =	vmin.f32 v14, v56  }
0x33f: {  	v8 =	vmax.f32 v8, v19;
	v2 =	vmax.f32 v2, v18;
	v18 =	vmin.f32 v13, v17  }
0x340: {  	v59 =	vld [tilespmem:s20+$0x8090];
	v19 =	vmin.f32 v16, v57;
	v13 =	vmax.f32 v13, v17;
	v17 =	vmin.f32 v12, v18  }
0x341: {  	v16 =	vmax.f32 v16, v57;
	v12 =	vmax.f32 v12, v18;
	v18 =	vmin.f32 v11, v17  }
0x342: {  	v5 =	vmax.f32 v5, v54;
	v11 =	vmax.f32 v11, v17;
	v17 =	vmin.f32 v10, v18  }
0x343: {  	v60 =	vmin.f32 v15, v19;
	v9 =	vmax.f32 v9, v17;
	v17 =	vmin.f32 v5, v58  }
0x344: {  	v15 =	vmax.f32 v15, v19;
	v10 =	vmax.f32 v10, v18;
	v18 =	vmin.f32 v7, v17  }
0x345: {  	v61 =	vld [tilespmem:s20+$0x80A0];
	v19 =	vmin.f32 v6, v59;
	v7 =	vmax.f32 v7, v17;
	v17 =	vmin.f32 v4, v18  }
0x346: {  	v6 =	vmax.f32 v6, v59;
	v4 =	vmax.f32 v4, v18;
	v18 =	vmin.f32 v3, v17  }
0x347: {  	v14 =	vmax.f32 v14, v56;
	v3 =	vmax.f32 v3, v17;
	v17 =	vmin.f32 v2, v18  }
0x348: {  	v62 =	vmin.f32 v8, v19;
	v1 =	vmax.f32 v1, v17;
	v17 =	vmin.f32 v14, v60  }
0x349: {  	v8 =	vmax.f32 v8, v19;
	v2 =	vmax.f32 v2, v18;
	v18 =	vmin.f32 v13, v17  }
0x34a: {  	v63 =	vld [tilespmem:s20+$0x80B0];
	v19 =	vmin.f32 v16, v61;
	v13 =	vmax.f32 v13, v17;
	v17 =	vmin.f32 v12, v18  }
0x34b: {  	v16 =	vmax.f32 v16, v61;
	v12 =	vmax.f32 v12, v18;
	v18 =	vmin.f32 v11, v17  }
0x34c: {  	v5 =	vmax.f32 v5, v58;
	v11 =	vmax.f32 v11, v17;
	v17 =	vmin.f32 v10, v18  }
0x34d: {  	v24 =	vmin.f32 v15, v19;
	v9 =	vmax.f32 v9, v17;
	v17 =	vmin.f32 v5, v62  }
0x34e: {  	v15 =	vmax.f32 v15, v19;
	v10 =	vmax.f32 v10, v18;
	v18 =	vmin.f32 v7, v17  }
0x34f: {  	v25 =	vld [tilespmem:s20+$0x80C0];
	v19 =	vmin.f32 v6, v63;
	v7 =	vmax.f32 v7, v17;
	v17 =	vmin.f32 v4, v18  }
0x350: {  	v6 =	vmax.f32 v6, v63;
	v4 =	vmax.f32 v4, v18;
	v18 =	vmin.f32 v3, v17  }
0x351: {  	v14 =	vmax.f32 v14, v60;
	v3 =	vmax.f32 v3, v17;
	v17 =	vmin.f32 v2, v18  }
0x352: {  	v26 =	vmin.f32 v8, v19;
	v1 =	vmax.f32 v1, v17;
	v17 =	vmin.f32 v14, v24  }
0x353: {  	v8 =	vmax.f32 v8, v19;
	v2 =	vmax.f32 v2, v18;
	v18 =	vmin.f32 v13, v17  }
0x354: {  	v27 =	vld [tilespmem:s20+$0x80D0];
	v19 =	vmin.f32 v16, v25;
	v13 =	vmax.f32 v13, v17;
	v17 =	vmin.f32 v12, v18  }
0x355: {  	v16 =	vmax.f32 v16, v25;
	v12 =	vmax.f32 v12, v18;
	v18 =	vmin.f32 v11, v17  }
0x356: {  	v5 =	vmax.f32 v5, v62;
	v11 =	vmax.f32 v11, v17;
	v17 =	vmin.f32 v10, v18  }
0x357: {  	v28 =	vmin.f32 v15, v19;
	v9 =	vmax.f32 v9, v17;
	v17 =	vmin.f32 v5, v26  }
0x358: {  	v15 =	vmax.f32 v15, v19;
	v10 =	vmax.f32 v10, v18;
	v18 =	vmin.f32 v7, v17  }
0x359: {  	v29 =	vld [tilespmem:s20+$0x80E0];
	v19 =	vmin.f32 v6, v27;
	v7 =	vmax.f32 v7, v17;
	v17 =	vmin.f32 v4, v18  }
0x35a: {  	v6 =	vmax.f32 v6, v27;
	v4 =	vmax.f32 v4, v18;
	v18 =	vmin.f32 v3, v17  }
0x35b: {  	v14 =	vmax.f32 v14, v24;
	v3 =	vmax.f32 v3, v17;
	v17 =	vmin.f32 v2, v18  }
0x35c: {  	v30 =	vmin.f32 v8, v19;
	v1 =	vmax.f32 v1, v17;
	v17 =	vmin.f32 v14, v28  }
0x35d: {  	v8 =	vmax.f32 v8, v19;
	v2 =	vmax.f32 v2, v18;
	v18 =	vmin.f32 v13, v17  }
0x35e: {  	v31 =	vld [tilespmem:s20+$0x80F0];
	v19 =	vmin.f32 v16, v29;
	v13 =	vmax.f32 v13, v17;
	v17 =	vmin.f32 v12, v18  }
0x35f: {  	v16 =	vmax.f32 v16, v29;
	v12 =	vmax.f32 v12, v18;
	v18 =	vmin.f32 v11, v17  }
0x360: {  	v5 =	vmax.f32 v5, v26;
	v11 =	vmax.f32 v11, v17;
	v17 =	vmin.f32 v10, v18  }
0x361: {  	v32 =	vmin.f32 v15, v19;
	v9 =	vmax.f32 v9, v17;
	v17 =	vmin.f32 v5, v30  }
0x362: {  	v15 =	vmax.f32 v15, v19;
	v10 =	vmax.f32 v10, v18;
	v18 =	vmin.f32 v7, v17  }
0x363: {  	v33 =	vld [tilespmem:s20+$0x8100];
	v19 =	vmin.f32 v6, v31;
	v7 =	vmax.f32 v7, v17;
	v17 =	vmin.f32 v4, v18  }
0x364: {  	v6 =	vmax.f32 v6, v31;
	v4 =	vmax.f32 v4, v18;
	v18 =	vmin.f32 v3, v17  }
0x365: {  	v14 =	vmax.f32 v14, v28;
	v3 =	vmax.f32 v3, v17;
	v17 =	vmin.f32 v2, v18  }
0x366: {  	v34 =	vmin.f32 v8, v19;
	v1 =	vmax.f32 v1, v17;
	v17 =	vmin.f32 v14, v32  }
0x367: {  	v8 =	vmax.f32 v8, v19;
	v2 =	vmax.f32 v2, v18;
	v18 =	vmin.f32 v13, v17  }
0x368: {  	v35 =	vld [tilespmem:s20+$0x8110];
	v19 =	vmin.f32 v16, v33;
	v13 =	vmax.f32 v13, v17;
	v17 =	vmin.f32 v12, v18  }
0x369: {  	v16 =	vmax.f32 v16, v33;
	v12 =	vmax.f32 v12, v18;
	v18 =	vmin.f32 v11, v17  }
0x36a: {  	v5 =	vmax.f32 v5, v30;
	v11 =	vmax.f32 v11, v17;
	v17 =	vmin.f32 v10, v18  }
0x36b: {  	v36 =	vmin.f32 v15, v19;
	v9 =	vmax.f32 v9, v17;
	v17 =	vmin.f32 v5, v34  }
0x36c: {  	v15 =	vmax.f32 v15, v19;
	v10 =	vmax.f32 v10, v18;
	v18 =	vmin.f32 v7, v17  }
0x36d: {  	v37 =	vld [tilespmem:s20+$0x8120];
	v19 =	vmin.f32 v6, v35;
	v7 =	vmax.f32 v7, v17;
	v17 =	vmin.f32 v4, v18  }
0x36e: {  	v6 =	vmax.f32 v6, v35;
	v4 =	vmax.f32 v4, v18;
	v18 =	vmin.f32 v3, v17  }
0x36f: {  	v14 =	vmax.f32 v14, v32;
	v3 =	vmax.f32 v3, v17;
	v17 =	vmin.f32 v2, v18  }
0x370: {  	v38 =	vmin.f32 v8, v19;
	v1 =	vmax.f32 v1, v17;
	v17 =	vmin.f32 v14, v36  }
0x371: {  	v8 =	vmax.f32 v8, v19;
	v2 =	vmax.f32 v2, v18;
	v18 =	vmin.f32 v13, v17  }
0x372: {  	v39 =	vld [tilespmem:s20+$0x8130];
	v19 =	vmin.f32 v16, v37;
	v13 =	vmax.f32 v13, v17;
	v17 =	vmin.f32 v12, v18  }
0x373: {  	v16 =	vmax.f32 v16, v37;
	v12 =	vmax.f32 v12, v18;
	v18 =	vmin.f32 v11, v17  }
0x374: {  	v5 =	vmax.f32 v5, v34;
	v11 =	vmax.f32 v11, v17;
	v17 =	vmin.f32 v10, v18  }
0x375: {  	v40 =	vmin.f32 v15, v19;
	v9 =	vmax.f32 v9, v17;
	v17 =	vmin.f32 v5, v38  }
0x376: {  	v15 =	vmax.f32 v15, v19;
	v10 =	vmax.f32 v10, v18;
	v18 =	vmin.f32 v7, v17  }
0x377: {  	v41 =	vld [tilespmem:s20+$0x8140];
	v19 =	vmin.f32 v6, v39;
	v7 =	vmax.f32 v7, v17;
	v17 =	vmin.f32 v4, v18  }
0x378: {  	v6 =	vmax.f32 v6, v39;
	v4 =	vmax.f32 v4, v18;
	v18 =	vmin.f32 v3, v17  }
0x379: {  	v14 =	vmax.f32 v14, v36;
	v3 =	vmax.f32 v3, v17;
	v17 =	vmin.f32 v2, v18  }
0x37a: {  	v42 =	vmin.f32 v8, v19;
	v1 =	vmax.f32 v1, v17;
	v17 =	vmin.f32 v14, v40  }
0x37b: {  	v8 =	vmax.f32 v8, v19;
	v2 =	vmax.f32 v2, v18;
	v18 =	vmin.f32 v13, v17  }
0x37c: {  	v43 =	vld [tilespmem:s20+$0x8150];
	v19 =	vmin.f32 v16, v41;
	v13 =	vmax.f32 v13, v17;
	v17 =	vmin.f32 v12, v18  }
0x37d: {  	v16 =	vmax.f32 v16, v41;
	v12 =	vmax.f32 v12, v18;
	v18 =	vmin.f32 v11, v17  }
0x37e: {  	v5 =	vmax.f32 v5, v38;
	v11 =	vmax.f32 v11, v17;
	v17 =	vmin.f32 v10, v18  }
0x37f: {  	v44 =	vmin.f32 v15, v19;
	v9 =	vmax.f32 v9, v17;
	v17 =	vmin.f32 v5, v42  }
0x380: {  	v15 =	vmax.f32 v15, v19;
	v10 =	vmax.f32 v10, v18;
	v18 =	vmin.f32 v7, v17  }
0x381: {  	v45 =	vld [tilespmem:s20+$0x8160];
	v19 =	vmin.f32 v6, v43;
	v7 =	vmax.f32 v7, v17;
	v17 =	vmin.f32 v4, v18  }
0x382: {  	v6 =	vmax.f32 v6, v43;
	v4 =	vmax.f32 v4, v18;
	v18 =	vmin.f32 v3, v17  }
0x383: {  	v14 =	vmax.f32 v14, v40;
	v3 =	vmax.f32 v3, v17;
	v17 =	vmin.f32 v2, v18  }
0x384: {  	v46 =	vmin.f32 v8, v19;
	v1 =	vmax.f32 v1, v17;
	v17 =	vmin.f32 v14, v44  }
0x385: {  	v8 =	vmax.f32 v8, v19;
	v2 =	vmax.f32 v2, v18;
	v18 =	vmin.f32 v13, v17  }
0x386: {  	v47 =	vld [tilespmem:s20+$0x8170];
	v19 =	vmin.f32 v16, v45;
	v13 =	vmax.f32 v13, v17;
	v17 =	vmin.f32 v12, v18  }
0x387: {  	v16 =	vmax.f32 v16, v45;
	v12 =	vmax.f32 v12, v18;
	v18 =	vmin.f32 v11, v17  }
0x388: {  	v5 =	vmax.f32 v5, v42;
	v11 =	vmax.f32 v11, v17;
	v17 =	vmin.f32 v10, v18  }
0x389: {  	v48 =	vmin.f32 v15, v19;
	v9 =	vmax.f32 v9, v17;
	v17 =	vmin.f32 v5, v46  }
0x38a: {  	v15 =	vmax.f32 v15, v19;
	v10 =	vmax.f32 v10, v18;
	v18 =	vmin.f32 v7, v17  }
0x38b: {  	v49 =	vld [tilespmem:s20+$0x8180];
	v19 =	vmin.f32 v6, v47;
	v7 =	vmax.f32 v7, v17;
	v17 =	vmin.f32 v4, v18  }
0x38c: {  	v6 =	vmax.f32 v6, v47;
	v4 =	vmax.f32 v4, v18;
	v18 =	vmin.f32 v3, v17  }
0x38d: {  	v14 =	vmax.f32 v14, v44;
	v3 =	vmax.f32 v3, v17;
	v17 =	vmin.f32 v2, v18  }
0x38e: {  	v50 =	vmin.f32 v8, v19;
	v1 =	vmax.f32 v1, v17;
	v17 =	vmin.f32 v14, v48  }
0x38f: {  	v8 =	vmax.f32 v8, v19;
	v2 =	vmax.f32 v2, v18;
	v18 =	vmin.f32 v13, v17  }
0x390: {  	v51 =	vld [tilespmem:s20+$0x8190];
	v19 =	vmin.f32 v16, v49;
	v13 =	vmax.f32 v13, v17;
	v17 =	vmin.f32 v12, v18  }
0x391: {  	v16 =	vmax.f32 v16, v49;
	v12 =	vmax.f32 v12, v18;
	v18 =	vmin.f32 v11, v17  }
0x392: {  	v5 =	vmax.f32 v5, v46;
	v11 =	vmax.f32 v11, v17;
	v17 =	vmin.f32 v10, v18  }
0x393: {  	v52 =	vmin.f32 v15, v19;
	v9 =	vmax.f32 v9, v17;
	v17 =	vmin.f32 v5, v50  }
0x394: {  	v15 =	vmax.f32 v15, v19;
	v10 =	vmax.f32 v10, v18;
	v18 =	vmin.f32 v7, v17  }
0x395: {  	v53 =	vld [tilespmem:s20+$0x81A0];
	v19 =	vmin.f32 v6, v51;
	v7 =	vmax.f32 v7, v17;
	v17 =	vmin.f32 v4, v18  }
0x396: {  	v6 =	vmax.f32 v6, v51;
	v4 =	vmax.f32 v4, v18;
	v18 =	vmin.f32 v3, v17  }
0x397: {  	v14 =	vmax.f32 v14, v48;
	v3 =	vmax.f32 v3, v17;
	v17 =	vmin.f32 v2, v18  }
0x398: {  	v54 =	vmin.f32 v8, v19;
	v1 =	vmax.f32 v1, v17;
	v17 =	vmin.f32 v14, v52  }
0x399: {  	v8 =	vmax.f32 v8, v19;
	v2 =	vmax.f32 v2, v18;
	v18 =	vmin.f32 v13, v17  }
0x39a: {  	v55 =	vld [tilespmem:s20+$0x81B0];
	v19 =	vmin.f32 v16, v53;
	v13 =	vmax.f32 v13, v17;
	v17 =	vmin.f32 v12, v18  }
0x39b: {  	v16 =	vmax.f32 v16, v53;
	v12 =	vmax.f32 v12, v18;
	v18 =	vmin.f32 v11, v17  }
0x39c: {  	v5 =	vmax.f32 v5, v50;
	v11 =	vmax.f32 v11, v17;
	v17 =	vmin.f32 v10, v18  }
0x39d: {  	v56 =	vmin.f32 v15, v19;
	v9 =	vmax.f32 v9, v17;
	v17 =	vmin.f32 v5, v54  }
0x39e: {  	v15 =	vmax.f32 v15, v19;
	v10 =	vmax.f32 v10, v18;
	v18 =	vmin.f32 v7, v17  }
0x39f: {  	v57 =	vld [tilespmem:s20+$0x81C0];
	v19 =	vmin.f32 v6, v55;
	v7 =	vmax.f32 v7, v17;
	v17 =	vmin.f32 v4, v18  }
0x3a0: {  	v6 =	vmax.f32 v6, v55;
	v4 =	vmax.f32 v4, v18;
	v18 =	vmin.f32 v3, v17  }
0x3a1: {  	v14 =	vmax.f32 v14, v52;
	v3 =	vmax.f32 v3, v17;
	v17 =	vmin.f32 v2, v18  }
0x3a2: {  	v58 =	vmin.f32 v8, v19;
	v1 =	vmax.f32 v1, v17;
	v17 =	vmin.f32 v14, v56  }
0x3a3: {  	v8 =	vmax.f32 v8, v19;
	v2 =	vmax.f32 v2, v18;
	v18 =	vmin.f32 v13, v17  }
0x3a4: {  	v19 =	vmin.f32 v16, v57;
	v13 =	vmax.f32 v13, v17;
	v17 =	vmin.f32 v12, v18  }
0x3a5: {  	v16 =	vmax.f32 v16, v57;
	v12 =	vmax.f32 v12, v18;
	v18 =	vmin.f32 v11, v17  }
0x3a6: {  	v5 =	vmax.f32 v5, v54;
	v11 =	vmax.f32 v11, v17;
	v17 =	vmin.f32 v10, v18  }
0x3a7: {  	v60 =	vmin.f32 v15, v19;
	v9 =	vmax.f32 v9, v17;
	v17 =	vmin.f32 v5, v58  }
0x3a8: {  	v59 =	vld [tilespmem:s20+$0x81D0];
	v15 =	vmax.f32 v15, v19;
	v10 =	vmax.f32 v10, v18;
	v18 =	vmin.f32 v7, v17  }
0x3a9: {  	v14 =	vmax.f32 v14, v56;
	v7 =	vmax.f32 v7, v17;
	v17 =	vmin.f32 v4, v18  }
0x3aa: {  	v19 =	vmax.f32 v14, v60;
	v4 =	vmax.f32 v4, v18;
	v18 =	vmin.f32 v3, v17  }
0x3ab: {  	v5 =	vmax.f32 v5, v58;
	v3 =	vmax.f32 v3, v17;
	v17 =	vmin.f32 v2, v18  }
0x3ac: {  	v2 =	vmax.f32 v2, v18;
	v1 =	vmax.f32 v1, v17;
	v17 =	vmin.f32 v14, v60  }
0x3ad: {  	v14 =	vmin.f32 v6, v59;
	v6 =	vmax.f32 v6, v59;
	v18 =	vmin.f32 v13, v17  }
0x3ae: {  	v17 =	vmax.f32 v13, v17;
	v13 =	vmin.f32 v12, v18;
	v18 =	vmax.f32 v12, v18  }
0x3af: {  	v62 =	vld [tilespmem:s20+$0x81E0];
	v12 =	vmin.f32 v11, v13;
	v61 =	vmax.f32 v11, v13;
	v13 =	vmin.f32 v8, v14  }
0x3b0: {  	v11 =	vmin.f32 v10, v12;
	v23 =	vmax.f32 v10, v12;
	v10 =	vmin.f32 v5, v13  }
0x3b1: {  	v8 =	vmax.f32 v8, v14;
	v9 =	vmax.f32 v9, v11;
	v11 =	vmin.f32 v7, v10  }
0x3b2: {  	v63 =	vld [tilespmem:s20+$0x81F0];
	v5 =	vmax.f32 v5, v13;
	v7 =	vmax.f32 v7, v10;
	v10 =	vmin.f32 v4, v11  }
0x3b3: {  	v4 =	vmax.f32 v4, v11;
	v24 =	vmax.f32 v3, v10;
	v3 =	vmin.f32 v3, v10  }
0x3b4: {  	v25 =	vmax.f32 v2, v3;
	v2 =	vmin.f32 v2, v3;
	v3 =	vmin.f32 v16, v62  }
0x3b5: {  	v16 =	vmax.f32 v16, v62;
	v1 =	vmax.f32 v1, v2;
	v2 =	vmin.f32 v15, v3  }
0x3b6: {  	v15 =	vmax.f32 v15, v3;
	v14 =	vmax.f32 v19, v2;
	v2 =	vmin.f32 v19, v2  }
0x3b7: {  	v3 =	vmin.f32 v6, v63;
	v13 =	vmax.f32 v17, v2;
	v2 =	vmin.f32 v17, v2  }
0x3b8: {  	v17 =	vmin.f32 v8, v3;
	v12 =	vmax.f32 v18, v2;
	v2 =	vmin.f32 v18, v2  }
0x3b9: {  	p0 =	sne.s32 s18, $0x1;
	v18 =	vmin.f32 v5, v17;
	v11 =	vmax.f32 v61, v2;
	v2 =	vmin.f32 v61, v2  }
.Ltmp12:
0x3ba: {  	v19 =	vmin.f32 v7, v18;
	v10 =	vmax.f32 v23, v2;
	v2 =	vmin.f32 v23, v2;
	(pc) =	sbr.rel @p0 .LBB2_21-.Ltmp12, $4  }
0x3bb: {  	v6 =	vmax.f32 v6, v63;
	v9 =	vmax.f32 v9, v2;
	v2 =	vmin.f32 v4, v19  }
0x3bc: {  	v8 =	vmax.f32 v8, v3;
	v5 =	vmax.f32 v5, v17;
	v17 =	vmin.f32 v24, v2  }
0x3bd: {  	v7 =	vmax.f32 v7, v18;
	v4 =	vmax.f32 v4, v19;
	v18 =	vmin.f32 v25, v17  }
0x3be: {  	s19 =	sadd.s32 $0x1, s19;
	s18 =	sadd.s32 $0xFFFFFFFF, s18;
	v3 =	vmax.f32 v24, v2;
	v2 =	vmax.f32 v25, v17;
	v1 =	vmax.f32 v1, v18  }
.Ltmp13:
0x3bf: {  	(pc) =	sbr.rel .LBB2_23-.Ltmp13, $4  }
0x3c0: {  	_ = 	snop  }
0x3c1: {  	v1 =	vmax.f32 v16, v1;
	v2 =	vmax.f32 v15, v2  }
0x3c2: {  	v3 =	vmax.f32 v14, v3;
	v4 =	vmax.f32 v13, v4;
	v7 =	vmax.f32 v12, v7  }
0x3c3: {  	v5 =	vmax.f32 v11, v5;
	v8 =	vmax.f32 v10, v8;
	v6 =	vmax.f32 v9, v6  }
.LBB2_24:
0x3c4: {  	_ =	sfence.sel $0x180000  }
0x3c5: {  	[bflag:$0x0] =	sbarrier.arrive $0xFFFF  }
0x3c6: {  	p0 =	sne.s32 s0, $0x0;
	_ =	strace $0x90000047  }
0x3c7: {  	s0 =	sadd.s32 @!p0 $0x100000, s1;
	[bflag:$0x2] =	sbarrier.arrive $0xFFFF  }
0x3c8: {  	[sflag:s0] =	ssyncadd.tile.s32 @!p0 $0x1;
	_ =	shalt  }
.Lfunc_end2:
_tile_overlayer_lowered:
.L_overlay_start_2:
0x3c9: {  	(tag) =	ssettag $0x2  }
0x3ca: {  	s0 =	rddreg [dreg:$0x0];
	s2 =	stileid.u32  }
0x3cb: {  	s1 =	rddreg [dreg:$0x1];
	p0 =	sne.s32 s2, $0x0  }
0x3cc: {  	s3 =	rddreg [dreg:$0x2];
	[bflag:$0x3] =	sbarrier.arrive $0xFFFF;
	s2 =	simm.s32 @!p0 $0x1C04  }
0x3cd: {  	[timem:s3], [sflag:s2] =	dma.local @!p0 [hbm:s0], s1  }
0x3ce: {  	s0 =	simm.s32 @!p0 $0x4  }
0x3cf: {  	_ =	swait.ge @!p0 [sflag:s0], s1  }
0x3d0: {  	s1 =	ssub.s32 @!p0 $0x0, s1;
	[sflag:s0] =	ssyncset.done @!p0 $0x0  }
0x3d1: {  	[sflag:s0] =	ssyncadd.s32 @!p0 s1  }
0x3d2: {  	[bflag:$0x3] =	sbarrier.arrive $0xFFFF  }
0x3d3: {  	_ =	shalt  }

</sc_bundles>
